<compile_context>
chip_gen: v7x
topology: tpu7x:2x2x1
jax: 0.10.2.dev20260603
libtpu: 0.0.44.dev20260713+nightly
codegen_flags: <defaults>
</compile_context>

<pallas_src>
import dataclasses
import functools

import jax
import jax.numpy as jnp
from jax import lax
from jax.experimental import pallas as pl
from jax.experimental.pallas import tpu as pltpu
from jax.experimental.pallas import tpu_sc as plsc

N = 10000
E = 320000
D = 128
G = 64

NPAD = 10240
NC = 2
NS = 16
NW = NC * NS
C = 128
CH = (E + NW * C - 1) // (NW * C)
CH += CH % 2
EP = NW * CH * C
ZD = NPAD // NS
ZR = 64
BR = 1024
NBLK = NPAD // BR

_sc_mesh = functools.partial(
    plsc.VectorSubcoreMesh, core_axis_name="c", subcore_axis_name="s")

_sc_params = pltpu.CompilerParams()
if "needs_layout_passes" in pltpu.CompilerParams.__dataclass_fields__:
  _sc_params = dataclasses.replace(_sc_params, needs_layout_passes=False)



def _deg_partials(cwdata, zdeg):

  @functools.partial(
      pl.kernel,
      out_type=jax.ShapeDtypeStruct((NC, NPAD), jnp.float32),
      mesh=_sc_mesh(),
      compiler_params=_sc_params,
      scratch_types=[
          pltpu.VMEM((CH, 2, C), jnp.int32),
          pltpu.VMEM_SHARED((NPAD,), jnp.float32),
          pltpu.SemaphoreType.DMA,
      ],
  )
  def k(cw_hbm, z_hbm, out_hbm, cw_v, deg_s, sem):
    core = lax.axis_index("c")
    sub = lax.axis_index("s")
    w = core * NS + sub
    pltpu.sync_copy(z_hbm.at[pl.ds(sub * ZD, ZD)],
                    deg_s.at[pl.ds(sub * ZD, ZD)])
    pltpu.sync_copy(cw_hbm.at[w], cw_v)
    plsc.subcore_barrier()

    cw_f = cw_v.bitcast(jnp.float32)
    pltpu.async_copy(cw_f.at[0, 1], deg_s.at[cw_v.at[0, 0]], sem, add=True)

    @pl.loop(0, CH - 1)
    def _(j):
      pltpu.async_copy(cw_f.at[j + 1, 1], deg_s.at[cw_v.at[j + 1, 0]],
                       sem, add=True)
      pltpu.make_async_copy(cw_f.at[j, 1], deg_s.at[cw_v.at[j, 0]],
                            sem).wait()

    pltpu.make_async_copy(cw_f.at[0, 1], deg_s.at[cw_v.at[0, 0]], sem).wait()
    plsc.subcore_barrier()
    pltpu.sync_copy(deg_s.at[pl.ds(sub * ZD, ZD)],
                    out_hbm.at[core, pl.ds(sub * ZD, ZD)])

  return k(cwdata, zdeg)


def _agg_partials(y, edata):

  @functools.partial(
      pl.kernel,
      out_type=jax.ShapeDtypeStruct((NC, NPAD, D), jnp.float32),
      mesh=_sc_mesh(),
      compiler_params=_sc_params,
      scratch_types=[
          pltpu.VMEM((3, C), jnp.int32),
          pltpu.VMEM((3, C), jnp.int32),
          pltpu.VMEM((2, C), jnp.int32),
          pltpu.VMEM((2, C), jnp.int32),
          pltpu.VMEM((C, D), jnp.float32),
          pltpu.VMEM((C, D), jnp.float32),
          pltpu.VMEM((ZR, D), jnp.float32),
          pltpu.VMEM_SHARED((NPAD, D), jnp.float32),
          pltpu.SemaphoreType.DMA,
          pltpu.SemaphoreType.DMA,
          pltpu.SemaphoreType.DMA,
          pltpu.SemaphoreType.DMA,
          pltpu.SemaphoreType.DMA,
          pltpu.SemaphoreType.DMA,
      ],
  )
  def k(y_hbm, ed_hbm, out_hbm,
        eb0_v, eb1_v, cb0_v, cb1_v, buf0_v, buf1_v, z_v, acc_s,
        es0, es1, gs0, gs1, ss0, ss1):
    core = lax.axis_index("c")
    sub = lax.axis_index("s")
    w = core * NS + sub

    pltpu.async_copy(ed_hbm.at[w, 0], eb0_v, es0)
    pltpu.async_copy(ed_hbm.at[w, 1], eb1_v, es1)

    @pl.loop(0, ZR)
    def _(r):
      for f in range(D // 16):
        z_v[r, pl.ds(f * 16, 16)] = jnp.zeros((16,), jnp.float32)

    for i in range(ZD // ZR):
      pltpu.sync_copy(z_v, acc_s.at[pl.ds(sub * ZD + i * ZR, ZR), :])

    pltpu.make_async_copy(ed_hbm.at[w, 0], eb0_v, es0).wait()
    pltpu.async_copy(y_hbm.at[eb0_v.at[0]], buf0_v, gs0)
    plsc.subcore_barrier()

    ebs = (eb0_v, eb1_v)
    cbs = (cb0_v, cb1_v)
    bufs = (buf0_v, buf1_v)
    esems = (es0, es1)
    gsems = (gs0, gs1)
    ssems = (ss0, ss1)

    one = jnp.full((16,), 1, jnp.int32)

    @pl.loop(0, CH, step=2)
    def _(j):
      for b in (0, 1):
        jj = j + b
        nb = 1 - b
        eb_b, eb_n = ebs[b], ebs[nb]
        cb_b, cb_n = cbs[b], cbs[nb]
        buf_b, buf_n = bufs[b], bufs[nb]

        @pl.when(jj >= 1)
        def _():
          pltpu.make_async_copy(
              buf_n, acc_s.at[cb_n.at[0]], ssems[nb]).wait()

        @pl.when(jj + 1 < CH)
        def _():
          pltpu.make_async_copy(ed_hbm.at[w, jj + 1], eb_n, esems[nb]).wait()
          pltpu.async_copy(y_hbm.at[eb_n.at[0]], buf_n, gsems[nb])

        pltpu.make_async_copy(y_hbm.at[eb_b.at[0]], buf_b, gsems[b]).wait()

        for f in range(D // 16):
          sl = pl.ds(f * 16, 16)
          cb_b[0, sl] = eb_b[1, sl]
          cb_b[1, sl] = eb_b[2, sl]

        @pl.when(jj + 2 < CH)
        def _():
          pltpu.async_copy(ed_hbm.at[w, jj + 2], eb_b, esems[b])

        @plsc.parallel_loop(0, C, unroll=16)
        def _(kk):
          wv = plsc.bitcast(
              plsc.load_gather(cb_b, [one, jnp.full((16,), kk, jnp.int32)]),
              jnp.float32)
          for f in range(D // 16):
            sl = pl.ds(f * 16, 16)
            buf_b[kk, sl] = buf_b[kk, sl] * wv

        pltpu.async_copy(buf_b, acc_s.at[cb_b.at[0]], ssems[b], add=True)

    pltpu.make_async_copy(buf1_v, acc_s.at[cb1_v.at[0]], ss1).wait()
    plsc.subcore_barrier()
    pltpu.sync_copy(acc_s.at[pl.ds(sub * ZD, ZD), :],
                    out_hbm.at[core, pl.ds(sub * ZD, ZD), :])

  return k(y, edata)



def _dinv_of(dp_ref):
  deg = dp_ref[0] + dp_ref[1] + 1.0
  return lax.rsqrt(deg)


def _mm_scale(xp, W, degp3):

  def body(x_ref, w_ref, dp_ref, o_ref):
    dinv = _dinv_of(dp_ref)
    mm = lax.dot_general(x_ref[...].astype(jnp.bfloat16),
                         w_ref[...].astype(jnp.bfloat16),
                         (((1,), (1,)), ((), ())),
                         preferred_element_type=jnp.float32)
    o_ref[...] = mm * dinv

  return pl.pallas_call(
      body,
      grid=(NBLK,),
      in_specs=[
          pl.BlockSpec((BR, D), lambda i: (i, 0)),
          pl.BlockSpec((D, D), lambda i: (0, 0)),
          pl.BlockSpec((2, BR, 1), lambda i: (0, i, 0)),
      ],
      out_specs=pl.BlockSpec((BR, D), lambda i: (i, 0)),
      out_shape=jax.ShapeDtypeStruct((NPAD, D), jnp.float32),
  )(xp, W, degp3)


def _combine_mm(aggp, y, degp3, b2d, W):

  def body(a_ref, y_ref, dp_ref, b_ref, w_ref, o_ref):
    dinv = _dinv_of(dp_ref)
    agg = a_ref[0] + a_ref[1]
    h = jnp.maximum(dinv * (agg + y_ref[...]) + b_ref[...], 0.0)
    mm = lax.dot_general(h.astype(jnp.bfloat16),
                         w_ref[...].astype(jnp.bfloat16),
                         (((1,), (1,)), ((), ())),
                         preferred_element_type=jnp.float32)
    o_ref[...] = mm * dinv

  return pl.pallas_call(
      body,
      grid=(NBLK,),
      in_specs=[
          pl.BlockSpec((2, BR, D), lambda i: (0, i, 0)),
          pl.BlockSpec((BR, D), lambda i: (i, 0)),
          pl.BlockSpec((2, BR, 1), lambda i: (0, i, 0)),
          pl.BlockSpec((1, D), lambda i: (0, 0)),
          pl.BlockSpec((D, D), lambda i: (0, 0)),
      ],
      out_specs=pl.BlockSpec((BR, D), lambda i: (i, 0)),
      out_shape=jax.ShapeDtypeStruct((NPAD, D), jnp.float32),
  )(aggp, y, degp3, b2d, W)


def _final(aggp, y, degp3, b2d, batch3, Wfc, bfc2d):

  def body(a_ref, y_ref, dp_ref, b_ref, bat_ref, wfc_ref, bfc_ref, o_ref,
           ps_ref, cnt_ref):
    i = pl.program_id(0)

    @pl.when(i == 0)
    def _():
      ps_ref[...] = jnp.zeros_like(ps_ref)
      cnt_ref[...] = jnp.zeros_like(cnt_ref)

    dinv = _dinv_of(dp_ref)
    agg = a_ref[0] + a_ref[1]
    h = jnp.maximum(dinv * (agg + y_ref[...]) + b_ref[...], 0.0)
    bat = bat_ref[0]
    oh = (bat == lax.broadcasted_iota(jnp.int32, (1, G), 1)
          ).astype(jnp.float32)
    ps_ref[...] += lax.dot_general(oh, h, (((0,), (0,)), ((), ())),
                                   preferred_element_type=jnp.float32)
    ones = jnp.ones((BR, 1), jnp.float32)
    cnt_ref[...] += lax.dot_general(oh, ones, (((0,), (0,)), ((), ())),
                                    preferred_element_type=jnp.float32)

    @pl.when(i == pl.num_programs(0) - 1)
    def _():
      p = ps_ref[...] / jnp.maximum(cnt_ref[...], 1.0)
      o_ref[...] = lax.dot_general(p, wfc_ref[...], (((1,), (1,)), ((), ())),
                                   preferred_element_type=jnp.float32
                                   ) + bfc_ref[...]

  return pl.pallas_call(
      body,
      grid=(NBLK,),
      in_specs=[
          pl.BlockSpec((2, BR, D), lambda i: (0, i, 0)),
          pl.BlockSpec((BR, D), lambda i: (i, 0)),
          pl.BlockSpec((2, BR, 1), lambda i: (0, i, 0)),
          pl.BlockSpec((1, D), lambda i: (0, 0)),
          pl.BlockSpec((1, BR, 1), lambda i: (i, 0, 0)),
          pl.BlockSpec((D, D), lambda i: (0, 0)),
          pl.BlockSpec((1, D), lambda i: (0, 0)),
      ],
      out_specs=pl.BlockSpec((G, D), lambda i: (0, 0)),
      out_shape=jax.ShapeDtypeStruct((G, D), jnp.float32),
      scratch_shapes=[
          pltpu.VMEM((G, D), jnp.float32),
          pltpu.VMEM((G, 1), jnp.float32),
      ],
  )(aggp, y, degp3, b2d, batch3, Wfc, bfc2d)



@jax.jit
def kernel(x, edge_index, edge_weight, batch, W1, b1, W2, b2, Wfc, bfc):
  xp = jnp.zeros((NPAD, D), jnp.float32).at[:N].set(x)

  pad = EP - E
  padidx = (jnp.arange(pad, dtype=jnp.int32) * 131) % N
  row_p = jnp.concatenate([edge_index[0], padidx]).reshape(NW, CH, C)
  col_p = jnp.concatenate([edge_index[1], padidx]).reshape(NW, CH, C)
  ew_b = lax.bitcast_convert_type(
      jnp.concatenate([edge_weight, jnp.zeros((pad,), jnp.float32)]),
      jnp.int32).reshape(NW, CH, C)
  edata = jnp.stack([row_p, col_p, ew_b], axis=2)
  cwdata = jnp.stack([col_p, ew_b], axis=2)

  batch3 = jnp.concatenate(
      [batch, jnp.full((NPAD - N,), G, jnp.int32)]).reshape(NBLK, BR, 1)

  zdeg = jnp.zeros((NPAD,), jnp.float32)

  degp3 = _deg_partials(cwdata, zdeg).reshape(NC, NPAD, 1)

  y1 = _mm_scale(xp, W1, degp3)
  agg1 = _agg_partials(y1, edata)
  y2 = _combine_mm(agg1, y1, degp3, b1.reshape(1, D), W2)
  agg2 = _agg_partials(y2, edata)
  return _final(agg2, y2, degp3, b2.reshape(1, D), batch3, Wfc,
                bfc.reshape(1, D))

# --- scband reference (transcript-rebuilt; emitter-appended) ---
"""Pipeline reference for scband-graph-net-82806969467523 (READ-ONLY COPY).

The authoritative reference and input builder live on the scoring server;
editing this copy changes nothing except your own understanding.
"""

import jax, jax.numpy as jnp
import numpy as np

N = 10000
E = 320000
D = 128
H = 128
O = 128
G = 64


def gcn_conv(x, edge_index, edge_weight, W, b, num_nodes):
    # PyG GCNConv: x' = D^{-1/2} (A + I) D^{-1/2} (x W^T) + b
    x = x @ W.T
    row = edge_index[0]
    col = edge_index[1]
    loop = jnp.arange(num_nodes, dtype=row.dtype)
    row = jnp.concatenate([row, loop])
    col = jnp.concatenate([col, loop])
    ew = jnp.concatenate([edge_weight, jnp.ones((num_nodes,), dtype=x.dtype)])
    deg = jnp.zeros((num_nodes,), x.dtype).at[col].add(ew)
    dinv = jnp.where(deg > 0, 1.0 / jnp.sqrt(jnp.where(deg > 0, deg, 1.0)), 0.0)
    norm = dinv[row] * ew * dinv[col]
    msg = x[row] * norm[:, None]
    out = jnp.zeros((num_nodes, x.shape[1]), x.dtype).at[col].add(msg)
    return out + b


def global_mean_pool(x, batch, num_graphs):
    s = jax.ops.segment_sum(x, batch, num_segments=num_graphs)
    cnt = jax.ops.segment_sum(jnp.ones((x.shape[0],), x.dtype), batch, num_segments=num_graphs)
    return s / jnp.maximum(cnt, 1.0)[:, None]


def setup_inputs(seed: int = 0):
    key = jax.random.key(seed)
    ks = jax.random.split(key, 8)
    x = jax.random.normal(ks[0], (N, D), dtype=jnp.float32)
    edge_index = jax.random.randint(ks[1], (2, E), 0, N, dtype=jnp.int32)
    edge_weight = jax.random.uniform(ks[2], (E,), dtype=jnp.float32)
    batch = jnp.sort(jax.random.randint(ks[3], (N,), 0, G, dtype=jnp.int32))
    W1 = jax.random.normal(ks[4], (H, D), dtype=jnp.float32) / np.sqrt(D)
    b1 = jnp.zeros((H,), jnp.float32)
    W2 = jax.random.normal(ks[5], (H, H), dtype=jnp.float32) / np.sqrt(H)
    b2 = jnp.zeros((H,), jnp.float32)
    Wfc = jax.random.normal(ks[6], (O, H), dtype=jnp.float32) / np.sqrt(H)
    bfc = jnp.zeros((O,), jnp.float32)
    return {"x": x, "edge_index": edge_index, "edge_weight": edge_weight, "batch": batch,
            "W1": W1, "b1": b1, "W2": W2, "b2": b2, "Wfc": Wfc, "bfc": bfc}


def reference(x, edge_index, edge_weight, batch, W1, b1, W2, b2, Wfc, bfc):
    h = jax.nn.relu(gcn_conv(x, edge_index, edge_weight, W1, b1, N))
    h = jax.nn.relu(gcn_conv(h, edge_index, edge_weight, W2, b2, N))
    p = global_mean_pool(h, batch, G)
    return p @ Wfc.T + bfc

if __name__ == "__main__":
    import jax
    _d = setup_inputs()
    print(jax.jit(kernel)(*tuple(_d.values())))

</pallas_src>

<mosaic_0001>
#map = affine_map<(d0, d1) -> (0, 0)>
#map1 = affine_map<(d0, d1) -> (0, 0, 0, 0)>
#map2 = affine_map<(d0, d1) -> (0, 0, 0)>
module attributes {stable_mosaic.version = 14 : i64} {
  func.func @k(%arg0: i32, %arg1: i32, %arg2: memref<10240x128xf32, #tpu.memory_space<hbm>>, %arg3: memref<32x80x3x128xi32, #tpu.memory_space<hbm>>, %arg4: memref<2x10240x128xf32, #tpu.memory_space<hbm>>, %arg5: memref<3x128xi32, #tpu.memory_space<vmem>>, %arg6: memref<3x128xi32, #tpu.memory_space<vmem>>, %arg7: memref<2x128xi32, #tpu.memory_space<vmem>>, %arg8: memref<2x128xi32, #tpu.memory_space<vmem>>, %arg9: memref<128x128xf32, #tpu.memory_space<vmem>>, %arg10: memref<128x128xf32, #tpu.memory_space<vmem>>, %arg11: memref<64x128xf32, #tpu.memory_space<vmem>>, %arg12: memref<10240x128xf32, #tpu.memory_space<vmem_shared>>, %arg13: memref<!tpu.dma_semaphore, #tpu.memory_space<semaphore_mem>>, %arg14: memref<!tpu.dma_semaphore, #tpu.memory_space<semaphore_mem>>, %arg15: memref<!tpu.dma_semaphore, #tpu.memory_space<semaphore_mem>>, %arg16: memref<!tpu.dma_semaphore, #tpu.memory_space<semaphore_mem>>, %arg17: memref<!tpu.dma_semaphore, #tpu.memory_space<semaphore_mem>>, %arg18: memref<!tpu.dma_semaphore, #tpu.memory_space<semaphore_mem>>) attributes {dimension_semantics = [#tpu.dimension_semantics<core_parallel>, #tpu.dimension_semantics<subcore_parallel>], iteration_bounds = array<i64: 2, 16>, scalar_prefetch = 0 : i64, scratch_operands = 14 : i64, tpu.core_type = #tpu.core_type<sc_vector_subcore>, window_params = [{transform_indices = #map}, {transform_indices = #map1}, {transform_indices = #map2}]} {
    %mul3A = arith.constant 16 : i32
    %mul3A_0 = arith.muli %arg0, %mul3A : i32
    %add3A = arith.addi %mul3A_0, %arg1 : i32
    %dma_start3A = arith.constant 0 : i32
    %dma_start3A_1 = arith.constant 0 : i32
    %dma_start3A_2 = arith.constant 0 : i32
    %dma_start3A_3 = tpu.memref_slice %arg3[%add3A, %dma_start3A, %dma_start3A_1, %dma_start3A_2] : memref<32x80x3x128xi32, #tpu.memory_space<hbm>> -> memref<1x1x3x128xi32, #tpu.memory_space<hbm>>
    %dma_start3A_4 = tpu.memref_squeeze %dma_start3A_3 : memref<1x1x3x128xi32, #tpu.memory_space<hbm>> -> memref<3x128xi32, #tpu.memory_space<hbm>>
    %dma_start3A_5 = arith.constant 0 : i32
    %dma_start3A_6 = arith.constant 0 : i32
    %dma_start3A_7 = tpu.memref_slice %arg3[%add3A, %dma_start3A, %dma_start3A_5, %dma_start3A_6] : memref<32x80x3x128xi32, #tpu.memory_space<hbm>> -> memref<1x1x3x128xi32, #tpu.memory_space<hbm>>
    %dma_start3A_8 = tpu.memref_squeeze %dma_start3A_7 : memref<1x1x3x128xi32, #tpu.memory_space<hbm>> -> memref<3x128xi32, #tpu.memory_space<hbm>>
    tpu.enqueue_dma source(%dma_start3A_8 : memref<3x128xi32, #tpu.memory_space<hbm>>) target(%arg5 : memref<3x128xi32, #tpu.memory_space<vmem>>) target_semaphore(%arg13 : memref<!tpu.dma_semaphore, #tpu.memory_space<semaphore_mem>>)
    %dma_start3A_9 = arith.constant 1 : i32
    %dma_start3A_10 = arith.constant 0 : i32
    %dma_start3A_11 = arith.constant 0 : i32
    %dma_start3A_12 = tpu.memref_slice %arg3[%add3A, %dma_start3A_9, %dma_start3A_10, %dma_start3A_11] : memref<32x80x3x128xi32, #tpu.memory_space<hbm>> -> memref<1x1x3x128xi32, #tpu.memory_space<hbm>>
    %dma_start3A_13 = tpu.memref_squeeze %dma_start3A_12 : memref<1x1x3x128xi32, #tpu.memory_space<hbm>> -> memref<3x128xi32, #tpu.memory_space<hbm>>
    %dma_start3A_14 = arith.constant 0 : i32
    %dma_start3A_15 = arith.constant 0 : i32
    %dma_start3A_16 = tpu.memref_slice %arg3[%add3A, %dma_start3A_9, %dma_start3A_14, %dma_start3A_15] : memref<32x80x3x128xi32, #tpu.memory_space<hbm>> -> memref<1x1x3x128xi32, #tpu.memory_space<hbm>>
    %dma_start3A_17 = tpu.memref_squeeze %dma_start3A_16 : memref<1x1x3x128xi32, #tpu.memory_space<hbm>> -> memref<3x128xi32, #tpu.memory_space<hbm>>
    tpu.enqueue_dma source(%dma_start3A_17 : memref<3x128xi32, #tpu.memory_space<hbm>>) target(%arg6 : memref<3x128xi32, #tpu.memory_space<vmem>>) target_semaphore(%arg14 : memref<!tpu.dma_semaphore, #tpu.memory_space<semaphore_mem>>)
    %scan3A = arith.constant 0 : i32
    %scan3A_18 = arith.constant 64 : i32
    %scan3A_19 = arith.addi %scan3A, %scan3A_18 : i32
    %scan3A_20 = arith.constant 1 : i32
    scf.for %scan3A_95 = %scan3A to %scan3A_19 step %scan3A_20  : i32 {
      %mul3A_96 = arith.constant 1 : i32
      %mul3A_97 = arith.muli %scan3A_95, %mul3A_96 : i32
      %add3A_98 = arith.constant 0 : i32
      %add3A_99 = arith.addi %add3A_98, %mul3A_97 : i32
      %broadcast_in_dim3A_100 = arith.constant 0.000000e+00 : f32
      %broadcast_in_dim3A_101 = vector.broadcast %broadcast_in_dim3A_100 : f32 to vector<16xf32>
      %swap3A = arith.index_cast %add3A_99 : i32 to index
      %swap3A_102 = arith.constant 0 : index
      %swap3A_103 = tpu.vector_load %arg11[%swap3A, %swap3A_102] {strides = array<i32>} : memref<64x128xf32, #tpu.memory_space<vmem>>, vector<16xf32>,
      tpu.vector_store %arg11[%swap3A, %swap3A_102], %broadcast_in_dim3A_101 {strides = array<i32>} : memref<64x128xf32, #tpu.memory_space<vmem>>, vector<16xf32>,
      %broadcast_in_dim3A_104 = arith.constant 0.000000e+00 : f32
      %broadcast_in_dim3A_105 = vector.broadcast %broadcast_in_dim3A_104 : f32 to vector<16xf32>
      %swap3A_106 = arith.index_cast %add3A_99 : i32 to index
      %swap3A_107 = arith.constant 16 : index
      %swap3A_108 = tpu.vector_load %arg11[%swap3A_106, %swap3A_107] {strides = array<i32>} : memref<64x128xf32, #tpu.memory_space<vmem>>, vector<16xf32>,
      tpu.vector_store %arg11[%swap3A_106, %swap3A_107], %broadcast_in_dim3A_105 {strides = array<i32>} : memref<64x128xf32, #tpu.memory_space<vmem>>, vector<16xf32>,
      %broadcast_in_dim3A_109 = arith.constant 0.000000e+00 : f32
      %broadcast_in_dim3A_110 = vector.broadcast %broadcast_in_dim3A_109 : f32 to vector<16xf32>
      %swap3A_111 = arith.index_cast %add3A_99 : i32 to index
      %swap3A_112 = arith.constant 32 : index
      %swap3A_113 = tpu.vector_load %arg11[%swap3A_111, %swap3A_112] {strides = array<i32>} : memref<64x128xf32, #tpu.memory_space<vmem>>, vector<16xf32>,
      tpu.vector_store %arg11[%swap3A_111, %swap3A_112], %broadcast_in_dim3A_110 {strides = array<i32>} : memref<64x128xf32, #tpu.memory_space<vmem>>, vector<16xf32>,
      %broadcast_in_dim3A_114 = arith.constant 0.000000e+00 : f32
      %broadcast_in_dim3A_115 = vector.broadcast %broadcast_in_dim3A_114 : f32 to vector<16xf32>
      %swap3A_116 = arith.index_cast %add3A_99 : i32 to index
      %swap3A_117 = arith.constant 48 : index
      %swap3A_118 = tpu.vector_load %arg11[%swap3A_116, %swap3A_117] {strides = array<i32>} : memref<64x128xf32, #tpu.memory_space<vmem>>, vector<16xf32>,
      tpu.vector_store %arg11[%swap3A_116, %swap3A_117], %broadcast_in_dim3A_115 {strides = array<i32>} : memref<64x128xf32, #tpu.memory_space<vmem>>, vector<16xf32>,
      %broadcast_in_dim3A_119 = arith.constant 0.000000e+00 : f32
      %broadcast_in_dim3A_120 = vector.broadcast %broadcast_in_dim3A_119 : f32 to vector<16xf32>
      %swap3A_121 = arith.index_cast %add3A_99 : i32 to index
      %swap3A_122 = arith.constant 64 : index
      %swap3A_123 = tpu.vector_load %arg11[%swap3A_121, %swap3A_122] {strides = array<i32>} : memref<64x128xf32, #tpu.memory_space<vmem>>, vector<16xf32>,
      tpu.vector_store %arg11[%swap3A_121, %swap3A_122], %broadcast_in_dim3A_120 {strides = array<i32>} : memref<64x128xf32, #tpu.memory_space<vmem>>, vector<16xf32>,
      %broadcast_in_dim3A_124 = arith.constant 0.000000e+00 : f32
      %broadcast_in_dim3A_125 = vector.broadcast %broadcast_in_dim3A_124 : f32 to vector<16xf32>
      %swap3A_126 = arith.index_cast %add3A_99 : i32 to index
      %swap3A_127 = arith.constant 80 : index
      %swap3A_128 = tpu.vector_load %arg11[%swap3A_126, %swap3A_127] {strides = array<i32>} : memref<64x128xf32, #tpu.memory_space<vmem>>, vector<16xf32>,
      tpu.vector_store %arg11[%swap3A_126, %swap3A_127], %broadcast_in_dim3A_125 {strides = array<i32>} : memref<64x128xf32, #tpu.memory_space<vmem>>, vector<16xf32>,
      %broadcast_in_dim3A_129 = arith.constant 0.000000e+00 : f32
      %broadcast_in_dim3A_130 = vector.broadcast %broadcast_in_dim3A_129 : f32 to vector<16xf32>
      %swap3A_131 = arith.index_cast %add3A_99 : i32 to index
      %swap3A_132 = arith.constant 96 : index
      %swap3A_133 = tpu.vector_load %arg11[%swap3A_131, %swap3A_132] {strides = array<i32>} : memref<64x128xf32, #tpu.memory_space<vmem>>, vector<16xf32>,
      tpu.vector_store %arg11[%swap3A_131, %swap3A_132], %broadcast_in_dim3A_130 {strides = array<i32>} : memref<64x128xf32, #tpu.memory_space<vmem>>, vector<16xf32>,
      %broadcast_in_dim3A_134 = arith.constant 0.000000e+00 : f32
      %broadcast_in_dim3A_135 = vector.broadcast %broadcast_in_dim3A_134 : f32 to vector<16xf32>
      %swap3A_136 = arith.index_cast %add3A_99 : i32 to index
      %swap3A_137 = arith.constant 112 : index
      %swap3A_138 = tpu.vector_load %arg11[%swap3A_136, %swap3A_137] {strides = array<i32>} : memref<64x128xf32, #tpu.memory_space<vmem>>, vector<16xf32>,
      tpu.vector_store %arg11[%swap3A_136, %swap3A_137], %broadcast_in_dim3A_135 {strides = array<i32>} : memref<64x128xf32, #tpu.memory_space<vmem>>, vector<16xf32>,
    }
    %scan3A_21 = arith.constant 64 : i32
    %mul3A_22 = arith.constant 640 : i32
    %mul3A_23 = arith.muli %arg1, %mul3A_22 : i32
    %add3A_24 = arith.constant 0 : i32
    %add3A_25 = arith.addi %mul3A_23, %add3A_24 : i32
    "tpu.region"() ({
      %run_scoped3A = tpu.sem_alloc : memref<!tpu.dma_semaphore, #tpu.memory_space<semaphore_mem>>
      %dma_start3A_95 = arith.constant 0 : i32
      %dma_start3A_96 = tpu.memref_slice %arg12[%add3A_25, %dma_start3A_95] : memref<10240x128xf32, #tpu.memory_space<vmem_shared>> -> memref<64x128xf32, #tpu.memory_space<vmem_shared>>
      %dma_start3A_97 = arith.constant 0 : i32
      %dma_start3A_98 = tpu.memref_slice %arg12[%add3A_25, %dma_start3A_97] : memref<10240x128xf32, #tpu.memory_space<vmem_shared>> -> memref<64x128xf32, #tpu.memory_space<vmem_shared>>
      tpu.enqueue_dma source(%arg11 : memref<64x128xf32, #tpu.memory_space<vmem>>) target(%dma_start3A_98 : memref<64x128xf32, #tpu.memory_space<vmem_shared>>) target_semaphore(%run_scoped3A : memref<!tpu.dma_semaphore, #tpu.memory_space<semaphore_mem>>)
      %dma_wait3A_99 = arith.constant 0 : i32
      %dma_wait3A_100 = tpu.memref_slice %arg12[%add3A_25, %dma_wait3A_99] : memref<10240x128xf32, #tpu.memory_space<vmem_shared>> -> memref<64x128xf32, #tpu.memory_space<vmem_shared>>
      %dma_wait3A_101 = arith.constant 0 : i32
      %dma_wait3A_102 = tpu.memref_slice %arg12[%add3A_25, %dma_wait3A_101] : memref<10240x128xf32, #tpu.memory_space<vmem_shared>> -> memref<64x128xf32, #tpu.memory_space<vmem_shared>>
      tpu.wait_dma2 semaphore(%run_scoped3A : memref<!tpu.dma_semaphore, #tpu.memory_space<semaphore_mem>>) src(%arg11 : memref<64x128xf32, #tpu.memory_space<vmem>>) dst(%dma_wait3A_102 : memref<64x128xf32, #tpu.memory_space<vmem_shared>>)
      tpu.yield
    }) : () -> ()
    %mul3A_26 = arith.constant 640 : i32
    %mul3A_27 = arith.muli %arg1, %mul3A_26 : i32
    %add3A_28 = arith.constant 64 : i32
    %add3A_29 = arith.addi %mul3A_27, %add3A_28 : i32
    "tpu.region"() ({
      %run_scoped3A = tpu.sem_alloc : memref<!tpu.dma_semaphore, #tpu.memory_space<semaphore_mem>>
      %dma_start3A_95 = arith.constant 0 : i32
      %dma_start3A_96 = tpu.memref_slice %arg12[%add3A_29, %dma_start3A_95] : memref<10240x128xf32, #tpu.memory_space<vmem_shared>> -> memref<64x128xf32, #tpu.memory_space<vmem_shared>>
      %dma_start3A_97 = arith.constant 0 : i32
      %dma_start3A_98 = tpu.memref_slice %arg12[%add3A_29, %dma_start3A_97] : memref<10240x128xf32, #tpu.memory_space<vmem_shared>> -> memref<64x128xf32, #tpu.memory_space<vmem_shared>>
      tpu.enqueue_dma source(%arg11 : memref<64x128xf32, #tpu.memory_space<vmem>>) target(%dma_start3A_98 : memref<64x128xf32, #tpu.memory_space<vmem_shared>>) target_semaphore(%run_scoped3A : memref<!tpu.dma_semaphore, #tpu.memory_space<semaphore_mem>>)
      %dma_wait3A_99 = arith.constant 0 : i32
      %dma_wait3A_100 = tpu.memref_slice %arg12[%add3A_29, %dma_wait3A_99] : memref<10240x128xf32, #tpu.memory_space<vmem_shared>> -> memref<64x128xf32, #tpu.memory_space<vmem_shared>>
      %dma_wait3A_101 = arith.constant 0 : i32
      %dma_wait3A_102 = tpu.memref_slice %arg12[%add3A_29, %dma_wait3A_101] : memref<10240x128xf32, #tpu.memory_space<vmem_shared>> -> memref<64x128xf32, #tpu.memory_space<vmem_shared>>
      tpu.wait_dma2 semaphore(%run_scoped3A : memref<!tpu.dma_semaphore, #tpu.memory_space<semaphore_mem>>) src(%arg11 : memref<64x128xf32, #tpu.memory_space<vmem>>) dst(%dma_wait3A_102 : memref<64x128xf32, #tpu.memory_space<vmem_shared>>)
      tpu.yield
    }) : () -> ()
    %mul3A_30 = arith.constant 640 : i32
    %mul3A_31 = arith.muli %arg1, %mul3A_30 : i32
    %add3A_32 = arith.constant 128 : i32
    %add3A_33 = arith.addi %mul3A_31, %add3A_32 : i32
    "tpu.region"() ({
      %run_scoped3A = tpu.sem_alloc : memref<!tpu.dma_semaphore, #tpu.memory_space<semaphore_mem>>
      %dma_start3A_95 = arith.constant 0 : i32
      %dma_start3A_96 = tpu.memref_slice %arg12[%add3A_33, %dma_start3A_95] : memref<10240x128xf32, #tpu.memory_space<vmem_shared>> -> memref<64x128xf32, #tpu.memory_space<vmem_shared>>
      %dma_start3A_97 = arith.constant 0 : i32
      %dma_start3A_98 = tpu.memref_slice %arg12[%add3A_33, %dma_start3A_97] : memref<10240x128xf32, #tpu.memory_space<vmem_shared>> -> memref<64x128xf32, #tpu.memory_space<vmem_shared>>
      tpu.enqueue_dma source(%arg11 : memref<64x128xf32, #tpu.memory_space<vmem>>) target(%dma_start3A_98 : memref<64x128xf32, #tpu.memory_space<vmem_shared>>) target_semaphore(%run_scoped3A : memref<!tpu.dma_semaphore, #tpu.memory_space<semaphore_mem>>)
      %dma_wait3A_99 = arith.constant 0 : i32
      %dma_wait3A_100 = tpu.memref_slice %arg12[%add3A_33, %dma_wait3A_99] : memref<10240x128xf32, #tpu.memory_space<vmem_shared>> -> memref<64x128xf32, #tpu.memory_space<vmem_shared>>
      %dma_wait3A_101 = arith.constant 0 : i32
      %dma_wait3A_102 = tpu.memref_slice %arg12[%add3A_33, %dma_wait3A_101] : memref<10240x128xf32, #tpu.memory_space<vmem_shared>> -> memref<64x128xf32, #tpu.memory_space<vmem_shared>>
      tpu.wait_dma2 semaphore(%run_scoped3A : memref<!tpu.dma_semaphore, #tpu.memory_space<semaphore_mem>>) src(%arg11 : memref<64x128xf32, #tpu.memory_space<vmem>>) dst(%dma_wait3A_102 : memref<64x128xf32, #tpu.memory_space<vmem_shared>>)
      tpu.yield
    }) : () -> ()
    %mul3A_34 = arith.constant 640 : i32
    %mul3A_35 = arith.muli %arg1, %mul3A_34 : i32
    %add3A_36 = arith.constant 192 : i32
    %add3A_37 = arith.addi %mul3A_35, %add3A_36 : i32
    "tpu.region"() ({
      %run_scoped3A = tpu.sem_alloc : memref<!tpu.dma_semaphore, #tpu.memory_space<semaphore_mem>>
      %dma_start3A_95 = arith.constant 0 : i32
      %dma_start3A_96 = tpu.memref_slice %arg12[%add3A_37, %dma_start3A_95] : memref<10240x128xf32, #tpu.memory_space<vmem_shared>> -> memref<64x128xf32, #tpu.memory_space<vmem_shared>>
      %dma_start3A_97 = arith.constant 0 : i32
      %dma_start3A_98 = tpu.memref_slice %arg12[%add3A_37, %dma_start3A_97] : memref<10240x128xf32, #tpu.memory_space<vmem_shared>> -> memref<64x128xf32, #tpu.memory_space<vmem_shared>>
      tpu.enqueue_dma source(%arg11 : memref<64x128xf32, #tpu.memory_space<vmem>>) target(%dma_start3A_98 : memref<64x128xf32, #tpu.memory_space<vmem_shared>>) target_semaphore(%run_scoped3A : memref<!tpu.dma_semaphore, #tpu.memory_space<semaphore_mem>>)
      %dma_wait3A_99 = arith.constant 0 : i32
      %dma_wait3A_100 = tpu.memref_slice %arg12[%add3A_37, %dma_wait3A_99] : memref<10240x128xf32, #tpu.memory_space<vmem_shared>> -> memref<64x128xf32, #tpu.memory_space<vmem_shared>>
      %dma_wait3A_101 = arith.constant 0 : i32
      %dma_wait3A_102 = tpu.memref_slice %arg12[%add3A_37, %dma_wait3A_101] : memref<10240x128xf32, #tpu.memory_space<vmem_shared>> -> memref<64x128xf32, #tpu.memory_space<vmem_shared>>
      tpu.wait_dma2 semaphore(%run_scoped3A : memref<!tpu.dma_semaphore, #tpu.memory_space<semaphore_mem>>) src(%arg11 : memref<64x128xf32, #tpu.memory_space<vmem>>) dst(%dma_wait3A_102 : memref<64x128xf32, #tpu.memory_space<vmem_shared>>)
      tpu.yield
    }) : () -> ()
    %mul3A_38 = arith.constant 640 : i32
    %mul3A_39 = arith.muli %arg1, %mul3A_38 : i32
    %add3A_40 = arith.constant 256 : i32
    %add3A_41 = arith.addi %mul3A_39, %add3A_40 : i32
    "tpu.region"() ({
      %run_scoped3A = tpu.sem_alloc : memref<!tpu.dma_semaphore, #tpu.memory_space<semaphore_mem>>
      %dma_start3A_95 = arith.constant 0 : i32
      %dma_start3A_96 = tpu.memref_slice %arg12[%add3A_41, %dma_start3A_95] : memref<10240x128xf32, #tpu.memory_space<vmem_shared>> -> memref<64x128xf32, #tpu.memory_space<vmem_shared>>
      %dma_start3A_97 = arith.constant 0 : i32
      %dma_start3A_98 = tpu.memref_slice %arg12[%add3A_41, %dma_start3A_97] : memref<10240x128xf32, #tpu.memory_space<vmem_shared>> -> memref<64x128xf32, #tpu.memory_space<vmem_shared>>
      tpu.enqueue_dma source(%arg11 : memref<64x128xf32, #tpu.memory_space<vmem>>) target(%dma_start3A_98 : memref<64x128xf32, #tpu.memory_space<vmem_shared>>) target_semaphore(%run_scoped3A : memref<!tpu.dma_semaphore, #tpu.memory_space<semaphore_mem>>)
      %dma_wait3A_99 = arith.constant 0 : i32
      %dma_wait3A_100 = tpu.memref_slice %arg12[%add3A_41, %dma_wait3A_99] : memref<10240x128xf32, #tpu.memory_space<vmem_shared>> -> memref<64x128xf32, #tpu.memory_space<vmem_shared>>
      %dma_wait3A_101 = arith.constant 0 : i32
      %dma_wait3A_102 = tpu.memref_slice %arg12[%add3A_41, %dma_wait3A_101] : memref<10240x128xf32, #tpu.memory_space<vmem_shared>> -> memref<64x128xf32, #tpu.memory_space<vmem_shared>>
      tpu.wait_dma2 semaphore(%run_scoped3A : memref<!tpu.dma_semaphore, #tpu.memory_space<semaphore_mem>>) src(%arg11 : memref<64x128xf32, #tpu.memory_space<vmem>>) dst(%dma_wait3A_102 : memref<64x128xf32, #tpu.memory_space<vmem_shared>>)
      tpu.yield
    }) : () -> ()
    %mul3A_42 = arith.constant 640 : i32
    %mul3A_43 = arith.muli %arg1, %mul3A_42 : i32
    %add3A_44 = arith.constant 320 : i32
    %add3A_45 = arith.addi %mul3A_43, %add3A_44 : i32
    "tpu.region"() ({
      %run_scoped3A = tpu.sem_alloc : memref<!tpu.dma_semaphore, #tpu.memory_space<semaphore_mem>>
      %dma_start3A_95 = arith.constant 0 : i32
      %dma_start3A_96 = tpu.memref_slice %arg12[%add3A_45, %dma_start3A_95] : memref<10240x128xf32, #tpu.memory_space<vmem_shared>> -> memref<64x128xf32, #tpu.memory_space<vmem_shared>>
      %dma_start3A_97 = arith.constant 0 : i32
      %dma_start3A_98 = tpu.memref_slice %arg12[%add3A_45, %dma_start3A_97] : memref<10240x128xf32, #tpu.memory_space<vmem_shared>> -> memref<64x128xf32, #tpu.memory_space<vmem_shared>>
      tpu.enqueue_dma source(%arg11 : memref<64x128xf32, #tpu.memory_space<vmem>>) target(%dma_start3A_98 : memref<64x128xf32, #tpu.memory_space<vmem_shared>>) target_semaphore(%run_scoped3A : memref<!tpu.dma_semaphore, #tpu.memory_space<semaphore_mem>>)
      %dma_wait3A_99 = arith.constant 0 : i32
      %dma_wait3A_100 = tpu.memref_slice %arg12[%add3A_45, %dma_wait3A_99] : memref<10240x128xf32, #tpu.memory_space<vmem_shared>> -> memref<64x128xf32, #tpu.memory_space<vmem_shared>>
      %dma_wait3A_101 = arith.constant 0 : i32
      %dma_wait3A_102 = tpu.memref_slice %arg12[%add3A_45, %dma_wait3A_101] : memref<10240x128xf32, #tpu.memory_space<vmem_shared>> -> memref<64x128xf32, #tpu.memory_space<vmem_shared>>
      tpu.wait_dma2 semaphore(%run_scoped3A : memref<!tpu.dma_semaphore, #tpu.memory_space<semaphore_mem>>) src(%arg11 : memref<64x128xf32, #tpu.memory_space<vmem>>) dst(%dma_wait3A_102 : memref<64x128xf32, #tpu.memory_space<vmem_shared>>)
      tpu.yield
    }) : () -> ()
    %mul3A_46 = arith.constant 640 : i32
    %mul3A_47 = arith.muli %arg1, %mul3A_46 : i32
    %add3A_48 = arith.constant 384 : i32
    %add3A_49 = arith.addi %mul3A_47, %add3A_48 : i32
    "tpu.region"() ({
      %run_scoped3A = tpu.sem_alloc : memref<!tpu.dma_semaphore, #tpu.memory_space<semaphore_mem>>
      %dma_start3A_95 = arith.constant 0 : i32
      %dma_start3A_96 = tpu.memref_slice %arg12[%add3A_49, %dma_start3A_95] : memref<10240x128xf32, #tpu.memory_space<vmem_shared>> -> memref<64x128xf32, #tpu.memory_space<vmem_shared>>
      %dma_start3A_97 = arith.constant 0 : i32
      %dma_start3A_98 = tpu.memref_slice %arg12[%add3A_49, %dma_start3A_97] : memref<10240x128xf32, #tpu.memory_space<vmem_shared>> -> memref<64x128xf32, #tpu.memory_space<vmem_shared>>
      tpu.enqueue_dma source(%arg11 : memref<64x128xf32, #tpu.memory_space<vmem>>) target(%dma_start3A_98 : memref<64x128xf32, #tpu.memory_space<vmem_shared>>) target_semaphore(%run_scoped3A : memref<!tpu.dma_semaphore, #tpu.memory_space<semaphore_mem>>)
      %dma_wait3A_99 = arith.constant 0 : i32
      %dma_wait3A_100 = tpu.memref_slice %arg12[%add3A_49, %dma_wait3A_99] : memref<10240x128xf32, #tpu.memory_space<vmem_shared>> -> memref<64x128xf32, #tpu.memory_space<vmem_shared>>
      %dma_wait3A_101 = arith.constant 0 : i32
      %dma_wait3A_102 = tpu.memref_slice %arg12[%add3A_49, %dma_wait3A_101] : memref<10240x128xf32, #tpu.memory_space<vmem_shared>> -> memref<64x128xf32, #tpu.memory_space<vmem_shared>>
      tpu.wait_dma2 semaphore(%run_scoped3A : memref<!tpu.dma_semaphore, #tpu.memory_space<semaphore_mem>>) src(%arg11 : memref<64x128xf32, #tpu.memory_space<vmem>>) dst(%dma_wait3A_102 : memref<64x128xf32, #tpu.memory_space<vmem_shared>>)
      tpu.yield
    }) : () -> ()
    %mul3A_50 = arith.constant 640 : i32
    %mul3A_51 = arith.muli %arg1, %mul3A_50 : i32
    %add3A_52 = arith.constant 448 : i32
    %add3A_53 = arith.addi %mul3A_51, %add3A_52 : i32
    "tpu.region"() ({
      %run_scoped3A = tpu.sem_alloc : memref<!tpu.dma_semaphore, #tpu.memory_space<semaphore_mem>>
      %dma_start3A_95 = arith.constant 0 : i32
      %dma_start3A_96 = tpu.memref_slice %arg12[%add3A_53, %dma_start3A_95] : memref<10240x128xf32, #tpu.memory_space<vmem_shared>> -> memref<64x128xf32, #tpu.memory_space<vmem_shared>>
      %dma_start3A_97 = arith.constant 0 : i32
      %dma_start3A_98 = tpu.memref_slice %arg12[%add3A_53, %dma_start3A_97] : memref<10240x128xf32, #tpu.memory_space<vmem_shared>> -> memref<64x128xf32, #tpu.memory_space<vmem_shared>>
      tpu.enqueue_dma source(%arg11 : memref<64x128xf32, #tpu.memory_space<vmem>>) target(%dma_start3A_98 : memref<64x128xf32, #tpu.memory_space<vmem_shared>>) target_semaphore(%run_scoped3A : memref<!tpu.dma_semaphore, #tpu.memory_space<semaphore_mem>>)
      %dma_wait3A_99 = arith.constant 0 : i32
      %dma_wait3A_100 = tpu.memref_slice %arg12[%add3A_53, %dma_wait3A_99] : memref<10240x128xf32, #tpu.memory_space<vmem_shared>> -> memref<64x128xf32, #tpu.memory_space<vmem_shared>>
      %dma_wait3A_101 = arith.constant 0 : i32
      %dma_wait3A_102 = tpu.memref_slice %arg12[%add3A_53, %dma_wait3A_101] : memref<10240x128xf32, #tpu.memory_space<vmem_shared>> -> memref<64x128xf32, #tpu.memory_space<vmem_shared>>
      tpu.wait_dma2 semaphore(%run_scoped3A : memref<!tpu.dma_semaphore, #tpu.memory_space<semaphore_mem>>) src(%arg11 : memref<64x128xf32, #tpu.memory_space<vmem>>) dst(%dma_wait3A_102 : memref<64x128xf32, #tpu.memory_space<vmem_shared>>)
      tpu.yield
    }) : () -> ()
    %mul3A_54 = arith.constant 640 : i32
    %mul3A_55 = arith.muli %arg1, %mul3A_54 : i32
    %add3A_56 = arith.constant 512 : i32
    %add3A_57 = arith.addi %mul3A_55, %add3A_56 : i32
    "tpu.region"() ({
      %run_scoped3A = tpu.sem_alloc : memref<!tpu.dma_semaphore, #tpu.memory_space<semaphore_mem>>
      %dma_start3A_95 = arith.constant 0 : i32
      %dma_start3A_96 = tpu.memref_slice %arg12[%add3A_57, %dma_start3A_95] : memref<10240x128xf32, #tpu.memory_space<vmem_shared>> -> memref<64x128xf32, #tpu.memory_space<vmem_shared>>
      %dma_start3A_97 = arith.constant 0 : i32
      %dma_start3A_98 = tpu.memref_slice %arg12[%add3A_57, %dma_start3A_97] : memref<10240x128xf32, #tpu.memory_space<vmem_shared>> -> memref<64x128xf32, #tpu.memory_space<vmem_shared>>
      tpu.enqueue_dma source(%arg11 : memref<64x128xf32, #tpu.memory_space<vmem>>) target(%dma_start3A_98 : memref<64x128xf32, #tpu.memory_space<vmem_shared>>) target_semaphore(%run_scoped3A : memref<!tpu.dma_semaphore, #tpu.memory_space<semaphore_mem>>)
      %dma_wait3A_99 = arith.constant 0 : i32
      %dma_wait3A_100 = tpu.memref_slice %arg12[%add3A_57, %dma_wait3A_99] : memref<10240x128xf32, #tpu.memory_space<vmem_shared>> -> memref<64x128xf32, #tpu.memory_space<vmem_shared>>
      %dma_wait3A_101 = arith.constant 0 : i32
      %dma_wait3A_102 = tpu.memref_slice %arg12[%add3A_57, %dma_wait3A_101] : memref<10240x128xf32, #tpu.memory_space<vmem_shared>> -> memref<64x128xf32, #tpu.memory_space<vmem_shared>>
      tpu.wait_dma2 semaphore(%run_scoped3A : memref<!tpu.dma_semaphore, #tpu.memory_space<semaphore_mem>>) src(%arg11 : memref<64x128xf32, #tpu.memory_space<vmem>>) dst(%dma_wait3A_102 : memref<64x128xf32, #tpu.memory_space<vmem_shared>>)
      tpu.yield
    }) : () -> ()
    %mul3A_58 = arith.constant 640 : i32
    %mul3A_59 = arith.muli %arg1, %mul3A_58 : i32
    %add3A_60 = arith.constant 576 : i32
    %add3A_61 = arith.addi %mul3A_59, %add3A_60 : i32
    "tpu.region"() ({
      %run_scoped3A = tpu.sem_alloc : memref<!tpu.dma_semaphore, #tpu.memory_space<semaphore_mem>>
      %dma_start3A_95 = arith.constant 0 : i32
      %dma_start3A_96 = tpu.memref_slice %arg12[%add3A_61, %dma_start3A_95] : memref<10240x128xf32, #tpu.memory_space<vmem_shared>> -> memref<64x128xf32, #tpu.memory_space<vmem_shared>>
      %dma_start3A_97 = arith.constant 0 : i32
      %dma_start3A_98 = tpu.memref_slice %arg12[%add3A_61, %dma_start3A_97] : memref<10240x128xf32, #tpu.memory_space<vmem_shared>> -> memref<64x128xf32, #tpu.memory_space<vmem_shared>>
      tpu.enqueue_dma source(%arg11 : memref<64x128xf32, #tpu.memory_space<vmem>>) target(%dma_start3A_98 : memref<64x128xf32, #tpu.memory_space<vmem_shared>>) target_semaphore(%run_scoped3A : memref<!tpu.dma_semaphore, #tpu.memory_space<semaphore_mem>>)
      %dma_wait3A_99 = arith.constant 0 : i32
      %dma_wait3A_100 = tpu.memref_slice %arg12[%add3A_61, %dma_wait3A_99] : memref<10240x128xf32, #tpu.memory_space<vmem_shared>> -> memref<64x128xf32, #tpu.memory_space<vmem_shared>>
      %dma_wait3A_101 = arith.constant 0 : i32
      %dma_wait3A_102 = tpu.memref_slice %arg12[%add3A_61, %dma_wait3A_101] : memref<10240x128xf32, #tpu.memory_space<vmem_shared>> -> memref<64x128xf32, #tpu.memory_space<vmem_shared>>
      tpu.wait_dma2 semaphore(%run_scoped3A : memref<!tpu.dma_semaphore, #tpu.memory_space<semaphore_mem>>) src(%arg11 : memref<64x128xf32, #tpu.memory_space<vmem>>) dst(%dma_wait3A_102 : memref<64x128xf32, #tpu.memory_space<vmem_shared>>)
      tpu.yield
    }) : () -> ()
    %dma_wait3A = arith.constant 0 : i32
    %dma_wait3A_62 = arith.constant 0 : i32
    %dma_wait3A_63 = arith.constant 0 : i32
    %dma_wait3A_64 = tpu.memref_slice %arg3[%add3A, %dma_wait3A, %dma_wait3A_62, %dma_wait3A_63] : memref<32x80x3x128xi32, #tpu.memory_space<hbm>> -> memref<1x1x3x128xi32, #tpu.memory_space<hbm>>
    %dma_wait3A_65 = tpu.memref_squeeze %dma_wait3A_64 : memref<1x1x3x128xi32, #tpu.memory_space<hbm>> -> memref<3x128xi32, #tpu.memory_space<hbm>>
    %dma_wait3A_66 = arith.constant 0 : i32
    %dma_wait3A_67 = arith.constant 0 : i32
    %dma_wait3A_68 = tpu.memref_slice %arg3[%add3A, %dma_wait3A, %dma_wait3A_66, %dma_wait3A_67] : memref<32x80x3x128xi32, #tpu.memory_space<hbm>> -> memref<1x1x3x128xi32, #tpu.memory_space<hbm>>
    %dma_wait3A_69 = tpu.memref_squeeze %dma_wait3A_68 : memref<1x1x3x128xi32, #tpu.memory_space<hbm>> -> memref<3x128xi32, #tpu.memory_space<hbm>>
    tpu.wait_dma2 semaphore(%arg13 : memref<!tpu.dma_semaphore, #tpu.memory_space<semaphore_mem>>) src(%dma_wait3A_69 : memref<3x128xi32, #tpu.memory_space<hbm>>) dst(%arg5 : memref<3x128xi32, #tpu.memory_space<vmem>>)
    %dma_start3A_70 = arith.constant 0 : i32
    %dma_start3A_71 = arith.constant 0 : i32
    %dma_start3A_72 = tpu.memref_slice %arg5[%dma_start3A_70, %dma_start3A_71] : memref<3x128xi32, #tpu.memory_space<vmem>> -> memref<1x128xi32, #tpu.memory_space<vmem>>
    %dma_start3A_73 = tpu.memref_squeeze %dma_start3A_72 : memref<1x128xi32, #tpu.memory_space<vmem>> -> memref<128xi32, #tpu.memory_space<vmem>>
    %dma_start3A_74 = arith.constant 0 : i32
    %dma_start3A_75 = arith.constant 0 : i32
    %dma_start3A_76 = tpu.memref_slice %arg2[%dma_start3A_74, %dma_start3A_75] : memref<10240x128xf32, #tpu.memory_space<hbm>> -> memref<10240x128xf32, #tpu.memory_space<hbm>>
    tpu.enqueue_indirect_dma source(%dma_start3A_76 : memref<10240x128xf32, #tpu.memory_space<hbm>>) target(%arg9 : memref<128x128xf32, #tpu.memory_space<vmem>>) offsets(%dma_start3A_73 : memref<128xi32, #tpu.memory_space<vmem>>) semaphore(%arg15 : memref<!tpu.dma_semaphore, #tpu.memory_space<semaphore_mem>>)
    %barrier3A = arith.constant 0 : index
    tpu.barrier barrier_id(%barrier3A)
    %broadcast_in_dim3A = arith.constant 1 : i32
    %broadcast_in_dim3A_77 = vector.broadcast %broadcast_in_dim3A : i32 to vector<16xi32>
    %scan3A_78 = arith.constant 0 : i32
    %scan3A_79 = arith.constant 40 : i32
    %scan3A_80 = arith.addi %scan3A_78, %scan3A_79 : i32
    %scan3A_81 = arith.constant 1 : i32
    scf.for %scan3A_95 = %scan3A_78 to %scan3A_80 step %scan3A_81  : i32 {
      %mul3A_96 = arith.constant 2 : i32
      %mul3A_97 = arith.muli %scan3A_95, %mul3A_96 : i32
      %add3A_98 = arith.constant 0 : i32
      %add3A_99 = arith.addi %add3A_98, %mul3A_97 : i32
      %add3A_100 = arith.constant 0 : i32
      %add3A_101 = arith.addi %add3A_99, %add3A_100 : i32
      %ge3A = arith.constant 1 : i32
      %ge3A_102 = arith.cmpi sge, %add3A_101, %ge3A : i32
      %convert_element_type3A = arith.extui %ge3A_102 : i1 to i32
      %cond3A = arith.constant 0 : i32
      %cond3A_103 = arith.cmpi ne, %convert_element_type3A, %cond3A : i32
      scf.if %cond3A_103 {
        %dma_wait3A_425 = arith.constant 0 : i32
        %dma_wait3A_426 = arith.constant 0 : i32
        %dma_wait3A_427 = tpu.memref_slice %arg8[%dma_wait3A_425, %dma_wait3A_426] : memref<2x128xi32, #tpu.memory_space<vmem>> -> memref<1x128xi32, #tpu.memory_space<vmem>>
        %dma_wait3A_428 = tpu.memref_squeeze %dma_wait3A_427 : memref<1x128xi32, #tpu.memory_space<vmem>> -> memref<128xi32, #tpu.memory_space<vmem>>
        %dma_wait3A_429 = arith.constant 0 : i32
        %dma_wait3A_430 = arith.constant 0 : i32
        %dma_wait3A_431 = tpu.memref_slice %arg12[%dma_wait3A_429, %dma_wait3A_430] : memref<10240x128xf32, #tpu.memory_space<vmem_shared>> -> memref<10240x128xf32, #tpu.memory_space<vmem_shared>>
        tpu.wait_indirect_dma semaphore(%arg18 : memref<!tpu.dma_semaphore, #tpu.memory_space<semaphore_mem>>) src(%arg10 : memref<128x128xf32, #tpu.memory_space<vmem>>) dst(%dma_wait3A_431 : memref<10240x128xf32, #tpu.memory_space<vmem_shared>>)
      } else {
      }
      %add3A_104 = arith.constant 1 : i32
      %add3A_105 = arith.addi %add3A_101, %add3A_104 : i32
      %lt3A = arith.constant 80 : i32
      %lt3A_106 = arith.cmpi slt, %add3A_105, %lt3A : i32
      %convert_element_type3A_107 = arith.extui %lt3A_106 : i1 to i32
      %cond3A_108 = arith.constant 0 : i32
      %cond3A_109 = arith.cmpi ne, %convert_element_type3A_107, %cond3A_108 : i32
      scf.if %cond3A_109 {
        %add3A_425 = arith.constant 1 : i32
        %add3A_426 = arith.addi %add3A_101, %add3A_425 : i32
        %dma_wait3A_427 = arith.constant 0 : i32
        %dma_wait3A_428 = arith.constant 0 : i32
        %dma_wait3A_429 = tpu.memref_slice %arg3[%add3A, %add3A_426, %dma_wait3A_427, %dma_wait3A_428] : memref<32x80x3x128xi32, #tpu.memory_space<hbm>> -> memref<1x1x3x128xi32, #tpu.memory_space<hbm>>
        %dma_wait3A_430 = tpu.memref_squeeze %dma_wait3A_429 : memref<1x1x3x128xi32, #tpu.memory_space<hbm>> -> memref<3x128xi32, #tpu.memory_space<hbm>>
        %dma_wait3A_431 = arith.constant 0 : i32
        %dma_wait3A_432 = arith.constant 0 : i32
        %dma_wait3A_433 = tpu.memref_slice %arg3[%add3A, %add3A_426, %dma_wait3A_431, %dma_wait3A_432] : memref<32x80x3x128xi32, #tpu.memory_space<hbm>> -> memref<1x1x3x128xi32, #tpu.memory_space<hbm>>
        %dma_wait3A_434 = tpu.memref_squeeze %dma_wait3A_433 : memref<1x1x3x128xi32, #tpu.memory_space<hbm>> -> memref<3x128xi32, #tpu.memory_space<hbm>>
        tpu.wait_dma2 semaphore(%arg14 : memref<!tpu.dma_semaphore, #tpu.memory_space<semaphore_mem>>) src(%dma_wait3A_434 : memref<3x128xi32, #tpu.memory_space<hbm>>) dst(%arg6 : memref<3x128xi32, #tpu.memory_space<vmem>>)
        %dma_start3A_435 = arith.constant 0 : i32
        %dma_start3A_436 = arith.constant 0 : i32
        %dma_start3A_437 = tpu.memref_slice %arg6[%dma_start3A_435, %dma_start3A_436] : memref<3x128xi32, #tpu.memory_space<vmem>> -> memref<1x128xi32, #tpu.memory_space<vmem>>
        %dma_start3A_438 = tpu.memref_squeeze %dma_start3A_437 : memref<1x128xi32, #tpu.memory_space<vmem>> -> memref<128xi32, #tpu.memory_space<vmem>>
        %dma_start3A_439 = arith.constant 0 : i32
        %dma_start3A_440 = arith.constant 0 : i32
        %dma_start3A_441 = tpu.memref_slice %arg2[%dma_start3A_439, %dma_start3A_440] : memref<10240x128xf32, #tpu.memory_space<hbm>> -> memref<10240x128xf32, #tpu.memory_space<hbm>>
        tpu.enqueue_indirect_dma source(%dma_start3A_441 : memref<10240x128xf32, #tpu.memory_space<hbm>>) target(%arg10 : memref<128x128xf32, #tpu.memory_space<vmem>>) offsets(%dma_start3A_438 : memref<128xi32, #tpu.memory_space<vmem>>) semaphore(%arg16 : memref<!tpu.dma_semaphore, #tpu.memory_space<semaphore_mem>>)
      } else {
      }
      %dma_wait3A_110 = arith.constant 0 : i32
      %dma_wait3A_111 = arith.constant 0 : i32
      %dma_wait3A_112 = tpu.memref_slice %arg5[%dma_wait3A_110, %dma_wait3A_111] : memref<3x128xi32, #tpu.memory_space<vmem>> -> memref<1x128xi32, #tpu.memory_space<vmem>>
      %dma_wait3A_113 = tpu.memref_squeeze %dma_wait3A_112 : memref<1x128xi32, #tpu.memory_space<vmem>> -> memref<128xi32, #tpu.memory_space<vmem>>
      %dma_wait3A_114 = arith.constant 0 : i32
      %dma_wait3A_115 = arith.constant 0 : i32
      %dma_wait3A_116 = tpu.memref_slice %arg2[%dma_wait3A_114, %dma_wait3A_115] : memref<10240x128xf32, #tpu.memory_space<hbm>> -> memref<10240x128xf32, #tpu.memory_space<hbm>>
      tpu.wait_indirect_dma semaphore(%arg15 : memref<!tpu.dma_semaphore, #tpu.memory_space<semaphore_mem>>) src(%dma_wait3A_116 : memref<10240x128xf32, #tpu.memory_space<hbm>>) dst(%arg9 : memref<128x128xf32, #tpu.memory_space<vmem>>)
      %get3A = arith.constant 1 : i32
      %get3A_117 = arith.index_cast %get3A : i32 to index
      %get3A_118 = arith.constant 0 : index
      %get3A_119 = tpu.vector_load %arg5[%get3A_117, %get3A_118] {strides = array<i32>} : memref<3x128xi32, #tpu.memory_space<vmem>>, vector<16xi32>,
      %swap3A = arith.constant 0 : i32
      %swap3A_120 = arith.index_cast %swap3A : i32 to index
      %swap3A_121 = arith.constant 0 : index
      %swap3A_122 = tpu.vector_load %arg7[%swap3A_120, %swap3A_121] {strides = array<i32>} : memref<2x128xi32, #tpu.memory_space<vmem>>, vector<16xi32>,
      tpu.vector_store %arg7[%swap3A_120, %swap3A_121], %get3A_119 {strides = array<i32>} : memref<2x128xi32, #tpu.memory_space<vmem>>, vector<16xi32>,
      %get3A_123 = arith.constant 2 : i32
      %get3A_124 = arith.index_cast %get3A_123 : i32 to index
      %get3A_125 = arith.constant 0 : index
      %get3A_126 = tpu.vector_load %arg5[%get3A_124, %get3A_125] {strides = array<i32>} : memref<3x128xi32, #tpu.memory_space<vmem>>, vector<16xi32>,
      %swap3A_127 = arith.constant 1 : i32
      %swap3A_128 = arith.index_cast %swap3A_127 : i32 to index
      %swap3A_129 = arith.constant 0 : index
      %swap3A_130 = tpu.vector_load %arg7[%swap3A_128, %swap3A_129] {strides = array<i32>} : memref<2x128xi32, #tpu.memory_space<vmem>>, vector<16xi32>,
      tpu.vector_store %arg7[%swap3A_128, %swap3A_129], %get3A_126 {strides = array<i32>} : memref<2x128xi32, #tpu.memory_space<vmem>>, vector<16xi32>,
      %get3A_131 = arith.constant 1 : i32
      %get3A_132 = arith.index_cast %get3A_131 : i32 to index
      %get3A_133 = arith.constant 16 : index
      %get3A_134 = tpu.vector_load %arg5[%get3A_132, %get3A_133] {strides = array<i32>} : memref<3x128xi32, #tpu.memory_space<vmem>>, vector<16xi32>,
      %swap3A_135 = arith.constant 0 : i32
      %swap3A_136 = arith.index_cast %swap3A_135 : i32 to index
      %swap3A_137 = arith.constant 16 : index
      %swap3A_138 = tpu.vector_load %arg7[%swap3A_136, %swap3A_137] {strides = array<i32>} : memref<2x128xi32, #tpu.memory_space<vmem>>, vector<16xi32>,
      tpu.vector_store %arg7[%swap3A_136, %swap3A_137], %get3A_134 {strides = array<i32>} : memref<2x128xi32, #tpu.memory_space<vmem>>, vector<16xi32>,
      %get3A_139 = arith.constant 2 : i32
      %get3A_140 = arith.index_cast %get3A_139 : i32 to index
      %get3A_141 = arith.constant 16 : index
      %get3A_142 = tpu.vector_load %arg5[%get3A_140, %get3A_141] {strides = array<i32>} : memref<3x128xi32, #tpu.memory_space<vmem>>, vector<16xi32>,
      %swap3A_143 = arith.constant 1 : i32
      %swap3A_144 = arith.index_cast %swap3A_143 : i32 to index
      %swap3A_145 = arith.constant 16 : index
      %swap3A_146 = tpu.vector_load %arg7[%swap3A_144, %swap3A_145] {strides = array<i32>} : memref<2x128xi32, #tpu.memory_space<vmem>>, vector<16xi32>,
      tpu.vector_store %arg7[%swap3A_144, %swap3A_145], %get3A_142 {strides = array<i32>} : memref<2x128xi32, #tpu.memory_space<vmem>>, vector<16xi32>,
      %get3A_147 = arith.constant 1 : i32
      %get3A_148 = arith.index_cast %get3A_147 : i32 to index
      %get3A_149 = arith.constant 32 : index
      %get3A_150 = tpu.vector_load %arg5[%get3A_148, %get3A_149] {strides = array<i32>} : memref<3x128xi32, #tpu.memory_space<vmem>>, vector<16xi32>,
      %swap3A_151 = arith.constant 0 : i32
      %swap3A_152 = arith.index_cast %swap3A_151 : i32 to index
      %swap3A_153 = arith.constant 32 : index
      %swap3A_154 = tpu.vector_load %arg7[%swap3A_152, %swap3A_153] {strides = array<i32>} : memref<2x128xi32, #tpu.memory_space<vmem>>, vector<16xi32>,
      tpu.vector_store %arg7[%swap3A_152, %swap3A_153], %get3A_150 {strides = array<i32>} : memref<2x128xi32, #tpu.memory_space<vmem>>, vector<16xi32>,
      %get3A_155 = arith.constant 2 : i32
      %get3A_156 = arith.index_cast %get3A_155 : i32 to index
      %get3A_157 = arith.constant 32 : index
      %get3A_158 = tpu.vector_load %arg5[%get3A_156, %get3A_157] {strides = array<i32>} : memref<3x128xi32, #tpu.memory_space<vmem>>, vector<16xi32>,
      %swap3A_159 = arith.constant 1 : i32
      %swap3A_160 = arith.index_cast %swap3A_159 : i32 to index
      %swap3A_161 = arith.constant 32 : index
      %swap3A_162 = tpu.vector_load %arg7[%swap3A_160, %swap3A_161] {strides = array<i32>} : memref<2x128xi32, #tpu.memory_space<vmem>>, vector<16xi32>,
      tpu.vector_store %arg7[%swap3A_160, %swap3A_161], %get3A_158 {strides = array<i32>} : memref<2x128xi32, #tpu.memory_space<vmem>>, vector<16xi32>,
      %get3A_163 = arith.constant 1 : i32
      %get3A_164 = arith.index_cast %get3A_163 : i32 to index
      %get3A_165 = arith.constant 48 : index
      %get3A_166 = tpu.vector_load %arg5[%get3A_164, %get3A_165] {strides = array<i32>} : memref<3x128xi32, #tpu.memory_space<vmem>>, vector<16xi32>,
      %swap3A_167 = arith.constant 0 : i32
      %swap3A_168 = arith.index_cast %swap3A_167 : i32 to index
      %swap3A_169 = arith.constant 48 : index
      %swap3A_170 = tpu.vector_load %arg7[%swap3A_168, %swap3A_169] {strides = array<i32>} : memref<2x128xi32, #tpu.memory_space<vmem>>, vector<16xi32>,
      tpu.vector_store %arg7[%swap3A_168, %swap3A_169], %get3A_166 {strides = array<i32>} : memref<2x128xi32, #tpu.memory_space<vmem>>, vector<16xi32>,
      %get3A_171 = arith.constant 2 : i32
      %get3A_172 = arith.index_cast %get3A_171 : i32 to index
      %get3A_173 = arith.constant 48 : index
      %get3A_174 = tpu.vector_load %arg5[%get3A_172, %get3A_173] {strides = array<i32>} : memref<3x128xi32, #tpu.memory_space<vmem>>, vector<16xi32>,
      %swap3A_175 = arith.constant 1 : i32
      %swap3A_176 = arith.index_cast %swap3A_175 : i32 to index
      %swap3A_177 = arith.constant 48 : index
      %swap3A_178 = tpu.vector_load %arg7[%swap3A_176, %swap3A_177] {strides = array<i32>} : memref<2x128xi32, #tpu.memory_space<vmem>>, vector<16xi32>,
      tpu.vector_store %arg7[%swap3A_176, %swap3A_177], %get3A_174 {strides = array<i32>} : memref<2x128xi32, #tpu.memory_space<vmem>>, vector<16xi32>,
      %get3A_179 = arith.constant 1 : i32
      %get3A_180 = arith.index_cast %get3A_179 : i32 to index
      %get3A_181 = arith.constant 64 : index
      %get3A_182 = tpu.vector_load %arg5[%get3A_180, %get3A_181] {strides = array<i32>} : memref<3x128xi32, #tpu.memory_space<vmem>>, vector<16xi32>,
      %swap3A_183 = arith.constant 0 : i32
      %swap3A_184 = arith.index_cast %swap3A_183 : i32 to index
      %swap3A_185 = arith.constant 64 : index
      %swap3A_186 = tpu.vector_load %arg7[%swap3A_184, %swap3A_185] {strides = array<i32>} : memref<2x128xi32, #tpu.memory_space<vmem>>, vector<16xi32>,
      tpu.vector_store %arg7[%swap3A_184, %swap3A_185], %get3A_182 {strides = array<i32>} : memref<2x128xi32, #tpu.memory_space<vmem>>, vector<16xi32>,
      %get3A_187 = arith.constant 2 : i32
      %get3A_188 = arith.index_cast %get3A_187 : i32 to index
      %get3A_189 = arith.constant 64 : index
      %get3A_190 = tpu.vector_load %arg5[%get3A_188, %get3A_189] {strides = array<i32>} : memref<3x128xi32, #tpu.memory_space<vmem>>, vector<16xi32>,
      %swap3A_191 = arith.constant 1 : i32
      %swap3A_192 = arith.index_cast %swap3A_191 : i32 to index
      %swap3A_193 = arith.constant 64 : index
      %swap3A_194 = tpu.vector_load %arg7[%swap3A_192, %swap3A_193] {strides = array<i32>} : memref<2x128xi32, #tpu.memory_space<vmem>>, vector<16xi32>,
      tpu.vector_store %arg7[%swap3A_192, %swap3A_193], %get3A_190 {strides = array<i32>} : memref<2x128xi32, #tpu.memory_space<vmem>>, vector<16xi32>,
      %get3A_195 = arith.constant 1 : i32
      %get3A_196 = arith.index_cast %get3A_195 : i32 to index
      %get3A_197 = arith.constant 80 : index
      %get3A_198 = tpu.vector_load %arg5[%get3A_196, %get3A_197] {strides = array<i32>} : memref<3x128xi32, #tpu.memory_space<vmem>>, vector<16xi32>,
      %swap3A_199 = arith.constant 0 : i32
      %swap3A_200 = arith.index_cast %swap3A_199 : i32 to index
      %swap3A_201 = arith.constant 80 : index
      %swap3A_202 = tpu.vector_load %arg7[%swap3A_200, %swap3A_201] {strides = array<i32>} : memref<2x128xi32, #tpu.memory_space<vmem>>, vector<16xi32>,
      tpu.vector_store %arg7[%swap3A_200, %swap3A_201], %get3A_198 {strides = array<i32>} : memref<2x128xi32, #tpu.memory_space<vmem>>, vector<16xi32>,
      %get3A_203 = arith.constant 2 : i32
      %get3A_204 = arith.index_cast %get3A_203 : i32 to index
      %get3A_205 = arith.constant 80 : index
      %get3A_206 = tpu.vector_load %arg5[%get3A_204, %get3A_205] {strides = array<i32>} : memref<3x128xi32, #tpu.memory_space<vmem>>, vector<16xi32>,
      %swap3A_207 = arith.constant 1 : i32
      %swap3A_208 = arith.index_cast %swap3A_207 : i32 to index
      %swap3A_209 = arith.constant 80 : index
      %swap3A_210 = tpu.vector_load %arg7[%swap3A_208, %swap3A_209] {strides = array<i32>} : memref<2x128xi32, #tpu.memory_space<vmem>>, vector<16xi32>,
      tpu.vector_store %arg7[%swap3A_208, %swap3A_209], %get3A_206 {strides = array<i32>} : memref<2x128xi32, #tpu.memory_space<vmem>>, vector<16xi32>,
      %get3A_211 = arith.constant 1 : i32
      %get3A_212 = arith.index_cast %get3A_211 : i32 to index
      %get3A_213 = arith.constant 96 : index
      %get3A_214 = tpu.vector_load %arg5[%get3A_212, %get3A_213] {strides = array<i32>} : memref<3x128xi32, #tpu.memory_space<vmem>>, vector<16xi32>,
      %swap3A_215 = arith.constant 0 : i32
      %swap3A_216 = arith.index_cast %swap3A_215 : i32 to index
      %swap3A_217 = arith.constant 96 : index
      %swap3A_218 = tpu.vector_load %arg7[%swap3A_216, %swap3A_217] {strides = array<i32>} : memref<2x128xi32, #tpu.memory_space<vmem>>, vector<16xi32>,
      tpu.vector_store %arg7[%swap3A_216, %swap3A_217], %get3A_214 {strides = array<i32>} : memref<2x128xi32, #tpu.memory_space<vmem>>, vector<16xi32>,
      %get3A_219 = arith.constant 2 : i32
      %get3A_220 = arith.index_cast %get3A_219 : i32 to index
      %get3A_221 = arith.constant 96 : index
      %get3A_222 = tpu.vector_load %arg5[%get3A_220, %get3A_221] {strides = array<i32>} : memref<3x128xi32, #tpu.memory_space<vmem>>, vector<16xi32>,
      %swap3A_223 = arith.constant 1 : i32
      %swap3A_224 = arith.index_cast %swap3A_223 : i32 to index
      %swap3A_225 = arith.constant 96 : index
      %swap3A_226 = tpu.vector_load %arg7[%swap3A_224, %swap3A_225] {strides = array<i32>} : memref<2x128xi32, #tpu.memory_space<vmem>>, vector<16xi32>,
      tpu.vector_store %arg7[%swap3A_224, %swap3A_225], %get3A_222 {strides = array<i32>} : memref<2x128xi32, #tpu.memory_space<vmem>>, vector<16xi32>,
      %get3A_227 = arith.constant 1 : i32
      %get3A_228 = arith.index_cast %get3A_227 : i32 to index
      %get3A_229 = arith.constant 112 : index
      %get3A_230 = tpu.vector_load %arg5[%get3A_228, %get3A_229] {strides = array<i32>} : memref<3x128xi32, #tpu.memory_space<vmem>>, vector<16xi32>,
      %swap3A_231 = arith.constant 0 : i32
      %swap3A_232 = arith.index_cast %swap3A_231 : i32 to index
      %swap3A_233 = arith.constant 112 : index
      %swap3A_234 = tpu.vector_load %arg7[%swap3A_232, %swap3A_233] {strides = array<i32>} : memref<2x128xi32, #tpu.memory_space<vmem>>, vector<16xi32>,
      tpu.vector_store %arg7[%swap3A_232, %swap3A_233], %get3A_230 {strides = array<i32>} : memref<2x128xi32, #tpu.memory_space<vmem>>, vector<16xi32>,
      %get3A_235 = arith.constant 2 : i32
      %get3A_236 = arith.index_cast %get3A_235 : i32 to index
      %get3A_237 = arith.constant 112 : index
      %get3A_238 = tpu.vector_load %arg5[%get3A_236, %get3A_237] {strides = array<i32>} : memref<3x128xi32, #tpu.memory_space<vmem>>, vector<16xi32>,
      %swap3A_239 = arith.constant 1 : i32
      %swap3A_240 = arith.index_cast %swap3A_239 : i32 to index
      %swap3A_241 = arith.constant 112 : index
      %swap3A_242 = tpu.vector_load %arg7[%swap3A_240, %swap3A_241] {strides = array<i32>} : memref<2x128xi32, #tpu.memory_space<vmem>>, vector<16xi32>,
      tpu.vector_store %arg7[%swap3A_240, %swap3A_241], %get3A_238 {strides = array<i32>} : memref<2x128xi32, #tpu.memory_space<vmem>>, vector<16xi32>,
      %add3A_243 = arith.constant 2 : i32
      %add3A_244 = arith.addi %add3A_101, %add3A_243 : i32
      %lt3A_245 = arith.constant 80 : i32
      %lt3A_246 = arith.cmpi slt, %add3A_244, %lt3A_245 : i32
      %convert_element_type3A_247 = arith.extui %lt3A_246 : i1 to i32
      %cond3A_248 = arith.constant 0 : i32
      %cond3A_249 = arith.cmpi ne, %convert_element_type3A_247, %cond3A_248 : i32
      scf.if %cond3A_249 {
        %add3A_425 = arith.constant 2 : i32
        %add3A_426 = arith.addi %add3A_101, %add3A_425 : i32
        %dma_start3A_427 = arith.constant 0 : i32
        %dma_start3A_428 = arith.constant 0 : i32
        %dma_start3A_429 = tpu.memref_slice %arg3[%add3A, %add3A_426, %dma_start3A_427, %dma_start3A_428] : memref<32x80x3x128xi32, #tpu.memory_space<hbm>> -> memref<1x1x3x128xi32, #tpu.memory_space<hbm>>
        %dma_start3A_430 = tpu.memref_squeeze %dma_start3A_429 : memref<1x1x3x128xi32, #tpu.memory_space<hbm>> -> memref<3x128xi32, #tpu.memory_space<hbm>>
        %dma_start3A_431 = arith.constant 0 : i32
        %dma_start3A_432 = arith.constant 0 : i32
        %dma_start3A_433 = tpu.memref_slice %arg3[%add3A, %add3A_426, %dma_start3A_431, %dma_start3A_432] : memref<32x80x3x128xi32, #tpu.memory_space<hbm>> -> memref<1x1x3x128xi32, #tpu.memory_space<hbm>>
        %dma_start3A_434 = tpu.memref_squeeze %dma_start3A_433 : memref<1x1x3x128xi32, #tpu.memory_space<hbm>> -> memref<3x128xi32, #tpu.memory_space<hbm>>
        tpu.enqueue_dma source(%dma_start3A_434 : memref<3x128xi32, #tpu.memory_space<hbm>>) target(%arg5 : memref<3x128xi32, #tpu.memory_space<vmem>>) target_semaphore(%arg13 : memref<!tpu.dma_semaphore, #tpu.memory_space<semaphore_mem>>)
      } else {
      }
      %parallel_loop3A = arith.constant 0 : i32
      %parallel_loop3A_250 = arith.constant 128 : i32
      %parallel_loop3A_251 = arith.constant 1 : i32
      scf.for %parallel_loop3A_425 = %parallel_loop3A to %parallel_loop3A_250 step %parallel_loop3A_251  : i32 {
        %parallel_loop3A_426 = vector.broadcast %parallel_loop3A_425 : i32 to vector<16xi32>
        %parallel_loop3A_427 = tpu.vector_load_idx %arg7[%broadcast_in_dim3A_77, %parallel_loop3A_426] : memref<2x128xi32, #tpu.memory_space<vmem>>[vector<16xi32>, vector<16xi32>], vector<16xi32>,
        %parallel_loop3A_428 = vector.bitcast %parallel_loop3A_427 : vector<16xi32> to vector<16xf32>
        %parallel_loop3A_429 = arith.index_cast %parallel_loop3A_425 : i32 to index
        %parallel_loop3A_430 = arith.constant 0 : index
        %parallel_loop3A_431 = tpu.vector_load %arg9[%parallel_loop3A_429, %parallel_loop3A_430] {strides = array<i32>} : memref<128x128xf32, #tpu.memory_space<vmem>>, vector<16xf32>,
        %parallel_loop3A_432 = arith.mulf %parallel_loop3A_431, %parallel_loop3A_428 : vector<16xf32>
        %parallel_loop3A_433 = arith.index_cast %parallel_loop3A_425 : i32 to index
        %parallel_loop3A_434 = arith.constant 0 : index
        %parallel_loop3A_435 = tpu.vector_load %arg9[%parallel_loop3A_433, %parallel_loop3A_434] {strides = array<i32>} : memref<128x128xf32, #tpu.memory_space<vmem>>, vector<16xf32>,
        tpu.vector_store %arg9[%parallel_loop3A_433, %parallel_loop3A_434], %parallel_loop3A_432 {strides = array<i32>} : memref<128x128xf32, #tpu.memory_space<vmem>>, vector<16xf32>,
        %parallel_loop3A_436 = arith.index_cast %parallel_loop3A_425 : i32 to index
        %parallel_loop3A_437 = arith.constant 16 : index
        %parallel_loop3A_438 = tpu.vector_load %arg9[%parallel_loop3A_436, %parallel_loop3A_437] {strides = array<i32>} : memref<128x128xf32, #tpu.memory_space<vmem>>, vector<16xf32>,
        %parallel_loop3A_439 = arith.mulf %parallel_loop3A_438, %parallel_loop3A_428 : vector<16xf32>
        %parallel_loop3A_440 = arith.index_cast %parallel_loop3A_425 : i32 to index
        %parallel_loop3A_441 = arith.constant 16 : index
        %parallel_loop3A_442 = tpu.vector_load %arg9[%parallel_loop3A_440, %parallel_loop3A_441] {strides = array<i32>} : memref<128x128xf32, #tpu.memory_space<vmem>>, vector<16xf32>,
        tpu.vector_store %arg9[%parallel_loop3A_440, %parallel_loop3A_441], %parallel_loop3A_439 {strides = array<i32>} : memref<128x128xf32, #tpu.memory_space<vmem>>, vector<16xf32>,
        %parallel_loop3A_443 = arith.index_cast %parallel_loop3A_425 : i32 to index
        %parallel_loop3A_444 = arith.constant 32 : index
        %parallel_loop3A_445 = tpu.vector_load %arg9[%parallel_loop3A_443, %parallel_loop3A_444] {strides = array<i32>} : memref<128x128xf32, #tpu.memory_space<vmem>>, vector<16xf32>,
        %parallel_loop3A_446 = arith.mulf %parallel_loop3A_445, %parallel_loop3A_428 : vector<16xf32>
        %parallel_loop3A_447 = arith.index_cast %parallel_loop3A_425 : i32 to index
        %parallel_loop3A_448 = arith.constant 32 : index
        %parallel_loop3A_449 = tpu.vector_load %arg9[%parallel_loop3A_447, %parallel_loop3A_448] {strides = array<i32>} : memref<128x128xf32, #tpu.memory_space<vmem>>, vector<16xf32>,
        tpu.vector_store %arg9[%parallel_loop3A_447, %parallel_loop3A_448], %parallel_loop3A_446 {strides = array<i32>} : memref<128x128xf32, #tpu.memory_space<vmem>>, vector<16xf32>,
        %parallel_loop3A_450 = arith.index_cast %parallel_loop3A_425 : i32 to index
        %parallel_loop3A_451 = arith.constant 48 : index
        %parallel_loop3A_452 = tpu.vector_load %arg9[%parallel_loop3A_450, %parallel_loop3A_451] {strides = array<i32>} : memref<128x128xf32, #tpu.memory_space<vmem>>, vector<16xf32>,
        %parallel_loop3A_453 = arith.mulf %parallel_loop3A_452, %parallel_loop3A_428 : vector<16xf32>
        %parallel_loop3A_454 = arith.index_cast %parallel_loop3A_425 : i32 to index
        %parallel_loop3A_455 = arith.constant 48 : index
        %parallel_loop3A_456 = tpu.vector_load %arg9[%parallel_loop3A_454, %parallel_loop3A_455] {strides = array<i32>} : memref<128x128xf32, #tpu.memory_space<vmem>>, vector<16xf32>,
        tpu.vector_store %arg9[%parallel_loop3A_454, %parallel_loop3A_455], %parallel_loop3A_453 {strides = array<i32>} : memref<128x128xf32, #tpu.memory_space<vmem>>, vector<16xf32>,
        %parallel_loop3A_457 = arith.index_cast %parallel_loop3A_425 : i32 to index
        %parallel_loop3A_458 = arith.constant 64 : index
        %parallel_loop3A_459 = tpu.vector_load %arg9[%parallel_loop3A_457, %parallel_loop3A_458] {strides = array<i32>} : memref<128x128xf32, #tpu.memory_space<vmem>>, vector<16xf32>,
        %parallel_loop3A_460 = arith.mulf %parallel_loop3A_459, %parallel_loop3A_428 : vector<16xf32>
        %parallel_loop3A_461 = arith.index_cast %parallel_loop3A_425 : i32 to index
        %parallel_loop3A_462 = arith.constant 64 : index
        %parallel_loop3A_463 = tpu.vector_load %arg9[%parallel_loop3A_461, %parallel_loop3A_462] {strides = array<i32>} : memref<128x128xf32, #tpu.memory_space<vmem>>, vector<16xf32>,
        tpu.vector_store %arg9[%parallel_loop3A_461, %parallel_loop3A_462], %parallel_loop3A_460 {strides = array<i32>} : memref<128x128xf32, #tpu.memory_space<vmem>>, vector<16xf32>,
        %parallel_loop3A_464 = arith.index_cast %parallel_loop3A_425 : i32 to index
        %parallel_loop3A_465 = arith.constant 80 : index
        %parallel_loop3A_466 = tpu.vector_load %arg9[%parallel_loop3A_464, %parallel_loop3A_465] {strides = array<i32>} : memref<128x128xf32, #tpu.memory_space<vmem>>, vector<16xf32>,
        %parallel_loop3A_467 = arith.mulf %parallel_loop3A_466, %parallel_loop3A_428 : vector<16xf32>
        %parallel_loop3A_468 = arith.index_cast %parallel_loop3A_425 : i32 to index
        %parallel_loop3A_469 = arith.constant 80 : index
        %parallel_loop3A_470 = tpu.vector_load %arg9[%parallel_loop3A_468, %parallel_loop3A_469] {strides = array<i32>} : memref<128x128xf32, #tpu.memory_space<vmem>>, vector<16xf32>,
        tpu.vector_store %arg9[%parallel_loop3A_468, %parallel_loop3A_469], %parallel_loop3A_467 {strides = array<i32>} : memref<128x128xf32, #tpu.memory_space<vmem>>, vector<16xf32>,
        %parallel_loop3A_471 = arith.index_cast %parallel_loop3A_425 : i32 to index
        %parallel_loop3A_472 = arith.constant 96 : index
        %parallel_loop3A_473 = tpu.vector_load %arg9[%parallel_loop3A_471, %parallel_loop3A_472] {strides = array<i32>} : memref<128x128xf32, #tpu.memory_space<vmem>>, vector<16xf32>,
        %parallel_loop3A_474 = arith.mulf %parallel_loop3A_473, %parallel_loop3A_428 : vector<16xf32>
        %parallel_loop3A_475 = arith.index_cast %parallel_loop3A_425 : i32 to index
        %parallel_loop3A_476 = arith.constant 96 : index
        %parallel_loop3A_477 = tpu.vector_load %arg9[%parallel_loop3A_475, %parallel_loop3A_476] {strides = array<i32>} : memref<128x128xf32, #tpu.memory_space<vmem>>, vector<16xf32>,
        tpu.vector_store %arg9[%parallel_loop3A_475, %parallel_loop3A_476], %parallel_loop3A_474 {strides = array<i32>} : memref<128x128xf32, #tpu.memory_space<vmem>>, vector<16xf32>,
        %parallel_loop3A_478 = arith.index_cast %parallel_loop3A_425 : i32 to index
        %parallel_loop3A_479 = arith.constant 112 : index
        %parallel_loop3A_480 = tpu.vector_load %arg9[%parallel_loop3A_478, %parallel_loop3A_479] {strides = array<i32>} : memref<128x128xf32, #tpu.memory_space<vmem>>, vector<16xf32>,
        %parallel_loop3A_481 = arith.mulf %parallel_loop3A_480, %parallel_loop3A_428 : vector<16xf32>
        %parallel_loop3A_482 = arith.index_cast %parallel_loop3A_425 : i32 to index
        %parallel_loop3A_483 = arith.constant 112 : index
        %parallel_loop3A_484 = tpu.vector_load %arg9[%parallel_loop3A_482, %parallel_loop3A_483] {strides = array<i32>} : memref<128x128xf32, #tpu.memory_space<vmem>>, vector<16xf32>,
        tpu.vector_store %arg9[%parallel_loop3A_482, %parallel_loop3A_483], %parallel_loop3A_481 {strides = array<i32>} : memref<128x128xf32, #tpu.memory_space<vmem>>, vector<16xf32>,
      } {sc.loop_unroll_factor = 16 : i64, sc.parallel_access}
      %dma_start3A_252 = arith.constant 0 : i32
      %dma_start3A_253 = arith.constant 0 : i32
      %dma_start3A_254 = tpu.memref_slice %arg7[%dma_start3A_252, %dma_start3A_253] : memref<2x128xi32, #tpu.memory_space<vmem>> -> memref<1x128xi32, #tpu.memory_space<vmem>>
      %dma_start3A_255 = tpu.memref_squeeze %dma_start3A_254 : memref<1x128xi32, #tpu.memory_space<vmem>> -> memref<128xi32, #tpu.memory_space<vmem>>
      %dma_start3A_256 = arith.constant 0 : i32
      %dma_start3A_257 = arith.constant 0 : i32
      %dma_start3A_258 = tpu.memref_slice %arg12[%dma_start3A_256, %dma_start3A_257] : memref<10240x128xf32, #tpu.memory_space<vmem_shared>> -> memref<10240x128xf32, #tpu.memory_space<vmem_shared>>
      tpu.enqueue_indirect_dma source(%arg9 : memref<128x128xf32, #tpu.memory_space<vmem>>) target(%dma_start3A_258 : memref<10240x128xf32, #tpu.memory_space<vmem_shared>>) offsets(%dma_start3A_255 : memref<128xi32, #tpu.memory_space<vmem>>) semaphore(%arg17 : memref<!tpu.dma_semaphore, #tpu.memory_space<semaphore_mem>>) {add = true}
      %add3A_259 = arith.constant 1 : i32
      %add3A_260 = arith.addi %add3A_99, %add3A_259 : i32
      %ge3A_261 = arith.constant 1 : i32
      %ge3A_262 = arith.cmpi sge, %add3A_260, %ge3A_261 : i32
      %convert_element_type3A_263 = arith.extui %ge3A_262 : i1 to i32
      %cond3A_264 = arith.constant 0 : i32
      %cond3A_265 = arith.cmpi ne, %convert_element_type3A_263, %cond3A_264 : i32
      scf.if %cond3A_265 {
        %dma_wait3A_425 = arith.constant 0 : i32
        %dma_wait3A_426 = arith.constant 0 : i32
        %dma_wait3A_427 = tpu.memref_slice %arg7[%dma_wait3A_425, %dma_wait3A_426] : memref<2x128xi32, #tpu.memory_space<vmem>> -> memref<1x128xi32, #tpu.memory_space<vmem>>
        %dma_wait3A_428 = tpu.memref_squeeze %dma_wait3A_427 : memref<1x128xi32, #tpu.memory_space<vmem>> -> memref<128xi32, #tpu.memory_space<vmem>>
        %dma_wait3A_429 = arith.constant 0 : i32
        %dma_wait3A_430 = arith.constant 0 : i32
        %dma_wait3A_431 = tpu.memref_slice %arg12[%dma_wait3A_429, %dma_wait3A_430] : memref<10240x128xf32, #tpu.memory_space<vmem_shared>> -> memref<10240x128xf32, #tpu.memory_space<vmem_shared>>
        tpu.wait_indirect_dma semaphore(%arg17 : memref<!tpu.dma_semaphore, #tpu.memory_space<semaphore_mem>>) src(%arg9 : memref<128x128xf32, #tpu.memory_space<vmem>>) dst(%dma_wait3A_431 : memref<10240x128xf32, #tpu.memory_space<vmem_shared>>)
      } else {
      }
      %add3A_266 = arith.constant 1 : i32
      %add3A_267 = arith.addi %add3A_260, %add3A_266 : i32
      %lt3A_268 = arith.constant 80 : i32
      %lt3A_269 = arith.cmpi slt, %add3A_267, %lt3A_268 : i32
      %convert_element_type3A_270 = arith.extui %lt3A_269 : i1 to i32
      %cond3A_271 = arith.constant 0 : i32
      %cond3A_272 = arith.cmpi ne, %convert_element_type3A_270, %cond3A_271 : i32
      scf.if %cond3A_272 {
        %add3A_425 = arith.constant 1 : i32
        %add3A_426 = arith.addi %add3A_260, %add3A_425 : i32
        %dma_wait3A_427 = arith.constant 0 : i32
        %dma_wait3A_428 = arith.constant 0 : i32
        %dma_wait3A_429 = tpu.memref_slice %arg3[%add3A, %add3A_426, %dma_wait3A_427, %dma_wait3A_428] : memref<32x80x3x128xi32, #tpu.memory_space<hbm>> -> memref<1x1x3x128xi32, #tpu.memory_space<hbm>>
        %dma_wait3A_430 = tpu.memref_squeeze %dma_wait3A_429 : memref<1x1x3x128xi32, #tpu.memory_space<hbm>> -> memref<3x128xi32, #tpu.memory_space<hbm>>
        %dma_wait3A_431 = arith.constant 0 : i32
        %dma_wait3A_432 = arith.constant 0 : i32
        %dma_wait3A_433 = tpu.memref_slice %arg3[%add3A, %add3A_426, %dma_wait3A_431, %dma_wait3A_432] : memref<32x80x3x128xi32, #tpu.memory_space<hbm>> -> memref<1x1x3x128xi32, #tpu.memory_space<hbm>>
        %dma_wait3A_434 = tpu.memref_squeeze %dma_wait3A_433 : memref<1x1x3x128xi32, #tpu.memory_space<hbm>> -> memref<3x128xi32, #tpu.memory_space<hbm>>
        tpu.wait_dma2 semaphore(%arg13 : memref<!tpu.dma_semaphore, #tpu.memory_space<semaphore_mem>>) src(%dma_wait3A_434 : memref<3x128xi32, #tpu.memory_space<hbm>>) dst(%arg5 : memref<3x128xi32, #tpu.memory_space<vmem>>)
        %dma_start3A_435 = arith.constant 0 : i32
        %dma_start3A_436 = arith.constant 0 : i32
        %dma_start3A_437 = tpu.memref_slice %arg5[%dma_start3A_435, %dma_start3A_436] : memref<3x128xi32, #tpu.memory_space<vmem>> -> memref<1x128xi32, #tpu.memory_space<vmem>>
        %dma_start3A_438 = tpu.memref_squeeze %dma_start3A_437 : memref<1x128xi32, #tpu.memory_space<vmem>> -> memref<128xi32, #tpu.memory_space<vmem>>
        %dma_start3A_439 = arith.constant 0 : i32
        %dma_start3A_440 = arith.constant 0 : i32
        %dma_start3A_441 = tpu.memref_slice %arg2[%dma_start3A_439, %dma_start3A_440] : memref<10240x128xf32, #tpu.memory_space<hbm>> -> memref<10240x128xf32, #tpu.memory_space<hbm>>
        tpu.enqueue_indirect_dma source(%dma_start3A_441 : memref<10240x128xf32, #tpu.memory_space<hbm>>) target(%arg9 : memref<128x128xf32, #tpu.memory_space<vmem>>) offsets(%dma_start3A_438 : memref<128xi32, #tpu.memory_space<vmem>>) semaphore(%arg15 : memref<!tpu.dma_semaphore, #tpu.memory_space<semaphore_mem>>)
      } else {
      }
      %dma_wait3A_273 = arith.constant 0 : i32
      %dma_wait3A_274 = arith.constant 0 : i32
      %dma_wait3A_275 = tpu.memref_slice %arg6[%dma_wait3A_273, %dma_wait3A_274] : memref<3x128xi32, #tpu.memory_space<vmem>> -> memref<1x128xi32, #tpu.memory_space<vmem>>
      %dma_wait3A_276 = tpu.memref_squeeze %dma_wait3A_275 : memref<1x128xi32, #tpu.memory_space<vmem>> -> memref<128xi32, #tpu.memory_space<vmem>>
      %dma_wait3A_277 = arith.constant 0 : i32
      %dma_wait3A_278 = arith.constant 0 : i32
      %dma_wait3A_279 = tpu.memref_slice %arg2[%dma_wait3A_277, %dma_wait3A_278] : memref<10240x128xf32, #tpu.memory_space<hbm>> -> memref<10240x128xf32, #tpu.memory_space<hbm>>
      tpu.wait_indirect_dma semaphore(%arg16 : memref<!tpu.dma_semaphore, #tpu.memory_space<semaphore_mem>>) src(%dma_wait3A_279 : memref<10240x128xf32, #tpu.memory_space<hbm>>) dst(%arg10 : memref<128x128xf32, #tpu.memory_space<vmem>>)
      %get3A_280 = arith.constant 1 : i32
      %get3A_281 = arith.index_cast %get3A_280 : i32 to index
      %get3A_282 = arith.constant 0 : index
      %get3A_283 = tpu.vector_load %arg6[%get3A_281, %get3A_282] {strides = array<i32>} : memref<3x128xi32, #tpu.memory_space<vmem>>, vector<16xi32>,
      %swap3A_284 = arith.constant 0 : i32
      %swap3A_285 = arith.index_cast %swap3A_284 : i32 to index
      %swap3A_286 = arith.constant 0 : index
      %swap3A_287 = tpu.vector_load %arg8[%swap3A_285, %swap3A_286] {strides = array<i32>} : memref<2x128xi32, #tpu.memory_space<vmem>>, vector<16xi32>,
      tpu.vector_store %arg8[%swap3A_285, %swap3A_286], %get3A_283 {strides = array<i32>} : memref<2x128xi32, #tpu.memory_space<vmem>>, vector<16xi32>,
      %get3A_288 = arith.constant 2 : i32
      %get3A_289 = arith.index_cast %get3A_288 : i32 to index
      %get3A_290 = arith.constant 0 : index
      %get3A_291 = tpu.vector_load %arg6[%get3A_289, %get3A_290] {strides = array<i32>} : memref<3x128xi32, #tpu.memory_space<vmem>>, vector<16xi32>,
      %swap3A_292 = arith.constant 1 : i32
      %swap3A_293 = arith.index_cast %swap3A_292 : i32 to index
      %swap3A_294 = arith.constant 0 : index
      %swap3A_295 = tpu.vector_load %arg8[%swap3A_293, %swap3A_294] {strides = array<i32>} : memref<2x128xi32, #tpu.memory_space<vmem>>, vector<16xi32>,
      tpu.vector_store %arg8[%swap3A_293, %swap3A_294], %get3A_291 {strides = array<i32>} : memref<2x128xi32, #tpu.memory_space<vmem>>, vector<16xi32>,
      %get3A_296 = arith.constant 1 : i32
      %get3A_297 = arith.index_cast %get3A_296 : i32 to index
      %get3A_298 = arith.constant 16 : index
      %get3A_299 = tpu.vector_load %arg6[%get3A_297, %get3A_298] {strides = array<i32>} : memref<3x128xi32, #tpu.memory_space<vmem>>, vector<16xi32>,
      %swap3A_300 = arith.constant 0 : i32
      %swap3A_301 = arith.index_cast %swap3A_300 : i32 to index
      %swap3A_302 = arith.constant 16 : index
      %swap3A_303 = tpu.vector_load %arg8[%swap3A_301, %swap3A_302] {strides = array<i32>} : memref<2x128xi32, #tpu.memory_space<vmem>>, vector<16xi32>,
      tpu.vector_store %arg8[%swap3A_301, %swap3A_302], %get3A_299 {strides = array<i32>} : memref<2x128xi32, #tpu.memory_space<vmem>>, vector<16xi32>,
      %get3A_304 = arith.constant 2 : i32
      %get3A_305 = arith.index_cast %get3A_304 : i32 to index
      %get3A_306 = arith.constant 16 : index
      %get3A_307 = tpu.vector_load %arg6[%get3A_305, %get3A_306] {strides = array<i32>} : memref<3x128xi32, #tpu.memory_space<vmem>>, vector<16xi32>,
      %swap3A_308 = arith.constant 1 : i32
      %swap3A_309 = arith.index_cast %swap3A_308 : i32 to index
      %swap3A_310 = arith.constant 16 : index
      %swap3A_311 = tpu.vector_load %arg8[%swap3A_309, %swap3A_310] {strides = array<i32>} : memref<2x128xi32, #tpu.memory_space<vmem>>, vector<16xi32>,
      tpu.vector_store %arg8[%swap3A_309, %swap3A_310], %get3A_307 {strides = array<i32>} : memref<2x128xi32, #tpu.memory_space<vmem>>, vector<16xi32>,
      %get3A_312 = arith.constant 1 : i32
      %get3A_313 = arith.index_cast %get3A_312 : i32 to index
      %get3A_314 = arith.constant 32 : index
      %get3A_315 = tpu.vector_load %arg6[%get3A_313, %get3A_314] {strides = array<i32>} : memref<3x128xi32, #tpu.memory_space<vmem>>, vector<16xi32>,
      %swap3A_316 = arith.constant 0 : i32
      %swap3A_317 = arith.index_cast %swap3A_316 : i32 to index
      %swap3A_318 = arith.constant 32 : index
      %swap3A_319 = tpu.vector_load %arg8[%swap3A_317, %swap3A_318] {strides = array<i32>} : memref<2x128xi32, #tpu.memory_space<vmem>>, vector<16xi32>,
      tpu.vector_store %arg8[%swap3A_317, %swap3A_318], %get3A_315 {strides = array<i32>} : memref<2x128xi32, #tpu.memory_space<vmem>>, vector<16xi32>,
      %get3A_320 = arith.constant 2 : i32
      %get3A_321 = arith.index_cast %get3A_320 : i32 to index
      %get3A_322 = arith.constant 32 : index
      %get3A_323 = tpu.vector_load %arg6[%get3A_321, %get3A_322] {strides = array<i32>} : memref<3x128xi32, #tpu.memory_space<vmem>>, vector<16xi32>,
      %swap3A_324 = arith.constant 1 : i32
      %swap3A_325 = arith.index_cast %swap3A_324 : i32 to index
      %swap3A_326 = arith.constant 32 : index
      %swap3A_327 = tpu.vector_load %arg8[%swap3A_325, %swap3A_326] {strides = array<i32>} : memref<2x128xi32, #tpu.memory_space<vmem>>, vector<16xi32>,
      tpu.vector_store %arg8[%swap3A_325, %swap3A_326], %get3A_323 {strides = array<i32>} : memref<2x128xi32, #tpu.memory_space<vmem>>, vector<16xi32>,
      %get3A_328 = arith.constant 1 : i32
      %get3A_329 = arith.index_cast %get3A_328 : i32 to index
      %get3A_330 = arith.constant 48 : index
      %get3A_331 = tpu.vector_load %arg6[%get3A_329, %get3A_330] {strides = array<i32>} : memref<3x128xi32, #tpu.memory_space<vmem>>, vector<16xi32>,
      %swap3A_332 = arith.constant 0 : i32
      %swap3A_333 = arith.index_cast %swap3A_332 : i32 to index
      %swap3A_334 = arith.constant 48 : index
      %swap3A_335 = tpu.vector_load %arg8[%swap3A_333, %swap3A_334] {strides = array<i32>} : memref<2x128xi32, #tpu.memory_space<vmem>>, vector<16xi32>,
      tpu.vector_store %arg8[%swap3A_333, %swap3A_334], %get3A_331 {strides = array<i32>} : memref<2x128xi32, #tpu.memory_space<vmem>>, vector<16xi32>,
      %get3A_336 = arith.constant 2 : i32
      %get3A_337 = arith.index_cast %get3A_336 : i32 to index
      %get3A_338 = arith.constant 48 : index
      %get3A_339 = tpu.vector_load %arg6[%get3A_337, %get3A_338] {strides = array<i32>} : memref<3x128xi32, #tpu.memory_space<vmem>>, vector<16xi32>,
      %swap3A_340 = arith.constant 1 : i32
      %swap3A_341 = arith.index_cast %swap3A_340 : i32 to index
      %swap3A_342 = arith.constant 48 : index
      %swap3A_343 = tpu.vector_load %arg8[%swap3A_341, %swap3A_342] {strides = array<i32>} : memref<2x128xi32, #tpu.memory_space<vmem>>, vector<16xi32>,
      tpu.vector_store %arg8[%swap3A_341, %swap3A_342], %get3A_339 {strides = array<i32>} : memref<2x128xi32, #tpu.memory_space<vmem>>, vector<16xi32>,
      %get3A_344 = arith.constant 1 : i32
      %get3A_345 = arith.index_cast %get3A_344 : i32 to index
      %get3A_346 = arith.constant 64 : index
      %get3A_347 = tpu.vector_load %arg6[%get3A_345, %get3A_346] {strides = array<i32>} : memref<3x128xi32, #tpu.memory_space<vmem>>, vector<16xi32>,
      %swap3A_348 = arith.constant 0 : i32
      %swap3A_349 = arith.index_cast %swap3A_348 : i32 to index
      %swap3A_350 = arith.constant 64 : index
      %swap3A_351 = tpu.vector_load %arg8[%swap3A_349, %swap3A_350] {strides = array<i32>} : memref<2x128xi32, #tpu.memory_space<vmem>>, vector<16xi32>,
      tpu.vector_store %arg8[%swap3A_349, %swap3A_350], %get3A_347 {strides = array<i32>} : memref<2x128xi32, #tpu.memory_space<vmem>>, vector<16xi32>,
      %get3A_352 = arith.constant 2 : i32
      %get3A_353 = arith.index_cast %get3A_352 : i32 to index
      %get3A_354 = arith.constant 64 : index
      %get3A_355 = tpu.vector_load %arg6[%get3A_353, %get3A_354] {strides = array<i32>} : memref<3x128xi32, #tpu.memory_space<vmem>>, vector<16xi32>,
      %swap3A_356 = arith.constant 1 : i32
      %swap3A_357 = arith.index_cast %swap3A_356 : i32 to index
      %swap3A_358 = arith.constant 64 : index
      %swap3A_359 = tpu.vector_load %arg8[%swap3A_357, %swap3A_358] {strides = array<i32>} : memref<2x128xi32, #tpu.memory_space<vmem>>, vector<16xi32>,
      tpu.vector_store %arg8[%swap3A_357, %swap3A_358], %get3A_355 {strides = array<i32>} : memref<2x128xi32, #tpu.memory_space<vmem>>, vector<16xi32>,
      %get3A_360 = arith.constant 1 : i32
      %get3A_361 = arith.index_cast %get3A_360 : i32 to index
      %get3A_362 = arith.constant 80 : index
      %get3A_363 = tpu.vector_load %arg6[%get3A_361, %get3A_362] {strides = array<i32>} : memref<3x128xi32, #tpu.memory_space<vmem>>, vector<16xi32>,
      %swap3A_364 = arith.constant 0 : i32
      %swap3A_365 = arith.index_cast %swap3A_364 : i32 to index
      %swap3A_366 = arith.constant 80 : index
      %swap3A_367 = tpu.vector_load %arg8[%swap3A_365, %swap3A_366] {strides = array<i32>} : memref<2x128xi32, #tpu.memory_space<vmem>>, vector<16xi32>,
      tpu.vector_store %arg8[%swap3A_365, %swap3A_366], %get3A_363 {strides = array<i32>} : memref<2x128xi32, #tpu.memory_space<vmem>>, vector<16xi32>,
      %get3A_368 = arith.constant 2 : i32
      %get3A_369 = arith.index_cast %get3A_368 : i32 to index
      %get3A_370 = arith.constant 80 : index
      %get3A_371 = tpu.vector_load %arg6[%get3A_369, %get3A_370] {strides = array<i32>} : memref<3x128xi32, #tpu.memory_space<vmem>>, vector<16xi32>,
      %swap3A_372 = arith.constant 1 : i32
      %swap3A_373 = arith.index_cast %swap3A_372 : i32 to index
      %swap3A_374 = arith.constant 80 : index
      %swap3A_375 = tpu.vector_load %arg8[%swap3A_373, %swap3A_374] {strides = array<i32>} : memref<2x128xi32, #tpu.memory_space<vmem>>, vector<16xi32>,
      tpu.vector_store %arg8[%swap3A_373, %swap3A_374], %get3A_371 {strides = array<i32>} : memref<2x128xi32, #tpu.memory_space<vmem>>, vector<16xi32>,
      %get3A_376 = arith.constant 1 : i32
      %get3A_377 = arith.index_cast %get3A_376 : i32 to index
      %get3A_378 = arith.constant 96 : index
      %get3A_379 = tpu.vector_load %arg6[%get3A_377, %get3A_378] {strides = array<i32>} : memref<3x128xi32, #tpu.memory_space<vmem>>, vector<16xi32>,
      %swap3A_380 = arith.constant 0 : i32
      %swap3A_381 = arith.index_cast %swap3A_380 : i32 to index
      %swap3A_382 = arith.constant 96 : index
      %swap3A_383 = tpu.vector_load %arg8[%swap3A_381, %swap3A_382] {strides = array<i32>} : memref<2x128xi32, #tpu.memory_space<vmem>>, vector<16xi32>,
      tpu.vector_store %arg8[%swap3A_381, %swap3A_382], %get3A_379 {strides = array<i32>} : memref<2x128xi32, #tpu.memory_space<vmem>>, vector<16xi32>,
      %get3A_384 = arith.constant 2 : i32
      %get3A_385 = arith.index_cast %get3A_384 : i32 to index
      %get3A_386 = arith.constant 96 : index
      %get3A_387 = tpu.vector_load %arg6[%get3A_385, %get3A_386] {strides = array<i32>} : memref<3x128xi32, #tpu.memory_space<vmem>>, vector<16xi32>,
      %swap3A_388 = arith.constant 1 : i32
      %swap3A_389 = arith.index_cast %swap3A_388 : i32 to index
      %swap3A_390 = arith.constant 96 : index
      %swap3A_391 = tpu.vector_load %arg8[%swap3A_389, %swap3A_390] {strides = array<i32>} : memref<2x128xi32, #tpu.memory_space<vmem>>, vector<16xi32>,
      tpu.vector_store %arg8[%swap3A_389, %swap3A_390], %get3A_387 {strides = array<i32>} : memref<2x128xi32, #tpu.memory_space<vmem>>, vector<16xi32>,
      %get3A_392 = arith.constant 1 : i32
      %get3A_393 = arith.index_cast %get3A_392 : i32 to index
      %get3A_394 = arith.constant 112 : index
      %get3A_395 = tpu.vector_load %arg6[%get3A_393, %get3A_394] {strides = array<i32>} : memref<3x128xi32, #tpu.memory_space<vmem>>, vector<16xi32>,
      %swap3A_396 = arith.constant 0 : i32
      %swap3A_397 = arith.index_cast %swap3A_396 : i32 to index
      %swap3A_398 = arith.constant 112 : index
      %swap3A_399 = tpu.vector_load %arg8[%swap3A_397, %swap3A_398] {strides = array<i32>} : memref<2x128xi32, #tpu.memory_space<vmem>>, vector<16xi32>,
      tpu.vector_store %arg8[%swap3A_397, %swap3A_398], %get3A_395 {strides = array<i32>} : memref<2x128xi32, #tpu.memory_space<vmem>>, vector<16xi32>,
      %get3A_400 = arith.constant 2 : i32
      %get3A_401 = arith.index_cast %get3A_400 : i32 to index
      %get3A_402 = arith.constant 112 : index
      %get3A_403 = tpu.vector_load %arg6[%get3A_401, %get3A_402] {strides = array<i32>} : memref<3x128xi32, #tpu.memory_space<vmem>>, vector<16xi32>,
      %swap3A_404 = arith.constant 1 : i32
      %swap3A_405 = arith.index_cast %swap3A_404 : i32 to index
      %swap3A_406 = arith.constant 112 : index
      %swap3A_407 = tpu.vector_load %arg8[%swap3A_405, %swap3A_406] {strides = array<i32>} : memref<2x128xi32, #tpu.memory_space<vmem>>, vector<16xi32>,
      tpu.vector_store %arg8[%swap3A_405, %swap3A_406], %get3A_403 {strides = array<i32>} : memref<2x128xi32, #tpu.memory_space<vmem>>, vector<16xi32>,
      %add3A_408 = arith.constant 2 : i32
      %add3A_409 = arith.addi %add3A_260, %add3A_408 : i32
      %lt3A_410 = arith.constant 80 : i32
      %lt3A_411 = arith.cmpi slt, %add3A_409, %lt3A_410 : i32
      %convert_element_type3A_412 = arith.extui %lt3A_411 : i1 to i32
      %cond3A_413 = arith.constant 0 : i32
      %cond3A_414 = arith.cmpi ne, %convert_element_type3A_412, %cond3A_413 : i32
      scf.if %cond3A_414 {
        %add3A_425 = arith.constant 2 : i32
        %add3A_426 = arith.addi %add3A_260, %add3A_425 : i32
        %dma_start3A_427 = arith.constant 0 : i32
        %dma_start3A_428 = arith.constant 0 : i32
        %dma_start3A_429 = tpu.memref_slice %arg3[%add3A, %add3A_426, %dma_start3A_427, %dma_start3A_428] : memref<32x80x3x128xi32, #tpu.memory_space<hbm>> -> memref<1x1x3x128xi32, #tpu.memory_space<hbm>>
        %dma_start3A_430 = tpu.memref_squeeze %dma_start3A_429 : memref<1x1x3x128xi32, #tpu.memory_space<hbm>> -> memref<3x128xi32, #tpu.memory_space<hbm>>
        %dma_start3A_431 = arith.constant 0 : i32
        %dma_start3A_432 = arith.constant 0 : i32
        %dma_start3A_433 = tpu.memref_slice %arg3[%add3A, %add3A_426, %dma_start3A_431, %dma_start3A_432] : memref<32x80x3x128xi32, #tpu.memory_space<hbm>> -> memref<1x1x3x128xi32, #tpu.memory_space<hbm>>
        %dma_start3A_434 = tpu.memref_squeeze %dma_start3A_433 : memref<1x1x3x128xi32, #tpu.memory_space<hbm>> -> memref<3x128xi32, #tpu.memory_space<hbm>>
        tpu.enqueue_dma source(%dma_start3A_434 : memref<3x128xi32, #tpu.memory_space<hbm>>) target(%arg6 : memref<3x128xi32, #tpu.memory_space<vmem>>) target_semaphore(%arg14 : memref<!tpu.dma_semaphore, #tpu.memory_space<semaphore_mem>>)
      } else {
      }
      %parallel_loop3A_415 = arith.constant 0 : i32
      %parallel_loop3A_416 = arith.constant 128 : i32
      %parallel_loop3A_417 = arith.constant 1 : i32
      scf.for %parallel_loop3A_425 = %parallel_loop3A_415 to %parallel_loop3A_416 step %parallel_loop3A_417  : i32 {
        %parallel_loop3A_426 = vector.broadcast %parallel_loop3A_425 : i32 to vector<16xi32>
        %parallel_loop3A_427 = tpu.vector_load_idx %arg8[%broadcast_in_dim3A_77, %parallel_loop3A_426] : memref<2x128xi32, #tpu.memory_space<vmem>>[vector<16xi32>, vector<16xi32>], vector<16xi32>,
        %parallel_loop3A_428 = vector.bitcast %parallel_loop3A_427 : vector<16xi32> to vector<16xf32>
        %parallel_loop3A_429 = arith.index_cast %parallel_loop3A_425 : i32 to index
        %parallel_loop3A_430 = arith.constant 0 : index
        %parallel_loop3A_431 = tpu.vector_load %arg10[%parallel_loop3A_429, %parallel_loop3A_430] {strides = array<i32>} : memref<128x128xf32, #tpu.memory_space<vmem>>, vector<16xf32>,
        %parallel_loop3A_432 = arith.mulf %parallel_loop3A_431, %parallel_loop3A_428 : vector<16xf32>
        %parallel_loop3A_433 = arith.index_cast %parallel_loop3A_425 : i32 to index
        %parallel_loop3A_434 = arith.constant 0 : index
        %parallel_loop3A_435 = tpu.vector_load %arg10[%parallel_loop3A_433, %parallel_loop3A_434] {strides = array<i32>} : memref<128x128xf32, #tpu.memory_space<vmem>>, vector<16xf32>,
        tpu.vector_store %arg10[%parallel_loop3A_433, %parallel_loop3A_434], %parallel_loop3A_432 {strides = array<i32>} : memref<128x128xf32, #tpu.memory_space<vmem>>, vector<16xf32>,
        %parallel_loop3A_436 = arith.index_cast %parallel_loop3A_425 : i32 to index
        %parallel_loop3A_437 = arith.constant 16 : index
        %parallel_loop3A_438 = tpu.vector_load %arg10[%parallel_loop3A_436, %parallel_loop3A_437] {strides = array<i32>} : memref<128x128xf32, #tpu.memory_space<vmem>>, vector<16xf32>,
        %parallel_loop3A_439 = arith.mulf %parallel_loop3A_438, %parallel_loop3A_428 : vector<16xf32>
        %parallel_loop3A_440 = arith.index_cast %parallel_loop3A_425 : i32 to index
        %parallel_loop3A_441 = arith.constant 16 : index
        %parallel_loop3A_442 = tpu.vector_load %arg10[%parallel_loop3A_440, %parallel_loop3A_441] {strides = array<i32>} : memref<128x128xf32, #tpu.memory_space<vmem>>, vector<16xf32>,
        tpu.vector_store %arg10[%parallel_loop3A_440, %parallel_loop3A_441], %parallel_loop3A_439 {strides = array<i32>} : memref<128x128xf32, #tpu.memory_space<vmem>>, vector<16xf32>,
        %parallel_loop3A_443 = arith.index_cast %parallel_loop3A_425 : i32 to index
        %parallel_loop3A_444 = arith.constant 32 : index
        %parallel_loop3A_445 = tpu.vector_load %arg10[%parallel_loop3A_443, %parallel_loop3A_444] {strides = array<i32>} : memref<128x128xf32, #tpu.memory_space<vmem>>, vector<16xf32>,
        %parallel_loop3A_446 = arith.mulf %parallel_loop3A_445, %parallel_loop3A_428 : vector<16xf32>
        %parallel_loop3A_447 = arith.index_cast %parallel_loop3A_425 : i32 to index
        %parallel_loop3A_448 = arith.constant 32 : index
        %parallel_loop3A_449 = tpu.vector_load %arg10[%parallel_loop3A_447, %parallel_loop3A_448] {strides = array<i32>} : memref<128x128xf32, #tpu.memory_space<vmem>>, vector<16xf32>,
        tpu.vector_store %arg10[%parallel_loop3A_447, %parallel_loop3A_448], %parallel_loop3A_446 {strides = array<i32>} : memref<128x128xf32, #tpu.memory_space<vmem>>, vector<16xf32>,
        %parallel_loop3A_450 = arith.index_cast %parallel_loop3A_425 : i32 to index
        %parallel_loop3A_451 = arith.constant 48 : index
        %parallel_loop3A_452 = tpu.vector_load %arg10[%parallel_loop3A_450, %parallel_loop3A_451] {strides = array<i32>} : memref<128x128xf32, #tpu.memory_space<vmem>>, vector<16xf32>,
        %parallel_loop3A_453 = arith.mulf %parallel_loop3A_452, %parallel_loop3A_428 : vector<16xf32>
        %parallel_loop3A_454 = arith.index_cast %parallel_loop3A_425 : i32 to index
        %parallel_loop3A_455 = arith.constant 48 : index
        %parallel_loop3A_456 = tpu.vector_load %arg10[%parallel_loop3A_454, %parallel_loop3A_455] {strides = array<i32>} : memref<128x128xf32, #tpu.memory_space<vmem>>, vector<16xf32>,
        tpu.vector_store %arg10[%parallel_loop3A_454, %parallel_loop3A_455], %parallel_loop3A_453 {strides = array<i32>} : memref<128x128xf32, #tpu.memory_space<vmem>>, vector<16xf32>,
        %parallel_loop3A_457 = arith.index_cast %parallel_loop3A_425 : i32 to index
        %parallel_loop3A_458 = arith.constant 64 : index
        %parallel_loop3A_459 = tpu.vector_load %arg10[%parallel_loop3A_457, %parallel_loop3A_458] {strides = array<i32>} : memref<128x128xf32, #tpu.memory_space<vmem>>, vector<16xf32>,
        %parallel_loop3A_460 = arith.mulf %parallel_loop3A_459, %parallel_loop3A_428 : vector<16xf32>
        %parallel_loop3A_461 = arith.index_cast %parallel_loop3A_425 : i32 to index
        %parallel_loop3A_462 = arith.constant 64 : index
        %parallel_loop3A_463 = tpu.vector_load %arg10[%parallel_loop3A_461, %parallel_loop3A_462] {strides = array<i32>} : memref<128x128xf32, #tpu.memory_space<vmem>>, vector<16xf32>,
        tpu.vector_store %arg10[%parallel_loop3A_461, %parallel_loop3A_462], %parallel_loop3A_460 {strides = array<i32>} : memref<128x128xf32, #tpu.memory_space<vmem>>, vector<16xf32>,
        %parallel_loop3A_464 = arith.index_cast %parallel_loop3A_425 : i32 to index
        %parallel_loop3A_465 = arith.constant 80 : index
        %parallel_loop3A_466 = tpu.vector_load %arg10[%parallel_loop3A_464, %parallel_loop3A_465] {strides = array<i32>} : memref<128x128xf32, #tpu.memory_space<vmem>>, vector<16xf32>,
        %parallel_loop3A_467 = arith.mulf %parallel_loop3A_466, %parallel_loop3A_428 : vector<16xf32>
        %parallel_loop3A_468 = arith.index_cast %parallel_loop3A_425 : i32 to index
        %parallel_loop3A_469 = arith.constant 80 : index
        %parallel_loop3A_470 = tpu.vector_load %arg10[%parallel_loop3A_468, %parallel_loop3A_469] {strides = array<i32>} : memref<128x128xf32, #tpu.memory_space<vmem>>, vector<16xf32>,
        tpu.vector_store %arg10[%parallel_loop3A_468, %parallel_loop3A_469], %parallel_loop3A_467 {strides = array<i32>} : memref<128x128xf32, #tpu.memory_space<vmem>>, vector<16xf32>,
        %parallel_loop3A_471 = arith.index_cast %parallel_loop3A_425 : i32 to index
        %parallel_loop3A_472 = arith.constant 96 : index
        %parallel_loop3A_473 = tpu.vector_load %arg10[%parallel_loop3A_471, %parallel_loop3A_472] {strides = array<i32>} : memref<128x128xf32, #tpu.memory_space<vmem>>, vector<16xf32>,
        %parallel_loop3A_474 = arith.mulf %parallel_loop3A_473, %parallel_loop3A_428 : vector<16xf32>
        %parallel_loop3A_475 = arith.index_cast %parallel_loop3A_425 : i32 to index
        %parallel_loop3A_476 = arith.constant 96 : index
        %parallel_loop3A_477 = tpu.vector_load %arg10[%parallel_loop3A_475, %parallel_loop3A_476] {strides = array<i32>} : memref<128x128xf32, #tpu.memory_space<vmem>>, vector<16xf32>,
        tpu.vector_store %arg10[%parallel_loop3A_475, %parallel_loop3A_476], %parallel_loop3A_474 {strides = array<i32>} : memref<128x128xf32, #tpu.memory_space<vmem>>, vector<16xf32>,
        %parallel_loop3A_478 = arith.index_cast %parallel_loop3A_425 : i32 to index
        %parallel_loop3A_479 = arith.constant 112 : index
        %parallel_loop3A_480 = tpu.vector_load %arg10[%parallel_loop3A_478, %parallel_loop3A_479] {strides = array<i32>} : memref<128x128xf32, #tpu.memory_space<vmem>>, vector<16xf32>,
        %parallel_loop3A_481 = arith.mulf %parallel_loop3A_480, %parallel_loop3A_428 : vector<16xf32>
        %parallel_loop3A_482 = arith.index_cast %parallel_loop3A_425 : i32 to index
        %parallel_loop3A_483 = arith.constant 112 : index
        %parallel_loop3A_484 = tpu.vector_load %arg10[%parallel_loop3A_482, %parallel_loop3A_483] {strides = array<i32>} : memref<128x128xf32, #tpu.memory_space<vmem>>, vector<16xf32>,
        tpu.vector_store %arg10[%parallel_loop3A_482, %parallel_loop3A_483], %parallel_loop3A_481 {strides = array<i32>} : memref<128x128xf32, #tpu.memory_space<vmem>>, vector<16xf32>,
      } {sc.loop_unroll_factor = 16 : i64, sc.parallel_access}
      %dma_start3A_418 = arith.constant 0 : i32
      %dma_start3A_419 = arith.constant 0 : i32
      %dma_start3A_420 = tpu.memref_slice %arg8[%dma_start3A_418, %dma_start3A_419] : memref<2x128xi32, #tpu.memory_space<vmem>> -> memref<1x128xi32, #tpu.memory_space<vmem>>
      %dma_start3A_421 = tpu.memref_squeeze %dma_start3A_420 : memref<1x128xi32, #tpu.memory_space<vmem>> -> memref<128xi32, #tpu.memory_space<vmem>>
      %dma_start3A_422 = arith.constant 0 : i32
      %dma_start3A_423 = arith.constant 0 : i32
      %dma_start3A_424 = tpu.memref_slice %arg12[%dma_start3A_422, %dma_start3A_423] : memref<10240x128xf32, #tpu.memory_space<vmem_shared>> -> memref<10240x128xf32, #tpu.memory_space<vmem_shared>>
      tpu.enqueue_indirect_dma source(%arg10 : memref<128x128xf32, #tpu.memory_space<vmem>>) target(%dma_start3A_424 : memref<10240x128xf32, #tpu.memory_space<vmem_shared>>) offsets(%dma_start3A_421 : memref<128xi32, #tpu.memory_space<vmem>>) semaphore(%arg18 : memref<!tpu.dma_semaphore, #tpu.memory_space<semaphore_mem>>) {add = true}
    }
    %scan3A_82 = arith.constant 40 : i32
    %dma_wait3A_83 = arith.constant 0 : i32
    %dma_wait3A_84 = arith.constant 0 : i32
    %dma_wait3A_85 = tpu.memref_slice %arg8[%dma_wait3A_83, %dma_wait3A_84] : memref<2x128xi32, #tpu.memory_space<vmem>> -> memref<1x128xi32, #tpu.memory_space<vmem>>
    %dma_wait3A_86 = tpu.memref_squeeze %dma_wait3A_85 : memref<1x128xi32, #tpu.memory_space<vmem>> -> memref<128xi32, #tpu.memory_space<vmem>>
    %dma_wait3A_87 = arith.constant 0 : i32
    %dma_wait3A_88 = arith.constant 0 : i32
    %dma_wait3A_89 = tpu.memref_slice %arg12[%dma_wait3A_87, %dma_wait3A_88] : memref<10240x128xf32, #tpu.memory_space<vmem_shared>> -> memref<10240x128xf32, #tpu.memory_space<vmem_shared>>
    tpu.wait_indirect_dma semaphore(%arg18 : memref<!tpu.dma_semaphore, #tpu.memory_space<semaphore_mem>>) src(%arg10 : memref<128x128xf32, #tpu.memory_space<vmem>>) dst(%dma_wait3A_89 : memref<10240x128xf32, #tpu.memory_space<vmem_shared>>)
    %barrier3A_90 = arith.constant 0 : index
    tpu.barrier barrier_id(%barrier3A_90)
    %mul3A_91 = arith.constant 640 : i32
    %mul3A_92 = arith.muli %arg1, %mul3A_91 : i32
    %mul3A_93 = arith.constant 640 : i32
    %mul3A_94 = arith.muli %arg1, %mul3A_93 : i32
    "tpu.region"() ({
      %run_scoped3A = tpu.sem_alloc : memref<!tpu.dma_semaphore, #tpu.memory_space<semaphore_mem>>
      %dma_start3A_95 = arith.constant 0 : i32
      %dma_start3A_96 = tpu.memref_slice %arg4[%arg0, %mul3A_94, %dma_start3A_95] : memref<2x10240x128xf32, #tpu.memory_space<hbm>> -> memref<1x640x128xf32, #tpu.memory_space<hbm>>
      %dma_start3A_97 = tpu.memref_squeeze %dma_start3A_96 : memref<1x640x128xf32, #tpu.memory_space<hbm>> -> memref<640x128xf32, #tpu.memory_space<hbm>>
      %dma_start3A_98 = arith.constant 0 : i32
      %dma_start3A_99 = tpu.memref_slice %arg12[%mul3A_92, %dma_start3A_98] : memref<10240x128xf32, #tpu.memory_space<vmem_shared>> -> memref<640x128xf32, #tpu.memory_space<vmem_shared>>
      tpu.enqueue_dma source(%dma_start3A_99 : memref<640x128xf32, #tpu.memory_space<vmem_shared>>) target(%dma_start3A_97 : memref<640x128xf32, #tpu.memory_space<hbm>>) target_semaphore(%run_scoped3A : memref<!tpu.dma_semaphore, #tpu.memory_space<semaphore_mem>>)
      %dma_wait3A_100 = arith.constant 0 : i32
      %dma_wait3A_101 = tpu.memref_slice %arg4[%arg0, %mul3A_94, %dma_wait3A_100] : memref<2x10240x128xf32, #tpu.memory_space<hbm>> -> memref<1x640x128xf32, #tpu.memory_space<hbm>>
      %dma_wait3A_102 = tpu.memref_squeeze %dma_wait3A_101 : memref<1x640x128xf32, #tpu.memory_space<hbm>> -> memref<640x128xf32, #tpu.memory_space<hbm>>
      %dma_wait3A_103 = arith.constant 0 : i32
      %dma_wait3A_104 = tpu.memref_slice %arg12[%mul3A_92, %dma_wait3A_103] : memref<10240x128xf32, #tpu.memory_space<vmem_shared>> -> memref<640x128xf32, #tpu.memory_space<vmem_shared>>
      tpu.wait_dma2 semaphore(%run_scoped3A : memref<!tpu.dma_semaphore, #tpu.memory_space<semaphore_mem>>) src(%dma_wait3A_104 : memref<640x128xf32, #tpu.memory_space<vmem_shared>>) dst(%dma_wait3A_102 : memref<640x128xf32, #tpu.memory_space<hbm>>)
      tpu.yield
    }) : () -> ()
    return
  }
}

#map = affine_map<(d0, d1) -> (0, 0)>
#map1 = affine_map<(d0, d1) -> (0, 0, 0, 0)>
#map2 = affine_map<(d0, d1) -> (0, 0, 0)>
module attributes {stable_mosaic.version = 14 : i64} {
  func.func @k(%arg0: i32, %arg1: i32, %arg2: memref<10240x128xf32, #tpu.memory_space<hbm>>, %arg3: memref<32x80x3x128xi32, #tpu.memory_space<hbm>>, %arg4: memref<2x10240x128xf32, #tpu.memory_space<hbm>>, %arg5: memref<3x128xi32, #tpu.memory_space<vmem>>, %arg6: memref<3x128xi32, #tpu.memory_space<vmem>>, %arg7: memref<2x128xi32, #tpu.memory_space<vmem>>, %arg8: memref<2x128xi32, #tpu.memory_space<vmem>>, %arg9: memref<128x128xf32, #tpu.memory_space<vmem>>, %arg10: memref<128x128xf32, #tpu.memory_space<vmem>>, %arg11: memref<64x128xf32, #tpu.memory_space<vmem>>, %arg12: memref<10240x128xf32, #tpu.memory_space<vmem_shared>>, %arg13: memref<!tpu.dma_semaphore, #tpu.memory_space<semaphore_mem>>, %arg14: memref<!tpu.dma_semaphore, #tpu.memory_space<semaphore_mem>>, %arg15: memref<!tpu.dma_semaphore, #tpu.memory_space<semaphore_mem>>, %arg16: memref<!tpu.dma_semaphore, #tpu.memory_space<semaphore_mem>>, %arg17: memref<!tpu.dma_semaphore, #tpu.memory_space<semaphore_mem>>, %arg18: memref<!tpu.dma_semaphore, #tpu.memory_space<semaphore_mem>>) attributes {dimension_semantics = [#tpu.dimension_semantics<core_parallel>, #tpu.dimension_semantics<subcore_parallel>], iteration_bounds = array<i64: 2, 16>, scalar_prefetch = 0 : i64, scratch_operands = 14 : i64, tpu.core_type = #tpu.core_type<sc_vector_subcore>, window_params = [{transform_indices = #map}, {transform_indices = #map1}, {transform_indices = #map2}]} {
    %mul3A = arith.constant 16 : i32
    %mul3A_0 = arith.muli %arg0, %mul3A : i32
    %add3A = arith.addi %mul3A_0, %arg1 : i32
    %dma_start3A = arith.constant 0 : i32
    %dma_start3A_1 = arith.constant 0 : i32
    %dma_start3A_2 = arith.constant 0 : i32
    %dma_start3A_3 = tpu.memref_slice %arg3[%add3A, %dma_start3A, %dma_start3A_1, %dma_start3A_2] : memref<32x80x3x128xi32, #tpu.memory_space<hbm>> -> memref<1x1x3x128xi32, #tpu.memory_space<hbm>>
    %dma_start3A_4 = tpu.memref_squeeze %dma_start3A_3 : memref<1x1x3x128xi32, #tpu.memory_space<hbm>> -> memref<3x128xi32, #tpu.memory_space<hbm>>
    %dma_start3A_5 = arith.constant 0 : i32
    %dma_start3A_6 = arith.constant 0 : i32
    %dma_start3A_7 = tpu.memref_slice %arg3[%add3A, %dma_start3A, %dma_start3A_5, %dma_start3A_6] : memref<32x80x3x128xi32, #tpu.memory_space<hbm>> -> memref<1x1x3x128xi32, #tpu.memory_space<hbm>>
    %dma_start3A_8 = tpu.memref_squeeze %dma_start3A_7 : memref<1x1x3x128xi32, #tpu.memory_space<hbm>> -> memref<3x128xi32, #tpu.memory_space<hbm>>
    tpu.enqueue_dma source(%dma_start3A_8 : memref<3x128xi32, #tpu.memory_space<hbm>>) target(%arg5 : memref<3x128xi32, #tpu.memory_space<vmem>>) target_semaphore(%arg13 : memref<!tpu.dma_semaphore, #tpu.memory_space<semaphore_mem>>)
    %dma_start3A_9 = arith.constant 1 : i32
    %dma_start3A_10 = arith.constant 0 : i32
    %dma_start3A_11 = arith.constant 0 : i32
    %dma_start3A_12 = tpu.memref_slice %arg3[%add3A, %dma_start3A_9, %dma_start3A_10, %dma_start3A_11] : memref<32x80x3x128xi32, #tpu.memory_space<hbm>> -> memref<1x1x3x128xi32, #tpu.memory_space<hbm>>
    %dma_start3A_13 = tpu.memref_squeeze %dma_start3A_12 : memref<1x1x3x128xi32, #tpu.memory_space<hbm>> -> memref<3x128xi32, #tpu.memory_space<hbm>>
    %dma_start3A_14 = arith.constant 0 : i32
    %dma_start3A_15 = arith.constant 0 : i32
    %dma_start3A_16 = tpu.memref_slice %arg3[%add3A, %dma_start3A_9, %dma_start3A_14, %dma_start3A_15] : memref<32x80x3x128xi32, #tpu.memory_space<hbm>> -> memref<1x1x3x128xi32, #tpu.memory_space<hbm>>
    %dma_start3A_17 = tpu.memref_squeeze %dma_start3A_16 : memref<1x1x3x128xi32, #tpu.memory_space<hbm>> -> memref<3x128xi32, #tpu.memory_space<hbm>>
    tpu.enqueue_dma source(%dma_start3A_17 : memref<3x128xi32, #tpu.memory_space<hbm>>) target(%arg6 : memref<3x128xi32, #tpu.memory_space<vmem>>) target_semaphore(%arg14 : memref<!tpu.dma_semaphore, #tpu.memory_space<semaphore_mem>>)
    %scan3A = arith.constant 0 : i32
    %scan3A_18 = arith.constant 64 : i32
    %scan3A_19 = arith.addi %scan3A, %scan3A_18 : i32
    %scan3A_20 = arith.constant 1 : i32
    scf.for %scan3A_95 = %scan3A to %scan3A_19 step %scan3A_20  : i32 {
      %mul3A_96 = arith.constant 1 : i32
      %mul3A_97 = arith.muli %scan3A_95, %mul3A_96 : i32
      %add3A_98 = arith.constant 0 : i32
      %add3A_99 = arith.addi %add3A_98, %mul3A_97 : i32
      %broadcast_in_dim3A_100 = arith.constant 0.000000e+00 : f32
      %broadcast_in_dim3A_101 = vector.broadcast %broadcast_in_dim3A_100 : f32 to vector<16xf32>
      %swap3A = arith.index_cast %add3A_99 : i32 to index
      %swap3A_102 = arith.constant 0 : index
      %swap3A_103 = tpu.vector_load %arg11[%swap3A, %swap3A_102] {strides = array<i32>} : memref<64x128xf32, #tpu.memory_space<vmem>>, vector<16xf32>,
      tpu.vector_store %arg11[%swap3A, %swap3A_102], %broadcast_in_dim3A_101 {strides = array<i32>} : memref<64x128xf32, #tpu.memory_space<vmem>>, vector<16xf32>,
      %broadcast_in_dim3A_104 = arith.constant 0.000000e+00 : f32
      %broadcast_in_dim3A_105 = vector.broadcast %broadcast_in_dim3A_104 : f32 to vector<16xf32>
      %swap3A_106 = arith.index_cast %add3A_99 : i32 to index
      %swap3A_107 = arith.constant 16 : index
      %swap3A_108 = tpu.vector_load %arg11[%swap3A_106, %swap3A_107] {strides = array<i32>} : memref<64x128xf32, #tpu.memory_space<vmem>>, vector<16xf32>,
      tpu.vector_store %arg11[%swap3A_106, %swap3A_107], %broadcast_in_dim3A_105 {strides = array<i32>} : memref<64x128xf32, #tpu.memory_space<vmem>>, vector<16xf32>,
      %broadcast_in_dim3A_109 = arith.constant 0.000000e+00 : f32
      %broadcast_in_dim3A_110 = vector.broadcast %broadcast_in_dim3A_109 : f32 to vector<16xf32>
      %swap3A_111 = arith.index_cast %add3A_99 : i32 to index
      %swap3A_112 = arith.constant 32 : index
      %swap3A_113 = tpu.vector_load %arg11[%swap3A_111, %swap3A_112] {strides = array<i32>} : memref<64x128xf32, #tpu.memory_space<vmem>>, vector<16xf32>,
      tpu.vector_store %arg11[%swap3A_111, %swap3A_112], %broadcast_in_dim3A_110 {strides = array<i32>} : memref<64x128xf32, #tpu.memory_space<vmem>>, vector<16xf32>,
      %broadcast_in_dim3A_114 = arith.constant 0.000000e+00 : f32
      %broadcast_in_dim3A_115 = vector.broadcast %broadcast_in_dim3A_114 : f32 to vector<16xf32>
      %swap3A_116 = arith.index_cast %add3A_99 : i32 to index
      %swap3A_117 = arith.constant 48 : index
      %swap3A_118 = tpu.vector_load %arg11[%swap3A_116, %swap3A_117] {strides = array<i32>} : memref<64x128xf32, #tpu.memory_space<vmem>>, vector<16xf32>,
      tpu.vector_store %arg11[%swap3A_116, %swap3A_117], %broadcast_in_dim3A_115 {strides = array<i32>} : memref<64x128xf32, #tpu.memory_space<vmem>>, vector<16xf32>,
      %broadcast_in_dim3A_119 = arith.constant 0.000000e+00 : f32
      %broadcast_in_dim3A_120 = vector.broadcast %broadcast_in_dim3A_119 : f32 to vector<16xf32>
      %swap3A_121 = arith.index_cast %add3A_99 : i32 to index
      %swap3A_122 = arith.constant 64 : index
      %swap3A_123 = tpu.vector_load %arg11[%swap3A_121, %swap3A_122] {strides = array<i32>} : memref<64x128xf32, #tpu.memory_space<vmem>>, vector<16xf32>,
      tpu.vector_store %arg11[%swap3A_121, %swap3A_122], %broadcast_in_dim3A_120 {strides = array<i32>} : memref<64x128xf32, #tpu.memory_space<vmem>>, vector<16xf32>,
      %broadcast_in_dim3A_124 = arith.constant 0.000000e+00 : f32
      %broadcast_in_dim3A_125 = vector.broadcast %broadcast_in_dim3A_124 : f32 to vector<16xf32>
      %swap3A_126 = arith.index_cast %add3A_99 : i32 to index
      %swap3A_127 = arith.constant 80 : index
      %swap3A_128 = tpu.vector_load %arg11[%swap3A_126, %swap3A_127] {strides = array<i32>} : memref<64x128xf32, #tpu.memory_space<vmem>>, vector<16xf32>,
      tpu.vector_store %arg11[%swap3A_126, %swap3A_127], %broadcast_in_dim3A_125 {strides = array<i32>} : memref<64x128xf32, #tpu.memory_space<vmem>>, vector<16xf32>,
      %broadcast_in_dim3A_129 = arith.constant 0.000000e+00 : f32
      %broadcast_in_dim3A_130 = vector.broadcast %broadcast_in_dim3A_129 : f32 to vector<16xf32>
      %swap3A_131 = arith.index_cast %add3A_99 : i32 to index
      %swap3A_132 = arith.constant 96 : index
      %swap3A_133 = tpu.vector_load %arg11[%swap3A_131, %swap3A_132] {strides = array<i32>} : memref<64x128xf32, #tpu.memory_space<vmem>>, vector<16xf32>,
      tpu.vector_store %arg11[%swap3A_131, %swap3A_132], %broadcast_in_dim3A_130 {strides = array<i32>} : memref<64x128xf32, #tpu.memory_space<vmem>>, vector<16xf32>,
      %broadcast_in_dim3A_134 = arith.constant 0.000000e+00 : f32
      %broadcast_in_dim3A_135 = vector.broadcast %broadcast_in_dim3A_134 : f32 to vector<16xf32>
      %swap3A_136 = arith.index_cast %add3A_99 : i32 to index
      %swap3A_137 = arith.constant 112 : index
      %swap3A_138 = tpu.vector_load %arg11[%swap3A_136, %swap3A_137] {strides = array<i32>} : memref<64x128xf32, #tpu.memory_space<vmem>>, vector<16xf32>,
      tpu.vector_store %arg11[%swap3A_136, %swap3A_137], %broadcast_in_dim3A_135 {strides = array<i32>} : memref<64x128xf32, #tpu.memory_space<vmem>>, vector<16xf32>,
    }
    %scan3A_21 = arith.constant 64 : i32
    %mul3A_22 = arith.constant 640 : i32
    %mul3A_23 = arith.muli %arg1, %mul3A_22 : i32
    %add3A_24 = arith.constant 0 : i32
    %add3A_25 = arith.addi %mul3A_23, %add3A_24 : i32
    "tpu.region"() ({
      %run_scoped3A = tpu.sem_alloc : memref<!tpu.dma_semaphore, #tpu.memory_space<semaphore_mem>>
      %dma_start3A_95 = arith.constant 0 : i32
      %dma_start3A_96 = tpu.memref_slice %arg12[%add3A_25, %dma_start3A_95] : memref<10240x128xf32, #tpu.memory_space<vmem_shared>> -> memref<64x128xf32, #tpu.memory_space<vmem_shared>>
      %dma_start3A_97 = arith.constant 0 : i32
      %dma_start3A_98 = tpu.memref_slice %arg12[%add3A_25, %dma_start3A_97] : memref<10240x128xf32, #tpu.memory_space<vmem_shared>> -> memref<64x128xf32, #tpu.memory_space<vmem_shared>>
      tpu.enqueue_dma source(%arg11 : memref<64x128xf32, #tpu.memory_space<vmem>>) target(%dma_start3A_98 : memref<64x128xf32, #tpu.memory_space<vmem_shared>>) target_semaphore(%run_scoped3A : memref<!tpu.dma_semaphore, #tpu.memory_space<semaphore_mem>>)
      %dma_wait3A_99 = arith.constant 0 : i32
      %dma_wait3A_100 = tpu.memref_slice %arg12[%add3A_25, %dma_wait3A_99] : memref<10240x128xf32, #tpu.memory_space<vmem_shared>> -> memref<64x128xf32, #tpu.memory_space<vmem_shared>>
      %dma_wait3A_101 = arith.constant 0 : i32
      %dma_wait3A_102 = tpu.memref_slice %arg12[%add3A_25, %dma_wait3A_101] : memref<10240x128xf32, #tpu.memory_space<vmem_shared>> -> memref<64x128xf32, #tpu.memory_space<vmem_shared>>
      tpu.wait_dma2 semaphore(%run_scoped3A : memref<!tpu.dma_semaphore, #tpu.memory_space<semaphore_mem>>) src(%arg11 : memref<64x128xf32, #tpu.memory_space<vmem>>) dst(%dma_wait3A_102 : memref<64x128xf32, #tpu.memory_space<vmem_shared>>)
      tpu.yield
    }) : () -> ()
    %mul3A_26 = arith.constant 640 : i32
    %mul3A_27 = arith.muli %arg1, %mul3A_26 : i32
    %add3A_28 = arith.constant 64 : i32
    %add3A_29 = arith.addi %mul3A_27, %add3A_28 : i32
    "tpu.region"() ({
      %run_scoped3A = tpu.sem_alloc : memref<!tpu.dma_semaphore, #tpu.memory_space<semaphore_mem>>
      %dma_start3A_95 = arith.constant 0 : i32
      %dma_start3A_96 = tpu.memref_slice %arg12[%add3A_29, %dma_start3A_95] : memref<10240x128xf32, #tpu.memory_space<vmem_shared>> -> memref<64x128xf32, #tpu.memory_space<vmem_shared>>
      %dma_start3A_97 = arith.constant 0 : i32
      %dma_start3A_98 = tpu.memref_slice %arg12[%add3A_29, %dma_start3A_97] : memref<10240x128xf32, #tpu.memory_space<vmem_shared>> -> memref<64x128xf32, #tpu.memory_space<vmem_shared>>
      tpu.enqueue_dma source(%arg11 : memref<64x128xf32, #tpu.memory_space<vmem>>) target(%dma_start3A_98 : memref<64x128xf32, #tpu.memory_space<vmem_shared>>) target_semaphore(%run_scoped3A : memref<!tpu.dma_semaphore, #tpu.memory_space<semaphore_mem>>)
      %dma_wait3A_99 = arith.constant 0 : i32
      %dma_wait3A_100 = tpu.memref_slice %arg12[%add3A_29, %dma_wait3A_99] : memref<10240x128xf32, #tpu.memory_space<vmem_shared>> -> memref<64x128xf32, #tpu.memory_space<vmem_shared>>
      %dma_wait3A_101 = arith.constant 0 : i32
      %dma_wait3A_102 = tpu.memref_slice %arg12[%add3A_29, %dma_wait3A_101] : memref<10240x128xf32, #tpu.memory_space<vmem_shared>> -> memref<64x128xf32, #tpu.memory_space<vmem_shared>>
      tpu.wait_dma2 semaphore(%run_scoped3A : memref<!tpu.dma_semaphore, #tpu.memory_space<semaphore_mem>>) src(%arg11 : memref<64x128xf32, #tpu.memory_space<vmem>>) dst(%dma_wait3A_102 : memref<64x128xf32, #tpu.memory_space<vmem_shared>>)
      tpu.yield
    }) : () -> ()
    %mul3A_30 = arith.constant 640 : i32
    %mul3A_31 = arith.muli %arg1, %mul3A_30 : i32
    %add3A_32 = arith.constant 128 : i32
    %add3A_33 = arith.addi %mul3A_31, %add3A_32 : i32
    "tpu.region"() ({
      %run_scoped3A = tpu.sem_alloc : memref<!tpu.dma_semaphore, #tpu.memory_space<semaphore_mem>>
      %dma_start3A_95 = arith.constant 0 : i32
      %dma_start3A_96 = tpu.memref_slice %arg12[%add3A_33, %dma_start3A_95] : memref<10240x128xf32, #tpu.memory_space<vmem_shared>> -> memref<64x128xf32, #tpu.memory_space<vmem_shared>>
      %dma_start3A_97 = arith.constant 0 : i32
      %dma_start3A_98 = tpu.memref_slice %arg12[%add3A_33, %dma_start3A_97] : memref<10240x128xf32, #tpu.memory_space<vmem_shared>> -> memref<64x128xf32, #tpu.memory_space<vmem_shared>>
      tpu.enqueue_dma source(%arg11 : memref<64x128xf32, #tpu.memory_space<vmem>>) target(%dma_start3A_98 : memref<64x128xf32, #tpu.memory_space<vmem_shared>>) target_semaphore(%run_scoped3A : memref<!tpu.dma_semaphore, #tpu.memory_space<semaphore_mem>>)
      %dma_wait3A_99 = arith.constant 0 : i32
      %dma_wait3A_100 = tpu.memref_slice %arg12[%add3A_33, %dma_wait3A_99] : memref<10240x128xf32, #tpu.memory_space<vmem_shared>> -> memref<64x128xf32, #tpu.memory_space<vmem_shared>>
      %dma_wait3A_101 = arith.constant 0 : i32
      %dma_wait3A_102 = tpu.memref_slice %arg12[%add3A_33, %dma_wait3A_101] : memref<10240x128xf32, #tpu.memory_space<vmem_shared>> -> memref<64x128xf32, #tpu.memory_space<vmem_shared>>
      tpu.wait_dma2 semaphore(%run_scoped3A : memref<!tpu.dma_semaphore, #tpu.memory_space<semaphore_mem>>) src(%arg11 : memref<64x128xf32, #tpu.memory_space<vmem>>) dst(%dma_wait3A_102 : memref<64x128xf32, #tpu.memory_space<vmem_shared>>)
      tpu.yield
    }) : () -> ()
    %mul3A_34 = arith.constant 640 : i32
    %mul3A_35 = arith.muli %arg1, %mul3A_34 : i32
    %add3A_36 = arith.constant 192 : i32
    %add3A_37 = arith.addi %mul3A_35, %add3A_36 : i32
    "tpu.region"() ({
      %run_scoped3A = tpu.sem_alloc : memref<!tpu.dma_semaphore, #tpu.memory_space<semaphore_mem>>
      %dma_start3A_95 = arith.constant 0 : i32
      %dma_start3A_96 = tpu.memref_slice %arg12[%add3A_37, %dma_start3A_95] : memref<10240x128xf32, #tpu.memory_space<vmem_shared>> -> memref<64x128xf32, #tpu.memory_space<vmem_shared>>
      %dma_start3A_97 = arith.constant 0 : i32
      %dma_start3A_98 = tpu.memref_slice %arg12[%add3A_37, %dma_start3A_97] : memref<10240x128xf32, #tpu.memory_space<vmem_shared>> -> memref<64x128xf32, #tpu.memory_space<vmem_shared>>
      tpu.enqueue_dma source(%arg11 : memref<64x128xf32, #tpu.memory_space<vmem>>) target(%dma_start3A_98 : memref<64x128xf32, #tpu.memory_space<vmem_shared>>) target_semaphore(%run_scoped3A : memref<!tpu.dma_semaphore, #tpu.memory_space<semaphore_mem>>)
      %dma_wait3A_99 = arith.constant 0 : i32
      %dma_wait3A_100 = tpu.memref_slice %arg12[%add3A_37, %dma_wait3A_99] : memref<10240x128xf32, #tpu.memory_space<vmem_shared>> -> memref<64x128xf32, #tpu.memory_space<vmem_shared>>
      %dma_wait3A_101 = arith.constant 0 : i32
      %dma_wait3A_102 = tpu.memref_slice %arg12[%add3A_37, %dma_wait3A_101] : memref<10240x128xf32, #tpu.memory_space<vmem_shared>> -> memref<64x128xf32, #tpu.memory_space<vmem_shared>>
      tpu.wait_dma2 semaphore(%run_scoped3A : memref<!tpu.dma_semaphore, #tpu.memory_space<semaphore_mem>>) src(%arg11 : memref<64x128xf32, #tpu.memory_space<vmem>>) dst(%dma_wait3A_102 : memref<64x128xf32, #tpu.memory_space<vmem_shared>>)
      tpu.yield
    }) : () -> ()
    %mul3A_38 = arith.constant 640 : i32
    %mul3A_39 = arith.muli %arg1, %mul3A_38 : i32
    %add3A_40 = arith.constant 256 : i32
    %add3A_41 = arith.addi %mul3A_39, %add3A_40 : i32
    "tpu.region"() ({
      %run_scoped3A = tpu.sem_alloc : memref<!tpu.dma_semaphore, #tpu.memory_space<semaphore_mem>>
      %dma_start3A_95 = arith.constant 0 : i32
      %dma_start3A_96 = tpu.memref_slice %arg12[%add3A_41, %dma_start3A_95] : memref<10240x128xf32, #tpu.memory_space<vmem_shared>> -> memref<64x128xf32, #tpu.memory_space<vmem_shared>>
      %dma_start3A_97 = arith.constant 0 : i32
      %dma_start3A_98 = tpu.memref_slice %arg12[%add3A_41, %dma_start3A_97] : memref<10240x128xf32, #tpu.memory_space<vmem_shared>> -> memref<64x128xf32, #tpu.memory_space<vmem_shared>>
      tpu.enqueue_dma source(%arg11 : memref<64x128xf32, #tpu.memory_space<vmem>>) target(%dma_start3A_98 : memref<64x128xf32, #tpu.memory_space<vmem_shared>>) target_semaphore(%run_scoped3A : memref<!tpu.dma_semaphore, #tpu.memory_space<semaphore_mem>>)
      %dma_wait3A_99 = arith.constant 0 : i32
      %dma_wait3A_100 = tpu.memref_slice %arg12[%add3A_41, %dma_wait3A_99] : memref<10240x128xf32, #tpu.memory_space<vmem_shared>> -> memref<64x128xf32, #tpu.memory_space<vmem_shared>>
      %dma_wait3A_101 = arith.constant 0 : i32
      %dma_wait3A_102 = tpu.memref_slice %arg12[%add3A_41, %dma_wait3A_101] : memref<10240x128xf32, #tpu.memory_space<vmem_shared>> -> memref<64x128xf32, #tpu.memory_space<vmem_shared>>
      tpu.wait_dma2 semaphore(%run_scoped3A : memref<!tpu.dma_semaphore, #tpu.memory_space<semaphore_mem>>) src(%arg11 : memref<64x128xf32, #tpu.memory_space<vmem>>) dst(%dma_wait3A_102 : memref<64x128xf32, #tpu.memory_space<vmem_shared>>)
      tpu.yield
    }) : () -> ()
    %mul3A_42 = arith.constant 640 : i32
    %mul3A_43 = arith.muli %arg1, %mul3A_42 : i32
    %add3A_44 = arith.constant 320 : i32
    %add3A_45 = arith.addi %mul3A_43, %add3A_44 : i32
    "tpu.region"() ({
      %run_scoped3A = tpu.sem_alloc : memref<!tpu.dma_semaphore, #tpu.memory_space<semaphore_mem>>
      %dma_start3A_95 = arith.constant 0 : i32
      %dma_start3A_96 = tpu.memref_slice %arg12[%add3A_45, %dma_start3A_95] : memref<10240x128xf32, #tpu.memory_space<vmem_shared>> -> memref<64x128xf32, #tpu.memory_space<vmem_shared>>
      %dma_start3A_97 = arith.constant 0 : i32
      %dma_start3A_98 = tpu.memref_slice %arg12[%add3A_45, %dma_start3A_97] : memref<10240x128xf32, #tpu.memory_space<vmem_shared>> -> memref<64x128xf32, #tpu.memory_space<vmem_shared>>
      tpu.enqueue_dma source(%arg11 : memref<64x128xf32, #tpu.memory_space<vmem>>) target(%dma_start3A_98 : memref<64x128xf32, #tpu.memory_space<vmem_shared>>) target_semaphore(%run_scoped3A : memref<!tpu.dma_semaphore, #tpu.memory_space<semaphore_mem>>)
      %dma_wait3A_99 = arith.constant 0 : i32
      %dma_wait3A_100 = tpu.memref_slice %arg12[%add3A_45, %dma_wait3A_99] : memref<10240x128xf32, #tpu.memory_space<vmem_shared>> -> memref<64x128xf32, #tpu.memory_space<vmem_shared>>
      %dma_wait3A_101 = arith.constant 0 : i32
      %dma_wait3A_102 = tpu.memref_slice %arg12[%add3A_45, %dma_wait3A_101] : memref<10240x128xf32, #tpu.memory_space<vmem_shared>> -> memref<64x128xf32, #tpu.memory_space<vmem_shared>>
      tpu.wait_dma2 semaphore(%run_scoped3A : memref<!tpu.dma_semaphore, #tpu.memory_space<semaphore_mem>>) src(%arg11 : memref<64x128xf32, #tpu.memory_space<vmem>>) dst(%dma_wait3A_102 : memref<64x128xf32, #tpu.memory_space<vmem_shared>>)
      tpu.yield
    }) : () -> ()
    %mul3A_46 = arith.constant 640 : i32
    %mul3A_47 = arith.muli %arg1, %mul3A_46 : i32
    %add3A_48 = arith.constant 384 : i32
    %add3A_49 = arith.addi %mul3A_47, %add3A_48 : i32
    "tpu.region"() ({
      %run_scoped3A = tpu.sem_alloc : memref<!tpu.dma_semaphore, #tpu.memory_space<semaphore_mem>>
      %dma_start3A_95 = arith.constant 0 : i32
      %dma_start3A_96 = tpu.memref_slice %arg12[%add3A_49, %dma_start3A_95] : memref<10240x128xf32, #tpu.memory_space<vmem_shared>> -> memref<64x128xf32, #tpu.memory_space<vmem_shared>>
      %dma_start3A_97 = arith.constant 0 : i32
      %dma_start3A_98 = tpu.memref_slice %arg12[%add3A_49, %dma_start3A_97] : memref<10240x128xf32, #tpu.memory_space<vmem_shared>> -> memref<64x128xf32, #tpu.memory_space<vmem_shared>>
      tpu.enqueue_dma source(%arg11 : memref<64x128xf32, #tpu.memory_space<vmem>>) target(%dma_start3A_98 : memref<64x128xf32, #tpu.memory_space<vmem_shared>>) target_semaphore(%run_scoped3A : memref<!tpu.dma_semaphore, #tpu.memory_space<semaphore_mem>>)
      %dma_wait3A_99 = arith.constant 0 : i32
      %dma_wait3A_100 = tpu.memref_slice %arg12[%add3A_49, %dma_wait3A_99] : memref<10240x128xf32, #tpu.memory_space<vmem_shared>> -> memref<64x128xf32, #tpu.memory_space<vmem_shared>>
      %dma_wait3A_101 = arith.constant 0 : i32
      %dma_wait3A_102 = tpu.memref_slice %arg12[%add3A_49, %dma_wait3A_101] : memref<10240x128xf32, #tpu.memory_space<vmem_shared>> -> memref<64x128xf32, #tpu.memory_space<vmem_shared>>
      tpu.wait_dma2 semaphore(%run_scoped3A : memref<!tpu.dma_semaphore, #tpu.memory_space<semaphore_mem>>) src(%arg11 : memref<64x128xf32, #tpu.memory_space<vmem>>) dst(%dma_wait3A_102 : memref<64x128xf32, #tpu.memory_space<vmem_shared>>)
      tpu.yield
    }) : () -> ()
    %mul3A_50 = arith.constant 640 : i32
    %mul3A_51 = arith.muli %arg1, %mul3A_50 : i32
    %add3A_52 = arith.constant 448 : i32
    %add3A_53 = arith.addi %mul3A_51, %add3A_52 : i32
    "tpu.region"() ({
      %run_scoped3A = tpu.sem_alloc : memref<!tpu.dma_semaphore, #tpu.memory_space<semaphore_mem>>
      %dma_start3A_95 = arith.constant 0 : i32
      %dma_start3A_96 = tpu.memref_slice %arg12[%add3A_53, %dma_start3A_95] : memref<10240x128xf32, #tpu.memory_space<vmem_shared>> -> memref<64x128xf32, #tpu.memory_space<vmem_shared>>
      %dma_start3A_97 = arith.constant 0 : i32
      %dma_start3A_98 = tpu.memref_slice %arg12[%add3A_53, %dma_start3A_97] : memref<10240x128xf32, #tpu.memory_space<vmem_shared>> -> memref<64x128xf32, #tpu.memory_space<vmem_shared>>
      tpu.enqueue_dma source(%arg11 : memref<64x128xf32, #tpu.memory_space<vmem>>) target(%dma_start3A_98 : memref<64x128xf32, #tpu.memory_space<vmem_shared>>) target_semaphore(%run_scoped3A : memref<!tpu.dma_semaphore, #tpu.memory_space<semaphore_mem>>)
      %dma_wait3A_99 = arith.constant 0 : i32
      %dma_wait3A_100 = tpu.memref_slice %arg12[%add3A_53, %dma_wait3A_99] : memref<10240x128xf32, #tpu.memory_space<vmem_shared>> -> memref<64x128xf32, #tpu.memory_space<vmem_shared>>
      %dma_wait3A_101 = arith.constant 0 : i32
      %dma_wait3A_102 = tpu.memref_slice %arg12[%add3A_53, %dma_wait3A_101] : memref<10240x128xf32, #tpu.memory_space<vmem_shared>> -> memref<64x128xf32, #tpu.memory_space<vmem_shared>>
      tpu.wait_dma2 semaphore(%run_scoped3A : memref<!tpu.dma_semaphore, #tpu.memory_space<semaphore_mem>>) src(%arg11 : memref<64x128xf32, #tpu.memory_space<vmem>>) dst(%dma_wait3A_102 : memref<64x128xf32, #tpu.memory_space<vmem_shared>>)
      tpu.yield
    }) : () -> ()
    %mul3A_54 = arith.constant 640 : i32
    %mul3A_55 = arith.muli %arg1, %mul3A_54 : i32
    %add3A_56 = arith.constant 512 : i32
    %add3A_57 = arith.addi %mul3A_55, %add3A_56 : i32
    "tpu.region"() ({
      %run_scoped3A = tpu.sem_alloc : memref<!tpu.dma_semaphore, #tpu.memory_space<semaphore_mem>>
      %dma_start3A_95 = arith.constant 0 : i32
      %dma_start3A_96 = tpu.memref_slice %arg12[%add3A_57, %dma_start3A_95] : memref<10240x128xf32, #tpu.memory_space<vmem_shared>> -> memref<64x128xf32, #tpu.memory_space<vmem_shared>>
      %dma_start3A_97 = arith.constant 0 : i32
      %dma_start3A_98 = tpu.memref_slice %arg12[%add3A_57, %dma_start3A_97] : memref<10240x128xf32, #tpu.memory_space<vmem_shared>> -> memref<64x128xf32, #tpu.memory_space<vmem_shared>>
      tpu.enqueue_dma source(%arg11 : memref<64x128xf32, #tpu.memory_space<vmem>>) target(%dma_start3A_98 : memref<64x128xf32, #tpu.memory_space<vmem_shared>>) target_semaphore(%run_scoped3A : memref<!tpu.dma_semaphore, #tpu.memory_space<semaphore_mem>>)
      %dma_wait3A_99 = arith.constant 0 : i32
      %dma_wait3A_100 = tpu.memref_slice %arg12[%add3A_57, %dma_wait3A_99] : memref<10240x128xf32, #tpu.memory_space<vmem_shared>> -> memref<64x128xf32, #tpu.memory_space<vmem_shared>>
      %dma_wait3A_101 = arith.constant 0 : i32
      %dma_wait3A_102 = tpu.memref_slice %arg12[%add3A_57, %dma_wait3A_101] : memref<10240x128xf32, #tpu.memory_space<vmem_shared>> -> memref<64x128xf32, #tpu.memory_space<vmem_shared>>
      tpu.wait_dma2 semaphore(%run_scoped3A : memref<!tpu.dma_semaphore, #tpu.memory_space<semaphore_mem>>) src(%arg11 : memref<64x128xf32, #tpu.memory_space<vmem>>) dst(%dma_wait3A_102 : memref<64x128xf32, #tpu.memory_space<vmem_shared>>)
      tpu.yield
    }) : () -> ()
    %mul3A_58 = arith.constant 640 : i32
    %mul3A_59 = arith.muli %arg1, %mul3A_58 : i32
    %add3A_60 = arith.constant 576 : i32
    %add3A_61 = arith.addi %mul3A_59, %add3A_60 : i32
    "tpu.region"() ({
      %run_scoped3A = tpu.sem_alloc : memref<!tpu.dma_semaphore, #tpu.memory_space<semaphore_mem>>
      %dma_start3A_95 = arith.constant 0 : i32
      %dma_start3A_96 = tpu.memref_slice %arg12[%add3A_61, %dma_start3A_95] : memref<10240x128xf32, #tpu.memory_space<vmem_shared>> -> memref<64x128xf32, #tpu.memory_space<vmem_shared>>
      %dma_start3A_97 = arith.constant 0 : i32
      %dma_start3A_98 = tpu.memref_slice %arg12[%add3A_61, %dma_start3A_97] : memref<10240x128xf32, #tpu.memory_space<vmem_shared>> -> memref<64x128xf32, #tpu.memory_space<vmem_shared>>
      tpu.enqueue_dma source(%arg11 : memref<64x128xf32, #tpu.memory_space<vmem>>) target(%dma_start3A_98 : memref<64x128xf32, #tpu.memory_space<vmem_shared>>) target_semaphore(%run_scoped3A : memref<!tpu.dma_semaphore, #tpu.memory_space<semaphore_mem>>)
      %dma_wait3A_99 = arith.constant 0 : i32
      %dma_wait3A_100 = tpu.memref_slice %arg12[%add3A_61, %dma_wait3A_99] : memref<10240x128xf32, #tpu.memory_space<vmem_shared>> -> memref<64x128xf32, #tpu.memory_space<vmem_shared>>
      %dma_wait3A_101 = arith.constant 0 : i32
      %dma_wait3A_102 = tpu.memref_slice %arg12[%add3A_61, %dma_wait3A_101] : memref<10240x128xf32, #tpu.memory_space<vmem_shared>> -> memref<64x128xf32, #tpu.memory_space<vmem_shared>>
      tpu.wait_dma2 semaphore(%run_scoped3A : memref<!tpu.dma_semaphore, #tpu.memory_space<semaphore_mem>>) src(%arg11 : memref<64x128xf32, #tpu.memory_space<vmem>>) dst(%dma_wait3A_102 : memref<64x128xf32, #tpu.memory_space<vmem_shared>>)
      tpu.yield
    }) : () -> ()
    %dma_wait3A = arith.constant 0 : i32
    %dma_wait3A_62 = arith.constant 0 : i32
    %dma_wait3A_63 = arith.constant 0 : i32
    %dma_wait3A_64 = tpu.memref_slice %arg3[%add3A, %dma_wait3A, %dma_wait3A_62, %dma_wait3A_63] : memref<32x80x3x128xi32, #tpu.memory_space<hbm>> -> memref<1x1x3x128xi32, #tpu.memory_space<hbm>>
    %dma_wait3A_65 = tpu.memref_squeeze %dma_wait3A_64 : memref<1x1x3x128xi32, #tpu.memory_space<hbm>> -> memref<3x128xi32, #tpu.memory_space<hbm>>
    %dma_wait3A_66 = arith.constant 0 : i32
    %dma_wait3A_67 = arith.constant 0 : i32
    %dma_wait3A_68 = tpu.memref_slice %arg3[%add3A, %dma_wait3A, %dma_wait3A_66, %dma_wait3A_67] : memref<32x80x3x128xi32, #tpu.memory_space<hbm>> -> memref<1x1x3x128xi32, #tpu.memory_space<hbm>>
    %dma_wait3A_69 = tpu.memref_squeeze %dma_wait3A_68 : memref<1x1x3x128xi32, #tpu.memory_space<hbm>> -> memref<3x128xi32, #tpu.memory_space<hbm>>
    tpu.wait_dma2 semaphore(%arg13 : memref<!tpu.dma_semaphore, #tpu.memory_space<semaphore_mem>>) src(%dma_wait3A_69 : memref<3x128xi32, #tpu.memory_space<hbm>>) dst(%arg5 : memref<3x128xi32, #tpu.memory_space<vmem>>)
    %dma_start3A_70 = arith.constant 0 : i32
    %dma_start3A_71 = arith.constant 0 : i32
    %dma_start3A_72 = tpu.memref_slice %arg5[%dma_start3A_70, %dma_start3A_71] : memref<3x128xi32, #tpu.memory_space<vmem>> -> memref<1x128xi32, #tpu.memory_space<vmem>>
    %dma_start3A_73 = tpu.memref_squeeze %dma_start3A_72 : memref<1x128xi32, #tpu.memory_space<vmem>> -> memref<128xi32, #tpu.memory_space<vmem>>
    %dma_start3A_74 = arith.constant 0 : i32
    %dma_start3A_75 = arith.constant 0 : i32
    %dma_start3A_76 = tpu.memref_slice %arg2[%dma_start3A_74, %dma_start3A_75] : memref<10240x128xf32, #tpu.memory_space<hbm>> -> memref<10240x128xf32, #tpu.memory_space<hbm>>
    tpu.enqueue_indirect_dma source(%dma_start3A_76 : memref<10240x128xf32, #tpu.memory_space<hbm>>) target(%arg9 : memref<128x128xf32, #tpu.memory_space<vmem>>) offsets(%dma_start3A_73 : memref<128xi32, #tpu.memory_space<vmem>>) semaphore(%arg15 : memref<!tpu.dma_semaphore, #tpu.memory_space<semaphore_mem>>)
    %barrier3A = arith.constant 0 : index
    tpu.barrier barrier_id(%barrier3A)
    %broadcast_in_dim3A = arith.constant 1 : i32
    %broadcast_in_dim3A_77 = vector.broadcast %broadcast_in_dim3A : i32 to vector<16xi32>
    %scan3A_78 = arith.constant 0 : i32
    %scan3A_79 = arith.constant 40 : i32
    %scan3A_80 = arith.addi %scan3A_78, %scan3A_79 : i32
    %scan3A_81 = arith.constant 1 : i32
    scf.for %scan3A_95 = %scan3A_78 to %scan3A_80 step %scan3A_81  : i32 {
      %mul3A_96 = arith.constant 2 : i32
      %mul3A_97 = arith.muli %scan3A_95, %mul3A_96 : i32
      %add3A_98 = arith.constant 0 : i32
      %add3A_99 = arith.addi %add3A_98, %mul3A_97 : i32
      %add3A_100 = arith.constant 0 : i32
      %add3A_101 = arith.addi %add3A_99, %add3A_100 : i32
      %ge3A = arith.constant 1 : i32
      %ge3A_102 = arith.cmpi sge, %add3A_101, %ge3A : i32
      %convert_element_type3A = arith.extui %ge3A_102 : i1 to i32
      %cond3A = arith.constant 0 : i32
      %cond3A_103 = arith.cmpi ne, %convert_element_type3A, %cond3A : i32
      scf.if %cond3A_103 {
        %dma_wait3A_425 = arith.constant 0 : i32
        %dma_wait3A_426 = arith.constant 0 : i32
        %dma_wait3A_427 = tpu.memref_slice %arg8[%dma_wait3A_425, %dma_wait3A_426] : memref<2x128xi32, #tpu.memory_space<vmem>> -> memref<1x128xi32, #tpu.memory_space<vmem>>
        %dma_wait3A_428 = tpu.memref_squeeze %dma_wait3A_427 : memref<1x128xi32, #tpu.memory_space<vmem>> -> memref<128xi32, #tpu.memory_space<vmem>>
        %dma_wait3A_429 = arith.constant 0 : i32
        %dma_wait3A_430 = arith.constant 0 : i32
        %dma_wait3A_431 = tpu.memref_slice %arg12[%dma_wait3A_429, %dma_wait3A_430] : memref<10240x128xf32, #tpu.memory_space<vmem_shared>> -> memref<10240x128xf32, #tpu.memory_space<vmem_shared>>
        tpu.wait_indirect_dma semaphore(%arg18 : memref<!tpu.dma_semaphore, #tpu.memory_space<semaphore_mem>>) src(%arg10 : memref<128x128xf32, #tpu.memory_space<vmem>>) dst(%dma_wait3A_431 : memref<10240x128xf32, #tpu.memory_space<vmem_shared>>)
      } else {
      }
      %add3A_104 = arith.constant 1 : i32
      %add3A_105 = arith.addi %add3A_101, %add3A_104 : i32
      %lt3A = arith.constant 80 : i32
      %lt3A_106 = arith.cmpi slt, %add3A_105, %lt3A : i32
      %convert_element_type3A_107 = arith.extui %lt3A_106 : i1 to i32
      %cond3A_108 = arith.constant 0 : i32
      %cond3A_109 = arith.cmpi ne, %convert_element_type3A_107, %cond3A_108 : i32
      scf.if %cond3A_109 {
        %add3A_425 = arith.constant 1 : i32
        %add3A_426 = arith.addi %add3A_101, %add3A_425 : i32
        %dma_wait3A_427 = arith.constant 0 : i32
        %dma_wait3A_428 = arith.constant 0 : i32
        %dma_wait3A_429 = tpu.memref_slice %arg3[%add3A, %add3A_426, %dma_wait3A_427, %dma_wait3A_428] : memref<32x80x3x128xi32, #tpu.memory_space<hbm>> -> memref<1x1x3x128xi32, #tpu.memory_space<hbm>>
        %dma_wait3A_430 = tpu.memref_squeeze %dma_wait3A_429 : memref<1x1x3x128xi32, #tpu.memory_space<hbm>> -> memref<3x128xi32, #tpu.memory_space<hbm>>
        %dma_wait3A_431 = arith.constant 0 : i32
        %dma_wait3A_432 = arith.constant 0 : i32
        %dma_wait3A_433 = tpu.memref_slice %arg3[%add3A, %add3A_426, %dma_wait3A_431, %dma_wait3A_432] : memref<32x80x3x128xi32, #tpu.memory_space<hbm>> -> memref<1x1x3x128xi32, #tpu.memory_space<hbm>>
        %dma_wait3A_434 = tpu.memref_squeeze %dma_wait3A_433 : memref<1x1x3x128xi32, #tpu.memory_space<hbm>> -> memref<3x128xi32, #tpu.memory_space<hbm>>
        tpu.wait_dma2 semaphore(%arg14 : memref<!tpu.dma_semaphore, #tpu.memory_space<semaphore_mem>>) src(%dma_wait3A_434 : memref<3x128xi32, #tpu.memory_space<hbm>>) dst(%arg6 : memref<3x128xi32, #tpu.memory_space<vmem>>)
        %dma_start3A_435 = arith.constant 0 : i32
        %dma_start3A_436 = arith.constant 0 : i32
        %dma_start3A_437 = tpu.memref_slice %arg6[%dma_start3A_435, %dma_start3A_436] : memref<3x128xi32, #tpu.memory_space<vmem>> -> memref<1x128xi32, #tpu.memory_space<vmem>>
        %dma_start3A_438 = tpu.memref_squeeze %dma_start3A_437 : memref<1x128xi32, #tpu.memory_space<vmem>> -> memref<128xi32, #tpu.memory_space<vmem>>
        %dma_start3A_439 = arith.constant 0 : i32
        %dma_start3A_440 = arith.constant 0 : i32
        %dma_start3A_441 = tpu.memref_slice %arg2[%dma_start3A_439, %dma_start3A_440] : memref<10240x128xf32, #tpu.memory_space<hbm>> -> memref<10240x128xf32, #tpu.memory_space<hbm>>
        tpu.enqueue_indirect_dma source(%dma_start3A_441 : memref<10240x128xf32, #tpu.memory_space<hbm>>) target(%arg10 : memref<128x128xf32, #tpu.memory_space<vmem>>) offsets(%dma_start3A_438 : memref<128xi32, #tpu.memory_space<vmem>>) semaphore(%arg16 : memref<!tpu.dma_semaphore, #tpu.memory_space<semaphore_mem>>)
      } else {
      }
      %dma_wait3A_110 = arith.constant 0 : i32
      %dma_wait3A_111 = arith.constant 0 : i32
      %dma_wait3A_112 = tpu.memref_slice %arg5[%dma_wait3A_110, %dma_wait3A_111] : memref<3x128xi32, #tpu.memory_space<vmem>> -> memref<1x128xi32, #tpu.memory_space<vmem>>
      %dma_wait3A_113 = tpu.memref_squeeze %dma_wait3A_112 : memref<1x128xi32, #tpu.memory_space<vmem>> -> memref<128xi32, #tpu.memory_space<vmem>>
      %dma_wait3A_114 = arith.constant 0 : i32
      %dma_wait3A_115 = arith.constant 0 : i32
      %dma_wait3A_116 = tpu.memref_slice %arg2[%dma_wait3A_114, %dma_wait3A_115] : memref<10240x128xf32, #tpu.memory_space<hbm>> -> memref<10240x128xf32, #tpu.memory_space<hbm>>
      tpu.wait_indirect_dma semaphore(%arg15 : memref<!tpu.dma_semaphore, #tpu.memory_space<semaphore_mem>>) src(%dma_wait3A_116 : memref<10240x128xf32, #tpu.memory_space<hbm>>) dst(%arg9 : memref<128x128xf32, #tpu.memory_space<vmem>>)
      %get3A = arith.constant 1 : i32
      %get3A_117 = arith.index_cast %get3A : i32 to index
      %get3A_118 = arith.constant 0 : index
      %get3A_119 = tpu.vector_load %arg5[%get3A_117, %get3A_118] {strides = array<i32>} : memref<3x128xi32, #tpu.memory_space<vmem>>, vector<16xi32>,
      %swap3A = arith.constant 0 : i32
      %swap3A_120 = arith.index_cast %swap3A : i32 to index
      %swap3A_121 = arith.constant 0 : index
      %swap3A_122 = tpu.vector_load %arg7[%swap3A_120, %swap3A_121] {strides = array<i32>} : memref<2x128xi32, #tpu.memory_space<vmem>>, vector<16xi32>,
      tpu.vector_store %arg7[%swap3A_120, %swap3A_121], %get3A_119 {strides = array<i32>} : memref<2x128xi32, #tpu.memory_space<vmem>>, vector<16xi32>,
      %get3A_123 = arith.constant 2 : i32
      %get3A_124 = arith.index_cast %get3A_123 : i32 to index
      %get3A_125 = arith.constant 0 : index
      %get3A_126 = tpu.vector_load %arg5[%get3A_124, %get3A_125] {strides = array<i32>} : memref<3x128xi32, #tpu.memory_space<vmem>>, vector<16xi32>,
      %swap3A_127 = arith.constant 1 : i32
      %swap3A_128 = arith.index_cast %swap3A_127 : i32 to index
      %swap3A_129 = arith.constant 0 : index
      %swap3A_130 = tpu.vector_load %arg7[%swap3A_128, %swap3A_129] {strides = array<i32>} : memref<2x128xi32, #tpu.memory_space<vmem>>, vector<16xi32>,
      tpu.vector_store %arg7[%swap3A_128, %swap3A_129], %get3A_126 {strides = array<i32>} : memref<2x128xi32, #tpu.memory_space<vmem>>, vector<16xi32>,
      %get3A_131 = arith.constant 1 : i32
      %get3A_132 = arith.index_cast %get3A_131 : i32 to index
      %get3A_133 = arith.constant 16 : index
      %get3A_134 = tpu.vector_load %arg5[%get3A_132, %get3A_133] {strides = array<i32>} : memref<3x128xi32, #tpu.memory_space<vmem>>, vector<16xi32>,
      %swap3A_135 = arith.constant 0 : i32
      %swap3A_136 = arith.index_cast %swap3A_135 : i32 to index
      %swap3A_137 = arith.constant 16 : index
      %swap3A_138 = tpu.vector_load %arg7[%swap3A_136, %swap3A_137] {strides = array<i32>} : memref<2x128xi32, #tpu.memory_space<vmem>>, vector<16xi32>,
      tpu.vector_store %arg7[%swap3A_136, %swap3A_137], %get3A_134 {strides = array<i32>} : memref<2x128xi32, #tpu.memory_space<vmem>>, vector<16xi32>,
      %get3A_139 = arith.constant 2 : i32
      %get3A_140 = arith.index_cast %get3A_139 : i32 to index
      %get3A_141 = arith.constant 16 : index
      %get3A_142 = tpu.vector_load %arg5[%get3A_140, %get3A_141] {strides = array<i32>} : memref<3x128xi32, #tpu.memory_space<vmem>>, vector<16xi32>,
      %swap3A_143 = arith.constant 1 : i32
      %swap3A_144 = arith.index_cast %swap3A_143 : i32 to index
      %swap3A_145 = arith.constant 16 : index
      %swap3A_146 = tpu.vector_load %arg7[%swap3A_144, %swap3A_145] {strides = array<i32>} : memref<2x128xi32, #tpu.memory_space<vmem>>, vector<16xi32>,
      tpu.vector_store %arg7[%swap3A_144, %swap3A_145], %get3A_142 {strides = array<i32>} : memref<2x128xi32, #tpu.memory_space<vmem>>, vector<16xi32>,
      %get3A_147 = arith.constant 1 : i32
      %get3A_148 = arith.index_cast %get3A_147 : i32 to index
      %get3A_149 = arith.constant 32 : index
      %get3A_150 = tpu.vector_load %arg5[%get3A_148, %get3A_149] {strides = array<i32>} : memref<3x128xi32, #tpu.memory_space<vmem>>, vector<16xi32>,
      %swap3A_151 = arith.constant 0 : i32
      %swap3A_152 = arith.index_cast %swap3A_151 : i32 to index
      %swap3A_153 = arith.constant 32 : index
      %swap3A_154 = tpu.vector_load %arg7[%swap3A_152, %swap3A_153] {strides = array<i32>} : memref<2x128xi32, #tpu.memory_space<vmem>>, vector<16xi32>,
      tpu.vector_store %arg7[%swap3A_152, %swap3A_153], %get3A_150 {strides = array<i32>} : memref<2x128xi32, #tpu.memory_space<vmem>>, vector<16xi32>,
      %get3A_155 = arith.constant 2 : i32
      %get3A_156 = arith.index_cast %get3A_155 : i32 to index
      %get3A_157 = arith.constant 32 : index
      %get3A_158 = tpu.vector_load %arg5[%get3A_156, %get3A_157] {strides = array<i32>} : memref<3x128xi32, #tpu.memory_space<vmem>>, vector<16xi32>,
      %swap3A_159 = arith.constant 1 : i32
      %swap3A_160 = arith.index_cast %swap3A_159 : i32 to index
      %swap3A_161 = arith.constant 32 : index
      %swap3A_162 = tpu.vector_load %arg7[%swap3A_160, %swap3A_161] {strides = array<i32>} : memref<2x128xi32, #tpu.memory_space<vmem>>, vector<16xi32>,
      tpu.vector_store %arg7[%swap3A_160, %swap3A_161], %get3A_158 {strides = array<i32>} : memref<2x128xi32, #tpu.memory_space<vmem>>, vector<16xi32>,
      %get3A_163 = arith.constant 1 : i32
      %get3A_164 = arith.index_cast %get3A_163 : i32 to index
      %get3A_165 = arith.constant 48 : index
      %get3A_166 = tpu.vector_load %arg5[%get3A_164, %get3A_165] {strides = array<i32>} : memref<3x128xi32, #tpu.memory_space<vmem>>, vector<16xi32>,
      %swap3A_167 = arith.constant 0 : i32
      %swap3A_168 = arith.index_cast %swap3A_167 : i32 to index
      %swap3A_169 = arith.constant 48 : index
      %swap3A_170 = tpu.vector_load %arg7[%swap3A_168, %swap3A_169] {strides = array<i32>} : memref<2x128xi32, #tpu.memory_space<vmem>>, vector<16xi32>,
      tpu.vector_store %arg7[%swap3A_168, %swap3A_169], %get3A_166 {strides = array<i32>} : memref<2x128xi32, #tpu.memory_space<vmem>>, vector<16xi32>,
      %get3A_171 = arith.constant 2 : i32
      %get3A_172 = arith.index_cast %get3A_171 : i32 to index
      %get3A_173 = arith.constant 48 : index
      %get3A_174 = tpu.vector_load %arg5[%get3A_172, %get3A_173] {strides = array<i32>} : memref<3x128xi32, #tpu.memory_space<vmem>>, vector<16xi32>,
      %swap3A_175 = arith.constant 1 : i32
      %swap3A_176 = arith.index_cast %swap3A_175 : i32 to index
      %swap3A_177 = arith.constant 48 : index
      %swap3A_178 = tpu.vector_load %arg7[%swap3A_176, %swap3A_177] {strides = array<i32>} : memref<2x128xi32, #tpu.memory_space<vmem>>, vector<16xi32>,
      tpu.vector_store %arg7[%swap3A_176, %swap3A_177], %get3A_174 {strides = array<i32>} : memref<2x128xi32, #tpu.memory_space<vmem>>, vector<16xi32>,
      %get3A_179 = arith.constant 1 : i32
      %get3A_180 = arith.index_cast %get3A_179 : i32 to index
      %get3A_181 = arith.constant 64 : index
      %get3A_182 = tpu.vector_load %arg5[%get3A_180, %get3A_181] {strides = array<i32>} : memref<3x128xi32, #tpu.memory_space<vmem>>, vector<16xi32>,
      %swap3A_183 = arith.constant 0 : i32
      %swap3A_184 = arith.index_cast %swap3A_183 : i32 to index
      %swap3A_185 = arith.constant 64 : index
      %swap3A_186 = tpu.vector_load %arg7[%swap3A_184, %swap3A_185] {strides = array<i32>} : memref<2x128xi32, #tpu.memory_space<vmem>>, vector<16xi32>,
      tpu.vector_store %arg7[%swap3A_184, %swap3A_185], %get3A_182 {strides = array<i32>} : memref<2x128xi32, #tpu.memory_space<vmem>>, vector<16xi32>,
      %get3A_187 = arith.constant 2 : i32
      %get3A_188 = arith.index_cast %get3A_187 : i32 to index
      %get3A_189 = arith.constant 64 : index
      %get3A_190 = tpu.vector_load %arg5[%get3A_188, %get3A_189] {strides = array<i32>} : memref<3x128xi32, #tpu.memory_space<vmem>>, vector<16xi32>,
      %swap3A_191 = arith.constant 1 : i32
      %swap3A_192 = arith.index_cast %swap3A_191 : i32 to index
      %swap3A_193 = arith.constant 64 : index
      %swap3A_194 = tpu.vector_load %arg7[%swap3A_192, %swap3A_193] {strides = array<i32>} : memref<2x128xi32, #tpu.memory_space<vmem>>, vector<16xi32>,
      tpu.vector_store %arg7[%swap3A_192, %swap3A_193], %get3A_190 {strides = array<i32>} : memref<2x128xi32, #tpu.memory_space<vmem>>, vector<16xi32>,
      %get3A_195 = arith.constant 1 : i32
      %get3A_196 = arith.index_cast %get3A_195 : i32 to index
      %get3A_197 = arith.constant 80 : index
      %get3A_198 = tpu.vector_load %arg5[%get3A_196, %get3A_197] {strides = array<i32>} : memref<3x128xi32, #tpu.memory_space<vmem>>, vector<16xi32>,
      %swap3A_199 = arith.constant 0 : i32
      %swap3A_200 = arith.index_cast %swap3A_199 : i32 to index
      %swap3A_201 = arith.constant 80 : index
      %swap3A_202 = tpu.vector_load %arg7[%swap3A_200, %swap3A_201] {strides = array<i32>} : memref<2x128xi32, #tpu.memory_space<vmem>>, vector<16xi32>,
      tpu.vector_store %arg7[%swap3A_200, %swap3A_201], %get3A_198 {strides = array<i32>} : memref<2x128xi32, #tpu.memory_space<vmem>>, vector<16xi32>,
      %get3A_203 = arith.constant 2 : i32
      %get3A_204 = arith.index_cast %get3A_203 : i32 to index
      %get3A_205 = arith.constant 80 : index
      %get3A_206 = tpu.vector_load %arg5[%get3A_204, %get3A_205] {strides = array<i32>} : memref<3x128xi32, #tpu.memory_space<vmem>>, vector<16xi32>,
      %swap3A_207 = arith.constant 1 : i32
      %swap3A_208 = arith.index_cast %swap3A_207 : i32 to index
      %swap3A_209 = arith.constant 80 : index
      %swap3A_210 = tpu.vector_load %arg7[%swap3A_208, %swap3A_209] {strides = array<i32>} : memref<2x128xi32, #tpu.memory_space<vmem>>, vector<16xi32>,
      tpu.vector_store %arg7[%swap3A_208, %swap3A_209], %get3A_206 {strides = array<i32>} : memref<2x128xi32, #tpu.memory_space<vmem>>, vector<16xi32>,
      %get3A_211 = arith.constant 1 : i32
      %get3A_212 = arith.index_cast %get3A_211 : i32 to index
      %get3A_213 = arith.constant 96 : index
      %get3A_214 = tpu.vector_load %arg5[%get3A_212, %get3A_213] {strides = array<i32>} : memref<3x128xi32, #tpu.memory_space<vmem>>, vector<16xi32>,
      %swap3A_215 = arith.constant 0 : i32
      %swap3A_216 = arith.index_cast %swap3A_215 : i32 to index
      %swap3A_217 = arith.constant 96 : index
      %swap3A_218 = tpu.vector_load %arg7[%swap3A_216, %swap3A_217] {strides = array<i32>} : memref<2x128xi32, #tpu.memory_space<vmem>>, vector<16xi32>,
      tpu.vector_store %arg7[%swap3A_216, %swap3A_217], %get3A_214 {strides = array<i32>} : memref<2x128xi32, #tpu.memory_space<vmem>>, vector<16xi32>,
      %get3A_219 = arith.constant 2 : i32
      %get3A_220 = arith.index_cast %get3A_219 : i32 to index
      %get3A_221 = arith.constant 96 : index
      %get3A_222 = tpu.vector_load %arg5[%get3A_220, %get3A_221] {strides = array<i32>} : memref<3x128xi32, #tpu.memory_space<vmem>>, vector<16xi32>,
      %swap3A_223 = arith.constant 1 : i32
      %swap3A_224 = arith.index_cast %swap3A_223 : i32 to index
      %swap3A_225 = arith.constant 96 : index
      %swap3A_226 = tpu.vector_load %arg7[%swap3A_224, %swap3A_225] {strides = array<i32>} : memref<2x128xi32, #tpu.memory_space<vmem>>, vector<16xi32>,
      tpu.vector_store %arg7[%swap3A_224, %swap3A_225], %get3A_222 {strides = array<i32>} : memref<2x128xi32, #tpu.memory_space<vmem>>, vector<16xi32>,
      %get3A_227 = arith.constant 1 : i32
      %get3A_228 = arith.index_cast %get3A_227 : i32 to index
      %get3A_229 = arith.constant 112 : index
      %get3A_230 = tpu.vector_load %arg5[%get3A_228, %get3A_229] {strides = array<i32>} : memref<3x128xi32, #tpu.memory_space<vmem>>, vector<16xi32>,
      %swap3A_231 = arith.constant 0 : i32
      %swap3A_232 = arith.index_cast %swap3A_231 : i32 to index
      %swap3A_233 = arith.constant 112 : index
      %swap3A_234 = tpu.vector_load %arg7[%swap3A_232, %swap3A_233] {strides = array<i32>} : memref<2x128xi32, #tpu.memory_space<vmem>>, vector<16xi32>,
      tpu.vector_store %arg7[%swap3A_232, %swap3A_233], %get3A_230 {strides = array<i32>} : memref<2x128xi32, #tpu.memory_space<vmem>>, vector<16xi32>,
      %get3A_235 = arith.constant 2 : i32
      %get3A_236 = arith.index_cast %get3A_235 : i32 to index
      %get3A_237 = arith.constant 112 : index
      %get3A_238 = tpu.vector_load %arg5[%get3A_236, %get3A_237] {strides = array<i32>} : memref<3x128xi32, #tpu.memory_space<vmem>>, vector<16xi32>,
      %swap3A_239 = arith.constant 1 : i32
      %swap3A_240 = arith.index_cast %swap3A_239 : i32 to index
      %swap3A_241 = arith.constant 112 : index
      %swap3A_242 = tpu.vector_load %arg7[%swap3A_240, %swap3A_241] {strides = array<i32>} : memref<2x128xi32, #tpu.memory_space<vmem>>, vector<16xi32>,
      tpu.vector_store %arg7[%swap3A_240, %swap3A_241], %get3A_238 {strides = array<i32>} : memref<2x128xi32, #tpu.memory_space<vmem>>, vector<16xi32>,
      %add3A_243 = arith.constant 2 : i32
      %add3A_244 = arith.addi %add3A_101, %add3A_243 : i32
      %lt3A_245 = arith.constant 80 : i32
      %lt3A_246 = arith.cmpi slt, %add3A_244, %lt3A_245 : i32
      %convert_element_type3A_247 = arith.extui %lt3A_246 : i1 to i32
      %cond3A_248 = arith.constant 0 : i32
      %cond3A_249 = arith.cmpi ne, %convert_element_type3A_247, %cond3A_248 : i32
      scf.if %cond3A_249 {
        %add3A_425 = arith.constant 2 : i32
        %add3A_426 = arith.addi %add3A_101, %add3A_425 : i32
        %dma_start3A_427 = arith.constant 0 : i32
        %dma_start3A_428 = arith.constant 0 : i32
        %dma_start3A_429 = tpu.memref_slice %arg3[%add3A, %add3A_426, %dma_start3A_427, %dma_start3A_428] : memref<32x80x3x128xi32, #tpu.memory_space<hbm>> -> memref<1x1x3x128xi32, #tpu.memory_space<hbm>>
        %dma_start3A_430 = tpu.memref_squeeze %dma_start3A_429 : memref<1x1x3x128xi32, #tpu.memory_space<hbm>> -> memref<3x128xi32, #tpu.memory_space<hbm>>
        %dma_start3A_431 = arith.constant 0 : i32
        %dma_start3A_432 = arith.constant 0 : i32
        %dma_start3A_433 = tpu.memref_slice %arg3[%add3A, %add3A_426, %dma_start3A_431, %dma_start3A_432] : memref<32x80x3x128xi32, #tpu.memory_space<hbm>> -> memref<1x1x3x128xi32, #tpu.memory_space<hbm>>
        %dma_start3A_434 = tpu.memref_squeeze %dma_start3A_433 : memref<1x1x3x128xi32, #tpu.memory_space<hbm>> -> memref<3x128xi32, #tpu.memory_space<hbm>>
        tpu.enqueue_dma source(%dma_start3A_434 : memref<3x128xi32, #tpu.memory_space<hbm>>) target(%arg5 : memref<3x128xi32, #tpu.memory_space<vmem>>) target_semaphore(%arg13 : memref<!tpu.dma_semaphore, #tpu.memory_space<semaphore_mem>>)
      } else {
      }
      %parallel_loop3A = arith.constant 0 : i32
      %parallel_loop3A_250 = arith.constant 128 : i32
      %parallel_loop3A_251 = arith.constant 1 : i32
      scf.for %parallel_loop3A_425 = %parallel_loop3A to %parallel_loop3A_250 step %parallel_loop3A_251  : i32 {
        %parallel_loop3A_426 = vector.broadcast %parallel_loop3A_425 : i32 to vector<16xi32>
        %parallel_loop3A_427 = tpu.vector_load_idx %arg7[%broadcast_in_dim3A_77, %parallel_loop3A_426] : memref<2x128xi32, #tpu.memory_space<vmem>>[vector<16xi32>, vector<16xi32>], vector<16xi32>,
        %parallel_loop3A_428 = vector.bitcast %parallel_loop3A_427 : vector<16xi32> to vector<16xf32>
        %parallel_loop3A_429 = arith.index_cast %parallel_loop3A_425 : i32 to index
        %parallel_loop3A_430 = arith.constant 0 : index
        %parallel_loop3A_431 = tpu.vector_load %arg9[%parallel_loop3A_429, %parallel_loop3A_430] {strides = array<i32>} : memref<128x128xf32, #tpu.memory_space<vmem>>, vector<16xf32>,
        %parallel_loop3A_432 = arith.mulf %parallel_loop3A_431, %parallel_loop3A_428 : vector<16xf32>
        %parallel_loop3A_433 = arith.index_cast %parallel_loop3A_425 : i32 to index
        %parallel_loop3A_434 = arith.constant 0 : index
        %parallel_loop3A_435 = tpu.vector_load %arg9[%parallel_loop3A_433, %parallel_loop3A_434] {strides = array<i32>} : memref<128x128xf32, #tpu.memory_space<vmem>>, vector<16xf32>,
        tpu.vector_store %arg9[%parallel_loop3A_433, %parallel_loop3A_434], %parallel_loop3A_432 {strides = array<i32>} : memref<128x128xf32, #tpu.memory_space<vmem>>, vector<16xf32>,
        %parallel_loop3A_436 = arith.index_cast %parallel_loop3A_425 : i32 to index
        %parallel_loop3A_437 = arith.constant 16 : index
        %parallel_loop3A_438 = tpu.vector_load %arg9[%parallel_loop3A_436, %parallel_loop3A_437] {strides = array<i32>} : memref<128x128xf32, #tpu.memory_space<vmem>>, vector<16xf32>,
        %parallel_loop3A_439 = arith.mulf %parallel_loop3A_438, %parallel_loop3A_428 : vector<16xf32>
        %parallel_loop3A_440 = arith.index_cast %parallel_loop3A_425 : i32 to index
        %parallel_loop3A_441 = arith.constant 16 : index
        %parallel_loop3A_442 = tpu.vector_load %arg9[%parallel_loop3A_440, %parallel_loop3A_441] {strides = array<i32>} : memref<128x128xf32, #tpu.memory_space<vmem>>, vector<16xf32>,
        tpu.vector_store %arg9[%parallel_loop3A_440, %parallel_loop3A_441], %parallel_loop3A_439 {strides = array<i32>} : memref<128x128xf32, #tpu.memory_space<vmem>>, vector<16xf32>,
        %parallel_loop3A_443 = arith.index_cast %parallel_loop3A_425 : i32 to index
        %parallel_loop3A_444 = arith.constant 32 : index
        %parallel_loop3A_445 = tpu.vector_load %arg9[%parallel_loop3A_443, %parallel_loop3A_444] {strides = array<i32>} : memref<128x128xf32, #tpu.memory_space<vmem>>, vector<16xf32>,
        %parallel_loop3A_446 = arith.mulf %parallel_loop3A_445, %parallel_loop3A_428 : vector<16xf32>
        %parallel_loop3A_447 = arith.index_cast %parallel_loop3A_425 : i32 to index
        %parallel_loop3A_448 = arith.constant 32 : index
        %parallel_loop3A_449 = tpu.vector_load %arg9[%parallel_loop3A_447, %parallel_loop3A_448] {strides = array<i32>} : memref<128x128xf32, #tpu.memory_space<vmem>>, vector<16xf32>,
        tpu.vector_store %arg9[%parallel_loop3A_447, %parallel_loop3A_448], %parallel_loop3A_446 {strides = array<i32>} : memref<128x128xf32, #tpu.memory_space<vmem>>, vector<16xf32>,
        %parallel_loop3A_450 = arith.index_cast %parallel_loop3A_425 : i32 to index
        %parallel_loop3A_451 = arith.constant 48 : index
        %parallel_loop3A_452 = tpu.vector_load %arg9[%parallel_loop3A_450, %parallel_loop3A_451] {strides = array<i32>} : memref<128x128xf32, #tpu.memory_space<vmem>>, vector<16xf32>,
        %parallel_loop3A_453 = arith.mulf %parallel_loop3A_452, %parallel_loop3A_428 : vector<16xf32>
        %parallel_loop3A_454 = arith.index_cast %parallel_loop3A_425 : i32 to index
        %parallel_loop3A_455 = arith.constant 48 : index
        %parallel_loop3A_456 = tpu.vector_load %arg9[%parallel_loop3A_454, %parallel_loop3A_455] {strides = array<i32>} : memref<128x128xf32, #tpu.memory_space<vmem>>, vector<16xf32>,
        tpu.vector_store %arg9[%parallel_loop3A_454, %parallel_loop3A_455], %parallel_loop3A_453 {strides = array<i32>} : memref<128x128xf32, #tpu.memory_space<vmem>>, vector<16xf32>,
        %parallel_loop3A_457 = arith.index_cast %parallel_loop3A_425 : i32 to index
        %parallel_loop3A_458 = arith.constant 64 : index
        %parallel_loop3A_459 = tpu.vector_load %arg9[%parallel_loop3A_457, %parallel_loop3A_458] {strides = array<i32>} : memref<128x128xf32, #tpu.memory_space<vmem>>, vector<16xf32>,
        %parallel_loop3A_460 = arith.mulf %parallel_loop3A_459, %parallel_loop3A_428 : vector<16xf32>
        %parallel_loop3A_461 = arith.index_cast %parallel_loop3A_425 : i32 to index
        %parallel_loop3A_462 = arith.constant 64 : index
        %parallel_loop3A_463 = tpu.vector_load %arg9[%parallel_loop3A_461, %parallel_loop3A_462] {strides = array<i32>} : memref<128x128xf32, #tpu.memory_space<vmem>>, vector<16xf32>,
        tpu.vector_store %arg9[%parallel_loop3A_461, %parallel_loop3A_462], %parallel_loop3A_460 {strides = array<i32>} : memref<128x128xf32, #tpu.memory_space<vmem>>, vector<16xf32>,
        %parallel_loop3A_464 = arith.index_cast %parallel_loop3A_425 : i32 to index
        %parallel_loop3A_465 = arith.constant 80 : index
        %parallel_loop3A_466 = tpu.vector_load %arg9[%parallel_loop3A_464, %parallel_loop3A_465] {strides = array<i32>} : memref<128x128xf32, #tpu.memory_space<vmem>>, vector<16xf32>,
        %parallel_loop3A_467 = arith.mulf %parallel_loop3A_466, %parallel_loop3A_428 : vector<16xf32>
        %parallel_loop3A_468 = arith.index_cast %parallel_loop3A_425 : i32 to index
        %parallel_loop3A_469 = arith.constant 80 : index
        %parallel_loop3A_470 = tpu.vector_load %arg9[%parallel_loop3A_468, %parallel_loop3A_469] {strides = array<i32>} : memref<128x128xf32, #tpu.memory_space<vmem>>, vector<16xf32>,
        tpu.vector_store %arg9[%parallel_loop3A_468, %parallel_loop3A_469], %parallel_loop3A_467 {strides = array<i32>} : memref<128x128xf32, #tpu.memory_space<vmem>>, vector<16xf32>,
        %parallel_loop3A_471 = arith.index_cast %parallel_loop3A_425 : i32 to index
        %parallel_loop3A_472 = arith.constant 96 : index
        %parallel_loop3A_473 = tpu.vector_load %arg9[%parallel_loop3A_471, %parallel_loop3A_472] {strides = array<i32>} : memref<128x128xf32, #tpu.memory_space<vmem>>, vector<16xf32>,
        %parallel_loop3A_474 = arith.mulf %parallel_loop3A_473, %parallel_loop3A_428 : vector<16xf32>
        %parallel_loop3A_475 = arith.index_cast %parallel_loop3A_425 : i32 to index
        %parallel_loop3A_476 = arith.constant 96 : index
        %parallel_loop3A_477 = tpu.vector_load %arg9[%parallel_loop3A_475, %parallel_loop3A_476] {strides = array<i32>} : memref<128x128xf32, #tpu.memory_space<vmem>>, vector<16xf32>,
        tpu.vector_store %arg9[%parallel_loop3A_475, %parallel_loop3A_476], %parallel_loop3A_474 {strides = array<i32>} : memref<128x128xf32, #tpu.memory_space<vmem>>, vector<16xf32>,
        %parallel_loop3A_478 = arith.index_cast %parallel_loop3A_425 : i32 to index
        %parallel_loop3A_479 = arith.constant 112 : index
        %parallel_loop3A_480 = tpu.vector_load %arg9[%parallel_loop3A_478, %parallel_loop3A_479] {strides = array<i32>} : memref<128x128xf32, #tpu.memory_space<vmem>>, vector<16xf32>,
        %parallel_loop3A_481 = arith.mulf %parallel_loop3A_480, %parallel_loop3A_428 : vector<16xf32>
        %parallel_loop3A_482 = arith.index_cast %parallel_loop3A_425 : i32 to index
        %parallel_loop3A_483 = arith.constant 112 : index
        %parallel_loop3A_484 = tpu.vector_load %arg9[%parallel_loop3A_482, %parallel_loop3A_483] {strides = array<i32>} : memref<128x128xf32, #tpu.memory_space<vmem>>, vector<16xf32>,
        tpu.vector_store %arg9[%parallel_loop3A_482, %parallel_loop3A_483], %parallel_loop3A_481 {strides = array<i32>} : memref<128x128xf32, #tpu.memory_space<vmem>>, vector<16xf32>,
      } {sc.loop_unroll_factor = 16 : i64, sc.parallel_access}
      %dma_start3A_252 = arith.constant 0 : i32
      %dma_start3A_253 = arith.constant 0 : i32
      %dma_start3A_254 = tpu.memref_slice %arg7[%dma_start3A_252, %dma_start3A_253] : memref<2x128xi32, #tpu.memory_space<vmem>> -> memref<1x128xi32, #tpu.memory_space<vmem>>
      %dma_start3A_255 = tpu.memref_squeeze %dma_start3A_254 : memref<1x128xi32, #tpu.memory_space<vmem>> -> memref<128xi32, #tpu.memory_space<vmem>>
      %dma_start3A_256 = arith.constant 0 : i32
      %dma_start3A_257 = arith.constant 0 : i32
      %dma_start3A_258 = tpu.memref_slice %arg12[%dma_start3A_256, %dma_start3A_257] : memref<10240x128xf32, #tpu.memory_space<vmem_shared>> -> memref<10240x128xf32, #tpu.memory_space<vmem_shared>>
      tpu.enqueue_indirect_dma source(%arg9 : memref<128x128xf32, #tpu.memory_space<vmem>>) target(%dma_start3A_258 : memref<10240x128xf32, #tpu.memory_space<vmem_shared>>) offsets(%dma_start3A_255 : memref<128xi32, #tpu.memory_space<vmem>>) semaphore(%arg17 : memref<!tpu.dma_semaphore, #tpu.memory_space<semaphore_mem>>) {add = true}
      %add3A_259 = arith.constant 1 : i32
      %add3A_260 = arith.addi %add3A_99, %add3A_259 : i32
      %ge3A_261 = arith.constant 1 : i32
      %ge3A_262 = arith.cmpi sge, %add3A_260, %ge3A_261 : i32
      %convert_element_type3A_263 = arith.extui %ge3A_262 : i1 to i32
      %cond3A_264 = arith.constant 0 : i32
      %cond3A_265 = arith.cmpi ne, %convert_element_type3A_263, %cond3A_264 : i32
      scf.if %cond3A_265 {
        %dma_wait3A_425 = arith.constant 0 : i32
        %dma_wait3A_426 = arith.constant 0 : i32
        %dma_wait3A_427 = tpu.memref_slice %arg7[%dma_wait3A_425, %dma_wait3A_426] : memref<2x128xi32, #tpu.memory_space<vmem>> -> memref<1x128xi32, #tpu.memory_space<vmem>>
        %dma_wait3A_428 = tpu.memref_squeeze %dma_wait3A_427 : memref<1x128xi32, #tpu.memory_space<vmem>> -> memref<128xi32, #tpu.memory_space<vmem>>
        %dma_wait3A_429 = arith.constant 0 : i32
        %dma_wait3A_430 = arith.constant 0 : i32
        %dma_wait3A_431 = tpu.memref_slice %arg12[%dma_wait3A_429, %dma_wait3A_430] : memref<10240x128xf32, #tpu.memory_space<vmem_shared>> -> memref<10240x128xf32, #tpu.memory_space<vmem_shared>>
        tpu.wait_indirect_dma semaphore(%arg17 : memref<!tpu.dma_semaphore, #tpu.memory_space<semaphore_mem>>) src(%arg9 : memref<128x128xf32, #tpu.memory_space<vmem>>) dst(%dma_wait3A_431 : memref<10240x128xf32, #tpu.memory_space<vmem_shared>>)
      } else {
      }
      %add3A_266 = arith.constant 1 : i32
      %add3A_267 = arith.addi %add3A_260, %add3A_266 : i32
      %lt3A_268 = arith.constant 80 : i32
      %lt3A_269 = arith.cmpi slt, %add3A_267, %lt3A_268 : i32
      %convert_element_type3A_270 = arith.extui %lt3A_269 : i1 to i32
      %cond3A_271 = arith.constant 0 : i32
      %cond3A_272 = arith.cmpi ne, %convert_element_type3A_270, %cond3A_271 : i32
      scf.if %cond3A_272 {
        %add3A_425 = arith.constant 1 : i32
        %add3A_426 = arith.addi %add3A_260, %add3A_425 : i32
        %dma_wait3A_427 = arith.constant 0 : i32
        %dma_wait3A_428 = arith.constant 0 : i32
        %dma_wait3A_429 = tpu.memref_slice %arg3[%add3A, %add3A_426, %dma_wait3A_427, %dma_wait3A_428] : memref<32x80x3x128xi32, #tpu.memory_space<hbm>> -> memref<1x1x3x128xi32, #tpu.memory_space<hbm>>
        %dma_wait3A_430 = tpu.memref_squeeze %dma_wait3A_429 : memref<1x1x3x128xi32, #tpu.memory_space<hbm>> -> memref<3x128xi32, #tpu.memory_space<hbm>>
        %dma_wait3A_431 = arith.constant 0 : i32
        %dma_wait3A_432 = arith.constant 0 : i32
        %dma_wait3A_433 = tpu.memref_slice %arg3[%add3A, %add3A_426, %dma_wait3A_431, %dma_wait3A_432] : memref<32x80x3x128xi32, #tpu.memory_space<hbm>> -> memref<1x1x3x128xi32, #tpu.memory_space<hbm>>
        %dma_wait3A_434 = tpu.memref_squeeze %dma_wait3A_433 : memref<1x1x3x128xi32, #tpu.memory_space<hbm>> -> memref<3x128xi32, #tpu.memory_space<hbm>>
        tpu.wait_dma2 semaphore(%arg13 : memref<!tpu.dma_semaphore, #tpu.memory_space<semaphore_mem>>) src(%dma_wait3A_434 : memref<3x128xi32, #tpu.memory_space<hbm>>) dst(%arg5 : memref<3x128xi32, #tpu.memory_space<vmem>>)
        %dma_start3A_435 = arith.constant 0 : i32
        %dma_start3A_436 = arith.constant 0 : i32
        %dma_start3A_437 = tpu.memref_slice %arg5[%dma_start3A_435, %dma_start3A_436] : memref<3x128xi32, #tpu.memory_space<vmem>> -> memref<1x128xi32, #tpu.memory_space<vmem>>
        %dma_start3A_438 = tpu.memref_squeeze %dma_start3A_437 : memref<1x128xi32, #tpu.memory_space<vmem>> -> memref<128xi32, #tpu.memory_space<vmem>>
        %dma_start3A_439 = arith.constant 0 : i32
        %dma_start3A_440 = arith.constant 0 : i32
        %dma_start3A_441 = tpu.memref_slice %arg2[%dma_start3A_439, %dma_start3A_440] : memref<10240x128xf32, #tpu.memory_space<hbm>> -> memref<10240x128xf32, #tpu.memory_space<hbm>>
        tpu.enqueue_indirect_dma source(%dma_start3A_441 : memref<10240x128xf32, #tpu.memory_space<hbm>>) target(%arg9 : memref<128x128xf32, #tpu.memory_space<vmem>>) offsets(%dma_start3A_438 : memref<128xi32, #tpu.memory_space<vmem>>) semaphore(%arg15 : memref<!tpu.dma_semaphore, #tpu.memory_space<semaphore_mem>>)
      } else {
      }
      %dma_wait3A_273 = arith.constant 0 : i32
      %dma_wait3A_274 = arith.constant 0 : i32
      %dma_wait3A_275 = tpu.memref_slice %arg6[%dma_wait3A_273, %dma_wait3A_274] : memref<3x128xi32, #tpu.memory_space<vmem>> -> memref<1x128xi32, #tpu.memory_space<vmem>>
      %dma_wait3A_276 = tpu.memref_squeeze %dma_wait3A_275 : memref<1x128xi32, #tpu.memory_space<vmem>> -> memref<128xi32, #tpu.memory_space<vmem>>
      %dma_wait3A_277 = arith.constant 0 : i32
      %dma_wait3A_278 = arith.constant 0 : i32
      %dma_wait3A_279 = tpu.memref_slice %arg2[%dma_wait3A_277, %dma_wait3A_278] : memref<10240x128xf32, #tpu.memory_space<hbm>> -> memref<10240x128xf32, #tpu.memory_space<hbm>>
      tpu.wait_indirect_dma semaphore(%arg16 : memref<!tpu.dma_semaphore, #tpu.memory_space<semaphore_mem>>) src(%dma_wait3A_279 : memref<10240x128xf32, #tpu.memory_space<hbm>>) dst(%arg10 : memref<128x128xf32, #tpu.memory_space<vmem>>)
      %get3A_280 = arith.constant 1 : i32
      %get3A_281 = arith.index_cast %get3A_280 : i32 to index
      %get3A_282 = arith.constant 0 : index
      %get3A_283 = tpu.vector_load %arg6[%get3A_281, %get3A_282] {strides = array<i32>} : memref<3x128xi32, #tpu.memory_space<vmem>>, vector<16xi32>,
      %swap3A_284 = arith.constant 0 : i32
      %swap3A_285 = arith.index_cast %swap3A_284 : i32 to index
      %swap3A_286 = arith.constant 0 : index
      %swap3A_287 = tpu.vector_load %arg8[%swap3A_285, %swap3A_286] {strides = array<i32>} : memref<2x128xi32, #tpu.memory_space<vmem>>, vector<16xi32>,
      tpu.vector_store %arg8[%swap3A_285, %swap3A_286], %get3A_283 {strides = array<i32>} : memref<2x128xi32, #tpu.memory_space<vmem>>, vector<16xi32>,
      %get3A_288 = arith.constant 2 : i32
      %get3A_289 = arith.index_cast %get3A_288 : i32 to index
      %get3A_290 = arith.constant 0 : index
      %get3A_291 = tpu.vector_load %arg6[%get3A_289, %get3A_290] {strides = array<i32>} : memref<3x128xi32, #tpu.memory_space<vmem>>, vector<16xi32>,
      %swap3A_292 = arith.constant 1 : i32
      %swap3A_293 = arith.index_cast %swap3A_292 : i32 to index
      %swap3A_294 = arith.constant 0 : index
      %swap3A_295 = tpu.vector_load %arg8[%swap3A_293, %swap3A_294] {strides = array<i32>} : memref<2x128xi32, #tpu.memory_space<vmem>>, vector<16xi32>,
      tpu.vector_store %arg8[%swap3A_293, %swap3A_294], %get3A_291 {strides = array<i32>} : memref<2x128xi32, #tpu.memory_space<vmem>>, vector<16xi32>,
      %get3A_296 = arith.constant 1 : i32
      %get3A_297 = arith.index_cast %get3A_296 : i32 to index
      %get3A_298 = arith.constant 16 : index
      %get3A_299 = tpu.vector_load %arg6[%get3A_297, %get3A_298] {strides = array<i32>} : memref<3x128xi32, #tpu.memory_space<vmem>>, vector<16xi32>,
      %swap3A_300 = arith.constant 0 : i32
      %swap3A_301 = arith.index_cast %swap3A_300 : i32 to index
      %swap3A_302 = arith.constant 16 : index
      %swap3A_303 = tpu.vector_load %arg8[%swap3A_301, %swap3A_302] {strides = array<i32>} : memref<2x128xi32, #tpu.memory_space<vmem>>, vector<16xi32>,
      tpu.vector_store %arg8[%swap3A_301, %swap3A_302], %get3A_299 {strides = array<i32>} : memref<2x128xi32, #tpu.memory_space<vmem>>, vector<16xi32>,
      %get3A_304 = arith.constant 2 : i32
      %get3A_305 = arith.index_cast %get3A_304 : i32 to index
      %get3A_306 = arith.constant 16 : index
      %get3A_307 = tpu.vector_load %arg6[%get3A_305, %get3A_306] {strides = array<i32>} : memref<3x128xi32, #tpu.memory_space<vmem>>, vector<16xi32>,
      %swap3A_308 = arith.constant 1 : i32
      %swap3A_309 = arith.index_cast %swap3A_308 : i32 to index
      %swap3A_310 = arith.constant 16 : index
      %swap3A_311 = tpu.vector_load %arg8[%swap3A_309, %swap3A_310] {strides = array<i32>} : memref<2x128xi32, #tpu.memory_space<vmem>>, vector<16xi32>,
      tpu.vector_store %arg8[%swap3A_309, %swap3A_310], %get3A_307 {strides = array<i32>} : memref<2x128xi32, #tpu.memory_space<vmem>>, vector<16xi32>,
      %get3A_312 = arith.constant 1 : i32
      %get3A_313 = arith.index_cast %get3A_312 : i32 to index
      %get3A_314 = arith.constant 32 : index
      %get3A_315 = tpu.vector_load %arg6[%get3A_313, %get3A_314] {strides = array<i32>} : memref<3x128xi32, #tpu.memory_space<vmem>>, vector<16xi32>,
      %swap3A_316 = arith.constant 0 : i32
      %swap3A_317 = arith.index_cast %swap3A_316 : i32 to index
      %swap3A_318 = arith.constant 32 : index
      %swap3A_319 = tpu.vector_load %arg8[%swap3A_317, %swap3A_318] {strides = array<i32>} : memref<2x128xi32, #tpu.memory_space<vmem>>, vector<16xi32>,
      tpu.vector_store %arg8[%swap3A_317, %swap3A_318], %get3A_315 {strides = array<i32>} : memref<2x128xi32, #tpu.memory_space<vmem>>, vector<16xi32>,
      %get3A_320 = arith.constant 2 : i32
      %get3A_321 = arith.index_cast %get3A_320 : i32 to index
      %get3A_322 = arith.constant 32 : index
      %get3A_323 = tpu.vector_load %arg6[%get3A_321, %get3A_322] {strides = array<i32>} : memref<3x128xi32, #tpu.memory_space<vmem>>, vector<16xi32>,
      %swap3A_324 = arith.constant 1 : i32
      %swap3A_325 = arith.index_cast %swap3A_324 : i32 to index
      %swap3A_326 = arith.constant 32 : index
      %swap3A_327 = tpu.vector_load %arg8[%swap3A_325, %swap3A_326] {strides = array<i32>} : memref<2x128xi32, #tpu.memory_space<vmem>>, vector<16xi32>,
      tpu.vector_store %arg8[%swap3A_325, %swap3A_326], %get3A_323 {strides = array<i32>} : memref<2x128xi32, #tpu.memory_space<vmem>>, vector<16xi32>,
      %get3A_328 = arith.constant 1 : i32
      %get3A_329 = arith.index_cast %get3A_328 : i32 to index
      %get3A_330 = arith.constant 48 : index
      %get3A_331 = tpu.vector_load %arg6[%get3A_329, %get3A_330] {strides = array<i32>} : memref<3x128xi32, #tpu.memory_space<vmem>>, vector<16xi32>,
      %swap3A_332 = arith.constant 0 : i32
      %swap3A_333 = arith.index_cast %swap3A_332 : i32 to index
      %swap3A_334 = arith.constant 48 : index
      %swap3A_335 = tpu.vector_load %arg8[%swap3A_333, %swap3A_334] {strides = array<i32>} : memref<2x128xi32, #tpu.memory_space<vmem>>, vector<16xi32>,
      tpu.vector_store %arg8[%swap3A_333, %swap3A_334], %get3A_331 {strides = array<i32>} : memref<2x128xi32, #tpu.memory_space<vmem>>, vector<16xi32>,
      %get3A_336 = arith.constant 2 : i32
      %get3A_337 = arith.index_cast %get3A_336 : i32 to index
      %get3A_338 = arith.constant 48 : index
      %get3A_339 = tpu.vector_load %arg6[%get3A_337, %get3A_338] {strides = array<i32>} : memref<3x128xi32, #tpu.memory_space<vmem>>, vector<16xi32>,
      %swap3A_340 = arith.constant 1 : i32
      %swap3A_341 = arith.index_cast %swap3A_340 : i32 to index
      %swap3A_342 = arith.constant 48 : index
      %swap3A_343 = tpu.vector_load %arg8[%swap3A_341, %swap3A_342] {strides = array<i32>} : memref<2x128xi32, #tpu.memory_space<vmem>>, vector<16xi32>,
      tpu.vector_store %arg8[%swap3A_341, %swap3A_342], %get3A_339 {strides = array<i32>} : memref<2x128xi32, #tpu.memory_space<vmem>>, vector<16xi32>,
      %get3A_344 = arith.constant 1 : i32
      %get3A_345 = arith.index_cast %get3A_344 : i32 to index
      %get3A_346 = arith.constant 64 : index
      %get3A_347 = tpu.vector_load %arg6[%get3A_345, %get3A_346] {strides = array<i32>} : memref<3x128xi32, #tpu.memory_space<vmem>>, vector<16xi32>,
      %swap3A_348 = arith.constant 0 : i32
      %swap3A_349 = arith.index_cast %swap3A_348 : i32 to index
      %swap3A_350 = arith.constant 64 : index
      %swap3A_351 = tpu.vector_load %arg8[%swap3A_349, %swap3A_350] {strides = array<i32>} : memref<2x128xi32, #tpu.memory_space<vmem>>, vector<16xi32>,
      tpu.vector_store %arg8[%swap3A_349, %swap3A_350], %get3A_347 {strides = array<i32>} : memref<2x128xi32, #tpu.memory_space<vmem>>, vector<16xi32>,
      %get3A_352 = arith.constant 2 : i32
      %get3A_353 = arith.index_cast %get3A_352 : i32 to index
      %get3A_354 = arith.constant 64 : index
      %get3A_355 = tpu.vector_load %arg6[%get3A_353, %get3A_354] {strides = array<i32>} : memref<3x128xi32, #tpu.memory_space<vmem>>, vector<16xi32>,
      %swap3A_356 = arith.constant 1 : i32
      %swap3A_357 = arith.index_cast %swap3A_356 : i32 to index
      %swap3A_358 = arith.constant 64 : index
      %swap3A_359 = tpu.vector_load %arg8[%swap3A_357, %swap3A_358] {strides = array<i32>} : memref<2x128xi32, #tpu.memory_space<vmem>>, vector<16xi32>,
      tpu.vector_store %arg8[%swap3A_357, %swap3A_358], %get3A_355 {strides = array<i32>} : memref<2x128xi32, #tpu.memory_space<vmem>>, vector<16xi32>,
      %get3A_360 = arith.constant 1 : i32
      %get3A_361 = arith.index_cast %get3A_360 : i32 to index
      %get3A_362 = arith.constant 80 : index
      %get3A_363 = tpu.vector_load %arg6[%get3A_361, %get3A_362] {strides = array<i32>} : memref<3x128xi32, #tpu.memory_space<vmem>>, vector<16xi32>,
      %swap3A_364 = arith.constant 0 : i32
      %swap3A_365 = arith.index_cast %swap3A_364 : i32 to index
      %swap3A_366 = arith.constant 80 : index
      %swap3A_367 = tpu.vector_load %arg8[%swap3A_365, %swap3A_366] {strides = array<i32>} : memref<2x128xi32, #tpu.memory_space<vmem>>, vector<16xi32>,
      tpu.vector_store %arg8[%swap3A_365, %swap3A_366], %get3A_363 {strides = array<i32>} : memref<2x128xi32, #tpu.memory_space<vmem>>, vector<16xi32>,
      %get3A_368 = arith.constant 2 : i32
      %get3A_369 = arith.index_cast %get3A_368 : i32 to index
      %get3A_370 = arith.constant 80 : index
      %get3A_371 = tpu.vector_load %arg6[%get3A_369, %get3A_370] {strides = array<i32>} : memref<3x128xi32, #tpu.memory_space<vmem>>, vector<16xi32>,
      %swap3A_372 = arith.constant 1 : i32
      %swap3A_373 = arith.index_cast %swap3A_372 : i32 to index
      %swap3A_374 = arith.constant 80 : index
      %swap3A_375 = tpu.vector_load %arg8[%swap3A_373, %swap3A_374] {strides = array<i32>} : memref<2x128xi32, #tpu.memory_space<vmem>>, vector<16xi32>,
      tpu.vector_store %arg8[%swap3A_373, %swap3A_374], %get3A_371 {strides = array<i32>} : memref<2x128xi32, #tpu.memory_space<vmem>>, vector<16xi32>,
      %get3A_376 = arith.constant 1 : i32
      %get3A_377 = arith.index_cast %get3A_376 : i32 to index
      %get3A_378 = arith.constant 96 : index
      %get3A_379 = tpu.vector_load %arg6[%get3A_377, %get3A_378] {strides = array<i32>} : memref<3x128xi32, #tpu.memory_space<vmem>>, vector<16xi32>,
      %swap3A_380 = arith.constant 0 : i32
      %swap3A_381 = arith.index_cast %swap3A_380 : i32 to index
      %swap3A_382 = arith.constant 96 : index
      %swap3A_383 = tpu.vector_load %arg8[%swap3A_381, %swap3A_382] {strides = array<i32>} : memref<2x128xi32, #tpu.memory_space<vmem>>, vector<16xi32>,
      tpu.vector_store %arg8[%swap3A_381, %swap3A_382], %get3A_379 {strides = array<i32>} : memref<2x128xi32, #tpu.memory_space<vmem>>, vector<16xi32>,
      %get3A_384 = arith.constant 2 : i32
      %get3A_385 = arith.index_cast %get3A_384 : i32 to index
      %get3A_386 = arith.constant 96 : index
      %get3A_387 = tpu.vector_load %arg6[%get3A_385, %get3A_386] {strides = array<i32>} : memref<3x128xi32, #tpu.memory_space<vmem>>, vector<16xi32>,
      %swap3A_388 = arith.constant 1 : i32
      %swap3A_389 = arith.index_cast %swap3A_388 : i32 to index
      %swap3A_390 = arith.constant 96 : index
      %swap3A_391 = tpu.vector_load %arg8[%swap3A_389, %swap3A_390] {strides = array<i32>} : memref<2x128xi32, #tpu.memory_space<vmem>>, vector<16xi32>,
      tpu.vector_store %arg8[%swap3A_389, %swap3A_390], %get3A_387 {strides = array<i32>} : memref<2x128xi32, #tpu.memory_space<vmem>>, vector<16xi32>,
      %get3A_392 = arith.constant 1 : i32
      %get3A_393 = arith.index_cast %get3A_392 : i32 to index
      %get3A_394 = arith.constant 112 : index
      %get3A_395 = tpu.vector_load %arg6[%get3A_393, %get3A_394] {strides = array<i32>} : memref<3x128xi32, #tpu.memory_space<vmem>>, vector<16xi32>,
      %swap3A_396 = arith.constant 0 : i32
      %swap3A_397 = arith.index_cast %swap3A_396 : i32 to index
      %swap3A_398 = arith.constant 112 : index
      %swap3A_399 = tpu.vector_load %arg8[%swap3A_397, %swap3A_398] {strides = array<i32>} : memref<2x128xi32, #tpu.memory_space<vmem>>, vector<16xi32>,
      tpu.vector_store %arg8[%swap3A_397, %swap3A_398], %get3A_395 {strides = array<i32>} : memref<2x128xi32, #tpu.memory_space<vmem>>, vector<16xi32>,
      %get3A_400 = arith.constant 2 : i32
      %get3A_401 = arith.index_cast %get3A_400 : i32 to index
      %get3A_402 = arith.constant 112 : index
      %get3A_403 = tpu.vector_load %arg6[%get3A_401, %get3A_402] {strides = array<i32>} : memref<3x128xi32, #tpu.memory_space<vmem>>, vector<16xi32>,
      %swap3A_404 = arith.constant 1 : i32
      %swap3A_405 = arith.index_cast %swap3A_404 : i32 to index
      %swap3A_406 = arith.constant 112 : index
      %swap3A_407 = tpu.vector_load %arg8[%swap3A_405, %swap3A_406] {strides = array<i32>} : memref<2x128xi32, #tpu.memory_space<vmem>>, vector<16xi32>,
      tpu.vector_store %arg8[%swap3A_405, %swap3A_406], %get3A_403 {strides = array<i32>} : memref<2x128xi32, #tpu.memory_space<vmem>>, vector<16xi32>,
      %add3A_408 = arith.constant 2 : i32
      %add3A_409 = arith.addi %add3A_260, %add3A_408 : i32
      %lt3A_410 = arith.constant 80 : i32
      %lt3A_411 = arith.cmpi slt, %add3A_409, %lt3A_410 : i32
      %convert_element_type3A_412 = arith.extui %lt3A_411 : i1 to i32
      %cond3A_413 = arith.constant 0 : i32
      %cond3A_414 = arith.cmpi ne, %convert_element_type3A_412, %cond3A_413 : i32
      scf.if %cond3A_414 {
        %add3A_425 = arith.constant 2 : i32
        %add3A_426 = arith.addi %add3A_260, %add3A_425 : i32
        %dma_start3A_427 = arith.constant 0 : i32
        %dma_start3A_428 = arith.constant 0 : i32
        %dma_start3A_429 = tpu.memref_slice %arg3[%add3A, %add3A_426, %dma_start3A_427, %dma_start3A_428] : memref<32x80x3x128xi32, #tpu.memory_space<hbm>> -> memref<1x1x3x128xi32, #tpu.memory_space<hbm>>
        %dma_start3A_430 = tpu.memref_squeeze %dma_start3A_429 : memref<1x1x3x128xi32, #tpu.memory_space<hbm>> -> memref<3x128xi32, #tpu.memory_space<hbm>>
        %dma_start3A_431 = arith.constant 0 : i32
        %dma_start3A_432 = arith.constant 0 : i32
        %dma_start3A_433 = tpu.memref_slice %arg3[%add3A, %add3A_426, %dma_start3A_431, %dma_start3A_432] : memref<32x80x3x128xi32, #tpu.memory_space<hbm>> -> memref<1x1x3x128xi32, #tpu.memory_space<hbm>>
        %dma_start3A_434 = tpu.memref_squeeze %dma_start3A_433 : memref<1x1x3x128xi32, #tpu.memory_space<hbm>> -> memref<3x128xi32, #tpu.memory_space<hbm>>
        tpu.enqueue_dma source(%dma_start3A_434 : memref<3x128xi32, #tpu.memory_space<hbm>>) target(%arg6 : memref<3x128xi32, #tpu.memory_space<vmem>>) target_semaphore(%arg14 : memref<!tpu.dma_semaphore, #tpu.memory_space<semaphore_mem>>)
      } else {
      }
      %parallel_loop3A_415 = arith.constant 0 : i32
      %parallel_loop3A_416 = arith.constant 128 : i32
      %parallel_loop3A_417 = arith.constant 1 : i32
      scf.for %parallel_loop3A_425 = %parallel_loop3A_415 to %parallel_loop3A_416 step %parallel_loop3A_417  : i32 {
        %parallel_loop3A_426 = vector.broadcast %parallel_loop3A_425 : i32 to vector<16xi32>
        %parallel_loop3A_427 = tpu.vector_load_idx %arg8[%broadcast_in_dim3A_77, %parallel_loop3A_426] : memref<2x128xi32, #tpu.memory_space<vmem>>[vector<16xi32>, vector<16xi32>], vector<16xi32>,
        %parallel_loop3A_428 = vector.bitcast %parallel_loop3A_427 : vector<16xi32> to vector<16xf32>
        %parallel_loop3A_429 = arith.index_cast %parallel_loop3A_425 : i32 to index
        %parallel_loop3A_430 = arith.constant 0 : index
        %parallel_loop3A_431 = tpu.vector_load %arg10[%parallel_loop3A_429, %parallel_loop3A_430] {strides = array<i32>} : memref<128x128xf32, #tpu.memory_space<vmem>>, vector<16xf32>,
        %parallel_loop3A_432 = arith.mulf %parallel_loop3A_431, %parallel_loop3A_428 : vector<16xf32>
        %parallel_loop3A_433 = arith.index_cast %parallel_loop3A_425 : i32 to index
        %parallel_loop3A_434 = arith.constant 0 : index
        %parallel_loop3A_435 = tpu.vector_load %arg10[%parallel_loop3A_433, %parallel_loop3A_434] {strides = array<i32>} : memref<128x128xf32, #tpu.memory_space<vmem>>, vector<16xf32>,
        tpu.vector_store %arg10[%parallel_loop3A_433, %parallel_loop3A_434], %parallel_loop3A_432 {strides = array<i32>} : memref<128x128xf32, #tpu.memory_space<vmem>>, vector<16xf32>,
        %parallel_loop3A_436 = arith.index_cast %parallel_loop3A_425 : i32 to index
        %parallel_loop3A_437 = arith.constant 16 : index
        %parallel_loop3A_438 = tpu.vector_load %arg10[%parallel_loop3A_436, %parallel_loop3A_437] {strides = array<i32>} : memref<128x128xf32, #tpu.memory_space<vmem>>, vector<16xf32>,
        %parallel_loop3A_439 = arith.mulf %parallel_loop3A_438, %parallel_loop3A_428 : vector<16xf32>
        %parallel_loop3A_440 = arith.index_cast %parallel_loop3A_425 : i32 to index
        %parallel_loop3A_441 = arith.constant 16 : index
        %parallel_loop3A_442 = tpu.vector_load %arg10[%parallel_loop3A_440, %parallel_loop3A_441] {strides = array<i32>} : memref<128x128xf32, #tpu.memory_space<vmem>>, vector<16xf32>,
        tpu.vector_store %arg10[%parallel_loop3A_440, %parallel_loop3A_441], %parallel_loop3A_439 {strides = array<i32>} : memref<128x128xf32, #tpu.memory_space<vmem>>, vector<16xf32>,
        %parallel_loop3A_443 = arith.index_cast %parallel_loop3A_425 : i32 to index
        %parallel_loop3A_444 = arith.constant 32 : index
        %parallel_loop3A_445 = tpu.vector_load %arg10[%parallel_loop3A_443, %parallel_loop3A_444] {strides = array<i32>} : memref<128x128xf32, #tpu.memory_space<vmem>>, vector<16xf32>,
        %parallel_loop3A_446 = arith.mulf %parallel_loop3A_445, %parallel_loop3A_428 : vector<16xf32>
        %parallel_loop3A_447 = arith.index_cast %parallel_loop3A_425 : i32 to index
        %parallel_loop3A_448 = arith.constant 32 : index
        %parallel_loop3A_449 = tpu.vector_load %arg10[%parallel_loop3A_447, %parallel_loop3A_448] {strides = array<i32>} : memref<128x128xf32, #tpu.memory_space<vmem>>, vector<16xf32>,
        tpu.vector_store %arg10[%parallel_loop3A_447, %parallel_loop3A_448], %parallel_loop3A_446 {strides = array<i32>} : memref<128x128xf32, #tpu.memory_space<vmem>>, vector<16xf32>,
        %parallel_loop3A_450 = arith.index_cast %parallel_loop3A_425 : i32 to index
        %parallel_loop3A_451 = arith.constant 48 : index
        %parallel_loop3A_452 = tpu.vector_load %arg10[%parallel_loop3A_450, %parallel_loop3A_451] {strides = array<i32>} : memref<128x128xf32, #tpu.memory_space<vmem>>, vector<16xf32>,
        %parallel_loop3A_453 = arith.mulf %parallel_loop3A_452, %parallel_loop3A_428 : vector<16xf32>
        %parallel_loop3A_454 = arith.index_cast %parallel_loop3A_425 : i32 to index
        %parallel_loop3A_455 = arith.constant 48 : index
        %parallel_loop3A_456 = tpu.vector_load %arg10[%parallel_loop3A_454, %parallel_loop3A_455] {strides = array<i32>} : memref<128x128xf32, #tpu.memory_space<vmem>>, vector<16xf32>,
        tpu.vector_store %arg10[%parallel_loop3A_454, %parallel_loop3A_455], %parallel_loop3A_453 {strides = array<i32>} : memref<128x128xf32, #tpu.memory_space<vmem>>, vector<16xf32>,
        %parallel_loop3A_457 = arith.index_cast %parallel_loop3A_425 : i32 to index
        %parallel_loop3A_458 = arith.constant 64 : index
        %parallel_loop3A_459 = tpu.vector_load %arg10[%parallel_loop3A_457, %parallel_loop3A_458] {strides = array<i32>} : memref<128x128xf32, #tpu.memory_space<vmem>>, vector<16xf32>,
        %parallel_loop3A_460 = arith.mulf %parallel_loop3A_459, %parallel_loop3A_428 : vector<16xf32>
        %parallel_loop3A_461 = arith.index_cast %parallel_loop3A_425 : i32 to index
        %parallel_loop3A_462 = arith.constant 64 : index
        %parallel_loop3A_463 = tpu.vector_load %arg10[%parallel_loop3A_461, %parallel_loop3A_462] {strides = array<i32>} : memref<128x128xf32, #tpu.memory_space<vmem>>, vector<16xf32>,
        tpu.vector_store %arg10[%parallel_loop3A_461, %parallel_loop3A_462], %parallel_loop3A_460 {strides = array<i32>} : memref<128x128xf32, #tpu.memory_space<vmem>>, vector<16xf32>,
        %parallel_loop3A_464 = arith.index_cast %parallel_loop3A_425 : i32 to index
        %parallel_loop3A_465 = arith.constant 80 : index
        %parallel_loop3A_466 = tpu.vector_load %arg10[%parallel_loop3A_464, %parallel_loop3A_465] {strides = array<i32>} : memref<128x128xf32, #tpu.memory_space<vmem>>, vector<16xf32>,
        %parallel_loop3A_467 = arith.mulf %parallel_loop3A_466, %parallel_loop3A_428 : vector<16xf32>
        %parallel_loop3A_468 = arith.index_cast %parallel_loop3A_425 : i32 to index
        %parallel_loop3A_469 = arith.constant 80 : index
        %parallel_loop3A_470 = tpu.vector_load %arg10[%parallel_loop3A_468, %parallel_loop3A_469] {strides = array<i32>} : memref<128x128xf32, #tpu.memory_space<vmem>>, vector<16xf32>,
        tpu.vector_store %arg10[%parallel_loop3A_468, %parallel_loop3A_469], %parallel_loop3A_467 {strides = array<i32>} : memref<128x128xf32, #tpu.memory_space<vmem>>, vector<16xf32>,
        %parallel_loop3A_471 = arith.index_cast %parallel_loop3A_425 : i32 to index
        %parallel_loop3A_472 = arith.constant 96 : index
        %parallel_loop3A_473 = tpu.vector_load %arg10[%parallel_loop3A_471, %parallel_loop3A_472] {strides = array<i32>} : memref<128x128xf32, #tpu.memory_space<vmem>>, vector<16xf32>,
        %parallel_loop3A_474 = arith.mulf %parallel_loop3A_473, %parallel_loop3A_428 : vector<16xf32>
        %parallel_loop3A_475 = arith.index_cast %parallel_loop3A_425 : i32 to index
        %parallel_loop3A_476 = arith.constant 96 : index
        %parallel_loop3A_477 = tpu.vector_load %arg10[%parallel_loop3A_475, %parallel_loop3A_476] {strides = array<i32>} : memref<128x128xf32, #tpu.memory_space<vmem>>, vector<16xf32>,
        tpu.vector_store %arg10[%parallel_loop3A_475, %parallel_loop3A_476], %parallel_loop3A_474 {strides = array<i32>} : memref<128x128xf32, #tpu.memory_space<vmem>>, vector<16xf32>,
        %parallel_loop3A_478 = arith.index_cast %parallel_loop3A_425 : i32 to index
        %parallel_loop3A_479 = arith.constant 112 : index
        %parallel_loop3A_480 = tpu.vector_load %arg10[%parallel_loop3A_478, %parallel_loop3A_479] {strides = array<i32>} : memref<128x128xf32, #tpu.memory_space<vmem>>, vector<16xf32>,
        %parallel_loop3A_481 = arith.mulf %parallel_loop3A_480, %parallel_loop3A_428 : vector<16xf32>
        %parallel_loop3A_482 = arith.index_cast %parallel_loop3A_425 : i32 to index
        %parallel_loop3A_483 = arith.constant 112 : index
        %parallel_loop3A_484 = tpu.vector_load %arg10[%parallel_loop3A_482, %parallel_loop3A_483] {strides = array<i32>} : memref<128x128xf32, #tpu.memory_space<vmem>>, vector<16xf32>,
        tpu.vector_store %arg10[%parallel_loop3A_482, %parallel_loop3A_483], %parallel_loop3A_481 {strides = array<i32>} : memref<128x128xf32, #tpu.memory_space<vmem>>, vector<16xf32>,
      } {sc.loop_unroll_factor = 16 : i64, sc.parallel_access}
      %dma_start3A_418 = arith.constant 0 : i32
      %dma_start3A_419 = arith.constant 0 : i32
      %dma_start3A_420 = tpu.memref_slice %arg8[%dma_start3A_418, %dma_start3A_419] : memref<2x128xi32, #tpu.memory_space<vmem>> -> memref<1x128xi32, #tpu.memory_space<vmem>>
      %dma_start3A_421 = tpu.memref_squeeze %dma_start3A_420 : memref<1x128xi32, #tpu.memory_space<vmem>> -> memref<128xi32, #tpu.memory_space<vmem>>
      %dma_start3A_422 = arith.constant 0 : i32
      %dma_start3A_423 = arith.constant 0 : i32
      %dma_start3A_424 = tpu.memref_slice %arg12[%dma_start3A_422, %dma_start3A_423] : memref<10240x128xf32, #tpu.memory_space<vmem_shared>> -> memref<10240x128xf32, #tpu.memory_space<vmem_shared>>
      tpu.enqueue_indirect_dma source(%arg10 : memref<128x128xf32, #tpu.memory_space<vmem>>) target(%dma_start3A_424 : memref<10240x128xf32, #tpu.memory_space<vmem_shared>>) offsets(%dma_start3A_421 : memref<128xi32, #tpu.memory_space<vmem>>) semaphore(%arg18 : memref<!tpu.dma_semaphore, #tpu.memory_space<semaphore_mem>>) {add = true}
    }
    %scan3A_82 = arith.constant 40 : i32
    %dma_wait3A_83 = arith.constant 0 : i32
    %dma_wait3A_84 = arith.constant 0 : i32
    %dma_wait3A_85 = tpu.memref_slice %arg8[%dma_wait3A_83, %dma_wait3A_84] : memref<2x128xi32, #tpu.memory_space<vmem>> -> memref<1x128xi32, #tpu.memory_space<vmem>>
    %dma_wait3A_86 = tpu.memref_squeeze %dma_wait3A_85 : memref<1x128xi32, #tpu.memory_space<vmem>> -> memref<128xi32, #tpu.memory_space<vmem>>
    %dma_wait3A_87 = arith.constant 0 : i32
    %dma_wait3A_88 = arith.constant 0 : i32
    %dma_wait3A_89 = tpu.memref_slice %arg12[%dma_wait3A_87, %dma_wait3A_88] : memref<10240x128xf32, #tpu.memory_space<vmem_shared>> -> memref<10240x128xf32, #tpu.memory_space<vmem_shared>>
    tpu.wait_indirect_dma semaphore(%arg18 : memref<!tpu.dma_semaphore, #tpu.memory_space<semaphore_mem>>) src(%arg10 : memref<128x128xf32, #tpu.memory_space<vmem>>) dst(%dma_wait3A_89 : memref<10240x128xf32, #tpu.memory_space<vmem_shared>>)
    %barrier3A_90 = arith.constant 0 : index
    tpu.barrier barrier_id(%barrier3A_90)
    %mul3A_91 = arith.constant 640 : i32
    %mul3A_92 = arith.muli %arg1, %mul3A_91 : i32
    %mul3A_93 = arith.constant 640 : i32
    %mul3A_94 = arith.muli %arg1, %mul3A_93 : i32
    "tpu.region"() ({
      %run_scoped3A = tpu.sem_alloc : memref<!tpu.dma_semaphore, #tpu.memory_space<semaphore_mem>>
      %dma_start3A_95 = arith.constant 0 : i32
      %dma_start3A_96 = tpu.memref_slice %arg4[%arg0, %mul3A_94, %dma_start3A_95] : memref<2x10240x128xf32, #tpu.memory_space<hbm>> -> memref<1x640x128xf32, #tpu.memory_space<hbm>>
      %dma_start3A_97 = tpu.memref_squeeze %dma_start3A_96 : memref<1x640x128xf32, #tpu.memory_space<hbm>> -> memref<640x128xf32, #tpu.memory_space<hbm>>
      %dma_start3A_98 = arith.constant 0 : i32
      %dma_start3A_99 = tpu.memref_slice %arg12[%mul3A_92, %dma_start3A_98] : memref<10240x128xf32, #tpu.memory_space<vmem_shared>> -> memref<640x128xf32, #tpu.memory_space<vmem_shared>>
      tpu.enqueue_dma source(%dma_start3A_99 : memref<640x128xf32, #tpu.memory_space<vmem_shared>>) target(%dma_start3A_97 : memref<640x128xf32, #tpu.memory_space<hbm>>) target_semaphore(%run_scoped3A : memref<!tpu.dma_semaphore, #tpu.memory_space<semaphore_mem>>)
      %dma_wait3A_100 = arith.constant 0 : i32
      %dma_wait3A_101 = tpu.memref_slice %arg4[%arg0, %mul3A_94, %dma_wait3A_100] : memref<2x10240x128xf32, #tpu.memory_space<hbm>> -> memref<1x640x128xf32, #tpu.memory_space<hbm>>
      %dma_wait3A_102 = tpu.memref_squeeze %dma_wait3A_101 : memref<1x640x128xf32, #tpu.memory_space<hbm>> -> memref<640x128xf32, #tpu.memory_space<hbm>>
      %dma_wait3A_103 = arith.constant 0 : i32
      %dma_wait3A_104 = tpu.memref_slice %arg12[%mul3A_92, %dma_wait3A_103] : memref<10240x128xf32, #tpu.memory_space<vmem_shared>> -> memref<640x128xf32, #tpu.memory_space<vmem_shared>>
      tpu.wait_dma2 semaphore(%run_scoped3A : memref<!tpu.dma_semaphore, #tpu.memory_space<semaphore_mem>>) src(%dma_wait3A_104 : memref<640x128xf32, #tpu.memory_space<vmem_shared>>) dst(%dma_wait3A_102 : memref<640x128xf32, #tpu.memory_space<hbm>>)
      tpu.yield
    }) : () -> ()
    return
  }
}

#map = affine_map<(d0, d1) -> (0, 0, 0, 0)>
#map1 = affine_map<(d0, d1) -> (0)>
#map2 = affine_map<(d0, d1) -> (0, 0)>
module attributes {stable_mosaic.version = 14 : i64} {
  func.func @k(%arg0: i32, %arg1: i32, %arg2: memref<32x80x2x128xi32, #tpu.memory_space<hbm>>, %arg3: memref<10240xf32, #tpu.memory_space<hbm>>, %arg4: memref<2x10240xf32, #tpu.memory_space<hbm>>, %arg5: memref<80x2x128xi32, #tpu.memory_space<vmem>>, %arg6: memref<10240xf32, #tpu.memory_space<vmem_shared>>, %arg7: memref<!tpu.dma_semaphore, #tpu.memory_space<semaphore_mem>>) attributes {dimension_semantics = [#tpu.dimension_semantics<core_parallel>, #tpu.dimension_semantics<subcore_parallel>], iteration_bounds = array<i64: 2, 16>, scalar_prefetch = 0 : i64, scratch_operands = 3 : i64, tpu.core_type = #tpu.core_type<sc_vector_subcore>, window_params = [{transform_indices = #map}, {transform_indices = #map1}, {transform_indices = #map2}]} {
    %mul3A = arith.constant 16 : i32
    %mul3A_0 = arith.muli %arg0, %mul3A : i32
    %add3A = arith.addi %mul3A_0, %arg1 : i32
    %mul3A_1 = arith.constant 640 : i32
    %mul3A_2 = arith.muli %arg1, %mul3A_1 : i32
    %mul3A_3 = arith.constant 640 : i32
    %mul3A_4 = arith.muli %arg1, %mul3A_3 : i32
    "tpu.region"() ({
      %run_scoped3A = tpu.sem_alloc : memref<!tpu.dma_semaphore, #tpu.memory_space<semaphore_mem>>
      %dma_start3A_38 = tpu.memref_slice %arg6[%mul3A_4] : memref<10240xf32, #tpu.memory_space<vmem_shared>> -> memref<640xf32, #tpu.memory_space<vmem_shared>>
      %dma_start3A_39 = tpu.memref_slice %arg3[%mul3A_2] : memref<10240xf32, #tpu.memory_space<hbm>> -> memref<640xf32, #tpu.memory_space<hbm>>
      tpu.enqueue_dma source(%dma_start3A_39 : memref<640xf32, #tpu.memory_space<hbm>>) target(%dma_start3A_38 : memref<640xf32, #tpu.memory_space<vmem_shared>>) target_semaphore(%run_scoped3A : memref<!tpu.dma_semaphore, #tpu.memory_space<semaphore_mem>>)
      %dma_wait3A_40 = tpu.memref_slice %arg6[%mul3A_4] : memref<10240xf32, #tpu.memory_space<vmem_shared>> -> memref<640xf32, #tpu.memory_space<vmem_shared>>
      %dma_wait3A_41 = tpu.memref_slice %arg3[%mul3A_2] : memref<10240xf32, #tpu.memory_space<hbm>> -> memref<640xf32, #tpu.memory_space<hbm>>
      tpu.wait_dma2 semaphore(%run_scoped3A : memref<!tpu.dma_semaphore, #tpu.memory_space<semaphore_mem>>) src(%dma_wait3A_41 : memref<640xf32, #tpu.memory_space<hbm>>) dst(%dma_wait3A_40 : memref<640xf32, #tpu.memory_space<vmem_shared>>)
      tpu.yield
    }) : () -> ()
    "tpu.region"() ({
      %run_scoped3A = tpu.sem_alloc : memref<!tpu.dma_semaphore, #tpu.memory_space<semaphore_mem>>
      %dma_start3A_38 = arith.constant 0 : i32
      %dma_start3A_39 = arith.constant 0 : i32
      %dma_start3A_40 = arith.constant 0 : i32
      %dma_start3A_41 = tpu.memref_slice %arg2[%add3A, %dma_start3A_38, %dma_start3A_39, %dma_start3A_40] : memref<32x80x2x128xi32, #tpu.memory_space<hbm>> -> memref<1x80x2x128xi32, #tpu.memory_space<hbm>>
      %dma_start3A_42 = tpu.memref_squeeze %dma_start3A_41 : memref<1x80x2x128xi32, #tpu.memory_space<hbm>> -> memref<80x2x128xi32, #tpu.memory_space<hbm>>
      %dma_start3A_43 = arith.constant 0 : i32
      %dma_start3A_44 = arith.constant 0 : i32
      %dma_start3A_45 = arith.constant 0 : i32
      %dma_start3A_46 = tpu.memref_slice %arg2[%add3A, %dma_start3A_43, %dma_start3A_44, %dma_start3A_45] : memref<32x80x2x128xi32, #tpu.memory_space<hbm>> -> memref<1x80x2x128xi32, #tpu.memory_space<hbm>>
      %dma_start3A_47 = tpu.memref_squeeze %dma_start3A_46 : memref<1x80x2x128xi32, #tpu.memory_space<hbm>> -> memref<80x2x128xi32, #tpu.memory_space<hbm>>
      tpu.enqueue_dma source(%dma_start3A_47 : memref<80x2x128xi32, #tpu.memory_space<hbm>>) target(%arg5 : memref<80x2x128xi32, #tpu.memory_space<vmem>>) target_semaphore(%run_scoped3A : memref<!tpu.dma_semaphore, #tpu.memory_space<semaphore_mem>>)
      %dma_wait3A_48 = arith.constant 0 : i32
      %dma_wait3A_49 = arith.constant 0 : i32
      %dma_wait3A_50 = arith.constant 0 : i32
      %dma_wait3A_51 = tpu.memref_slice %arg2[%add3A, %dma_wait3A_48, %dma_wait3A_49, %dma_wait3A_50] : memref<32x80x2x128xi32, #tpu.memory_space<hbm>> -> memref<1x80x2x128xi32, #tpu.memory_space<hbm>>
      %dma_wait3A_52 = tpu.memref_squeeze %dma_wait3A_51 : memref<1x80x2x128xi32, #tpu.memory_space<hbm>> -> memref<80x2x128xi32, #tpu.memory_space<hbm>>
      %dma_wait3A_53 = arith.constant 0 : i32
      %dma_wait3A_54 = arith.constant 0 : i32
      %dma_wait3A_55 = arith.constant 0 : i32
      %dma_wait3A_56 = tpu.memref_slice %arg2[%add3A, %dma_wait3A_53, %dma_wait3A_54, %dma_wait3A_55] : memref<32x80x2x128xi32, #tpu.memory_space<hbm>> -> memref<1x80x2x128xi32, #tpu.memory_space<hbm>>
      %dma_wait3A_57 = tpu.memref_squeeze %dma_wait3A_56 : memref<1x80x2x128xi32, #tpu.memory_space<hbm>> -> memref<80x2x128xi32, #tpu.memory_space<hbm>>
      tpu.wait_dma2 semaphore(%run_scoped3A : memref<!tpu.dma_semaphore, #tpu.memory_space<semaphore_mem>>) src(%dma_wait3A_57 : memref<80x2x128xi32, #tpu.memory_space<hbm>>) dst(%arg5 : memref<80x2x128xi32, #tpu.memory_space<vmem>>)
      tpu.yield
    }) : () -> ()
    %barrier3A = arith.constant 0 : index
    tpu.barrier barrier_id(%barrier3A)
    %dma_start3A = arith.constant 0 : i32
    %dma_start3A_5 = arith.constant 1 : i32
    %dma_start3A_6 = arith.constant 0 : i32
    %dma_start3A_7 = arith.constant 0 : i32
    %dma_start3A_8 = tpu.memref_bitcast %arg5 : memref<80x2x128xi32, #tpu.memory_space<vmem>> -> memref<80x2x128xf32, #tpu.memory_space<vmem>>
    %dma_start3A_9 = arith.constant 0 : i32
    %dma_start3A_10 = tpu.memref_slice %dma_start3A_8[%dma_start3A, %dma_start3A_5, %dma_start3A_9] : memref<80x2x128xf32, #tpu.memory_space<vmem>> -> memref<1x1x128xf32, #tpu.memory_space<vmem>>
    %dma_start3A_11 = tpu.memref_squeeze %dma_start3A_10 : memref<1x1x128xf32, #tpu.memory_space<vmem>> -> memref<128xf32, #tpu.memory_space<vmem>>
    %dma_start3A_12 = arith.constant 0 : i32
    %dma_start3A_13 = tpu.memref_slice %arg5[%dma_start3A_6, %dma_start3A_7, %dma_start3A_12] : memref<80x2x128xi32, #tpu.memory_space<vmem>> -> memref<1x1x128xi32, #tpu.memory_space<vmem>>
    %dma_start3A_14 = tpu.memref_squeeze %dma_start3A_13 : memref<1x1x128xi32, #tpu.memory_space<vmem>> -> memref<128xi32, #tpu.memory_space<vmem>>
    %dma_start3A_15 = arith.constant 0 : i32
    %dma_start3A_16 = tpu.memref_slice %arg6[%dma_start3A_15] : memref<10240xf32, #tpu.memory_space<vmem_shared>> -> memref<10240xf32, #tpu.memory_space<vmem_shared>>
    tpu.enqueue_indirect_dma source(%dma_start3A_11 : memref<128xf32, #tpu.memory_space<vmem>>) target(%dma_start3A_16 : memref<10240xf32, #tpu.memory_space<vmem_shared>>) offsets(%dma_start3A_14 : memref<128xi32, #tpu.memory_space<vmem>>) semaphore(%arg7 : memref<!tpu.dma_semaphore, #tpu.memory_space<semaphore_mem>>) {add = true}
    %scan3A = arith.constant 0 : i32
    %scan3A_17 = arith.constant 79 : i32
    %scan3A_18 = arith.addi %scan3A, %scan3A_17 : i32
    %scan3A_19 = arith.constant 1 : i32
    scf.for %scan3A_38 = %scan3A to %scan3A_18 step %scan3A_19  : i32 {
      %mul3A_39 = arith.constant 1 : i32
      %mul3A_40 = arith.muli %scan3A_38, %mul3A_39 : i32
      %add3A_41 = arith.constant 0 : i32
      %add3A_42 = arith.addi %add3A_41, %mul3A_40 : i32
      %add3A_43 = arith.constant 1 : i32
      %add3A_44 = arith.addi %add3A_42, %add3A_43 : i32
      %add3A_45 = arith.constant 1 : i32
      %add3A_46 = arith.addi %add3A_42, %add3A_45 : i32
      %dma_start3A_47 = arith.constant 1 : i32
      %dma_start3A_48 = arith.constant 0 : i32
      %dma_start3A_49 = tpu.memref_bitcast %arg5 : memref<80x2x128xi32, #tpu.memory_space<vmem>> -> memref<80x2x128xf32, #tpu.memory_space<vmem>>
      %dma_start3A_50 = arith.constant 0 : i32
      %dma_start3A_51 = tpu.memref_slice %dma_start3A_49[%add3A_44, %dma_start3A_47, %dma_start3A_50] : memref<80x2x128xf32, #tpu.memory_space<vmem>> -> memref<1x1x128xf32, #tpu.memory_space<vmem>>
      %dma_start3A_52 = tpu.memref_squeeze %dma_start3A_51 : memref<1x1x128xf32, #tpu.memory_space<vmem>> -> memref<128xf32, #tpu.memory_space<vmem>>
      %dma_start3A_53 = arith.constant 0 : i32
      %dma_start3A_54 = tpu.memref_slice %arg5[%add3A_46, %dma_start3A_48, %dma_start3A_53] : memref<80x2x128xi32, #tpu.memory_space<vmem>> -> memref<1x1x128xi32, #tpu.memory_space<vmem>>
      %dma_start3A_55 = tpu.memref_squeeze %dma_start3A_54 : memref<1x1x128xi32, #tpu.memory_space<vmem>> -> memref<128xi32, #tpu.memory_space<vmem>>
      %dma_start3A_56 = arith.constant 0 : i32
      %dma_start3A_57 = tpu.memref_slice %arg6[%dma_start3A_56] : memref<10240xf32, #tpu.memory_space<vmem_shared>> -> memref<10240xf32, #tpu.memory_space<vmem_shared>>
      tpu.enqueue_indirect_dma source(%dma_start3A_52 : memref<128xf32, #tpu.memory_space<vmem>>) target(%dma_start3A_57 : memref<10240xf32, #tpu.memory_space<vmem_shared>>) offsets(%dma_start3A_55 : memref<128xi32, #tpu.memory_space<vmem>>) semaphore(%arg7 : memref<!tpu.dma_semaphore, #tpu.memory_space<semaphore_mem>>) {add = true}
      %dma_wait3A_58 = arith.constant 1 : i32
      %dma_wait3A_59 = arith.constant 0 : i32
      %dma_wait3A_60 = tpu.memref_bitcast %arg5 : memref<80x2x128xi32, #tpu.memory_space<vmem>> -> memref<80x2x128xf32, #tpu.memory_space<vmem>>
      %dma_wait3A_61 = arith.constant 0 : i32
      %dma_wait3A_62 = tpu.memref_slice %dma_wait3A_60[%add3A_42, %dma_wait3A_58, %dma_wait3A_61] : memref<80x2x128xf32, #tpu.memory_space<vmem>> -> memref<1x1x128xf32, #tpu.memory_space<vmem>>
      %dma_wait3A_63 = tpu.memref_squeeze %dma_wait3A_62 : memref<1x1x128xf32, #tpu.memory_space<vmem>> -> memref<128xf32, #tpu.memory_space<vmem>>
      %dma_wait3A_64 = arith.constant 0 : i32
      %dma_wait3A_65 = tpu.memref_slice %arg5[%add3A_42, %dma_wait3A_59, %dma_wait3A_64] : memref<80x2x128xi32, #tpu.memory_space<vmem>> -> memref<1x1x128xi32, #tpu.memory_space<vmem>>
      %dma_wait3A_66 = tpu.memref_squeeze %dma_wait3A_65 : memref<1x1x128xi32, #tpu.memory_space<vmem>> -> memref<128xi32, #tpu.memory_space<vmem>>
      %dma_wait3A_67 = arith.constant 0 : i32
      %dma_wait3A_68 = tpu.memref_slice %arg6[%dma_wait3A_67] : memref<10240xf32, #tpu.memory_space<vmem_shared>> -> memref<10240xf32, #tpu.memory_space<vmem_shared>>
      tpu.wait_indirect_dma semaphore(%arg7 : memref<!tpu.dma_semaphore, #tpu.memory_space<semaphore_mem>>) src(%dma_wait3A_63 : memref<128xf32, #tpu.memory_space<vmem>>) dst(%dma_wait3A_68 : memref<10240xf32, #tpu.memory_space<vmem_shared>>)
    }
    %scan3A_20 = arith.constant 79 : i32
    %dma_wait3A = arith.constant 0 : i32
    %dma_wait3A_21 = arith.constant 1 : i32
    %dma_wait3A_22 = arith.constant 0 : i32
    %dma_wait3A_23 = arith.constant 0 : i32
    %dma_wait3A_24 = tpu.memref_bitcast %arg5 : memref<80x2x128xi32, #tpu.memory_space<vmem>> -> memref<80x2x128xf32, #tpu.memory_space<vmem>>
    %dma_wait3A_25 = arith.constant 0 : i32
    %dma_wait3A_26 = tpu.memref_slice %dma_wait3A_24[%dma_wait3A, %dma_wait3A_21, %dma_wait3A_25] : memref<80x2x128xf32, #tpu.memory_space<vmem>> -> memref<1x1x128xf32, #tpu.memory_space<vmem>>
    %dma_wait3A_27 = tpu.memref_squeeze %dma_wait3A_26 : memref<1x1x128xf32, #tpu.memory_space<vmem>> -> memref<128xf32, #tpu.memory_space<vmem>>
    %dma_wait3A_28 = arith.constant 0 : i32
    %dma_wait3A_29 = tpu.memref_slice %arg5[%dma_wait3A_22, %dma_wait3A_23, %dma_wait3A_28] : memref<80x2x128xi32, #tpu.memory_space<vmem>> -> memref<1x1x128xi32, #tpu.memory_space<vmem>>
    %dma_wait3A_30 = tpu.memref_squeeze %dma_wait3A_29 : memref<1x1x128xi32, #tpu.memory_space<vmem>> -> memref<128xi32, #tpu.memory_space<vmem>>
    %dma_wait3A_31 = arith.constant 0 : i32
    %dma_wait3A_32 = tpu.memref_slice %arg6[%dma_wait3A_31] : memref<10240xf32, #tpu.memory_space<vmem_shared>> -> memref<10240xf32, #tpu.memory_space<vmem_shared>>
    tpu.wait_indirect_dma semaphore(%arg7 : memref<!tpu.dma_semaphore, #tpu.memory_space<semaphore_mem>>) src(%dma_wait3A_27 : memref<128xf32, #tpu.memory_space<vmem>>) dst(%dma_wait3A_32 : memref<10240xf32, #tpu.memory_space<vmem_shared>>)
    %barrier3A_33 = arith.constant 0 : index
    tpu.barrier barrier_id(%barrier3A_33)
    %mul3A_34 = arith.constant 640 : i32
    %mul3A_35 = arith.muli %arg1, %mul3A_34 : i32
    %mul3A_36 = arith.constant 640 : i32
    %mul3A_37 = arith.muli %arg1, %mul3A_36 : i32
    "tpu.region"() ({
      %run_scoped3A = tpu.sem_alloc : memref<!tpu.dma_semaphore, #tpu.memory_space<semaphore_mem>>
      %dma_start3A_38 = tpu.memref_slice %arg4[%arg0, %mul3A_37] : memref<2x10240xf32, #tpu.memory_space<hbm>> -> memref<1x640xf32, #tpu.memory_space<hbm>>
      %dma_start3A_39 = tpu.memref_squeeze %dma_start3A_38 : memref<1x640xf32, #tpu.memory_space<hbm>> -> memref<640xf32, #tpu.memory_space<hbm>>
      %dma_start3A_40 = tpu.memref_slice %arg6[%mul3A_35] : memref<10240xf32, #tpu.memory_space<vmem_shared>> -> memref<640xf32, #tpu.memory_space<vmem_shared>>
      tpu.enqueue_dma source(%dma_start3A_40 : memref<640xf32, #tpu.memory_space<vmem_shared>>) target(%dma_start3A_39 : memref<640xf32, #tpu.memory_space<hbm>>) target_semaphore(%run_scoped3A : memref<!tpu.dma_semaphore, #tpu.memory_space<semaphore_mem>>)
      %dma_wait3A_41 = tpu.memref_slice %arg4[%arg0, %mul3A_37] : memref<2x10240xf32, #tpu.memory_space<hbm>> -> memref<1x640xf32, #tpu.memory_space<hbm>>
      %dma_wait3A_42 = tpu.memref_squeeze %dma_wait3A_41 : memref<1x640xf32, #tpu.memory_space<hbm>> -> memref<640xf32, #tpu.memory_space<hbm>>
      %dma_wait3A_43 = tpu.memref_slice %arg6[%mul3A_35] : memref<10240xf32, #tpu.memory_space<vmem_shared>> -> memref<640xf32, #tpu.memory_space<vmem_shared>>
      tpu.wait_dma2 semaphore(%run_scoped3A : memref<!tpu.dma_semaphore, #tpu.memory_space<semaphore_mem>>) src(%dma_wait3A_43 : memref<640xf32, #tpu.memory_space<vmem_shared>>) dst(%dma_wait3A_42 : memref<640xf32, #tpu.memory_space<hbm>>)
      tpu.yield
    }) : () -> ()
    return
  }
}

module attributes {stable_mosaic.version = 14 : i64} {
  func.func @body(%arg0: i32, %arg1: memref<1024x128xf32, #tpu.memory_space<vmem>>, %arg2: memref<128x128xf32, #tpu.memory_space<vmem>>, %arg3: memref<2x1024x1xf32, #tpu.memory_space<vmem>>, %arg4: memref<1024x128xf32, #tpu.memory_space<vmem>>) attributes {dimension_semantics = [#tpu.dimension_semantics<arbitrary>], iteration_bounds = array<i64: 10>, scalar_prefetch = 0 : i64, scratch_operands = 0 : i64, tpu.core_type = #tpu.core_type<tc>, window_params = [{transform_indices = @transform_0, window_bounds = array<i64: 1024, 128>}, {pipeline_mode = #tpu.pipeline_mode<synchronous>, transform_indices = @transform_1, window_bounds = array<i64: 128, 128>}, {transform_indices = @transform_2, window_bounds = array<i64: 2, 1024, 1>}, {transform_indices = @transform_3, window_bounds = array<i64: 1024, 128>}]} {
    %get3A = arith.constant 0 : index
    %get3A_0 = arith.constant 0 : index
    %get3A_1 = arith.constant 0 : index
    %get3A_2 = vector.load %arg3[%get3A, %get3A_0, %get3A_1] : memref<2x1024x1xf32, #tpu.memory_space<vmem>>, vector<1x1024x1xf32>
    %get3A_3 = vector.shape_cast %get3A_2 : vector<1x1024x1xf32> to vector<1024x1xf32>
    %get3A_4 = arith.constant 1 : index
    %get3A_5 = arith.constant 0 : index
    %get3A_6 = arith.constant 0 : index
    %get3A_7 = vector.load %arg3[%get3A_4, %get3A_5, %get3A_6] : memref<2x1024x1xf32, #tpu.memory_space<vmem>>, vector<1x1024x1xf32>
    %get3A_8 = vector.shape_cast %get3A_7 : vector<1x1024x1xf32> to vector<1024x1xf32>
    %add3A = arith.addf %get3A_3, %get3A_8 : vector<1024x1xf32>
    %add3A_9 = arith.constant 1.000000e+00 : f32
    %add3A_10 = vector.broadcast %add3A_9 : f32 to vector<1024x1xf32>
    %add3A_11 = arith.addf %add3A, %add3A_10 : vector<1024x1xf32>
    %rsqrt3A = math.rsqrt %add3A_11 : vector<1024x1xf32>
    %get3A_12 = arith.constant 0 : index
    %get3A_13 = arith.constant 0 : index
    %get3A_14 = vector.load %arg1[%get3A_12, %get3A_13] : memref<1024x128xf32, #tpu.memory_space<vmem>>, vector<1024x128xf32>
    %convert_element_type3A = arith.truncf %get3A_14 : vector<1024x128xf32> to vector<1024x128xbf16>
    %get3A_15 = arith.constant 0 : index
    %get3A_16 = arith.constant 0 : index
    %get3A_17 = vector.load %arg2[%get3A_15, %get3A_16] : memref<128x128xf32, #tpu.memory_space<vmem>>, vector<128x128xf32>
    %convert_element_type3A_18 = arith.truncf %get3A_17 : vector<128x128xf32> to vector<128x128xbf16>
    %dot_general3A = arith.constant dense<0.000000e+00> : vector<1024x128xf32>
    %dot_general3A_19 = tpu.matmul %convert_element_type3A, %convert_element_type3A_18, %dot_general3A {dimension_numbers = #tpu.dot_dimension_numbers<[1], [1], [0], [0], [0, 0, 1, 0], [], []>, transpose_lhs_hint = false} : vector<1024x128xbf16>, vector<128x128xbf16>, vector<1024x128xf32> -> vector<1024x128xf32>
    %mul3A = vector.broadcast %rsqrt3A : vector<1024x1xf32> to vector<1024x128xf32>
    %mul3A_20 = arith.mulf %dot_general3A_19, %mul3A : vector<1024x128xf32>
    %swap3A = arith.constant 0 : index
    %swap3A_21 = arith.constant 0 : index
    %swap3A_22 = vector.load %arg4[%swap3A, %swap3A_21] : memref<1024x128xf32, #tpu.memory_space<vmem>>, vector<1024x128xf32>
    tpu.vector_store %arg4[%swap3A, %swap3A_21], %mul3A_20 {strides = array<i32>} : memref<1024x128xf32, #tpu.memory_space<vmem>>, vector<1024x128xf32>,
    return
  }
  func.func @transform_0(%arg0: i32) -> (i32, i32) {
    %c0_i32 = arith.constant 0 : i32
    %c0_i32_0 = arith.constant 0 : i32
    return %arg0, %c0_i32 : i32, i32
  }
  func.func @transform_1(%arg0: i32) -> (i32, i32) {
    %c0_i32 = arith.constant 0 : i32
    %c0_i32_0 = arith.constant 0 : i32
    %c0_i32_1 = arith.constant 0 : i32
    return %c0_i32, %c0_i32_0 : i32, i32
  }
  func.func @transform_2(%arg0: i32) -> (i32, i32, i32) {
    %c0_i32 = arith.constant 0 : i32
    %c0_i32_0 = arith.constant 0 : i32
    %c0_i32_1 = arith.constant 0 : i32
    return %c0_i32, %arg0, %c0_i32_0 : i32, i32, i32
  }
  func.func @transform_3(%arg0: i32) -> (i32, i32) {
    %c0_i32 = arith.constant 0 : i32
    %c0_i32_0 = arith.constant 0 : i32
    return %arg0, %c0_i32 : i32, i32
  }
}

module attributes {stable_mosaic.version = 14 : i64} {
  func.func @body(%arg0: i32, %arg1: memref<2x1024x128xf32, #tpu.memory_space<vmem>>, %arg2: memref<1024x128xf32, #tpu.memory_space<vmem>>, %arg3: memref<2x1024x1xf32, #tpu.memory_space<vmem>>, %arg4: memref<1x128xf32, #tpu.memory_space<vmem>>, %arg5: memref<128x128xf32, #tpu.memory_space<vmem>>, %arg6: memref<1024x128xf32, #tpu.memory_space<vmem>>) attributes {dimension_semantics = [#tpu.dimension_semantics<arbitrary>], iteration_bounds = array<i64: 10>, scalar_prefetch = 0 : i64, scratch_operands = 0 : i64, tpu.core_type = #tpu.core_type<tc>, window_params = [{transform_indices = @transform_0, window_bounds = array<i64: 2, 1024, 128>}, {transform_indices = @transform_1, window_bounds = array<i64: 1024, 128>}, {transform_indices = @transform_2, window_bounds = array<i64: 2, 1024, 1>}, {pipeline_mode = #tpu.pipeline_mode<synchronous>, transform_indices = @transform_3, window_bounds = array<i64: 1, 128>}, {pipeline_mode = #tpu.pipeline_mode<synchronous>, transform_indices = @transform_4, window_bounds = array<i64: 128, 128>}, {transform_indices = @transform_5, window_bounds = array<i64: 1024, 128>}]} {
    %get3A = arith.constant 0 : index
    %get3A_0 = arith.constant 0 : index
    %get3A_1 = arith.constant 0 : index
    %get3A_2 = vector.load %arg3[%get3A, %get3A_0, %get3A_1] : memref<2x1024x1xf32, #tpu.memory_space<vmem>>, vector<1x1024x1xf32>
    %get3A_3 = vector.shape_cast %get3A_2 : vector<1x1024x1xf32> to vector<1024x1xf32>
    %get3A_4 = arith.constant 1 : index
    %get3A_5 = arith.constant 0 : index
    %get3A_6 = arith.constant 0 : index
    %get3A_7 = vector.load %arg3[%get3A_4, %get3A_5, %get3A_6] : memref<2x1024x1xf32, #tpu.memory_space<vmem>>, vector<1x1024x1xf32>
    %get3A_8 = vector.shape_cast %get3A_7 : vector<1x1024x1xf32> to vector<1024x1xf32>
    %add3A = arith.addf %get3A_3, %get3A_8 : vector<1024x1xf32>
    %add3A_9 = arith.constant 1.000000e+00 : f32
    %add3A_10 = vector.broadcast %add3A_9 : f32 to vector<1024x1xf32>
    %add3A_11 = arith.addf %add3A, %add3A_10 : vector<1024x1xf32>
    %rsqrt3A = math.rsqrt %add3A_11 : vector<1024x1xf32>
    %get3A_12 = arith.constant 0 : index
    %get3A_13 = arith.constant 0 : index
    %get3A_14 = arith.constant 0 : index
    %get3A_15 = vector.load %arg1[%get3A_12, %get3A_13, %get3A_14] : memref<2x1024x128xf32, #tpu.memory_space<vmem>>, vector<1x1024x128xf32>
    %get3A_16 = vector.shape_cast %get3A_15 : vector<1x1024x128xf32> to vector<1024x128xf32>
    %get3A_17 = arith.constant 1 : index
    %get3A_18 = arith.constant 0 : index
    %get3A_19 = arith.constant 0 : index
    %get3A_20 = vector.load %arg1[%get3A_17, %get3A_18, %get3A_19] : memref<2x1024x128xf32, #tpu.memory_space<vmem>>, vector<1x1024x128xf32>
    %get3A_21 = vector.shape_cast %get3A_20 : vector<1x1024x128xf32> to vector<1024x128xf32>
    %add3A_22 = arith.addf %get3A_16, %get3A_21 : vector<1024x128xf32>
    %get3A_23 = arith.constant 0 : index
    %get3A_24 = arith.constant 0 : index
    %get3A_25 = vector.load %arg2[%get3A_23, %get3A_24] : memref<1024x128xf32, #tpu.memory_space<vmem>>, vector<1024x128xf32>
    %add3A_26 = arith.addf %add3A_22, %get3A_25 : vector<1024x128xf32>
    %mul3A = vector.broadcast %rsqrt3A : vector<1024x1xf32> to vector<1024x128xf32>
    %mul3A_27 = arith.mulf %mul3A, %add3A_26 : vector<1024x128xf32>
    %get3A_28 = arith.constant 0 : index
    %get3A_29 = arith.constant 0 : index
    %get3A_30 = vector.load %arg4[%get3A_28, %get3A_29] : memref<1x128xf32, #tpu.memory_space<vmem>>, vector<1x128xf32>
    %add3A_31 = vector.broadcast %get3A_30 : vector<1x128xf32> to vector<1024x128xf32>
    %add3A_32 = arith.addf %mul3A_27, %add3A_31 : vector<1024x128xf32>
    %max3A = arith.constant 0.000000e+00 : f32
    %max3A_33 = vector.broadcast %max3A : f32 to vector<1024x128xf32>
    %max3A_34 = arith.maximumf %add3A_32, %max3A_33 : vector<1024x128xf32>
    %convert_element_type3A = arith.truncf %max3A_34 : vector<1024x128xf32> to vector<1024x128xbf16>
    %get3A_35 = arith.constant 0 : index
    %get3A_36 = arith.constant 0 : index
    %get3A_37 = vector.load %arg5[%get3A_35, %get3A_36] : memref<128x128xf32, #tpu.memory_space<vmem>>, vector<128x128xf32>
    %convert_element_type3A_38 = arith.truncf %get3A_37 : vector<128x128xf32> to vector<128x128xbf16>
    %dot_general3A = arith.constant dense<0.000000e+00> : vector<1024x128xf32>
    %dot_general3A_39 = tpu.matmul %convert_element_type3A, %convert_element_type3A_38, %dot_general3A {dimension_numbers = #tpu.dot_dimension_numbers<[1], [1], [0], [0], [0, 0, 1, 0], [], []>, transpose_lhs_hint = false} : vector<1024x128xbf16>, vector<128x128xbf16>, vector<1024x128xf32> -> vector<1024x128xf32>
    %mul3A_40 = vector.broadcast %rsqrt3A : vector<1024x1xf32> to vector<1024x128xf32>
    %mul3A_41 = arith.mulf %dot_general3A_39, %mul3A_40 : vector<1024x128xf32>
    %swap3A = arith.constant 0 : index
    %swap3A_42 = arith.constant 0 : index
    %swap3A_43 = vector.load %arg6[%swap3A, %swap3A_42] : memref<1024x128xf32, #tpu.memory_space<vmem>>, vector<1024x128xf32>
    tpu.vector_store %arg6[%swap3A, %swap3A_42], %mul3A_41 {strides = array<i32>} : memref<1024x128xf32, #tpu.memory_space<vmem>>, vector<1024x128xf32>,
    return
  }
  func.func @transform_0(%arg0: i32) -> (i32, i32, i32) {
    %c0_i32 = arith.constant 0 : i32
    %c0_i32_0 = arith.constant 0 : i32
    %c0_i32_1 = arith.constant 0 : i32
    return %c0_i32, %arg0, %c0_i32_0 : i32, i32, i32
  }
  func.func @transform_1(%arg0: i32) -> (i32, i32) {
    %c0_i32 = arith.constant 0 : i32
    %c0_i32_0 = arith.constant 0 : i32
    return %arg0, %c0_i32 : i32, i32
  }
  func.func @transform_2(%arg0: i32) -> (i32, i32, i32) {
    %c0_i32 = arith.constant 0 : i32
    %c0_i32_0 = arith.constant 0 : i32
    %c0_i32_1 = arith.constant 0 : i32
    return %c0_i32, %arg0, %c0_i32_0 : i32, i32, i32
  }
  func.func @transform_3(%arg0: i32) -> (i32, i32) {
    %c0_i32 = arith.constant 0 : i32
    %c0_i32_0 = arith.constant 0 : i32
    %c0_i32_1 = arith.constant 0 : i32
    return %c0_i32, %c0_i32_0 : i32, i32
  }
  func.func @transform_4(%arg0: i32) -> (i32, i32) {
    %c0_i32 = arith.constant 0 : i32
    %c0_i32_0 = arith.constant 0 : i32
    %c0_i32_1 = arith.constant 0 : i32
    return %c0_i32, %c0_i32_0 : i32, i32
  }
  func.func @transform_5(%arg0: i32) -> (i32, i32) {
    %c0_i32 = arith.constant 0 : i32
    %c0_i32_0 = arith.constant 0 : i32
    return %arg0, %c0_i32 : i32, i32
  }
}

module attributes {stable_mosaic.version = 14 : i64} {
  func.func @body(%arg0: i32, %arg1: memref<2x1024x128xf32, #tpu.memory_space<vmem>>, %arg2: memref<1024x128xf32, #tpu.memory_space<vmem>>, %arg3: memref<2x1024x1xf32, #tpu.memory_space<vmem>>, %arg4: memref<1x128xf32, #tpu.memory_space<vmem>>, %arg5: memref<1x1024x1xi32, #tpu.memory_space<vmem>>, %arg6: memref<128x128xf32, #tpu.memory_space<vmem>>, %arg7: memref<1x128xf32, #tpu.memory_space<vmem>>, %arg8: memref<64x128xf32, #tpu.memory_space<vmem>>, %arg9: memref<64x128xf32, #tpu.memory_space<vmem>>, %arg10: memref<64x1xf32, #tpu.memory_space<vmem>>) attributes {dimension_semantics = [#tpu.dimension_semantics<arbitrary>], iteration_bounds = array<i64: 10>, scalar_prefetch = 0 : i64, scratch_operands = 2 : i64, tpu.core_type = #tpu.core_type<tc>, window_params = [{transform_indices = @transform_0, window_bounds = array<i64: 2, 1024, 128>}, {transform_indices = @transform_1, window_bounds = array<i64: 1024, 128>}, {transform_indices = @transform_2, window_bounds = array<i64: 2, 1024, 1>}, {pipeline_mode = #tpu.pipeline_mode<synchronous>, transform_indices = @transform_3, window_bounds = array<i64: 1, 128>}, {transform_indices = @transform_4, window_bounds = array<i64: 1, 1024, 1>}, {pipeline_mode = #tpu.pipeline_mode<synchronous>, transform_indices = @transform_5, window_bounds = array<i64: 128, 128>}, {pipeline_mode = #tpu.pipeline_mode<synchronous>, transform_indices = @transform_6, window_bounds = array<i64: 1, 128>}, {pipeline_mode = #tpu.pipeline_mode<synchronous>, transform_indices = @transform_7, window_bounds = array<i64: 64, 128>}]} {
    %eq3A = arith.constant 0 : i32
    %eq3A_0 = arith.cmpi eq, %arg0, %eq3A : i32
    %convert_element_type3A = arith.extui %eq3A_0 : i1 to i32
    %cond3A = arith.constant 0 : i32
    %cond3A_1 = arith.cmpi ne, %convert_element_type3A, %cond3A : i32
    scf.if %cond3A_1 {
      %broadcast_in_dim3A_69 = arith.constant 0.000000e+00 : f32
      %broadcast_in_dim3A_70 = vector.broadcast %broadcast_in_dim3A_69 : f32 to vector<64x128xf32>
      %swap3A_71 = arith.constant 0 : index
      %swap3A_72 = arith.constant 0 : index
      %swap3A_73 = vector.load %arg9[%swap3A_71, %swap3A_72] : memref<64x128xf32, #tpu.memory_space<vmem>>, vector<64x128xf32>
      tpu.vector_store %arg9[%swap3A_71, %swap3A_72], %broadcast_in_dim3A_70 {strides = array<i32>} : memref<64x128xf32, #tpu.memory_space<vmem>>, vector<64x128xf32>,
      %broadcast_in_dim3A_74 = arith.constant 0.000000e+00 : f32
      %broadcast_in_dim3A_75 = vector.broadcast %broadcast_in_dim3A_74 : f32 to vector<64x1xf32>
      %swap3A_76 = arith.constant 0 : index
      %swap3A_77 = arith.constant 0 : index
      %swap3A_78 = vector.load %arg10[%swap3A_76, %swap3A_77] : memref<64x1xf32, #tpu.memory_space<vmem>>, vector<64x1xf32>
      tpu.vector_store %arg10[%swap3A_76, %swap3A_77], %broadcast_in_dim3A_75 {strides = array<i32>} : memref<64x1xf32, #tpu.memory_space<vmem>>, vector<64x1xf32>,
    } else {
    }
    %get3A = arith.constant 0 : index
    %get3A_2 = arith.constant 0 : index
    %get3A_3 = arith.constant 0 : index
    %get3A_4 = vector.load %arg3[%get3A, %get3A_2, %get3A_3] : memref<2x1024x1xf32, #tpu.memory_space<vmem>>, vector<1x1024x1xf32>
    %get3A_5 = vector.shape_cast %get3A_4 : vector<1x1024x1xf32> to vector<1024x1xf32>
    %get3A_6 = arith.constant 1 : index
    %get3A_7 = arith.constant 0 : index
    %get3A_8 = arith.constant 0 : index
    %get3A_9 = vector.load %arg3[%get3A_6, %get3A_7, %get3A_8] : memref<2x1024x1xf32, #tpu.memory_space<vmem>>, vector<1x1024x1xf32>
    %get3A_10 = vector.shape_cast %get3A_9 : vector<1x1024x1xf32> to vector<1024x1xf32>
    %add3A = arith.addf %get3A_5, %get3A_10 : vector<1024x1xf32>
    %add3A_11 = arith.constant 1.000000e+00 : f32
    %add3A_12 = vector.broadcast %add3A_11 : f32 to vector<1024x1xf32>
    %add3A_13 = arith.addf %add3A, %add3A_12 : vector<1024x1xf32>
    %rsqrt3A = math.rsqrt %add3A_13 : vector<1024x1xf32>
    %get3A_14 = arith.constant 0 : index
    %get3A_15 = arith.constant 0 : index
    %get3A_16 = arith.constant 0 : index
    %get3A_17 = vector.load %arg1[%get3A_14, %get3A_15, %get3A_16] : memref<2x1024x128xf32, #tpu.memory_space<vmem>>, vector<1x1024x128xf32>
    %get3A_18 = vector.shape_cast %get3A_17 : vector<1x1024x128xf32> to vector<1024x128xf32>
    %get3A_19 = arith.constant 1 : index
    %get3A_20 = arith.constant 0 : index
    %get3A_21 = arith.constant 0 : index
    %get3A_22 = vector.load %arg1[%get3A_19, %get3A_20, %get3A_21] : memref<2x1024x128xf32, #tpu.memory_space<vmem>>, vector<1x1024x128xf32>
    %get3A_23 = vector.shape_cast %get3A_22 : vector<1x1024x128xf32> to vector<1024x128xf32>
    %add3A_24 = arith.addf %get3A_18, %get3A_23 : vector<1024x128xf32>
    %get3A_25 = arith.constant 0 : index
    %get3A_26 = arith.constant 0 : index
    %get3A_27 = vector.load %arg2[%get3A_25, %get3A_26] : memref<1024x128xf32, #tpu.memory_space<vmem>>, vector<1024x128xf32>
    %add3A_28 = arith.addf %add3A_24, %get3A_27 : vector<1024x128xf32>
    %mul3A = vector.broadcast %rsqrt3A : vector<1024x1xf32> to vector<1024x128xf32>
    %mul3A_29 = arith.mulf %mul3A, %add3A_28 : vector<1024x128xf32>
    %get3A_30 = arith.constant 0 : index
    %get3A_31 = arith.constant 0 : index
    %get3A_32 = vector.load %arg4[%get3A_30, %get3A_31] : memref<1x128xf32, #tpu.memory_space<vmem>>, vector<1x128xf32>
    %add3A_33 = vector.broadcast %get3A_32 : vector<1x128xf32> to vector<1024x128xf32>
    %add3A_34 = arith.addf %mul3A_29, %add3A_33 : vector<1024x128xf32>
    %max3A = arith.constant 0.000000e+00 : f32
    %max3A_35 = vector.broadcast %max3A : f32 to vector<1024x128xf32>
    %max3A_36 = arith.maximumf %add3A_34, %max3A_35 : vector<1024x128xf32>
    %get3A_37 = arith.constant 0 : index
    %get3A_38 = arith.constant 0 : index
    %get3A_39 = arith.constant 0 : index
    %get3A_40 = vector.load %arg5[%get3A_37, %get3A_38, %get3A_39] : memref<1x1024x1xi32, #tpu.memory_space<vmem>>, vector<1x1024x1xi32>
    %get3A_41 = vector.shape_cast %get3A_40 : vector<1x1024x1xi32> to vector<1024x1xi32>
    %iota3A = tpu.iota {dimensions = array<i32: 1>} : vector<1x64xi32>
    %eq3A_42 = vector.broadcast %get3A_41 : vector<1024x1xi32> to vector<1024x64xi32>
    %eq3A_43 = vector.broadcast %iota3A : vector<1x64xi32> to vector<1024x64xi32>
    %eq3A_44 = arith.cmpi eq, %eq3A_42, %eq3A_43 : vector<1024x64xi32>
    %convert_element_type3A_45 = arith.extui %eq3A_44 : vector<1024x64xi1> to vector<1024x64xi32>
    %convert_element_type3A_46 = arith.sitofp %convert_element_type3A_45 : vector<1024x64xi32> to vector<1024x64xf32>
    %get3A_47 = arith.constant 0 : index
    %get3A_48 = arith.constant 0 : index
    %get3A_49 = vector.load %arg9[%get3A_47, %get3A_48] : memref<64x128xf32, #tpu.memory_space<vmem>>, vector<64x128xf32>
    %dot_general3A = arith.constant dense<0.000000e+00> : vector<64x128xf32>
    %dot_general3A_50 = tpu.matmul %convert_element_type3A_46, %max3A_36, %dot_general3A {dimension_numbers = #tpu.dot_dimension_numbers<[0], [0], [1], [1], [0, 1, 1, 1], [], []>, transpose_lhs_hint = false} : vector<1024x64xf32>, vector<1024x128xf32>, vector<64x128xf32> -> vector<64x128xf32>
    %add3A_51 = arith.addf %get3A_49, %dot_general3A_50 : vector<64x128xf32>
    %swap3A = arith.constant 0 : index
    %swap3A_52 = arith.constant 0 : index
    %swap3A_53 = vector.load %arg9[%swap3A, %swap3A_52] : memref<64x128xf32, #tpu.memory_space<vmem>>, vector<64x128xf32>
    tpu.vector_store %arg9[%swap3A, %swap3A_52], %add3A_51 {strides = array<i32>} : memref<64x128xf32, #tpu.memory_space<vmem>>, vector<64x128xf32>,
    %broadcast_in_dim3A = arith.constant 1.000000e+00 : f32
    %broadcast_in_dim3A_54 = vector.broadcast %broadcast_in_dim3A : f32 to vector<1024x1xf32>
    %get3A_55 = arith.constant 0 : index
    %get3A_56 = arith.constant 0 : index
    %get3A_57 = vector.load %arg10[%get3A_55, %get3A_56] : memref<64x1xf32, #tpu.memory_space<vmem>>, vector<64x1xf32>
    %dot_general3A_58 = arith.constant dense<0.000000e+00> : vector<64x1xf32>
    %dot_general3A_59 = tpu.matmul %convert_element_type3A_46, %broadcast_in_dim3A_54, %dot_general3A_58 {dimension_numbers = #tpu.dot_dimension_numbers<[0], [0], [1], [1], [0, 1, 1, 1], [], []>, transpose_lhs_hint = false} : vector<1024x64xf32>, vector<1024x1xf32>, vector<64x1xf32> -> vector<64x1xf32>
    %add3A_60 = arith.addf %get3A_57, %dot_general3A_59 : vector<64x1xf32>
    %swap3A_61 = arith.constant 0 : index
    %swap3A_62 = arith.constant 0 : index
    %swap3A_63 = vector.load %arg10[%swap3A_61, %swap3A_62] : memref<64x1xf32, #tpu.memory_space<vmem>>, vector<64x1xf32>
    tpu.vector_store %arg10[%swap3A_61, %swap3A_62], %add3A_60 {strides = array<i32>} : memref<64x1xf32, #tpu.memory_space<vmem>>, vector<64x1xf32>,
    %eq3A_64 = arith.constant 9 : i32
    %eq3A_65 = arith.cmpi eq, %arg0, %eq3A_64 : i32
    %convert_element_type3A_66 = arith.extui %eq3A_65 : i1 to i32
    %cond3A_67 = arith.constant 0 : i32
    %cond3A_68 = arith.cmpi ne, %convert_element_type3A_66, %cond3A_67 : i32
    scf.if %cond3A_68 {
      %get3A_69 = arith.constant 0 : index
      %get3A_70 = arith.constant 0 : index
      %get3A_71 = vector.load %arg9[%get3A_69, %get3A_70] : memref<64x128xf32, #tpu.memory_space<vmem>>, vector<64x128xf32>
      %get3A_72 = arith.constant 0 : index
      %get3A_73 = arith.constant 0 : index
      %get3A_74 = vector.load %arg10[%get3A_72, %get3A_73] : memref<64x1xf32, #tpu.memory_space<vmem>>, vector<64x1xf32>
      %max3A_75 = arith.constant 1.000000e+00 : f32
      %max3A_76 = vector.broadcast %max3A_75 : f32 to vector<64x1xf32>
      %max3A_77 = arith.maximumf %get3A_74, %max3A_76 : vector<64x1xf32>
      %div3A = vector.broadcast %max3A_77 : vector<64x1xf32> to vector<64x128xf32>
      %div3A_78 = arith.divf %get3A_71, %div3A : vector<64x128xf32>
      %get3A_79 = arith.constant 0 : index
      %get3A_80 = arith.constant 0 : index
      %get3A_81 = vector.load %arg6[%get3A_79, %get3A_80] : memref<128x128xf32, #tpu.memory_space<vmem>>, vector<128x128xf32>
      %dot_general3A_82 = arith.constant dense<0.000000e+00> : vector<64x128xf32>
      %dot_general3A_83 = tpu.matmul %div3A_78, %get3A_81, %dot_general3A_82 {dimension_numbers = #tpu.dot_dimension_numbers<[1], [1], [0], [0], [0, 0, 1, 0], [], []>, transpose_lhs_hint = false} : vector<64x128xf32>, vector<128x128xf32>, vector<64x128xf32> -> vector<64x128xf32>
      %get3A_84 = arith.constant 0 : index
      %get3A_85 = arith.constant 0 : index
      %get3A_86 = vector.load %arg7[%get3A_84, %get3A_85] : memref<1x128xf32, #tpu.memory_space<vmem>>, vector<1x128xf32>
      %add3A_87 = vector.broadcast %get3A_86 : vector<1x128xf32> to vector<64x128xf32>
      %add3A_88 = arith.addf %dot_general3A_83, %add3A_87 : vector<64x128xf32>
      %swap3A_89 = arith.constant 0 : index
      %swap3A_90 = arith.constant 0 : index
      %swap3A_91 = vector.load %arg8[%swap3A_89, %swap3A_90] : memref<64x128xf32, #tpu.memory_space<vmem>>, vector<64x128xf32>
      tpu.vector_store %arg8[%swap3A_89, %swap3A_90], %add3A_88 {strides = array<i32>} : memref<64x128xf32, #tpu.memory_space<vmem>>, vector<64x128xf32>,
    } else {
    }
    return
  }
  func.func @transform_0(%arg0: i32) -> (i32, i32, i32) {
    %c0_i32 = arith.constant 0 : i32
    %c0_i32_0 = arith.constant 0 : i32
    %c0_i32_1 = arith.constant 0 : i32
    return %c0_i32, %arg0, %c0_i32_0 : i32, i32, i32
  }
  func.func @transform_1(%arg0: i32) -> (i32, i32) {
    %c0_i32 = arith.constant 0 : i32
    %c0_i32_0 = arith.constant 0 : i32
    return %arg0, %c0_i32 : i32, i32
  }
  func.func @transform_2(%arg0: i32) -> (i32, i32, i32) {
    %c0_i32 = arith.constant 0 : i32
    %c0_i32_0 = arith.constant 0 : i32
    %c0_i32_1 = arith.constant 0 : i32
    return %c0_i32, %arg0, %c0_i32_0 : i32, i32, i32
  }
  func.func @transform_3(%arg0: i32) -> (i32, i32) {
    %c0_i32 = arith.constant 0 : i32
    %c0_i32_0 = arith.constant 0 : i32
    %c0_i32_1 = arith.constant 0 : i32
    return %c0_i32, %c0_i32_0 : i32, i32
  }
  func.func @transform_4(%arg0: i32) -> (i32, i32, i32) {
    %c0_i32 = arith.constant 0 : i32
    %c0_i32_0 = arith.constant 0 : i32
    %c0_i32_1 = arith.constant 0 : i32
    return %arg0, %c0_i32, %c0_i32_0 : i32, i32, i32
  }
  func.func @transform_5(%arg0: i32) -> (i32, i32) {
    %c0_i32 = arith.constant 0 : i32
    %c0_i32_0 = arith.constant 0 : i32
    %c0_i32_1 = arith.constant 0 : i32
    return %c0_i32, %c0_i32_0 : i32, i32
  }
  func.func @transform_6(%arg0: i32) -> (i32, i32) {
    %c0_i32 = arith.constant 0 : i32
    %c0_i32_0 = arith.constant 0 : i32
    %c0_i32_1 = arith.constant 0 : i32
    return %c0_i32, %c0_i32_0 : i32, i32
  }
  func.func @transform_7(%arg0: i32) -> (i32, i32) {
    %c0_i32 = arith.constant 0 : i32
    %c0_i32_0 = arith.constant 0 : i32
    %c0_i32_1 = arith.constant 0 : i32
    return %c0_i32, %c0_i32_0 : i32, i32
  }
}

</mosaic_0001>

<sc_bundles>
// kernel: kernel.11.cloned.1.call-start
scs
__scs_entry_jumppad:
0x0: {  	(pc) =	sbr.rel $0x88, $3  }
0x1: {  	(tag) =	ssettag $0x0;
	lr =	simm.s32 $0x1  }
0x2: {  	[smem:$0x3F97] =	sst lr;
	_ =	strace $0xD0000000  }
0x3: {  	_ = 	snop  }
0x4: {  	_ = 	snop  }
0x5: {  	_ = 	snop  }
0x6: {  	_ = 	snop  }
0x7: {  	_ = 	snop  }
__scs_overlays_trampoline_lowered:
0x8: {  	[smem:$0x3FA6] =	sst s0  }
0x9: {  	[smem:$0x3FA7] =	sst s1  }
0xa: {  	[smem:$0x3FA8] =	sst s2  }
0xb: {  	[smem:$0x3FA9] =	sst s3  }
0xc: {  	[smem:$0x3FAA] =	sst s4  }
0xd: {  	[smem:$0x3FAB] =	sst s5  }
0xe: {  	[smem:$0x3FAC] =	sst s6  }
0xf: {  	[smem:$0x3FAD] =	sst s7  }
0x10: {  	[smem:$0x3FAE] =	sst s8  }
0x11: {  	[smem:$0x3FAF] =	sst s9;
	s0 =	simm.s32 @!p0 $0x0  }
0x12: {  	s1 =	sld [smem:$0x3F95];
	s0 =	simm.s32 @p0 $0x1  }
0x13: {  	[smem:$0x3FB0] =	sst s0;
	s0 =	simm.s32 @!p1 $0x0  }
0x14: {  	s2 =	sld [smem:$0x3F94];
	s0 =	simm.s32 @p1 $0x1  }
0x15: {  	[smem:$0x3FB1] =	sst s0;
	s0 =	simm.s32 @!p2 $0x0  }
0x16: {  	s3 =	sld [smem:$0x3FDB];
	s0 =	simm.s32 @p2 $0x1  }
0x17: {  	s4 =	simm.s32 $0x1BF5;
	[smem:$0x3FB3] =	sst s0  }
0x18: {  	s0 =	sld [smem:$0x3F96];
	_ =	swait.ge [sflag:s4], $0x0  }
0x19: {  	s7 =	sld [smem:$0x3F97]  }
0x1a: {  	s8 =	sadd.s32 $0xFFFFE003, lr  }
0x1b: {  	s9 =	sadd.s32 $0xFFFFFEF7, lr;
	s5 =	simm.s32 $0xFFFFFFFF;
	p2 =	slt.u32 s8, $0xFFFFF086  }
0x1c: {  	p1 =	slt.u32 s9, $0xF7A;
	s5 =	simm.s32 @!p2 $0x0  }
0x1d: {  	s5 =	simm.s32 @p1 $0x1;
	p0 =	seq.s32 s7, s2  }
0x1e: {  	s7 =	smul.u32 @!p0 $0xF7A, s2;
	p2 =	seq.s32 @!p0 s5, $0x0  }
0x1f: {  	s9 =	smul.u32 $0xF7A, s1;
	s8 =	simm.s32 @!p0 $0x1BF5;
	p2 =	por !p2, p0  }
0x20: {  	[sflag:s8] =	ssyncset.s32 @!p0 $0xFFFFF086;
	s6 =	sadd.s32 @!p0 s3, s7;
	s7 =	simm.s32 @!p0 $0x108  }
0x21: {  	s3 =	sadd.s32 s3, s9;
	s6 =	sadd.s32 @!p0 $0x88, s6;
	s7 =	simm.s32 @p2 $0x1082  }
0x22: {  	[simem:s7], [sflag:s8] =	dma.local @!p0 [hbm:s6], $0xF7A  }
0x23: {  	s9 =	sor.u32 $0xD0000000, s2;
	s6 =	simm.s32 $0x108;
	_ =	swait.ge @!p0 [sflag:s8], $0x0  }
0x24: {  	s3 =	sadd.s32 $0x88, s3;
	s6 =	simm.s32 @!p1 $0x1082;
	[sflag:s4] =	ssyncset.s32 $0xFFFFF086  }
0x25: {  	[simem:s6], [sflag:s4] =	dma.local [hbm:s3], $0xF7A  }
0x26: {  	[smem:$0x3F97] =	sst s1;
	(tag) =	ssettag s2;
	_ =	strace s9  }
0x27: {  	s1 =	sld [smem:$0x3FA7]  }
0x28: {  	s2 =	sld [smem:$0x3FA8]  }
0x29: {  	s4 =	sld [smem:$0x3FAA]  }
0x2a: {  	p0 =	seq.s32 s5, $0x0;
	s5 =	sld [smem:$0x3FAB]  }
0x2b: {  	s6 =	sld [smem:$0x3FAC]  }
0x2c: {  	s7 =	sld [smem:$0x3FAD]  }
0x2d: {  	s3 =	simm.s32 $0x108;
	s8 =	sld [smem:$0x3FAE]  }
0x2e: {  	s3 =	simm.s32 @!p0 $0x1082;
	s9 =	sld [smem:$0x3FAF]  }
0x2f: {  	lr =	sadd.s32 s0, s3;
	s0 =	sld [smem:$0x3FA6]  }
0x30: {  	s3 =	sld [smem:$0x3FA9]  }
0x31: {  	[smem:$0x3FB2] =	sst s10  }
0x32: {  	s10 =	sld [smem:$0x3FB0];
	_ =	sdelay $0x3  }
0x33: {  	p0 =	seq.s32 s10, $0x1;
	s10 =	sld [smem:$0x3FB2];
	_ =	sdelay $0x3  }
0x34: {  	[smem:$0x3FB2] =	sst s10  }
0x35: {  	s10 =	sld [smem:$0x3FB1];
	_ =	sdelay $0x3  }
0x36: {  	p1 =	seq.s32 s10, $0x1;
	s10 =	sld [smem:$0x3FB2];
	_ =	sdelay $0x3  }
0x37: {  	[smem:$0x3FB2] =	sst s10  }
0x38: {  	s10 =	sld [smem:$0x3FB3]  }
0x39: {  	_ = 	snop;
	(pc) =	sbr.ind lr, $3  }
0x3a: {  	_ = 	snop  }
0x3b: {  	_ = 	snop  }
0x3c: {  	p2 =	seq.s32 s10, $0x1;
	s10 =	sld [smem:$0x3FB2]  }
0x3d: {  	_ =	shalt  }
0x3e: {  	_ =	shalt  }
0x3f: {  	_ =	shalt  }
0x40: {  	_ =	shalt  }
0x41: {  	_ =	shalt  }
0x42: {  	_ =	shalt  }
0x43: {  	_ =	shalt  }
0x44: {  	_ =	shalt  }
0x45: {  	_ =	shalt  }
0x46: {  	_ =	shalt  }
0x47: {  	_ =	shalt  }
0x48: {  	_ =	shalt  }
0x49: {  	_ =	shalt  }
0x4a: {  	_ =	shalt  }
0x4b: {  	_ =	shalt  }
0x4c: {  	_ =	shalt  }
0x4d: {  	_ =	shalt  }
0x4e: {  	_ =	shalt  }
0x4f: {  	_ =	shalt  }
0x50: {  	_ =	shalt  }
0x51: {  	_ =	shalt  }
0x52: {  	_ =	shalt  }
0x53: {  	_ =	shalt  }
0x54: {  	_ =	shalt  }
0x55: {  	_ =	shalt  }
0x56: {  	_ =	shalt  }
0x57: {  	_ =	shalt  }
0x58: {  	_ =	shalt  }
0x59: {  	_ =	shalt  }
0x5a: {  	_ =	shalt  }
0x5b: {  	_ =	shalt  }
0x5c: {  	_ =	shalt  }
0x5d: {  	_ =	shalt  }
0x5e: {  	_ =	shalt  }
0x5f: {  	_ =	shalt  }
0x60: {  	_ =	shalt  }
0x61: {  	_ =	shalt  }
0x62: {  	_ =	shalt  }
0x63: {  	_ =	shalt  }
0x64: {  	_ =	shalt  }
0x65: {  	_ =	shalt  }
0x66: {  	_ =	shalt  }
0x67: {  	_ =	shalt  }
0x68: {  	_ =	shalt  }
0x69: {  	_ =	shalt  }
0x6a: {  	_ =	shalt  }
0x6b: {  	_ =	shalt  }
0x6c: {  	_ =	shalt  }
0x6d: {  	_ =	shalt  }
0x6e: {  	_ =	shalt  }
0x6f: {  	_ =	shalt  }
0x70: {  	_ =	shalt  }
0x71: {  	_ =	shalt  }
0x72: {  	_ =	shalt  }
0x73: {  	_ =	shalt  }
0x74: {  	_ =	shalt  }
0x75: {  	_ =	shalt  }
0x76: {  	_ =	shalt  }
0x77: {  	_ =	shalt  }
0x78: {  	_ =	shalt  }
0x79: {  	_ =	shalt  }
0x7a: {  	_ =	shalt  }
0x7b: {  	_ =	shalt  }
0x7c: {  	_ =	shalt  }
0x7d: {  	_ =	shalt  }
0x7e: {  	_ =	shalt  }
0x7f: {  	_ =	shalt  }
0x80: {  	_ =	shalt  }
0x81: {  	_ =	shalt  }
0x82: {  	_ =	shalt  }
0x83: {  	_ =	shalt  }
0x84: {  	_ =	shalt  }
0x85: {  	_ =	shalt  }
0x86: {  	_ =	shalt  }
0x87: {  	_ =	shalt  }
.Lfunc_end0:
.L_simem_size_0:
called_computation.1_lowered:
.L_overlay_start_0:
0x88: {  	s2 =	sld [smem:$0x3FD9]  }
0x89: {  	s3 =	sld [smem:$0x3FFE];
	_ =	sdelay $0x1  }
0x8a: {  	s1 =	srdreg.scid  }
0x8b: {  	s0 =	sand.u32 $0x1, s1  }
0x8c: {  	s16 =	sshll.u32 s0, $0xA;
	s2 =	sadd.s32 s3, s2  }
0x8d: {  	s2 =	sadd.s32 s2, s16  }
0x8e: {  	[smem:$0x3FBE] =	sst s2  }
0x8f: {  	_ = 	snop  }
0x90: {  	(tm) =	ssettm $0x1  }
0x91: {  	s17 =	sld [smem:$0x3FFB];
	_ =	sdelay $0x3  }
0x92: {  	_ =	strace s17  }
0x93: {  	s2 =	sld [smem:$0x3FFC];
	_ =	sdelay $0x3  }
0x94: {  	_ =	strace s2  }
0x95: {  	s2 =	sld [smem:$0x3FFD];
	_ =	sdelay $0x3  }
0x96: {  	_ =	strace s2  }
0x97: {  	_ =	strace $0x8FFFFFFF  }
0x98: {  	s18 =	sld [smem:$0x3FDB];
	_ =	sdelay $0x1  }
0x99: {  	s19 =	simm.s32 $_scs_section_size  }
0x9a: {  	s4 =	simm.s32 $_size__tile_overlayer_lowered;
	s5 =	simm.s32 $_tile_overlayer_lowered  }
0x9b: {  	s22 =	simm.s32 $0x1BFF;
	s21 =	sshll.u32 s5, $0x1;
	s2 =	sadd.s32 s19, s18  }
0x9c: {  	s6 =	simm.s32 $0x0;
	s20 =	sshll.u32 s4, $0x1;
	s4 =	sadd.s32 s21, s2  }
0x9d: {  	[timem:s6], [sflag:s22] =	dma.local [hbm:s4], s20  }
0x9e: {  	_ =	swait.ge [sflag:s22], s20  }
0x9f: {  	s3 =	ssub.s32 $0x0, s20;
	[sflag:s22] =	ssyncset.done $0x0  }
0xa0: {  	[sflag:s22] =	ssyncadd.s32 s3;
	_ =	sdelay $0x1  }
0xa1: {  	s23 =	simm.s32 $0x1B8B  }
0xa2: {  	_ =	swait.ge [sflag:s23], $0x1  }
0xa3: {  	[sflag:s23] =	ssyncset.done $0x0  }
0xa4: {  	s25 =	simm.s32 $0x1B8E;
	s24 =	sld [smem:$0x3FFE];
	[sflag:s23] =	ssyncadd.s32 $0xFFFFFFFF  }
0xa5: {  	s26 =	simm.s32 $execute0_lowered;
	[smem:$0x3FD2] =	sst s25  }
0xa6: {  	s4 =	sshll.u32 s26, $0x1;
	_ =	strace $0x80000049;
	[dreg:$0x1] =	wrdreg $0xFFFFFFFF  }
0xa7: {  	s28 =	simm.s32 $_size_execute0_lowered;
	s2 =	sadd.s32 s2, s4;
	[dreg:$0x0] =	wrdreg $0x0  }
0xa8: {  	s4 =	sshll.u32 s28, $0x1;
	[dreg:$0x2] =	wrdreg s2  }
0xa9: {  	[dreg:$0x3] =	wrdreg s4  }
0xaa: {  	[dreg:$0x4] =	wrdreg $0xC0  }
0xab: {  	_ =	task [dreg:s6], $0x5FFFF  }
0xac: {  	[dreg:$0x1] =	wrdreg $0xFFFFFFFF  }
0xad: {  	[dreg:$0x0] =	wrdreg $0x60  }
0xae: {  	[dreg:$0x2] =	wrdreg s24  }
0xaf: {  	[dreg:$0x3] =	wrdreg $0xA6000  }
0xb0: {  	[dreg:$0x4] =	wrdreg $0x9  }
0xb1: {  	_ =	task.clear_ibuf [dreg:s6], $0x5FFFF;
	_ =	strace $0x90000049  }
0xb2: {  	s29 =	simm.s32 $0x9;
	_ =	strace $0x8000004B  }
0xb3: {  	_ =	swait.ge [sflag:s29], $0x1  }
0xb4: {  	[sflag:s29] =	ssyncadd.s32 $0xFFFFFFFF  }
0xb5: {  	_ =	strace $0x9000004B  }
0xb6: {  	_ =	sfence  }
0xb7: {  	s30 =	sld [smem:$0x0];
	_ =	sdelay $0x2  }
0xb8: {  	s31 =	sshll.u32 s1, $0xD;
	s1 =	sshrl.u32 s1, $0x2  }
0xb9: {  	s3 =	sand.u32 $0x4000, s31;
	s1 =	sadd.s32 s1, s30  }
0xba: {  	s0 =	sor.u32 s3, s0;
	s1 =	sshll.u32 s1, $0x11  }
0xbb: {  	s0 =	sor.u32 s1, s0  }
0xbc: {  	s0 =	sadd.s32 $0x8F2B, s0  }
0xbd: {  	[sflag:s0] =	ssyncadd.remote.s32 $0x1  }
0xbe: {  	_ =	sfence.sel $0xFFFF  }
0xbf: {  	[dreg:$0x0] =	wrdreg $0xFFFFFFFF;
	(pc) =	sbr.abs _section_cstart, $3  }
0xc0: {  	[dreg:$0x1] =	wrdreg $0xFFFFFFFF  }
0xc1: {  	_ =	task.clear_ibuf [dreg:s6], $0x2FFFF;
	_ =	strace $0x9FFFFFFF  }
0xc2: {  	(tm) =	ssettm $0x7FFFFFFF  }
0xc3: {  	_ =	shalt  }
tec
execute0_lowered:
.L_overlay_start_1:
0x0: {  	(tag) =	ssettag $0x1  }
0x1: {  	s0 =	srdreg.scid  }
0x2: {  	s1 =	rddreg [dreg:$0x0];
	s6 =	stileid.u32  }
0x3: {  	s2 =	rddreg [dreg:$0x1];
	s7 =	simm.s32 $0x0;
	s28 =	simm.s32 $0x600  }
0x4: {  	s29 =	simm.s32 $0x2;
	s30 =	simm.s32 $0x4600;
	s0 =	sand.u32 $0x1, s0  }
0x5: {  	s31 =	simm.s32 $0x3;
	s4 =	smul.u32 $0x14000, s6;
	s5 =	sshll.u32 s0, $0x4  }
0x6: {  	s10 =	simm.s32 $0x0;
	s5 =	sor.u32 s6, s5;
	s6 =	smul.u32 $0x50000, s6  }
0x7: {  	[smem:$0x7FF] =	sst s7;
	s3 =	smul.u32 $0x140000, s0;
	s0 =	ssub.s32 $0x2, s0  }
0x8: {  	_ =	strace $0x8000004A;
	s9 =	sshrl.u32 s0, $0x1;
	s17 =	sshrl.u32 s6, $0x2  }
0x9: {  	s3 =	sadd.s32 s4, s3;
	s8 =	smul.u32 $0xA000, s5;
	s7 =	sadd.s32 s17, s2  }
0xa: {  	s4 =	sadd.s32 $0x8FC00, s1;
	s5 =	sadd.s32 $0x17C00, s1;
	s18 =	sadd.s32 $0x2000, s7  }
0xb: {  	s0 =	ssub.s32 s0, s9;
	s19 =	sadd.s32 $0x4000, s7;
	[dreg:$0x4] =	wrdreg s18  }
0xc: {  	s9 =	simm.s32 $0x6;
	s20 =	sadd.s32 $0x6000, s7;
	[dreg:$0x5] =	wrdreg s19  }
0xd: {  	s3 =	sshrl.u32 s3, $0x3;
	s21 =	sadd.s32 $0x8000, s7;
	[dreg:$0x6] =	wrdreg s20  }
0xe: {  	s1 =	sadd.s32 s3, s1;
	s22 =	sadd.s32 $0xA000, s7;
	[dreg:$0x7] =	wrdreg s21  }
0xf: {  	s16 =	sshrl.u32 s8, $0x3;
	s23 =	sadd.s32 $0xC000, s7;
	[dreg:$0x8] =	wrdreg s22  }
0x10: {  	s6 =	sadd.s32 s5, s16;
	s24 =	sadd.s32 $0xE000, s7;
	[dreg:$0x9] =	wrdreg s23  }
0x11: {  	s25 =	sadd.s32 $0x10000, s7;
	s26 =	sadd.s32 $0x12000, s7;
	[dreg:$0xa] =	wrdreg s24  }
0x12: {  	s1 =	sadd.s32 $0xB7C00, s1;
	s3 =	sadd.s32 $0x40, s6;
	[dreg:$0xb] =	wrdreg s25  }
0x13: {  	[dreg:$0xc] =	wrdreg s26;
	s18 =	sor.u32 $0x400, s8;
	s19 =	sor.u32 $0x600, s8  }
0x14: {  	[dreg:$0xd] =	wrdreg s1;
	s21 =	smax.u32 s0, $0x1;
	s22 =	simm.s32 $0x200  }
0x15: {  	s23 =	simm.s32 $0x8600;
	s24 =	simm.s32 $0x7;
	s25 =	simm.s32 $0x1  }
0x16: {  	s26 =	simm.s32 $0x80;
	s1 =	simm.s32 $0x400;
	s0 =	simm.s32 $0x5  }
0x17: {  	v0 =	vimm.f32 $0.0e+00;
	s8 =	simm.s32 $0x500;
	[dreg:$0x3] =	wrdreg s3;
	s3 =	simm.s32 $0x4  }
.LBB2_1:
0x18: {  	s11 =	simm.s32 $0x0  }
0x19: {  	[tilespmem:s11], [sflag:$0x1] =	stream.linear.gather [hbm4b:s6+s11], $0x180, $0x38;
	[tilespmem:$0x1E600] =	vst v63  }
0x1a: {  	s12 =	rddreg [dreg:$0x3]  }
0x1b: {  	[tilespmem:s22], [sflag:$0x2] =	stream.linear.gather [hbm4b:s12+s11], $0x180, $0x38;
	[tilespmem:$0x1E600] =	vst v63  }
0x1c: {  	s11 =	simm.s32 $0x0;
	s12 =	simm.s32 $0x200  }
.LBB2_2:
0x1d: {  	p0 =	sne.s32 s12, $0x7E00;
	[tilespmem:s11+$0x8670] =	vst v0  }
0x1e: {  	[tilespmem:s11+$0x8600] =	vst v0  }
0x1f: {  	[tilespmem:s11+$0x8610] =	vst v0  }
.Ltmp0:
0x20: {  	[tilespmem:s11+$0x8620] =	vst v0;
	(pc) =	sbr.rel @p0 .LBB2_2-.Ltmp0, $4  }
0x21: {  	[tilespmem:s11+$0x8630] =	vst v0  }
0x22: {  	[tilespmem:s11+$0x8640] =	vst v0  }
0x23: {  	[tilespmem:s11+$0x8650] =	vst v0  }
0x24: {  	[tilespmem:s11+$0x8660] =	vst v0;
	s11 =	sshra.s32 s12, $0x2;
	s12 =	sadd.s32 $0x200, s12  }
0x25: {  	[tilespmem:s11+$0x8670] =	vst v0  }
0x26: {  	[tilespmem:s11+$0x8600] =	vst v0  }
0x27: {  	[tilespmem:s11+$0x8610] =	vst v0  }
0x28: {  	[tilespmem:s11+$0x8620] =	vst v0  }
0x29: {  	[tilespmem:s11+$0x8630] =	vst v0  }
0x2a: {  	[tilespmem:s11+$0x8640] =	vst v0  }
0x2b: {  	[tilespmem:s11+$0x8650] =	vst v0  }
0x2c: {  	[tilespmem:s11+$0x8660] =	vst v0  }
0x2d: {  	[spmem:s7] =	stream.linear.scatter [tilespmem:s23], [sflag:$0x7], $0x2000, $0x38;
	[tilespmem:$0x1E600] =	vst v63  }
0x2e: {  	_ =	swait.ge [sflag:s24], $0x2000  }
0x2f: {  	[sflag:s24] =	ssyncset.done $0x0  }
0x30: {  	s17 =	rddreg [dreg:$0x4];
	[sflag:s24] =	ssyncadd.s32 $0xFFFFE000  }
0x31: {  	[spmem:s17] =	stream.linear.scatter [tilespmem:s23], [sflag:$0x7], $0x2000, $0x38;
	[tilespmem:$0x1E600] =	vst v63  }
0x32: {  	_ =	swait.ge [sflag:s24], $0x2000  }
0x33: {  	[sflag:s24] =	ssyncset.done $0x0  }
0x34: {  	s20 =	rddreg [dreg:$0x5];
	[sflag:s24] =	ssyncadd.s32 $0xFFFFE000  }
0x35: {  	[spmem:s20] =	stream.linear.scatter [tilespmem:s23], [sflag:$0x7], $0x2000, $0x38;
	[tilespmem:$0x1E600] =	vst v63  }
0x36: {  	_ =	swait.ge [sflag:s24], $0x2000  }
0x37: {  	[sflag:s24] =	ssyncset.done $0x0  }
0x38: {  	s12 =	rddreg [dreg:$0x6];
	[sflag:s24] =	ssyncadd.s32 $0xFFFFE000  }
0x39: {  	[spmem:s12] =	stream.linear.scatter [tilespmem:s23], [sflag:$0x7], $0x2000, $0x38;
	[tilespmem:$0x1E600] =	vst v63  }
0x3a: {  	_ =	swait.ge [sflag:s24], $0x2000  }
0x3b: {  	[sflag:s24] =	ssyncset.done $0x0  }
0x3c: {  	s13 =	rddreg [dreg:$0x7];
	[sflag:s24] =	ssyncadd.s32 $0xFFFFE000  }
0x3d: {  	[spmem:s13] =	stream.linear.scatter [tilespmem:s23], [sflag:$0x7], $0x2000, $0x38;
	[tilespmem:$0x1E600] =	vst v63  }
0x3e: {  	_ =	swait.ge [sflag:s24], $0x2000  }
0x3f: {  	[sflag:s24] =	ssyncset.done $0x0  }
0x40: {  	s14 =	rddreg [dreg:$0x8];
	[sflag:s24] =	ssyncadd.s32 $0xFFFFE000  }
0x41: {  	[spmem:s14] =	stream.linear.scatter [tilespmem:s23], [sflag:$0x7], $0x2000, $0x38;
	[tilespmem:$0x1E600] =	vst v63  }
0x42: {  	_ =	swait.ge [sflag:s24], $0x2000  }
0x43: {  	[sflag:s24] =	ssyncset.done $0x0  }
0x44: {  	s15 =	rddreg [dreg:$0x9];
	[sflag:s24] =	ssyncadd.s32 $0xFFFFE000  }
0x45: {  	[spmem:s15] =	stream.linear.scatter [tilespmem:s23], [sflag:$0x7], $0x2000, $0x38;
	[tilespmem:$0x1E600] =	vst v63  }
0x46: {  	_ =	swait.ge [sflag:s24], $0x2000  }
0x47: {  	[sflag:s24] =	ssyncset.done $0x0  }
0x48: {  	s16 =	rddreg [dreg:$0xa];
	[sflag:s24] =	ssyncadd.s32 $0xFFFFE000  }
0x49: {  	[spmem:s16] =	stream.linear.scatter [tilespmem:s23], [sflag:$0x7], $0x2000, $0x38;
	[tilespmem:$0x1E600] =	vst v63  }
0x4a: {  	_ =	swait.ge [sflag:s24], $0x2000  }
0x4b: {  	[sflag:s24] =	ssyncset.done $0x0  }
0x4c: {  	s17 =	rddreg [dreg:$0xb];
	[sflag:s24] =	ssyncadd.s32 $0xFFFFE000  }
0x4d: {  	[spmem:s17] =	stream.linear.scatter [tilespmem:s23], [sflag:$0x7], $0x2000, $0x38;
	[tilespmem:$0x1E600] =	vst v63  }
0x4e: {  	_ =	swait.ge [sflag:s24], $0x2000  }
0x4f: {  	[sflag:s24] =	ssyncset.done $0x0  }
0x50: {  	s20 =	rddreg [dreg:$0xc];
	[sflag:s24] =	ssyncadd.s32 $0xFFFFE000  }
0x51: {  	[spmem:s20] =	stream.linear.scatter [tilespmem:s23], [sflag:$0x7], $0x2000, $0x38;
	[tilespmem:$0x1E600] =	vst v63  }
0x52: {  	_ =	swait.ge [sflag:s24], $0x2000  }
0x53: {  	[sflag:s24] =	ssyncset.done $0x0  }
0x54: {  	[sflag:s24] =	ssyncadd.s32 $0xFFFFE000  }
0x55: {  	_ =	swait.ge [sflag:s25], $0x180  }
0x56: {  	[sflag:s25] =	ssyncset.done $0x0  }
0x57: {  	s11 =	simm.s32 $0x0;
	[sflag:s25] =	ssyncadd.s32 $0xFFFFFE80  }
0x58: {  	[tilespmem:s28], [sflag:$0x3] =	stream.indirect.gather [hbm4b:s4+s26], $0x80, s11, s26, $0xb8;
	[tilespmem:$0x1E600] =	vst v63  }
0x59: {  	[bflag:$0x0] =	sbarrier.arrive $0xFFFF  }
.LBB2_4:
0x5a: {  	p0 =	seq.s32 s11, $0x0  }
0x5b: {  	s12 =	simm.s32 @!p0 $0x6  }
0x5c: {  	_ =	swait.ge @!p0 [sflag:s12], $0x4000  }
0x5d: {  	[sflag:s12] =	ssyncset.done @!p0 $0x0  }
0x5e: {  	[sflag:s12] =	ssyncadd.s32 @!p0 $0xFFFFC000  }
0x5f: {  	_ =	swait.ge [sflag:s29], $0x180  }
0x60: {  	[sflag:s29] =	ssyncset.done $0x0  }
0x61: {  	[sflag:s29] =	ssyncadd.s32 $0xFFFFFE80  }
0x62: {  	[tilespmem:s30], [sflag:$0x4] =	stream.indirect.gather [hbm4b:s4+s26], $0x80, s22, s26, $0xb8;
	[tilespmem:$0x1E600] =	vst v63  }
0x63: {  	_ =	swait.ge [sflag:s31], $0x4000  }
0x64: {  	[sflag:s31] =	ssyncset.done $0x0  }
0x65: {  	[sflag:s31] =	ssyncadd.s32 $0xFFFFC000  }
0x66: {  	v1 =	vld [tilespmem:$0x80]  }
0x67: {  	v2 =	vld [tilespmem:$0x100]  }
0x68: {  	v3 =	vld [tilespmem:$0x90]  }
0x69: {  	v4 =	vld [tilespmem:$0x110]  }
0x6a: {  	v5 =	vld [tilespmem:$0xA0]  }
0x6b: {  	[tilespmem:$0x400] =	vst v1;
	v1 =	vld [tilespmem:$0x120]  }
0x6c: {  	v60 =	vld [tilespmem:$0xC0];
	[tilespmem:$0x480] =	vst v2  }
0x6d: {  	v61 =	vld [tilespmem:$0x140];
	[tilespmem:$0x410] =	vst v3  }
0x6e: {  	v2 =	vld [tilespmem:$0xB0];
	[tilespmem:$0x490] =	vst v4  }
0x6f: {  	v3 =	vld [tilespmem:$0x130];
	[tilespmem:$0x420] =	vst v5  }
0x70: {  	[tilespmem:$0x4A0] =	vst v1;
	v1 =	vld [tilespmem:$0xD0]  }
0x71: {  	v62 =	vld [tilespmem:$0x160];
	[tilespmem:$0x440] =	vst v60  }
0x72: {  	v63 =	vld [tilespmem:$0xF0];
	[tilespmem:$0x4C0] =	vst v61  }
0x73: {  	[tilespmem:$0x430] =	vst v2;
	v2 =	vld [tilespmem:$0x150]  }
0x74: {  	[tilespmem:$0x4B0] =	vst v3;
	v3 =	vld [tilespmem:$0xE0]  }
0x75: {  	[tilespmem:$0x450] =	vst v1;
	v1 =	vld [tilespmem:$0x170]  }
0x76: {  	[tilespmem:$0x4E0] =	vst v62  }
0x77: {  	s12 =	sshll.u32 s11, $0xA;
	p0 =	seq.s32 s11, $0x27;
	[tilespmem:$0x470] =	vst v63  }
0x78: {  	s13 =	sadd.s32 @!p0 s12, s18;
	[tilespmem:$0x4D0] =	vst v2  }
0x79: {  	s13 =	sshrl.u32 @!p0 s13, $0x3;
	[tilespmem:$0x460] =	vst v3  }
0x7a: {  	s14 =	simm.s32 @!p0 $0x0;
	s13 =	sadd.s32 @!p0 s5, s13;
	[tilespmem:$0x4F0] =	vst v1  }
0x7b: {  	[tilespmem:s14], [sflag:$0x1] =	stream.linear.gather @!p0 [hbm4b:s13+s14], $0x180, $0x38;
	[tilespmem:$0x1E600] =	vst v63  }
0x7c: {  	s13 =	simm.s32 $0x0  }
.LBB2_5:
0x7d: {  	s14 =	sshll.u32 s13, $0x7  }
0x7e: {  	s16 =	sand.u32 $0x3FFFFF80, s14  }
0x7f: {  	v3 =	vld [tilespmem:s16+$0x600]  }
0x80: {  	v4 =	vld [tilespmem:s16+$0x610]  }
0x81: {  	v5 =	vld [tilespmem:s16+$0x620]  }
0x82: {  	v6 =	vld [tilespmem:s16+$0x630]  }
0x83: {  	v7 =	vld [tilespmem:s16+$0x640]  }
0x84: {  	s15 =	sor.u32 $0x1, s13;
	v8 =	vld [tilespmem:s16+$0x650]  }
0x85: {  	s17 =	sshll.u32 s15, $0x7;
	v9 =	vld [tilespmem:s16+$0x660]  }
0x86: {  	v1 =	vmov s13;
	v10 =	vld [tilespmem:s16+$0x670];
	s17 =	sand.u32 $0x3FFFFF80, s17  }
0x87: {  	v1 =	vand.u32 $0x70, v1;
	v12 =	vld [tilespmem:s17+$0x600]  }
0x88: {  	v1 =	vor.u32 $0x80, v1;
	v13 =	vld [tilespmem:s17+$0x610]  }
0x89: {  	v1 =	vbroadcast v1, $0x0;
	v14 =	vld [tilespmem:s17+$0x620]  }
0x8a: {  	v15 =	vld [tilespmem:s17+$0x630]  }
0x8b: {  	v16 =	vld [tilespmem:s17+$0x640]  }
0x8c: {  	v17 =	vld [tilespmem:s17+$0x650]  }
0x8d: {  	s20 =	sor.u32 $0x2, s13;
	v18 =	vld [tilespmem:s17+$0x660]  }
0x8e: {  	v2 =	vmov s15;
	s15 =	sshll.u32 s20, $0x7;
	v19 =	vld [tilespmem:s17+$0x670]  }
0x8f: {  	v2 =	vand.u32 $0x71, v2;
	s15 =	sand.u32 $0x3FFFFF80, s15;
	v1 =	vld.idx.msk [tilespmem:v1+s1+$0x0], $0xffff  }
0x90: {  	v2 =	vor.u32 $0x80, v2;
	v21 =	vld [tilespmem:s15+$0x600]  }
0x91: {  	v22 =	vld [tilespmem:s15+$0x610];
	v2 =	vbroadcast v2, $0x0  }
0x92: {  	v23 =	vld [tilespmem:s15+$0x620]  }
0x93: {  	v24 =	vld [tilespmem:s15+$0x630]  }
0x94: {  	v26 =	vld [tilespmem:s15+$0x640];
	v3 =	vmul.f32 v1, v3  }
0x95: {  	v28 =	vld [tilespmem:s15+$0x650];
	v4 =	vmul.f32 v1, v4  }
0x96: {  	v11 =	vmov s20;
	s20 =	sor.u32 $0x3, s13;
	v29 =	vld [tilespmem:s15+$0x660];
	[tilespmem:s16+$0x600] =	vst v3;
	v3 =	vmul.f32 v1, v5  }
0x97: {  	v11 =	vand.u32 $0x72, v11;
	s14 =	sshll.u32 s20, $0x7;
	v2 =	vld.idx.msk [tilespmem:v2+s1+$0x0], $0xffff;
	v27 =	vmul.f32 v1, v6;
	[tilespmem:s16+$0x610] =	vst v4  }
0x98: {  	v11 =	vor.u32 $0x80, v11;
	v31 =	vld [tilespmem:s15+$0x670];
	s14 =	sand.u32 $0x3FFFFF80, s14;
	[tilespmem:s16+$0x620] =	vst v3;
	v3 =	vmul.f32 v1, v7  }
0x99: {  	v20 =	vmov s20;
	v11 =	vbroadcast v11, $0x0;
	v34 =	vld [tilespmem:s14+$0x600];
	v30 =	vmul.f32 v1, v8;
	[tilespmem:s16+$0x630] =	vst v27  }
0x9a: {  	v20 =	vand.u32 $0x73, v20;
	v36 =	vld [tilespmem:s14+$0x610];
	[tilespmem:s16+$0x640] =	vst v3;
	v3 =	vmul.f32 v1, v9  }
0x9b: {  	s20 =	sor.u32 $0x4, s13;
	v20 =	vor.u32 $0x80, v20;
	v37 =	vld [tilespmem:s14+$0x620];
	[tilespmem:s16+$0x650] =	vst v30;
	v1 =	vmul.f32 v1, v10  }
0x9c: {  	v33 =	vmov s20;
	v38 =	vld [tilespmem:s14+$0x630];
	v20 =	vbroadcast v20, $0x0;
	[tilespmem:s16+$0x660] =	vst v3;
	v3 =	vmul.f32 v2, v12  }
0x9d: {  	v35 =	vand.u32 $0x74, v33;
	v39 =	vld [tilespmem:s14+$0x640];
	[tilespmem:s16+$0x670] =	vst v1;
	v1 =	vmul.f32 v2, v13  }
0x9e: {  	v40 =	vld [tilespmem:s14+$0x650];
	v10 =	vor.u32 $0x80, v35;
	[tilespmem:s17+$0x600] =	vst v3;
	v3 =	vmul.f32 v2, v14  }
0x9f: {  	v11 =	vld.idx.msk [tilespmem:v11+s1+$0x0], $0xffff;
	v10 =	vbroadcast v10, $0x0;
	[tilespmem:s17+$0x610] =	vst v1;
	v1 =	vmul.f32 v2, v15  }
0xa0: {  	v41 =	vld [tilespmem:s14+$0x660];
	[tilespmem:s17+$0x620] =	vst v3;
	v3 =	vmul.f32 v2, v16  }
0xa1: {  	v42 =	vld [tilespmem:s14+$0x670];
	s16 =	sshll.u32 s20, $0x7;
	[tilespmem:s17+$0x630] =	vst v1;
	v1 =	vmul.f32 v2, v17  }
0xa2: {  	v32 =	vld.idx.msk [tilespmem:v20+s1+$0x0], $0xffff;
	s16 =	sand.u32 $0x3FFFFF80, s16;
	[tilespmem:s17+$0x640] =	vst v3;
	v3 =	vmul.f32 v2, v18  }
0xa3: {  	s20 =	sor.u32 $0x5, s13;
	v44 =	vld [tilespmem:s16+$0x600];
	[tilespmem:s17+$0x650] =	vst v1;
	v1 =	vmul.f32 v2, v19  }
0xa4: {  	v43 =	vmov s20;
	v45 =	vld [tilespmem:s16+$0x610];
	[tilespmem:s17+$0x660] =	vst v3;
	v3 =	vmul.f32 v11, v21  }
0xa5: {  	v2 =	vld.idx.msk [tilespmem:v10+s1+$0x0], $0xffff;
	v10 =	vand.u32 $0x75, v43;
	[tilespmem:s17+$0x670] =	vst v1;
	v1 =	vmul.f32 v11, v22  }
0xa6: {  	v46 =	vld [tilespmem:s16+$0x620];
	v10 =	vor.u32 $0x80, v10;
	[tilespmem:s15+$0x600] =	vst v3;
	v3 =	vmul.f32 v11, v23  }
0xa7: {  	v47 =	vld [tilespmem:s16+$0x630];
	v10 =	vbroadcast v10, $0x0;
	[tilespmem:s15+$0x610] =	vst v1;
	v1 =	vmul.f32 v11, v24  }
0xa8: {  	v48 =	vld [tilespmem:s16+$0x640];
	[tilespmem:s15+$0x620] =	vst v3;
	v3 =	vmul.f32 v11, v26  }
0xa9: {  	v49 =	vld [tilespmem:s16+$0x650];
	[tilespmem:s15+$0x630] =	vst v1;
	v1 =	vmul.f32 v11, v28  }
0xaa: {  	v50 =	vld [tilespmem:s16+$0x660];
	s17 =	sshll.u32 s20, $0x7;
	[tilespmem:s15+$0x640] =	vst v3;
	v3 =	vmul.f32 v11, v29  }
0xab: {  	v51 =	vld [tilespmem:s16+$0x670];
	s20 =	sor.u32 $0x6, s13;
	s17 =	sand.u32 $0x3FFFFF80, s17;
	[tilespmem:s15+$0x650] =	vst v1;
	v1 =	vmul.f32 v11, v31  }
0xac: {  	v53 =	vmov s20;
	v54 =	vld [tilespmem:s17+$0x600];
	[tilespmem:s15+$0x660] =	vst v3;
	v3 =	vmul.f32 v32, v34  }
0xad: {  	v52 =	vld.idx.msk [tilespmem:v10+s1+$0x0], $0xffff;
	v10 =	vand.u32 $0x76, v53;
	[tilespmem:s15+$0x670] =	vst v1;
	v1 =	vmul.f32 v32, v36  }
0xae: {  	v55 =	vld [tilespmem:s17+$0x610];
	v10 =	vor.u32 $0x80, v10;
	[tilespmem:s14+$0x600] =	vst v3;
	v3 =	vmul.f32 v32, v37  }
0xaf: {  	v56 =	vld [tilespmem:s17+$0x620];
	v10 =	vbroadcast v10, $0x0;
	[tilespmem:s14+$0x610] =	vst v1;
	v1 =	vmul.f32 v32, v38  }
0xb0: {  	v57 =	vld [tilespmem:s17+$0x630];
	[tilespmem:s14+$0x620] =	vst v3;
	v3 =	vmul.f32 v32, v39  }
0xb1: {  	v58 =	vld [tilespmem:s17+$0x640];
	[tilespmem:s14+$0x630] =	vst v1;
	v1 =	vmul.f32 v32, v40  }
0xb2: {  	v59 =	vld [tilespmem:s17+$0x650];
	[tilespmem:s14+$0x640] =	vst v3;
	v3 =	vmul.f32 v32, v41  }
0xb3: {  	v60 =	vld [tilespmem:s17+$0x660];
	s15 =	sshll.u32 s20, $0x7;
	s20 =	sor.u32 $0x7, s13;
	[tilespmem:s14+$0x650] =	vst v1;
	v1 =	vmul.f32 v32, v42  }
0xb4: {  	v61 =	vld [tilespmem:s17+$0x670];
	v62 =	vmov s20;
	[tilespmem:s14+$0x660] =	vst v3;
	v3 =	vmul.f32 v2, v44  }
0xb5: {  	v18 =	vand.u32 $0x77, v62;
	v10 =	vld.idx.msk [tilespmem:v10+s1+$0x0], $0xffff;
	[tilespmem:s14+$0x670] =	vst v1;
	v1 =	vmul.f32 v2, v45;
	s14 =	sand.u32 $0x3FFFFF80, s15  }
0xb6: {  	v18 =	vor.u32 $0x80, v18;
	v63 =	vld [tilespmem:s14+$0x600];
	[tilespmem:s16+$0x600] =	vst v3;
	v3 =	vmul.f32 v2, v46  }
0xb7: {  	v18 =	vbroadcast v18, $0x0;
	v24 =	vld [tilespmem:s14+$0x610];
	[tilespmem:s16+$0x610] =	vst v1;
	v1 =	vmul.f32 v2, v47  }
0xb8: {  	v25 =	vld [tilespmem:s14+$0x620];
	[tilespmem:s16+$0x620] =	vst v3;
	v3 =	vmul.f32 v2, v48  }
0xb9: {  	v26 =	vld [tilespmem:s14+$0x630];
	[tilespmem:s16+$0x630] =	vst v1;
	v1 =	vmul.f32 v2, v49  }
0xba: {  	v27 =	vld [tilespmem:s14+$0x640];
	[tilespmem:s16+$0x640] =	vst v3;
	v3 =	vmul.f32 v2, v50  }
0xbb: {  	v28 =	vld [tilespmem:s14+$0x660];
	[tilespmem:s16+$0x650] =	vst v1;
	v1 =	vmul.f32 v2, v51  }
0xbc: {  	v29 =	vld [tilespmem:s14+$0x670];
	[tilespmem:s16+$0x660] =	vst v3;
	v3 =	vmul.f32 v52, v54  }
0xbd: {  	v30 =	vld.idx.msk [tilespmem:v18+s1+$0x0], $0xffff;
	[tilespmem:s16+$0x670] =	vst v1;
	v1 =	vmul.f32 v52, v55;
	s16 =	sshll.u32 s20, $0x7  }
0xbe: {  	v2 =	vld [tilespmem:s14+$0x650];
	s15 =	sand.u32 $0x3FFFFF80, s16;
	[tilespmem:s17+$0x600] =	vst v3;
	v3 =	vmul.f32 v52, v56  }
0xbf: {  	[tilespmem:s17+$0x610] =	vst v1;
	v1 =	vmul.f32 v52, v57;
	v32 =	vld [tilespmem:s15+$0x600]  }
0xc0: {  	v33 =	vld [tilespmem:s15+$0x610];
	[tilespmem:s17+$0x620] =	vst v3;
	v3 =	vmul.f32 v52, v58  }
0xc1: {  	v34 =	vld [tilespmem:s15+$0x620];
	[tilespmem:s17+$0x630] =	vst v1;
	v1 =	vmul.f32 v52, v59  }
0xc2: {  	s20 =	sor.u32 $0x8, s13;
	v35 =	vld [tilespmem:s15+$0x630];
	[tilespmem:s17+$0x640] =	vst v3;
	v3 =	vmul.f32 v52, v60  }
0xc3: {  	v31 =	vmov s20;
	v36 =	vld [tilespmem:s15+$0x640];
	[tilespmem:s17+$0x650] =	vst v1;
	v1 =	vmul.f32 v52, v61  }
0xc4: {  	v13 =	vand.u32 $0x78, v31;
	v37 =	vld [tilespmem:s15+$0x650];
	[tilespmem:s17+$0x660] =	vst v3;
	v3 =	vmul.f32 v10, v63  }
0xc5: {  	s16 =	sshll.u32 s20, $0x7;
	v38 =	vld [tilespmem:s15+$0x660];
	v13 =	vor.u32 $0x80, v13;
	[tilespmem:s17+$0x670] =	vst v1;
	v1 =	vmul.f32 v10, v24  }
0xc6: {  	v39 =	vld [tilespmem:s15+$0x670];
	s16 =	sand.u32 $0x3FFFFF80, s16;
	v13 =	vbroadcast v13, $0x0;
	[tilespmem:s14+$0x600] =	vst v3;
	v3 =	vmul.f32 v10, v25  }
0xc7: {  	v42 =	vld [tilespmem:s16+$0x600];
	[tilespmem:s14+$0x610] =	vst v1;
	v1 =	vmul.f32 v10, v26  }
0xc8: {  	v43 =	vld [tilespmem:s16+$0x620];
	[tilespmem:s14+$0x620] =	vst v3;
	v3 =	vmul.f32 v10, v27  }
0xc9: {  	v44 =	vld [tilespmem:s16+$0x630];
	[tilespmem:s14+$0x630] =	vst v1;
	v1 =	vmul.f32 v10, v2  }
0xca: {  	s20 =	sor.u32 $0x9, s13;
	v45 =	vld [tilespmem:s16+$0x640];
	[tilespmem:s14+$0x640] =	vst v3;
	v3 =	vmul.f32 v10, v28  }
0xcb: {  	v41 =	vmov s20;
	v46 =	vld [tilespmem:s16+$0x650];
	[tilespmem:s14+$0x650] =	vst v1;
	v1 =	vmul.f32 v10, v29  }
0xcc: {  	v40 =	vld.idx.msk [tilespmem:v13+s1+$0x0], $0xffff;
	v13 =	vand.u32 $0x79, v41;
	[tilespmem:s14+$0x660] =	vst v3;
	v3 =	vmul.f32 v30, v32  }
0xcd: {  	v47 =	vld [tilespmem:s16+$0x660];
	v13 =	vor.u32 $0x80, v13;
	[tilespmem:s14+$0x670] =	vst v1;
	v1 =	vmul.f32 v30, v33  }
0xce: {  	v48 =	vld [tilespmem:s16+$0x670];
	s17 =	sshll.u32 s20, $0x7;
	v13 =	vbroadcast v13, $0x0;
	[tilespmem:s15+$0x600] =	vst v3;
	v3 =	vmul.f32 v30, v34  }
0xcf: {  	v2 =	vld [tilespmem:s16+$0x610];
	s14 =	sand.u32 $0x3FFFFF80, s17;
	[tilespmem:s15+$0x610] =	vst v1;
	v1 =	vmul.f32 v30, v35  }
0xd0: {  	v51 =	vld [tilespmem:s14+$0x600];
	[tilespmem:s15+$0x620] =	vst v3;
	v3 =	vmul.f32 v30, v36  }
0xd1: {  	v52 =	vld [tilespmem:s14+$0x610];
	[tilespmem:s15+$0x630] =	vst v1;
	v1 =	vmul.f32 v30, v37  }
0xd2: {  	v53 =	vld [tilespmem:s14+$0x620];
	[tilespmem:s15+$0x640] =	vst v3;
	v3 =	vmul.f32 v30, v38  }
0xd3: {  	v55 =	vld [tilespmem:s14+$0x630];
	[tilespmem:s15+$0x650] =	vst v1;
	v1 =	vmul.f32 v30, v39  }
0xd4: {  	v49 =	vld.idx.msk [tilespmem:v13+s1+$0x0], $0xffff;
	[tilespmem:s15+$0x660] =	vst v3;
	v3 =	vmul.f32 v40, v42  }
0xd5: {  	s20 =	sor.u32 $0xA, s13;
	[tilespmem:s15+$0x670] =	vst v1;
	v1 =	vmul.f32 v40, v2;
	v2 =	vld [tilespmem:s14+$0x640]  }
0xd6: {  	v50 =	vmov s20;
	v56 =	vld [tilespmem:s14+$0x650];
	[tilespmem:s16+$0x600] =	vst v3;
	v3 =	vmul.f32 v40, v43  }
0xd7: {  	s17 =	sshll.u32 s20, $0x7;
	s20 =	sor.u32 $0xB, s13;
	v57 =	vld [tilespmem:s14+$0x660];
	v13 =	vand.u32 $0x7A, v50;
	[tilespmem:s16+$0x610] =	vst v1;
	v1 =	vmul.f32 v40, v44  }
0xd8: {  	v58 =	vld [tilespmem:s14+$0x670];
	v59 =	vmov s20;
	v13 =	vor.u32 $0x80, v13;
	s15 =	sand.u32 $0x3FFFFF80, s17;
	[tilespmem:s16+$0x620] =	vst v3;
	v3 =	vmul.f32 v40, v45  }
0xd9: {  	v54 =	vbroadcast v13, $0x0;
	v13 =	vand.u32 $0x7B, v59;
	v60 =	vld [tilespmem:s15+$0x600];
	[tilespmem:s16+$0x630] =	vst v1;
	v1 =	vmul.f32 v40, v46  }
0xda: {  	v62 =	vor.u32 $0x80, v13;
	v61 =	vld [tilespmem:s15+$0x610];
	v2 =	vmul.f32 v49, v2;
	[tilespmem:s16+$0x640] =	vst v3  }
0xdb: {  	v9 =	vbroadcast v62, $0x0;
	v63 =	vld [tilespmem:s15+$0x620];
	[tilespmem:s16+$0x650] =	vst v1;
	v1 =	vmul.f32 v40, v48  }
0xdc: {  	v18 =	vld [tilespmem:s15+$0x630];
	v3 =	vmul.f32 v40, v47;
	[tilespmem:s14+$0x640] =	vst v2  }
0xdd: {  	v19 =	vld [tilespmem:s15+$0x640];
	[tilespmem:s16+$0x670] =	vst v1;
	v1 =	vmul.f32 v49, v52  }
0xde: {  	v20 =	vld [tilespmem:s15+$0x650];
	v2 =	vmul.f32 v49, v57;
	[tilespmem:s16+$0x660] =	vst v3  }
0xdf: {  	v12 =	vld.idx.msk [tilespmem:v54+s1+$0x0], $0xffff;
	[tilespmem:s14+$0x610] =	vst v1;
	v1 =	vmul.f32 v49, v55  }
0xe0: {  	s17 =	sshll.u32 s20, $0x7;
	s20 =	sor.u32 $0xC, s13;
	v21 =	vld [tilespmem:s15+$0x670];
	v3 =	vmul.f32 v49, v51;
	[tilespmem:s14+$0x660] =	vst v2  }
0xe1: {  	v22 =	vmov s20;
	v9 =	vld.idx.msk [tilespmem:v9+s1+$0x0], $0xffff;
	s16 =	sand.u32 $0x3FFFFF80, s17;
	[tilespmem:s14+$0x630] =	vst v1;
	v1 =	vmul.f32 v49, v56  }
0xe2: {  	v10 =	vand.u32 $0x7C, v22;
	v23 =	vld [tilespmem:s16+$0x600];
	[tilespmem:s14+$0x600] =	vst v3;
	v3 =	vmul.f32 v49, v53  }
0xe3: {  	v10 =	vor.u32 $0x80, v10;
	v24 =	vld [tilespmem:s16+$0x610];
	[tilespmem:s14+$0x650] =	vst v1;
	v1 =	vmul.f32 v49, v58  }
0xe4: {  	v10 =	vbroadcast v10, $0x0;
	v2 =	vmul.f32 v12, v60;
	v25 =	vld [tilespmem:s16+$0x620];
	[tilespmem:s14+$0x620] =	vst v3  }
0xe5: {  	v3 =	vld [tilespmem:s15+$0x660];
	[tilespmem:s14+$0x670] =	vst v1;
	v1 =	vmul.f32 v12, v61  }
0xe6: {  	v26 =	vld [tilespmem:s16+$0x630];
	[tilespmem:s15+$0x600] =	vst v2;
	v2 =	vmul.f32 v12, v63  }
0xe7: {  	v27 =	vld [tilespmem:s16+$0x640];
	[tilespmem:s15+$0x610] =	vst v1;
	v1 =	vmul.f32 v12, v18  }
0xe8: {  	v28 =	vld [tilespmem:s16+$0x650];
	[tilespmem:s15+$0x620] =	vst v2;
	v2 =	vmul.f32 v12, v19  }
0xe9: {  	s17 =	sshll.u32 s20, $0x7;
	s20 =	sor.u32 $0xD, s13;
	v29 =	vld [tilespmem:s16+$0x660];
	[tilespmem:s15+$0x630] =	vst v1;
	v1 =	vmul.f32 v12, v20  }
0xea: {  	v31 =	vmov s20;
	v30 =	vld.idx.msk [tilespmem:v10+s1+$0x0], $0xffff;
	[tilespmem:s15+$0x640] =	vst v2;
	v2 =	vmul.f32 v12, v3  }
0xeb: {  	v10 =	vand.u32 $0x7D, v31;
	s14 =	sand.u32 $0x3FFFFF80, s17;
	v3 =	vld [tilespmem:s16+$0x670];
	[tilespmem:s15+$0x650] =	vst v1;
	v1 =	vmul.f32 v12, v21  }
0xec: {  	v10 =	vor.u32 $0x80, v10;
	v32 =	vld [tilespmem:s14+$0x600];
	[tilespmem:s15+$0x660] =	vst v2;
	v2 =	vmul.f32 v9, v23  }
0xed: {  	v10 =	vbroadcast v10, $0x0;
	v33 =	vld [tilespmem:s14+$0x610];
	[tilespmem:s15+$0x670] =	vst v1;
	v1 =	vmul.f32 v9, v24  }
0xee: {  	v34 =	vld [tilespmem:s14+$0x620];
	[tilespmem:s16+$0x600] =	vst v2;
	v2 =	vmul.f32 v9, v25  }
0xef: {  	v35 =	vld [tilespmem:s14+$0x630];
	[tilespmem:s16+$0x610] =	vst v1;
	v1 =	vmul.f32 v9, v26  }
0xf0: {  	v36 =	vld [tilespmem:s14+$0x640];
	[tilespmem:s16+$0x620] =	vst v2;
	v2 =	vmul.f32 v9, v27  }
0xf1: {  	v37 =	vld [tilespmem:s14+$0x650];
	[tilespmem:s16+$0x630] =	vst v1;
	v1 =	vmul.f32 v9, v28  }
0xf2: {  	s17 =	sshll.u32 s20, $0x7;
	v38 =	vld [tilespmem:s14+$0x660];
	[tilespmem:s16+$0x640] =	vst v2;
	v2 =	vmul.f32 v9, v29  }
0xf3: {  	v39 =	vld.idx.msk [tilespmem:v10+s1+$0x0], $0xffff;
	s15 =	sand.u32 $0x3FFFFF80, s17;
	[tilespmem:s16+$0x650] =	vst v1;
	v1 =	vmul.f32 v9, v3  }
0xf4: {  	s20 =	sor.u32 $0xE, s13;
	v41 =	vld [tilespmem:s15+$0x600];
	[tilespmem:s16+$0x660] =	vst v2;
	v2 =	vmul.f32 v30, v32  }
0xf5: {  	v40 =	vmov s20;
	v42 =	vld [tilespmem:s15+$0x610];
	[tilespmem:s16+$0x670] =	vst v1;
	v1 =	vmul.f32 v30, v33  }
0xf6: {  	[tilespmem:s14+$0x600] =	vst v2;
	v2 =	vmul.f32 v30, v34;
	v3 =	vld [tilespmem:s14+$0x670];
	v9 =	vand.u32 $0x7E, v40  }
0xf7: {  	v43 =	vld [tilespmem:s15+$0x620];
	v9 =	vor.u32 $0x80, v9;
	[tilespmem:s14+$0x610] =	vst v1;
	v1 =	vmul.f32 v30, v35  }
0xf8: {  	v44 =	vld [tilespmem:s15+$0x630];
	[tilespmem:s14+$0x620] =	vst v2;
	v2 =	vmul.f32 v30, v36;
	v9 =	vbroadcast v9, $0x0  }
0xf9: {  	v45 =	vld [tilespmem:s15+$0x640];
	[tilespmem:s14+$0x630] =	vst v1;
	v1 =	vmul.f32 v30, v37  }
0xfa: {  	s17 =	sshll.u32 s20, $0x7;
	v46 =	vld [tilespmem:s15+$0x650];
	[tilespmem:s14+$0x640] =	vst v2;
	v2 =	vmul.f32 v30, v38  }
0xfb: {  	v47 =	vld [tilespmem:s15+$0x670];
	s16 =	sand.u32 $0x3FFFFF80, s17;
	[tilespmem:s14+$0x650] =	vst v1;
	v1 =	vmul.f32 v30, v3  }
0xfc: {  	s20 =	sor.u32 $0xF, s13;
	v50 =	vld [tilespmem:s16+$0x600];
	[tilespmem:s14+$0x660] =	vst v2;
	v2 =	vmul.f32 v39, v41  }
0xfd: {  	v49 =	vmov s20;
	v3 =	vld [tilespmem:s15+$0x660];
	[tilespmem:s14+$0x670] =	vst v1;
	v1 =	vmul.f32 v39, v42  }
0xfe: {  	[tilespmem:s15+$0x600] =	vst v2;
	v2 =	vmul.f32 v39, v43;
	v48 =	vld.idx.msk [tilespmem:v9+s1+$0x0], $0xffff;
	v9 =	vand.u32 $0x7F, v49  }
0xff: {  	v51 =	vld [tilespmem:s16+$0x610];
	v9 =	vor.u32 $0x80, v9;
	[tilespmem:s15+$0x610] =	vst v1;
	v1 =	vmul.f32 v39, v44  }
0x100: {  	v52 =	vld [tilespmem:s16+$0x620];
	[tilespmem:s15+$0x620] =	vst v2;
	v2 =	vmul.f32 v39, v45;
	v9 =	vbroadcast v9, $0x0  }
0x101: {  	v53 =	vld [tilespmem:s16+$0x630];
	[tilespmem:s15+$0x630] =	vst v1;
	v1 =	vmul.f32 v39, v46  }
0x102: {  	v54 =	vld [tilespmem:s16+$0x650];
	[tilespmem:s15+$0x640] =	vst v2;
	v2 =	vmul.f32 v39, v3  }
0x103: {  	v3 =	vld [tilespmem:s16+$0x640];
	[tilespmem:s15+$0x650] =	vst v1;
	v1 =	vmul.f32 v39, v47  }
0x104: {  	v55 =	vld [tilespmem:s16+$0x660];
	[tilespmem:s15+$0x660] =	vst v2;
	v2 =	vmul.f32 v48, v50  }
0x105: {  	s20 =	sshll.u32 s20, $0x7;
	v56 =	vld [tilespmem:s16+$0x670];
	[tilespmem:s15+$0x670] =	vst v1;
	v1 =	vmul.f32 v48, v51  }
0x106: {  	v57 =	vld.idx.msk [tilespmem:v9+s1+$0x0], $0xffff;
	[tilespmem:s16+$0x600] =	vst v2;
	v2 =	vmul.f32 v48, v52;
	s15 =	sand.u32 $0x3FFFFF80, s20  }
0x107: {  	v58 =	vld [tilespmem:s15+$0x600];
	[tilespmem:s16+$0x610] =	vst v1;
	v1 =	vmul.f32 v48, v53  }
0x108: {  	[tilespmem:s16+$0x620] =	vst v2;
	v2 =	vmul.f32 v48, v3;
	v3 =	vld [tilespmem:s15+$0x610]  }
0x109: {  	v59 =	vld [tilespmem:s15+$0x620];
	[tilespmem:s16+$0x630] =	vst v1;
	v1 =	vmul.f32 v48, v54  }
0x10a: {  	v60 =	vld [tilespmem:s15+$0x630];
	[tilespmem:s16+$0x640] =	vst v2;
	v2 =	vmul.f32 v48, v55  }
0x10b: {  	v61 =	vld [tilespmem:s15+$0x640];
	[tilespmem:s16+$0x650] =	vst v1;
	v1 =	vmul.f32 v48, v56  }
0x10c: {  	v62 =	vld [tilespmem:s15+$0x650];
	[tilespmem:s16+$0x660] =	vst v2;
	v2 =	vmul.f32 v57, v58  }
0x10d: {  	[tilespmem:s16+$0x670] =	vst v1;
	v1 =	vmul.f32 v57, v3;
	v3 =	vld [tilespmem:s15+$0x660]  }
0x10e: {  	v63 =	vld [tilespmem:s15+$0x670];
	[tilespmem:s15+$0x600] =	vst v2;
	v2 =	vmul.f32 v57, v59  }
0x10f: {  	[tilespmem:s15+$0x610] =	vst v1;
	v1 =	vmul.f32 v57, v60  }
0x110: {  	p1 =	slt.u32 s13, $0x70;
	[tilespmem:s15+$0x620] =	vst v2;
	v2 =	vmul.f32 v57, v61  }
.Ltmp1:
0x111: {  	[tilespmem:s15+$0x630] =	vst v1;
	v1 =	vmul.f32 v57, v62;
	(pc) =	sbr.rel @p1 .LBB2_5-.Ltmp1, $4  }
0x112: {  	[tilespmem:s15+$0x640] =	vst v2;
	v2 =	vmul.f32 v57, v3  }
0x113: {  	[tilespmem:s15+$0x650] =	vst v1;
	v1 =	vmul.f32 v57, v63  }
0x114: {  	[tilespmem:s15+$0x660] =	vst v2  }
0x115: {  	s13 =	sadd.s32 $0x10, s13;
	[tilespmem:s15+$0x670] =	vst v1  }
0x116: {  	[spmem:s2] =	stream.indirect.scatter.add.f32 [tilespmem:s28], [sflag:$0x5], $0x80, s1, s26, $0xb8;
	[tilespmem:$0x1E600] =	vst v63  }
0x117: {  	_ =	swait.ge [sflag:s0], $0x4000  }
0x118: {  	[sflag:s0] =	ssyncset.done $0x0  }
0x119: {  	s13 =	simm.s32 @!p0 $0x1;
	[sflag:s0] =	ssyncadd.s32 $0xFFFFC000  }
0x11a: {  	_ =	swait.ge @!p0 [sflag:s13], $0x180  }
0x11b: {  	s14 =	simm.s32 @!p0 $0x0;
	[sflag:s13] =	ssyncset.done @!p0 $0x0  }
0x11c: {  	s15 =	simm.s32 @!p0 $0x600;
	[sflag:s13] =	ssyncadd.s32 @!p0 $0xFFFFFE80;
	s13 =	simm.s32 @!p0 $0x80  }
0x11d: {  	[tilespmem:s15], [sflag:$0x3] =	stream.indirect.gather @!p0 [hbm4b:s4+s13], $0x80, s14, s13, $0xb8;
	[tilespmem:$0x1E600] =	vst v63  }
0x11e: {  	_ =	swait.ge [sflag:s3], $0x4000  }
0x11f: {  	[sflag:s3] =	ssyncset.done $0x0  }
0x120: {  	[sflag:s3] =	ssyncadd.s32 $0xFFFFC000  }
0x121: {  	v1 =	vld [tilespmem:$0x280]  }
0x122: {  	v2 =	vld [tilespmem:$0x300]  }
0x123: {  	v3 =	vld [tilespmem:$0x290]  }
0x124: {  	v4 =	vld [tilespmem:$0x310]  }
0x125: {  	v5 =	vld [tilespmem:$0x2A0]  }
0x126: {  	[tilespmem:$0x500] =	vst v1;
	v1 =	vld [tilespmem:$0x320]  }
0x127: {  	v60 =	vld [tilespmem:$0x2C0];
	[tilespmem:$0x580] =	vst v2  }
0x128: {  	v61 =	vld [tilespmem:$0x340];
	[tilespmem:$0x510] =	vst v3  }
0x129: {  	v2 =	vld [tilespmem:$0x2B0];
	[tilespmem:$0x590] =	vst v4  }
0x12a: {  	v3 =	vld [tilespmem:$0x330];
	[tilespmem:$0x520] =	vst v5  }
0x12b: {  	[tilespmem:$0x5A0] =	vst v1;
	v1 =	vld [tilespmem:$0x2D0]  }
0x12c: {  	v62 =	vld [tilespmem:$0x360];
	[tilespmem:$0x540] =	vst v60  }
0x12d: {  	v63 =	vld [tilespmem:$0x2F0];
	[tilespmem:$0x5C0] =	vst v61  }
0x12e: {  	[tilespmem:$0x530] =	vst v2;
	v2 =	vld [tilespmem:$0x350]  }
0x12f: {  	[tilespmem:$0x5B0] =	vst v3;
	v3 =	vld [tilespmem:$0x2E0]  }
0x130: {  	[tilespmem:$0x550] =	vst v1;
	v1 =	vld [tilespmem:$0x370]  }
0x131: {  	[tilespmem:$0x5E0] =	vst v62  }
0x132: {  	[tilespmem:$0x570] =	vst v63  }
0x133: {  	s12 =	sadd.s32 @!p0 s12, s19;
	[tilespmem:$0x5D0] =	vst v2  }
0x134: {  	s12 =	sshrl.u32 @!p0 s12, $0x3;
	[tilespmem:$0x560] =	vst v3  }
0x135: {  	s12 =	sadd.s32 @!p0 s5, s12;
	s13 =	simm.s32 @!p0 $0x200;
	[tilespmem:$0x5F0] =	vst v1  }
0x136: {  	[tilespmem:s13], [sflag:$0x2] =	stream.linear.gather @!p0 [hbm4b:s12+s14], $0x180, $0x38;
	[tilespmem:$0x1E600] =	vst v63  }
0x137: {  	s12 =	simm.s32 $0x0  }
.LBB2_7:
0x138: {  	s13 =	sshll.u32 s12, $0x7  }
0x139: {  	s15 =	sand.u32 $0x3FFFFF80, s13  }
0x13a: {  	v3 =	vld [tilespmem:s15+$0x4600]  }
0x13b: {  	v4 =	vld [tilespmem:s15+$0x4610]  }
0x13c: {  	v5 =	vld [tilespmem:s15+$0x4620]  }
0x13d: {  	v6 =	vld [tilespmem:s15+$0x4630]  }
0x13e: {  	v7 =	vld [tilespmem:s15+$0x4640]  }
0x13f: {  	s14 =	sor.u32 $0x1, s12;
	v8 =	vld [tilespmem:s15+$0x4650]  }
0x140: {  	s17 =	sshll.u32 s14, $0x7;
	v9 =	vld [tilespmem:s15+$0x4660]  }
0x141: {  	v1 =	vmov s12;
	v10 =	vld [tilespmem:s15+$0x4670];
	s16 =	sand.u32 $0x3FFFFF80, s17  }
0x142: {  	v1 =	vand.u32 $0x70, v1;
	v12 =	vld [tilespmem:s16+$0x4600]  }
0x143: {  	v1 =	vor.u32 $0x80, v1;
	v13 =	vld [tilespmem:s16+$0x4610]  }
0x144: {  	v1 =	vbroadcast v1, $0x0;
	v14 =	vld [tilespmem:s16+$0x4620]  }
0x145: {  	v15 =	vld [tilespmem:s16+$0x4630]  }
0x146: {  	v16 =	vld [tilespmem:s16+$0x4640]  }
0x147: {  	v17 =	vld [tilespmem:s16+$0x4650]  }
0x148: {  	s20 =	sor.u32 $0x2, s12;
	v18 =	vld [tilespmem:s16+$0x4660]  }
0x149: {  	v2 =	vmov s14;
	s14 =	sshll.u32 s20, $0x7;
	v19 =	vld [tilespmem:s16+$0x4670]  }
0x14a: {  	v2 =	vand.u32 $0x71, v2;
	s14 =	sand.u32 $0x3FFFFF80, s14;
	v1 =	vld.idx.msk [tilespmem:v1+s8+$0x0], $0xffff  }
0x14b: {  	v2 =	vor.u32 $0x80, v2;
	v21 =	vld [tilespmem:s14+$0x4600]  }
0x14c: {  	v22 =	vld [tilespmem:s14+$0x4610];
	v2 =	vbroadcast v2, $0x0  }
0x14d: {  	v23 =	vld [tilespmem:s14+$0x4620]  }
0x14e: {  	v24 =	vld [tilespmem:s14+$0x4630]  }
0x14f: {  	v26 =	vld [tilespmem:s14+$0x4640];
	v3 =	vmul.f32 v1, v3  }
0x150: {  	v28 =	vld [tilespmem:s14+$0x4650];
	v4 =	vmul.f32 v1, v4  }
0x151: {  	v11 =	vmov s20;
	s17 =	sor.u32 $0x3, s12;
	v29 =	vld [tilespmem:s14+$0x4660];
	[tilespmem:s15+$0x4600] =	vst v3;
	v3 =	vmul.f32 v1, v5  }
0x152: {  	v11 =	vand.u32 $0x72, v11;
	v20 =	vmov s17;
	s17 =	sshll.u32 s17, $0x7;
	v2 =	vld.idx.msk [tilespmem:v2+s8+$0x0], $0xffff;
	v27 =	vmul.f32 v1, v6;
	[tilespmem:s15+$0x4610] =	vst v4  }
0x153: {  	v11 =	vor.u32 $0x80, v11;
	v31 =	vld [tilespmem:s14+$0x4670];
	s13 =	sand.u32 $0x3FFFFF80, s17;
	[tilespmem:s15+$0x4620] =	vst v3;
	v3 =	vmul.f32 v1, v7  }
0x154: {  	v11 =	vbroadcast v11, $0x0;
	v34 =	vld [tilespmem:s13+$0x4600];
	v30 =	vmul.f32 v1, v8;
	[tilespmem:s15+$0x4630] =	vst v27  }
0x155: {  	v20 =	vand.u32 $0x73, v20;
	v36 =	vld [tilespmem:s13+$0x4610];
	[tilespmem:s15+$0x4640] =	vst v3;
	v3 =	vmul.f32 v1, v9  }
0x156: {  	v20 =	vor.u32 $0x80, v20;
	v37 =	vld [tilespmem:s13+$0x4620];
	[tilespmem:s15+$0x4650] =	vst v30;
	v1 =	vmul.f32 v1, v10  }
0x157: {  	s20 =	sor.u32 $0x4, s12;
	v38 =	vld [tilespmem:s13+$0x4630];
	v20 =	vbroadcast v20, $0x0;
	[tilespmem:s15+$0x4660] =	vst v3;
	v3 =	vmul.f32 v2, v12  }
0x158: {  	v33 =	vmov s20;
	v39 =	vld [tilespmem:s13+$0x4640];
	[tilespmem:s15+$0x4670] =	vst v1;
	v1 =	vmul.f32 v2, v13  }
0x159: {  	v35 =	vand.u32 $0x74, v33;
	v40 =	vld [tilespmem:s13+$0x4650];
	[tilespmem:s16+$0x4600] =	vst v3;
	v3 =	vmul.f32 v2, v14  }
0x15a: {  	v11 =	vld.idx.msk [tilespmem:v11+s8+$0x0], $0xffff;
	v10 =	vor.u32 $0x80, v35;
	[tilespmem:s16+$0x4610] =	vst v1;
	v1 =	vmul.f32 v2, v15  }
0x15b: {  	v41 =	vld [tilespmem:s13+$0x4660];
	v10 =	vbroadcast v10, $0x0;
	[tilespmem:s16+$0x4620] =	vst v3;
	v3 =	vmul.f32 v2, v16  }
0x15c: {  	s17 =	sshll.u32 s20, $0x7;
	v42 =	vld [tilespmem:s13+$0x4670];
	[tilespmem:s16+$0x4630] =	vst v1;
	v1 =	vmul.f32 v2, v17  }
0x15d: {  	v32 =	vld.idx.msk [tilespmem:v20+s8+$0x0], $0xffff;
	s15 =	sand.u32 $0x3FFFFF80, s17;
	[tilespmem:s16+$0x4640] =	vst v3;
	v3 =	vmul.f32 v2, v18  }
0x15e: {  	v44 =	vld [tilespmem:s15+$0x4600];
	[tilespmem:s16+$0x4650] =	vst v1;
	v1 =	vmul.f32 v2, v19  }
0x15f: {  	s20 =	sor.u32 $0x5, s12;
	v45 =	vld [tilespmem:s15+$0x4610];
	[tilespmem:s16+$0x4660] =	vst v3;
	v3 =	vmul.f32 v11, v21  }
0x160: {  	v43 =	vmov s20;
	v46 =	vld [tilespmem:s15+$0x4620];
	[tilespmem:s16+$0x4670] =	vst v1;
	v1 =	vmul.f32 v11, v22  }
0x161: {  	v2 =	vld.idx.msk [tilespmem:v10+s8+$0x0], $0xffff;
	v10 =	vand.u32 $0x75, v43;
	[tilespmem:s14+$0x4600] =	vst v3;
	v3 =	vmul.f32 v11, v23  }
0x162: {  	v47 =	vld [tilespmem:s15+$0x4630];
	v10 =	vor.u32 $0x80, v10;
	[tilespmem:s14+$0x4610] =	vst v1;
	v1 =	vmul.f32 v11, v24  }
0x163: {  	v48 =	vld [tilespmem:s15+$0x4640];
	v10 =	vbroadcast v10, $0x0;
	[tilespmem:s14+$0x4620] =	vst v3;
	v3 =	vmul.f32 v11, v26  }
0x164: {  	v49 =	vld [tilespmem:s15+$0x4650];
	[tilespmem:s14+$0x4630] =	vst v1;
	v1 =	vmul.f32 v11, v28  }
0x165: {  	s17 =	sshll.u32 s20, $0x7;
	s20 =	sor.u32 $0x6, s12;
	v50 =	vld [tilespmem:s15+$0x4660];
	[tilespmem:s14+$0x4640] =	vst v3;
	v3 =	vmul.f32 v11, v29  }
0x166: {  	v51 =	vld [tilespmem:s15+$0x4670];
	v53 =	vmov s20;
	s16 =	sand.u32 $0x3FFFFF80, s17;
	s17 =	sshll.u32 s20, $0x7;
	s20 =	sor.u32 $0x7, s12;
	[tilespmem:s14+$0x4650] =	vst v1;
	v1 =	vmul.f32 v11, v31  }
0x167: {  	v54 =	vld [tilespmem:s16+$0x4600];
	v62 =	vmov s20;
	[tilespmem:s14+$0x4660] =	vst v3;
	v3 =	vmul.f32 v32, v34  }
0x168: {  	v55 =	vld [tilespmem:s16+$0x4610];
	v18 =	vand.u32 $0x77, v62;
	[tilespmem:s14+$0x4670] =	vst v1;
	v1 =	vmul.f32 v32, v36  }
0x169: {  	v18 =	vor.u32 $0x80, v18;
	v52 =	vld.idx.msk [tilespmem:v10+s8+$0x0], $0xffff;
	v10 =	vand.u32 $0x76, v53;
	[tilespmem:s13+$0x4600] =	vst v3;
	v3 =	vmul.f32 v32, v37  }
0x16a: {  	v56 =	vld [tilespmem:s16+$0x4620];
	v18 =	vbroadcast v18, $0x0;
	v10 =	vor.u32 $0x80, v10;
	[tilespmem:s13+$0x4610] =	vst v1;
	v1 =	vmul.f32 v32, v38  }
0x16b: {  	v57 =	vld [tilespmem:s16+$0x4630];
	v10 =	vbroadcast v10, $0x0;
	[tilespmem:s13+$0x4620] =	vst v3;
	v3 =	vmul.f32 v32, v39  }
0x16c: {  	v58 =	vld [tilespmem:s16+$0x4640];
	[tilespmem:s13+$0x4630] =	vst v1;
	v1 =	vmul.f32 v32, v40  }
0x16d: {  	v59 =	vld [tilespmem:s16+$0x4650];
	[tilespmem:s13+$0x4640] =	vst v3;
	v3 =	vmul.f32 v32, v41  }
0x16e: {  	v60 =	vld [tilespmem:s16+$0x4660];
	[tilespmem:s13+$0x4650] =	vst v1;
	v1 =	vmul.f32 v32, v42  }
0x16f: {  	v61 =	vld [tilespmem:s16+$0x4670];
	[tilespmem:s13+$0x4660] =	vst v3;
	v3 =	vmul.f32 v2, v44  }
0x170: {  	v30 =	vld.idx.msk [tilespmem:v18+s8+$0x0], $0xffff;
	[tilespmem:s13+$0x4670] =	vst v1;
	v1 =	vmul.f32 v2, v45  }
0x171: {  	v10 =	vld.idx.msk [tilespmem:v10+s8+$0x0], $0xffff;
	s13 =	sand.u32 $0x3FFFFF80, s17;
	[tilespmem:s15+$0x4600] =	vst v3;
	v3 =	vmul.f32 v2, v46  }
0x172: {  	v63 =	vld [tilespmem:s13+$0x4600];
	[tilespmem:s15+$0x4610] =	vst v1;
	v1 =	vmul.f32 v2, v47  }
0x173: {  	v24 =	vld [tilespmem:s13+$0x4610];
	[tilespmem:s15+$0x4620] =	vst v3;
	v3 =	vmul.f32 v2, v48  }
0x174: {  	v25 =	vld [tilespmem:s13+$0x4620];
	[tilespmem:s15+$0x4630] =	vst v1;
	v1 =	vmul.f32 v2, v49  }
0x175: {  	v26 =	vld [tilespmem:s13+$0x4630];
	[tilespmem:s15+$0x4640] =	vst v3;
	v3 =	vmul.f32 v2, v50  }
0x176: {  	v27 =	vld [tilespmem:s13+$0x4640];
	[tilespmem:s15+$0x4650] =	vst v1;
	v1 =	vmul.f32 v2, v51  }
0x177: {  	v28 =	vld [tilespmem:s13+$0x4660];
	[tilespmem:s15+$0x4660] =	vst v3;
	v3 =	vmul.f32 v52, v54  }
0x178: {  	s17 =	sor.u32 $0x8, s12;
	v29 =	vld [tilespmem:s13+$0x4670];
	[tilespmem:s15+$0x4670] =	vst v1;
	v1 =	vmul.f32 v52, v55;
	s15 =	sshll.u32 s20, $0x7  }
0x179: {  	v31 =	vmov s17;
	v2 =	vld [tilespmem:s13+$0x4650];
	s14 =	sand.u32 $0x3FFFFF80, s15;
	[tilespmem:s16+$0x4600] =	vst v3;
	v3 =	vmul.f32 v52, v56  }
0x17a: {  	v13 =	vand.u32 $0x78, v31;
	[tilespmem:s16+$0x4610] =	vst v1;
	v1 =	vmul.f32 v52, v57;
	v32 =	vld [tilespmem:s14+$0x4600]  }
0x17b: {  	v13 =	vor.u32 $0x80, v13;
	v33 =	vld [tilespmem:s14+$0x4610];
	[tilespmem:s16+$0x4620] =	vst v3;
	v3 =	vmul.f32 v52, v58  }
0x17c: {  	v13 =	vbroadcast v13, $0x0;
	v34 =	vld [tilespmem:s14+$0x4620];
	[tilespmem:s16+$0x4630] =	vst v1;
	v1 =	vmul.f32 v52, v59  }
0x17d: {  	v35 =	vld [tilespmem:s14+$0x4630];
	[tilespmem:s16+$0x4640] =	vst v3;
	v3 =	vmul.f32 v52, v60  }
0x17e: {  	v36 =	vld [tilespmem:s14+$0x4640];
	[tilespmem:s16+$0x4650] =	vst v1;
	v1 =	vmul.f32 v52, v61  }
0x17f: {  	v37 =	vld [tilespmem:s14+$0x4650];
	[tilespmem:s16+$0x4660] =	vst v3;
	v3 =	vmul.f32 v10, v63  }
0x180: {  	s20 =	sor.u32 $0x9, s12;
	v38 =	vld [tilespmem:s14+$0x4660];
	[tilespmem:s16+$0x4670] =	vst v1;
	v1 =	vmul.f32 v10, v24  }
0x181: {  	s15 =	sshll.u32 s17, $0x7;
	v41 =	vmov s20;
	v39 =	vld [tilespmem:s14+$0x4670];
	[tilespmem:s13+$0x4600] =	vst v3;
	v3 =	vmul.f32 v10, v25  }
0x182: {  	v40 =	vld.idx.msk [tilespmem:v13+s8+$0x0], $0xffff;
	s15 =	sand.u32 $0x3FFFFF80, s15;
	v13 =	vand.u32 $0x79, v41;
	[tilespmem:s13+$0x4610] =	vst v1;
	v1 =	vmul.f32 v10, v26  }
0x183: {  	v42 =	vld [tilespmem:s15+$0x4600];
	v13 =	vor.u32 $0x80, v13;
	[tilespmem:s13+$0x4620] =	vst v3;
	v3 =	vmul.f32 v10, v27  }
0x184: {  	v43 =	vld [tilespmem:s15+$0x4620];
	v13 =	vbroadcast v13, $0x0;
	[tilespmem:s13+$0x4630] =	vst v1;
	v1 =	vmul.f32 v10, v2  }
0x185: {  	v44 =	vld [tilespmem:s15+$0x4630];
	[tilespmem:s13+$0x4640] =	vst v3;
	v3 =	vmul.f32 v10, v28  }
0x186: {  	v45 =	vld [tilespmem:s15+$0x4640];
	[tilespmem:s13+$0x4650] =	vst v1;
	v1 =	vmul.f32 v10, v29  }
0x187: {  	v46 =	vld [tilespmem:s15+$0x4650];
	[tilespmem:s13+$0x4660] =	vst v3;
	v3 =	vmul.f32 v30, v32  }
0x188: {  	v47 =	vld [tilespmem:s15+$0x4660];
	[tilespmem:s13+$0x4670] =	vst v1;
	v1 =	vmul.f32 v30, v33  }
0x189: {  	v48 =	vld [tilespmem:s15+$0x4670];
	[tilespmem:s14+$0x4600] =	vst v3;
	v3 =	vmul.f32 v30, v34  }
0x18a: {  	s17 =	sshll.u32 s20, $0x7;
	s20 =	sor.u32 $0xA, s12;
	v49 =	vld.idx.msk [tilespmem:v13+s8+$0x0], $0xffff;
	[tilespmem:s14+$0x4610] =	vst v1;
	v1 =	vmul.f32 v30, v35  }
0x18b: {  	v50 =	vmov s20;
	v2 =	vld [tilespmem:s15+$0x4610];
	s13 =	sand.u32 $0x3FFFFF80, s17;
	[tilespmem:s14+$0x4620] =	vst v3;
	v3 =	vmul.f32 v30, v36  }
0x18c: {  	v13 =	vand.u32 $0x7A, v50;
	v51 =	vld [tilespmem:s13+$0x4600];
	[tilespmem:s14+$0x4630] =	vst v1;
	v1 =	vmul.f32 v30, v37  }
0x18d: {  	v13 =	vor.u32 $0x80, v13;
	v52 =	vld [tilespmem:s13+$0x4610];
	[tilespmem:s14+$0x4640] =	vst v3;
	v3 =	vmul.f32 v30, v38  }
0x18e: {  	v54 =	vbroadcast v13, $0x0;
	v53 =	vld [tilespmem:s13+$0x4620];
	[tilespmem:s14+$0x4650] =	vst v1;
	v1 =	vmul.f32 v30, v39  }
0x18f: {  	v55 =	vld [tilespmem:s13+$0x4630];
	[tilespmem:s14+$0x4660] =	vst v3;
	v3 =	vmul.f32 v40, v42  }
0x190: {  	[tilespmem:s14+$0x4670] =	vst v1;
	v1 =	vmul.f32 v40, v2;
	v2 =	vld [tilespmem:s13+$0x4640]  }
0x191: {  	v56 =	vld [tilespmem:s13+$0x4650];
	[tilespmem:s15+$0x4600] =	vst v3;
	v3 =	vmul.f32 v40, v43  }
0x192: {  	s17 =	sshll.u32 s20, $0x7;
	s20 =	sor.u32 $0xB, s12;
	v57 =	vld [tilespmem:s13+$0x4660];
	[tilespmem:s15+$0x4610] =	vst v1;
	v1 =	vmul.f32 v40, v44  }
0x193: {  	v58 =	vld [tilespmem:s13+$0x4670];
	v59 =	vmov s20;
	[tilespmem:s15+$0x4620] =	vst v3;
	v3 =	vmul.f32 v40, v45  }
0x194: {  	v12 =	vld.idx.msk [tilespmem:v54+s8+$0x0], $0xffff;
	v13 =	vand.u32 $0x7B, v59;
	s14 =	sand.u32 $0x3FFFFF80, s17;
	[tilespmem:s15+$0x4630] =	vst v1;
	v1 =	vmul.f32 v40, v46  }
0x195: {  	v62 =	vor.u32 $0x80, v13;
	v60 =	vld [tilespmem:s14+$0x4600];
	v2 =	vmul.f32 v49, v2;
	[tilespmem:s15+$0x4640] =	vst v3  }
0x196: {  	v9 =	vbroadcast v62, $0x0;
	v61 =	vld [tilespmem:s14+$0x4610];
	[tilespmem:s15+$0x4650] =	vst v1;
	v1 =	vmul.f32 v40, v48  }
0x197: {  	v63 =	vld [tilespmem:s14+$0x4620];
	v3 =	vmul.f32 v40, v47;
	[tilespmem:s13+$0x4640] =	vst v2  }
0x198: {  	v18 =	vld [tilespmem:s14+$0x4630];
	[tilespmem:s15+$0x4670] =	vst v1;
	v1 =	vmul.f32 v49, v52  }
0x199: {  	v19 =	vld [tilespmem:s14+$0x4640];
	v2 =	vmul.f32 v49, v57;
	[tilespmem:s15+$0x4660] =	vst v3  }
0x19a: {  	v20 =	vld [tilespmem:s14+$0x4650];
	[tilespmem:s13+$0x4610] =	vst v1;
	v1 =	vmul.f32 v49, v55  }
0x19b: {  	s17 =	sshll.u32 s20, $0x7;
	s20 =	sor.u32 $0xC, s12;
	v21 =	vld [tilespmem:s14+$0x4670];
	v3 =	vmul.f32 v49, v51;
	[tilespmem:s13+$0x4660] =	vst v2  }
0x19c: {  	v22 =	vmov s20;
	v9 =	vld.idx.msk [tilespmem:v9+s8+$0x0], $0xffff;
	s15 =	sand.u32 $0x3FFFFF80, s17;
	[tilespmem:s13+$0x4630] =	vst v1;
	v1 =	vmul.f32 v49, v56  }
0x19d: {  	v10 =	vand.u32 $0x7C, v22;
	v23 =	vld [tilespmem:s15+$0x4600];
	[tilespmem:s13+$0x4600] =	vst v3;
	v3 =	vmul.f32 v49, v53  }
0x19e: {  	v10 =	vor.u32 $0x80, v10;
	v24 =	vld [tilespmem:s15+$0x4610];
	[tilespmem:s13+$0x4650] =	vst v1;
	v1 =	vmul.f32 v49, v58  }
0x19f: {  	v10 =	vbroadcast v10, $0x0;
	v2 =	vmul.f32 v12, v60;
	v25 =	vld [tilespmem:s15+$0x4620];
	[tilespmem:s13+$0x4620] =	vst v3  }
0x1a0: {  	v3 =	vld [tilespmem:s14+$0x4660];
	[tilespmem:s13+$0x4670] =	vst v1;
	v1 =	vmul.f32 v12, v61  }
0x1a1: {  	v26 =	vld [tilespmem:s15+$0x4630];
	[tilespmem:s14+$0x4600] =	vst v2;
	v2 =	vmul.f32 v12, v63  }
0x1a2: {  	v27 =	vld [tilespmem:s15+$0x4640];
	[tilespmem:s14+$0x4610] =	vst v1;
	v1 =	vmul.f32 v12, v18  }
0x1a3: {  	v28 =	vld [tilespmem:s15+$0x4650];
	[tilespmem:s14+$0x4620] =	vst v2;
	v2 =	vmul.f32 v12, v19  }
0x1a4: {  	s17 =	sshll.u32 s20, $0x7;
	s20 =	sor.u32 $0xD, s12;
	v29 =	vld [tilespmem:s15+$0x4660];
	[tilespmem:s14+$0x4630] =	vst v1;
	v1 =	vmul.f32 v12, v20  }
0x1a5: {  	v31 =	vmov s20;
	v30 =	vld.idx.msk [tilespmem:v10+s8+$0x0], $0xffff;
	[tilespmem:s14+$0x4640] =	vst v2;
	v2 =	vmul.f32 v12, v3  }
0x1a6: {  	v10 =	vand.u32 $0x7D, v31;
	s13 =	sand.u32 $0x3FFFFF80, s17;
	v3 =	vld [tilespmem:s15+$0x4670];
	[tilespmem:s14+$0x4650] =	vst v1;
	v1 =	vmul.f32 v12, v21  }
0x1a7: {  	v10 =	vor.u32 $0x80, v10;
	v32 =	vld [tilespmem:s13+$0x4600];
	[tilespmem:s14+$0x4660] =	vst v2;
	v2 =	vmul.f32 v9, v23  }
0x1a8: {  	v10 =	vbroadcast v10, $0x0;
	v33 =	vld [tilespmem:s13+$0x4610];
	[tilespmem:s14+$0x4670] =	vst v1;
	v1 =	vmul.f32 v9, v24  }
0x1a9: {  	v34 =	vld [tilespmem:s13+$0x4620];
	[tilespmem:s15+$0x4600] =	vst v2;
	v2 =	vmul.f32 v9, v25  }
0x1aa: {  	v35 =	vld [tilespmem:s13+$0x4630];
	[tilespmem:s15+$0x4610] =	vst v1;
	v1 =	vmul.f32 v9, v26  }
0x1ab: {  	v36 =	vld [tilespmem:s13+$0x4640];
	[tilespmem:s15+$0x4620] =	vst v2;
	v2 =	vmul.f32 v9, v27  }
0x1ac: {  	v37 =	vld [tilespmem:s13+$0x4650];
	[tilespmem:s15+$0x4630] =	vst v1;
	v1 =	vmul.f32 v9, v28  }
0x1ad: {  	s17 =	sshll.u32 s20, $0x7;
	v38 =	vld [tilespmem:s13+$0x4660];
	[tilespmem:s15+$0x4640] =	vst v2;
	v2 =	vmul.f32 v9, v29  }
0x1ae: {  	v39 =	vld.idx.msk [tilespmem:v10+s8+$0x0], $0xffff;
	s14 =	sand.u32 $0x3FFFFF80, s17;
	[tilespmem:s15+$0x4650] =	vst v1;
	v1 =	vmul.f32 v9, v3  }
0x1af: {  	s20 =	sor.u32 $0xE, s12;
	v41 =	vld [tilespmem:s14+$0x4600];
	[tilespmem:s15+$0x4660] =	vst v2;
	v2 =	vmul.f32 v30, v32  }
0x1b0: {  	v40 =	vmov s20;
	v42 =	vld [tilespmem:s14+$0x4610];
	[tilespmem:s15+$0x4670] =	vst v1;
	v1 =	vmul.f32 v30, v33  }
0x1b1: {  	[tilespmem:s13+$0x4600] =	vst v2;
	v2 =	vmul.f32 v30, v34;
	v3 =	vld [tilespmem:s13+$0x4670];
	v9 =	vand.u32 $0x7E, v40  }
0x1b2: {  	v43 =	vld [tilespmem:s14+$0x4620];
	v9 =	vor.u32 $0x80, v9;
	[tilespmem:s13+$0x4610] =	vst v1;
	v1 =	vmul.f32 v30, v35  }
0x1b3: {  	v44 =	vld [tilespmem:s14+$0x4630];
	[tilespmem:s13+$0x4620] =	vst v2;
	v2 =	vmul.f32 v30, v36;
	v9 =	vbroadcast v9, $0x0  }
0x1b4: {  	v45 =	vld [tilespmem:s14+$0x4640];
	[tilespmem:s13+$0x4630] =	vst v1;
	v1 =	vmul.f32 v30, v37  }
0x1b5: {  	s17 =	sshll.u32 s20, $0x7;
	v46 =	vld [tilespmem:s14+$0x4650];
	[tilespmem:s13+$0x4640] =	vst v2;
	v2 =	vmul.f32 v30, v38  }
0x1b6: {  	v47 =	vld [tilespmem:s14+$0x4670];
	s17 =	sand.u32 $0x3FFFFF80, s17;
	[tilespmem:s13+$0x4650] =	vst v1;
	v1 =	vmul.f32 v30, v3  }
0x1b7: {  	s20 =	sor.u32 $0xF, s12;
	v50 =	vld [tilespmem:s17+$0x4600];
	[tilespmem:s13+$0x4660] =	vst v2;
	v2 =	vmul.f32 v39, v41  }
0x1b8: {  	v49 =	vmov s20;
	v3 =	vld [tilespmem:s14+$0x4660];
	[tilespmem:s13+$0x4670] =	vst v1;
	v1 =	vmul.f32 v39, v42  }
0x1b9: {  	[tilespmem:s14+$0x4600] =	vst v2;
	v2 =	vmul.f32 v39, v43;
	v48 =	vld.idx.msk [tilespmem:v9+s8+$0x0], $0xffff;
	v9 =	vand.u32 $0x7F, v49  }
0x1ba: {  	v51 =	vld [tilespmem:s17+$0x4610];
	v9 =	vor.u32 $0x80, v9;
	[tilespmem:s14+$0x4610] =	vst v1;
	v1 =	vmul.f32 v39, v44  }
0x1bb: {  	v52 =	vld [tilespmem:s17+$0x4620];
	[tilespmem:s14+$0x4620] =	vst v2;
	v2 =	vmul.f32 v39, v45;
	v9 =	vbroadcast v9, $0x0  }
0x1bc: {  	v53 =	vld [tilespmem:s17+$0x4630];
	[tilespmem:s14+$0x4630] =	vst v1;
	v1 =	vmul.f32 v39, v46  }
0x1bd: {  	v54 =	vld [tilespmem:s17+$0x4650];
	[tilespmem:s14+$0x4640] =	vst v2;
	v2 =	vmul.f32 v39, v3  }
0x1be: {  	v3 =	vld [tilespmem:s17+$0x4640];
	[tilespmem:s14+$0x4650] =	vst v1;
	v1 =	vmul.f32 v39, v47  }
0x1bf: {  	v55 =	vld [tilespmem:s17+$0x4660];
	[tilespmem:s14+$0x4660] =	vst v2;
	v2 =	vmul.f32 v48, v50  }
0x1c0: {  	s20 =	sshll.u32 s20, $0x7;
	v56 =	vld [tilespmem:s17+$0x4670];
	[tilespmem:s14+$0x4670] =	vst v1;
	v1 =	vmul.f32 v48, v51  }
0x1c1: {  	v57 =	vld.idx.msk [tilespmem:v9+s8+$0x0], $0xffff;
	[tilespmem:s17+$0x4600] =	vst v2;
	v2 =	vmul.f32 v48, v52;
	s14 =	sand.u32 $0x3FFFFF80, s20  }
0x1c2: {  	v58 =	vld [tilespmem:s14+$0x4600];
	[tilespmem:s17+$0x4610] =	vst v1;
	v1 =	vmul.f32 v48, v53  }
0x1c3: {  	[tilespmem:s17+$0x4620] =	vst v2;
	v2 =	vmul.f32 v48, v3;
	v3 =	vld [tilespmem:s14+$0x4610]  }
0x1c4: {  	v59 =	vld [tilespmem:s14+$0x4620];
	[tilespmem:s17+$0x4630] =	vst v1;
	v1 =	vmul.f32 v48, v54  }
0x1c5: {  	v60 =	vld [tilespmem:s14+$0x4630];
	[tilespmem:s17+$0x4640] =	vst v2;
	v2 =	vmul.f32 v48, v55  }
0x1c6: {  	v61 =	vld [tilespmem:s14+$0x4640];
	[tilespmem:s17+$0x4650] =	vst v1;
	v1 =	vmul.f32 v48, v56  }
0x1c7: {  	v62 =	vld [tilespmem:s14+$0x4650];
	[tilespmem:s17+$0x4660] =	vst v2;
	v2 =	vmul.f32 v57, v58  }
0x1c8: {  	[tilespmem:s17+$0x4670] =	vst v1;
	v1 =	vmul.f32 v57, v3;
	v3 =	vld [tilespmem:s14+$0x4660]  }
0x1c9: {  	v63 =	vld [tilespmem:s14+$0x4670];
	[tilespmem:s14+$0x4600] =	vst v2;
	v2 =	vmul.f32 v57, v59  }
0x1ca: {  	[tilespmem:s14+$0x4610] =	vst v1;
	v1 =	vmul.f32 v57, v60  }
0x1cb: {  	p0 =	slt.u32 s12, $0x70;
	[tilespmem:s14+$0x4620] =	vst v2;
	v2 =	vmul.f32 v57, v61  }
.Ltmp2:
0x1cc: {  	[tilespmem:s14+$0x4630] =	vst v1;
	v1 =	vmul.f32 v57, v62;
	(pc) =	sbr.rel @p0 .LBB2_7-.Ltmp2, $4  }
0x1cd: {  	[tilespmem:s14+$0x4640] =	vst v2;
	v2 =	vmul.f32 v57, v3  }
0x1ce: {  	[tilespmem:s14+$0x4650] =	vst v1;
	v1 =	vmul.f32 v57, v63  }
0x1cf: {  	[tilespmem:s14+$0x4660] =	vst v2  }
0x1d0: {  	s12 =	sadd.s32 $0x10, s12;
	[tilespmem:s14+$0x4670] =	vst v1  }
0x1d1: {  	s11 =	sadd.s32 $0x1, s11  }
0x1d2: {  	p0 =	sne.s32 s11, $0x28  }
.Ltmp3:
0x1d3: {  	_ = 	snop;
	(pc) =	sbr.rel @p0 .LBB2_4-.Ltmp3, $2  }
0x1d4: {  	_ =	sdelay $0x2  }
0x1d5: {  	[spmem:s2] =	stream.indirect.scatter.add.f32 [tilespmem:s30], [sflag:$0x6], $0x80, s8, s26, $0xb8;
	[tilespmem:$0x1E600] =	vst v63  }
0x1d6: {  	_ =	swait.ge [sflag:s9], $0x4000  }
0x1d7: {  	s11 =	stileid.u32;
	[sflag:s9] =	ssyncset.done $0x0  }
0x1d8: {  	s12 =	sshrl.u32 s7, $0x3;
	s10 =	sadd.s32 $0x1, s10;
	[sflag:s9] =	ssyncadd.s32 $0xFFFFC000  }
0x1d9: {  	s11 =	sshll.u32 s11, $0x6;
	p0 =	sne.s32 s10, s21;
	[bflag:$0x0] =	sbarrier.arrive $0xFFFF  }
.Ltmp4:
0x1da: {  	s11 =	sor.u32 $0x1C07, s11;
	s13 =	rddreg [dreg:$0xd];
	(pc) =	sbr.rel @p0 .LBB2_1-.Ltmp4, $4  }
0x1db: {  	[hbm:s13], [sflag:s11] =	dma.local [spmem:s12], $0x2800  }
0x1dc: {  	_ =	swait.ge [sflag:s24], $0x2800  }
0x1dd: {  	[sflag:s24] =	ssyncset.done $0x0  }
0x1de: {  	[sflag:s24] =	ssyncadd.s32 $0xFFFFD800  }
0x1df: {  	_ =	sfence.sel $0x180000  }
0x1e0: {  	[bflag:$0x0] =	sbarrier.arrive $0xFFFF  }
0x1e1: {  	_ =	strace $0x9000004A  }
0x1e2: {  	s0 =	stileid.u32;
	[bflag:$0x2] =	sbarrier.arrive $0xFFFF  }
0x1e3: {  	p0 =	sne.s32 s0, $0x0;
	s0 =	rddreg [dreg:$0x2]  }
0x1e4: {  	s0 =	sadd.s32 @!p0 $0x100000, s0  }
0x1e5: {  	[sflag:s0] =	ssyncadd.tile.s32 @!p0 $0x1;
	_ =	shalt  }
.Lfunc_end2:
_tile_overlayer_lowered:
.L_overlay_start_2:
0x1e6: {  	(tag) =	ssettag $0x2  }
0x1e7: {  	s0 =	rddreg [dreg:$0x0];
	s2 =	stileid.u32  }
0x1e8: {  	s1 =	rddreg [dreg:$0x1];
	p0 =	sne.s32 s2, $0x0  }
0x1e9: {  	s3 =	rddreg [dreg:$0x2];
	[bflag:$0x3] =	sbarrier.arrive $0xFFFF;
	s2 =	simm.s32 @!p0 $0x1C07  }
0x1ea: {  	[timem:s3], [sflag:s2] =	dma.local @!p0 [hbm:s0], s1  }
0x1eb: {  	s0 =	simm.s32 @!p0 $0x7  }
0x1ec: {  	_ =	swait.ge @!p0 [sflag:s0], s1  }
0x1ed: {  	s1 =	ssub.s32 @!p0 $0x0, s1;
	[sflag:s0] =	ssyncset.done @!p0 $0x0  }
0x1ee: {  	[sflag:s0] =	ssyncadd.s32 @!p0 s1  }
0x1ef: {  	[bflag:$0x3] =	sbarrier.arrive $0xFFFF  }
0x1f0: {  	_ =	shalt  }

// kernel: kernel.14.cloned.1.call-start
scs
__scs_entry_jumppad:
0x0: {  	(pc) =	sbr.rel $0x88, $3  }
0x1: {  	(tag) =	ssettag $0x0;
	lr =	simm.s32 $0x1  }
0x2: {  	[smem:$0x3F97] =	sst lr;
	_ =	strace $0xD0000000  }
0x3: {  	_ = 	snop  }
0x4: {  	_ = 	snop  }
0x5: {  	_ = 	snop  }
0x6: {  	_ = 	snop  }
0x7: {  	_ = 	snop  }
__scs_overlays_trampoline_lowered:
0x8: {  	[smem:$0x3FA6] =	sst s0  }
0x9: {  	[smem:$0x3FA7] =	sst s1  }
0xa: {  	[smem:$0x3FA8] =	sst s2  }
0xb: {  	[smem:$0x3FA9] =	sst s3  }
0xc: {  	[smem:$0x3FAA] =	sst s4  }
0xd: {  	[smem:$0x3FAB] =	sst s5  }
0xe: {  	[smem:$0x3FAC] =	sst s6  }
0xf: {  	[smem:$0x3FAD] =	sst s7  }
0x10: {  	[smem:$0x3FAE] =	sst s8  }
0x11: {  	[smem:$0x3FAF] =	sst s9;
	s0 =	simm.s32 @!p0 $0x0  }
0x12: {  	s1 =	sld [smem:$0x3F95];
	s0 =	simm.s32 @p0 $0x1  }
0x13: {  	[smem:$0x3FB0] =	sst s0;
	s0 =	simm.s32 @!p1 $0x0  }
0x14: {  	s2 =	sld [smem:$0x3F94];
	s0 =	simm.s32 @p1 $0x1  }
0x15: {  	[smem:$0x3FB1] =	sst s0;
	s0 =	simm.s32 @!p2 $0x0  }
0x16: {  	s3 =	sld [smem:$0x3FDB];
	s0 =	simm.s32 @p2 $0x1  }
0x17: {  	s4 =	simm.s32 $0x1BF5;
	[smem:$0x3FB3] =	sst s0  }
0x18: {  	s0 =	sld [smem:$0x3F96];
	_ =	swait.ge [sflag:s4], $0x0  }
0x19: {  	s7 =	sld [smem:$0x3F97]  }
0x1a: {  	s8 =	sadd.s32 $0xFFFFE003, lr  }
0x1b: {  	s9 =	sadd.s32 $0xFFFFFEF7, lr;
	s5 =	simm.s32 $0xFFFFFFFF;
	p2 =	slt.u32 s8, $0xFFFFF086  }
0x1c: {  	p1 =	slt.u32 s9, $0xF7A;
	s5 =	simm.s32 @!p2 $0x0  }
0x1d: {  	s5 =	simm.s32 @p1 $0x1;
	p0 =	seq.s32 s7, s2  }
0x1e: {  	s7 =	smul.u32 @!p0 $0xF7A, s2;
	p2 =	seq.s32 @!p0 s5, $0x0  }
0x1f: {  	s9 =	smul.u32 $0xF7A, s1;
	s8 =	simm.s32 @!p0 $0x1BF5;
	p2 =	por !p2, p0  }
0x20: {  	[sflag:s8] =	ssyncset.s32 @!p0 $0xFFFFF086;
	s6 =	sadd.s32 @!p0 s3, s7;
	s7 =	simm.s32 @!p0 $0x108  }
0x21: {  	s3 =	sadd.s32 s3, s9;
	s6 =	sadd.s32 @!p0 $0x88, s6;
	s7 =	simm.s32 @p2 $0x1082  }
0x22: {  	[simem:s7], [sflag:s8] =	dma.local @!p0 [hbm:s6], $0xF7A  }
0x23: {  	s9 =	sor.u32 $0xD0000000, s2;
	s6 =	simm.s32 $0x108;
	_ =	swait.ge @!p0 [sflag:s8], $0x0  }
0x24: {  	s3 =	sadd.s32 $0x88, s3;
	s6 =	simm.s32 @!p1 $0x1082;
	[sflag:s4] =	ssyncset.s32 $0xFFFFF086  }
0x25: {  	[simem:s6], [sflag:s4] =	dma.local [hbm:s3], $0xF7A  }
0x26: {  	[smem:$0x3F97] =	sst s1;
	(tag) =	ssettag s2;
	_ =	strace s9  }
0x27: {  	s1 =	sld [smem:$0x3FA7]  }
0x28: {  	s2 =	sld [smem:$0x3FA8]  }
0x29: {  	s4 =	sld [smem:$0x3FAA]  }
0x2a: {  	p0 =	seq.s32 s5, $0x0;
	s5 =	sld [smem:$0x3FAB]  }
0x2b: {  	s6 =	sld [smem:$0x3FAC]  }
0x2c: {  	s7 =	sld [smem:$0x3FAD]  }
0x2d: {  	s3 =	simm.s32 $0x108;
	s8 =	sld [smem:$0x3FAE]  }
0x2e: {  	s3 =	simm.s32 @!p0 $0x1082;
	s9 =	sld [smem:$0x3FAF]  }
0x2f: {  	lr =	sadd.s32 s0, s3;
	s0 =	sld [smem:$0x3FA6]  }
0x30: {  	s3 =	sld [smem:$0x3FA9]  }
0x31: {  	[smem:$0x3FB2] =	sst s10  }
0x32: {  	s10 =	sld [smem:$0x3FB0];
	_ =	sdelay $0x3  }
0x33: {  	p0 =	seq.s32 s10, $0x1;
	s10 =	sld [smem:$0x3FB2];
	_ =	sdelay $0x3  }
0x34: {  	[smem:$0x3FB2] =	sst s10  }
0x35: {  	s10 =	sld [smem:$0x3FB1];
	_ =	sdelay $0x3  }
0x36: {  	p1 =	seq.s32 s10, $0x1;
	s10 =	sld [smem:$0x3FB2];
	_ =	sdelay $0x3  }
0x37: {  	[smem:$0x3FB2] =	sst s10  }
0x38: {  	s10 =	sld [smem:$0x3FB3]  }
0x39: {  	_ = 	snop;
	(pc) =	sbr.ind lr, $3  }
0x3a: {  	_ = 	snop  }
0x3b: {  	_ = 	snop  }
0x3c: {  	p2 =	seq.s32 s10, $0x1;
	s10 =	sld [smem:$0x3FB2]  }
0x3d: {  	_ =	shalt  }
0x3e: {  	_ =	shalt  }
0x3f: {  	_ =	shalt  }
0x40: {  	_ =	shalt  }
0x41: {  	_ =	shalt  }
0x42: {  	_ =	shalt  }
0x43: {  	_ =	shalt  }
0x44: {  	_ =	shalt  }
0x45: {  	_ =	shalt  }
0x46: {  	_ =	shalt  }
0x47: {  	_ =	shalt  }
0x48: {  	_ =	shalt  }
0x49: {  	_ =	shalt  }
0x4a: {  	_ =	shalt  }
0x4b: {  	_ =	shalt  }
0x4c: {  	_ =	shalt  }
0x4d: {  	_ =	shalt  }
0x4e: {  	_ =	shalt  }
0x4f: {  	_ =	shalt  }
0x50: {  	_ =	shalt  }
0x51: {  	_ =	shalt  }
0x52: {  	_ =	shalt  }
0x53: {  	_ =	shalt  }
0x54: {  	_ =	shalt  }
0x55: {  	_ =	shalt  }
0x56: {  	_ =	shalt  }
0x57: {  	_ =	shalt  }
0x58: {  	_ =	shalt  }
0x59: {  	_ =	shalt  }
0x5a: {  	_ =	shalt  }
0x5b: {  	_ =	shalt  }
0x5c: {  	_ =	shalt  }
0x5d: {  	_ =	shalt  }
0x5e: {  	_ =	shalt  }
0x5f: {  	_ =	shalt  }
0x60: {  	_ =	shalt  }
0x61: {  	_ =	shalt  }
0x62: {  	_ =	shalt  }
0x63: {  	_ =	shalt  }
0x64: {  	_ =	shalt  }
0x65: {  	_ =	shalt  }
0x66: {  	_ =	shalt  }
0x67: {  	_ =	shalt  }
0x68: {  	_ =	shalt  }
0x69: {  	_ =	shalt  }
0x6a: {  	_ =	shalt  }
0x6b: {  	_ =	shalt  }
0x6c: {  	_ =	shalt  }
0x6d: {  	_ =	shalt  }
0x6e: {  	_ =	shalt  }
0x6f: {  	_ =	shalt  }
0x70: {  	_ =	shalt  }
0x71: {  	_ =	shalt  }
0x72: {  	_ =	shalt  }
0x73: {  	_ =	shalt  }
0x74: {  	_ =	shalt  }
0x75: {  	_ =	shalt  }
0x76: {  	_ =	shalt  }
0x77: {  	_ =	shalt  }
0x78: {  	_ =	shalt  }
0x79: {  	_ =	shalt  }
0x7a: {  	_ =	shalt  }
0x7b: {  	_ =	shalt  }
0x7c: {  	_ =	shalt  }
0x7d: {  	_ =	shalt  }
0x7e: {  	_ =	shalt  }
0x7f: {  	_ =	shalt  }
0x80: {  	_ =	shalt  }
0x81: {  	_ =	shalt  }
0x82: {  	_ =	shalt  }
0x83: {  	_ =	shalt  }
0x84: {  	_ =	shalt  }
0x85: {  	_ =	shalt  }
0x86: {  	_ =	shalt  }
0x87: {  	_ =	shalt  }
.Lfunc_end0:
.L_simem_size_0:
called_computation.2_lowered:
.L_overlay_start_0:
0x88: {  	s2 =	sld [smem:$0x3FD9]  }
0x89: {  	s3 =	sld [smem:$0x3FFE];
	_ =	sdelay $0x1  }
0x8a: {  	s1 =	srdreg.scid  }
0x8b: {  	s0 =	sand.u32 $0x1, s1  }
0x8c: {  	s16 =	sshll.u32 s0, $0xA;
	s2 =	sadd.s32 s3, s2  }
0x8d: {  	s2 =	sadd.s32 s2, s16  }
0x8e: {  	[smem:$0x3FBE] =	sst s2  }
0x8f: {  	_ = 	snop  }
0x90: {  	(tm) =	ssettm $0x1  }
0x91: {  	s17 =	sld [smem:$0x3FFB];
	_ =	sdelay $0x3  }
0x92: {  	_ =	strace s17  }
0x93: {  	s2 =	sld [smem:$0x3FFC];
	_ =	sdelay $0x3  }
0x94: {  	_ =	strace s2  }
0x95: {  	s2 =	sld [smem:$0x3FFD];
	_ =	sdelay $0x3  }
0x96: {  	_ =	strace s2  }
0x97: {  	_ =	strace $0x8FFFFFFF  }
0x98: {  	s18 =	sld [smem:$0x3FDB];
	_ =	sdelay $0x1  }
0x99: {  	s19 =	simm.s32 $_scs_section_size  }
0x9a: {  	s4 =	simm.s32 $_size__tile_overlayer_lowered;
	s5 =	simm.s32 $_tile_overlayer_lowered  }
0x9b: {  	s22 =	simm.s32 $0x1BFF;
	s21 =	sshll.u32 s5, $0x1;
	s2 =	sadd.s32 s19, s18  }
0x9c: {  	s6 =	simm.s32 $0x0;
	s20 =	sshll.u32 s4, $0x1;
	s4 =	sadd.s32 s21, s2  }
0x9d: {  	[timem:s6], [sflag:s22] =	dma.local [hbm:s4], s20  }
0x9e: {  	_ =	swait.ge [sflag:s22], s20  }
0x9f: {  	s3 =	ssub.s32 $0x0, s20;
	[sflag:s22] =	ssyncset.done $0x0  }
0xa0: {  	[sflag:s22] =	ssyncadd.s32 s3;
	_ =	sdelay $0x1  }
0xa1: {  	s23 =	simm.s32 $0x1B8B  }
0xa2: {  	_ =	swait.ge [sflag:s23], $0x1  }
0xa3: {  	[sflag:s23] =	ssyncset.done $0x0  }
0xa4: {  	s25 =	simm.s32 $0x1B8E;
	s24 =	sld [smem:$0x3FFE];
	[sflag:s23] =	ssyncadd.s32 $0xFFFFFFFF  }
0xa5: {  	s26 =	simm.s32 $execute0_lowered;
	[smem:$0x3FD2] =	sst s25  }
0xa6: {  	s4 =	sshll.u32 s26, $0x1;
	_ =	strace $0x8000004C;
	[dreg:$0x1] =	wrdreg $0xFFFFFFFF  }
0xa7: {  	s28 =	simm.s32 $_size_execute0_lowered;
	s2 =	sadd.s32 s2, s4;
	[dreg:$0x0] =	wrdreg $0x0  }
0xa8: {  	s4 =	sshll.u32 s28, $0x1;
	[dreg:$0x2] =	wrdreg s2  }
0xa9: {  	[dreg:$0x3] =	wrdreg s4  }
0xaa: {  	[dreg:$0x4] =	wrdreg $0xC0  }
0xab: {  	_ =	task [dreg:s6], $0x5FFFF  }
0xac: {  	[dreg:$0x1] =	wrdreg $0xFFFFFFFF  }
0xad: {  	[dreg:$0x0] =	wrdreg $0x60  }
0xae: {  	[dreg:$0x2] =	wrdreg s24  }
0xaf: {  	[dreg:$0x3] =	wrdreg $0xA6000  }
0xb0: {  	[dreg:$0x4] =	wrdreg $0x9  }
0xb1: {  	_ =	task.clear_ibuf [dreg:s6], $0x5FFFF;
	_ =	strace $0x9000004C  }
0xb2: {  	s29 =	simm.s32 $0x9;
	_ =	strace $0x8000004E  }
0xb3: {  	_ =	swait.ge [sflag:s29], $0x1  }
0xb4: {  	[sflag:s29] =	ssyncadd.s32 $0xFFFFFFFF  }
0xb5: {  	_ =	strace $0x9000004E  }
0xb6: {  	_ =	sfence  }
0xb7: {  	s30 =	sld [smem:$0x0];
	_ =	sdelay $0x2  }
0xb8: {  	s31 =	sshll.u32 s1, $0xD;
	s1 =	sshrl.u32 s1, $0x2  }
0xb9: {  	s3 =	sand.u32 $0x4000, s31;
	s1 =	sadd.s32 s1, s30  }
0xba: {  	s0 =	sor.u32 s3, s0;
	s1 =	sshll.u32 s1, $0x11  }
0xbb: {  	s0 =	sor.u32 s1, s0  }
0xbc: {  	s0 =	sadd.s32 $0x8F2B, s0  }
0xbd: {  	[sflag:s0] =	ssyncadd.remote.s32 $0x1  }
0xbe: {  	_ =	sfence.sel $0xFFFF  }
0xbf: {  	[dreg:$0x0] =	wrdreg $0xFFFFFFFF;
	(pc) =	sbr.abs _section_cstart, $3  }
0xc0: {  	[dreg:$0x1] =	wrdreg $0xFFFFFFFF  }
0xc1: {  	_ =	task.clear_ibuf [dreg:s6], $0x2FFFF;
	_ =	strace $0x9FFFFFFF  }
0xc2: {  	(tm) =	ssettm $0x7FFFFFFF  }
0xc3: {  	_ =	shalt  }
tec
execute0_lowered:
.L_overlay_start_1:
0x0: {  	(tag) =	ssettag $0x1  }
0x1: {  	s0 =	srdreg.scid  }
0x2: {  	s1 =	rddreg [dreg:$0x0];
	s6 =	stileid.u32  }
0x3: {  	s2 =	rddreg [dreg:$0x1];
	s7 =	simm.s32 $0x0;
	s28 =	simm.s32 $0x600  }
0x4: {  	s29 =	simm.s32 $0x2;
	s30 =	simm.s32 $0x4600;
	s0 =	sand.u32 $0x1, s0  }
0x5: {  	s31 =	simm.s32 $0x3;
	s4 =	smul.u32 $0x14000, s6;
	s5 =	sshll.u32 s0, $0x4  }
0x6: {  	s10 =	simm.s32 $0x0;
	s5 =	sor.u32 s6, s5;
	s6 =	smul.u32 $0x50000, s6  }
0x7: {  	[smem:$0x7FF] =	sst s7;
	s3 =	smul.u32 $0x140000, s0;
	s0 =	ssub.s32 $0x2, s0  }
0x8: {  	_ =	strace $0x8000004D;
	s9 =	sshrl.u32 s0, $0x1;
	s17 =	sshrl.u32 s6, $0x2  }
0x9: {  	s3 =	sadd.s32 s4, s3;
	s8 =	smul.u32 $0xA000, s5;
	s7 =	sadd.s32 s17, s2  }
0xa: {  	s4 =	sadd.s32 $0x8FC00, s1;
	s5 =	sadd.s32 $0x17C00, s1;
	s18 =	sadd.s32 $0x2000, s7  }
0xb: {  	s0 =	ssub.s32 s0, s9;
	s19 =	sadd.s32 $0x4000, s7;
	[dreg:$0x4] =	wrdreg s18  }
0xc: {  	s9 =	simm.s32 $0x6;
	s20 =	sadd.s32 $0x6000, s7;
	[dreg:$0x5] =	wrdreg s19  }
0xd: {  	s3 =	sshrl.u32 s3, $0x3;
	s21 =	sadd.s32 $0x8000, s7;
	[dreg:$0x6] =	wrdreg s20  }
0xe: {  	s1 =	sadd.s32 s3, s1;
	s22 =	sadd.s32 $0xA000, s7;
	[dreg:$0x7] =	wrdreg s21  }
0xf: {  	s16 =	sshrl.u32 s8, $0x3;
	s23 =	sadd.s32 $0xC000, s7;
	[dreg:$0x8] =	wrdreg s22  }
0x10: {  	s6 =	sadd.s32 s5, s16;
	s24 =	sadd.s32 $0xE000, s7;
	[dreg:$0x9] =	wrdreg s23  }
0x11: {  	s25 =	sadd.s32 $0x10000, s7;
	s26 =	sadd.s32 $0x12000, s7;
	[dreg:$0xa] =	wrdreg s24  }
0x12: {  	s1 =	sadd.s32 $0xB7C00, s1;
	s3 =	sadd.s32 $0x40, s6;
	[dreg:$0xb] =	wrdreg s25  }
0x13: {  	[dreg:$0xc] =	wrdreg s26;
	s18 =	sor.u32 $0x400, s8;
	s19 =	sor.u32 $0x600, s8  }
0x14: {  	[dreg:$0xd] =	wrdreg s1;
	s21 =	smax.u32 s0, $0x1;
	s22 =	simm.s32 $0x200  }
0x15: {  	s23 =	simm.s32 $0x8600;
	s24 =	simm.s32 $0x7;
	s25 =	simm.s32 $0x1  }
0x16: {  	s26 =	simm.s32 $0x80;
	s1 =	simm.s32 $0x400;
	s0 =	simm.s32 $0x5  }
0x17: {  	v0 =	vimm.f32 $0.0e+00;
	s8 =	simm.s32 $0x500;
	[dreg:$0x3] =	wrdreg s3;
	s3 =	simm.s32 $0x4  }
.LBB2_1:
0x18: {  	s11 =	simm.s32 $0x0  }
0x19: {  	[tilespmem:s11], [sflag:$0x1] =	stream.linear.gather [hbm4b:s6+s11], $0x180, $0x38;
	[tilespmem:$0x1E600] =	vst v63  }
0x1a: {  	s12 =	rddreg [dreg:$0x3]  }
0x1b: {  	[tilespmem:s22], [sflag:$0x2] =	stream.linear.gather [hbm4b:s12+s11], $0x180, $0x38;
	[tilespmem:$0x1E600] =	vst v63  }
0x1c: {  	s11 =	simm.s32 $0x0;
	s12 =	simm.s32 $0x200  }
.LBB2_2:
0x1d: {  	p0 =	sne.s32 s12, $0x7E00;
	[tilespmem:s11+$0x8670] =	vst v0  }
0x1e: {  	[tilespmem:s11+$0x8600] =	vst v0  }
0x1f: {  	[tilespmem:s11+$0x8610] =	vst v0  }
.Ltmp0:
0x20: {  	[tilespmem:s11+$0x8620] =	vst v0;
	(pc) =	sbr.rel @p0 .LBB2_2-.Ltmp0, $4  }
0x21: {  	[tilespmem:s11+$0x8630] =	vst v0  }
0x22: {  	[tilespmem:s11+$0x8640] =	vst v0  }
0x23: {  	[tilespmem:s11+$0x8650] =	vst v0  }
0x24: {  	[tilespmem:s11+$0x8660] =	vst v0;
	s11 =	sshra.s32 s12, $0x2;
	s12 =	sadd.s32 $0x200, s12  }
0x25: {  	[tilespmem:s11+$0x8670] =	vst v0  }
0x26: {  	[tilespmem:s11+$0x8600] =	vst v0  }
0x27: {  	[tilespmem:s11+$0x8610] =	vst v0  }
0x28: {  	[tilespmem:s11+$0x8620] =	vst v0  }
0x29: {  	[tilespmem:s11+$0x8630] =	vst v0  }
0x2a: {  	[tilespmem:s11+$0x8640] =	vst v0  }
0x2b: {  	[tilespmem:s11+$0x8650] =	vst v0  }
0x2c: {  	[tilespmem:s11+$0x8660] =	vst v0  }
0x2d: {  	[spmem:s7] =	stream.linear.scatter [tilespmem:s23], [sflag:$0x7], $0x2000, $0x38;
	[tilespmem:$0x1E600] =	vst v63  }
0x2e: {  	_ =	swait.ge [sflag:s24], $0x2000  }
0x2f: {  	[sflag:s24] =	ssyncset.done $0x0  }
0x30: {  	s17 =	rddreg [dreg:$0x4];
	[sflag:s24] =	ssyncadd.s32 $0xFFFFE000  }
0x31: {  	[spmem:s17] =	stream.linear.scatter [tilespmem:s23], [sflag:$0x7], $0x2000, $0x38;
	[tilespmem:$0x1E600] =	vst v63  }
0x32: {  	_ =	swait.ge [sflag:s24], $0x2000  }
0x33: {  	[sflag:s24] =	ssyncset.done $0x0  }
0x34: {  	s20 =	rddreg [dreg:$0x5];
	[sflag:s24] =	ssyncadd.s32 $0xFFFFE000  }
0x35: {  	[spmem:s20] =	stream.linear.scatter [tilespmem:s23], [sflag:$0x7], $0x2000, $0x38;
	[tilespmem:$0x1E600] =	vst v63  }
0x36: {  	_ =	swait.ge [sflag:s24], $0x2000  }
0x37: {  	[sflag:s24] =	ssyncset.done $0x0  }
0x38: {  	s12 =	rddreg [dreg:$0x6];
	[sflag:s24] =	ssyncadd.s32 $0xFFFFE000  }
0x39: {  	[spmem:s12] =	stream.linear.scatter [tilespmem:s23], [sflag:$0x7], $0x2000, $0x38;
	[tilespmem:$0x1E600] =	vst v63  }
0x3a: {  	_ =	swait.ge [sflag:s24], $0x2000  }
0x3b: {  	[sflag:s24] =	ssyncset.done $0x0  }
0x3c: {  	s13 =	rddreg [dreg:$0x7];
	[sflag:s24] =	ssyncadd.s32 $0xFFFFE000  }
0x3d: {  	[spmem:s13] =	stream.linear.scatter [tilespmem:s23], [sflag:$0x7], $0x2000, $0x38;
	[tilespmem:$0x1E600] =	vst v63  }
0x3e: {  	_ =	swait.ge [sflag:s24], $0x2000  }
0x3f: {  	[sflag:s24] =	ssyncset.done $0x0  }
0x40: {  	s14 =	rddreg [dreg:$0x8];
	[sflag:s24] =	ssyncadd.s32 $0xFFFFE000  }
0x41: {  	[spmem:s14] =	stream.linear.scatter [tilespmem:s23], [sflag:$0x7], $0x2000, $0x38;
	[tilespmem:$0x1E600] =	vst v63  }
0x42: {  	_ =	swait.ge [sflag:s24], $0x2000  }
0x43: {  	[sflag:s24] =	ssyncset.done $0x0  }
0x44: {  	s15 =	rddreg [dreg:$0x9];
	[sflag:s24] =	ssyncadd.s32 $0xFFFFE000  }
0x45: {  	[spmem:s15] =	stream.linear.scatter [tilespmem:s23], [sflag:$0x7], $0x2000, $0x38;
	[tilespmem:$0x1E600] =	vst v63  }
0x46: {  	_ =	swait.ge [sflag:s24], $0x2000  }
0x47: {  	[sflag:s24] =	ssyncset.done $0x0  }
0x48: {  	s16 =	rddreg [dreg:$0xa];
	[sflag:s24] =	ssyncadd.s32 $0xFFFFE000  }
0x49: {  	[spmem:s16] =	stream.linear.scatter [tilespmem:s23], [sflag:$0x7], $0x2000, $0x38;
	[tilespmem:$0x1E600] =	vst v63  }
0x4a: {  	_ =	swait.ge [sflag:s24], $0x2000  }
0x4b: {  	[sflag:s24] =	ssyncset.done $0x0  }
0x4c: {  	s17 =	rddreg [dreg:$0xb];
	[sflag:s24] =	ssyncadd.s32 $0xFFFFE000  }
0x4d: {  	[spmem:s17] =	stream.linear.scatter [tilespmem:s23], [sflag:$0x7], $0x2000, $0x38;
	[tilespmem:$0x1E600] =	vst v63  }
0x4e: {  	_ =	swait.ge [sflag:s24], $0x2000  }
0x4f: {  	[sflag:s24] =	ssyncset.done $0x0  }
0x50: {  	s20 =	rddreg [dreg:$0xc];
	[sflag:s24] =	ssyncadd.s32 $0xFFFFE000  }
0x51: {  	[spmem:s20] =	stream.linear.scatter [tilespmem:s23], [sflag:$0x7], $0x2000, $0x38;
	[tilespmem:$0x1E600] =	vst v63  }
0x52: {  	_ =	swait.ge [sflag:s24], $0x2000  }
0x53: {  	[sflag:s24] =	ssyncset.done $0x0  }
0x54: {  	[sflag:s24] =	ssyncadd.s32 $0xFFFFE000  }
0x55: {  	_ =	swait.ge [sflag:s25], $0x180  }
0x56: {  	[sflag:s25] =	ssyncset.done $0x0  }
0x57: {  	s11 =	simm.s32 $0x0;
	[sflag:s25] =	ssyncadd.s32 $0xFFFFFE80  }
0x58: {  	[tilespmem:s28], [sflag:$0x3] =	stream.indirect.gather [hbm4b:s4+s26], $0x80, s11, s26, $0xb8;
	[tilespmem:$0x1E600] =	vst v63  }
0x59: {  	[bflag:$0x0] =	sbarrier.arrive $0xFFFF  }
.LBB2_4:
0x5a: {  	p0 =	seq.s32 s11, $0x0  }
0x5b: {  	s12 =	simm.s32 @!p0 $0x6  }
0x5c: {  	_ =	swait.ge @!p0 [sflag:s12], $0x4000  }
0x5d: {  	[sflag:s12] =	ssyncset.done @!p0 $0x0  }
0x5e: {  	[sflag:s12] =	ssyncadd.s32 @!p0 $0xFFFFC000  }
0x5f: {  	_ =	swait.ge [sflag:s29], $0x180  }
0x60: {  	[sflag:s29] =	ssyncset.done $0x0  }
0x61: {  	[sflag:s29] =	ssyncadd.s32 $0xFFFFFE80  }
0x62: {  	[tilespmem:s30], [sflag:$0x4] =	stream.indirect.gather [hbm4b:s4+s26], $0x80, s22, s26, $0xb8;
	[tilespmem:$0x1E600] =	vst v63  }
0x63: {  	_ =	swait.ge [sflag:s31], $0x4000  }
0x64: {  	[sflag:s31] =	ssyncset.done $0x0  }
0x65: {  	[sflag:s31] =	ssyncadd.s32 $0xFFFFC000  }
0x66: {  	v1 =	vld [tilespmem:$0x80]  }
0x67: {  	v2 =	vld [tilespmem:$0x100]  }
0x68: {  	v3 =	vld [tilespmem:$0x90]  }
0x69: {  	v4 =	vld [tilespmem:$0x110]  }
0x6a: {  	v5 =	vld [tilespmem:$0xA0]  }
0x6b: {  	[tilespmem:$0x400] =	vst v1;
	v1 =	vld [tilespmem:$0x120]  }
0x6c: {  	v60 =	vld [tilespmem:$0xC0];
	[tilespmem:$0x480] =	vst v2  }
0x6d: {  	v61 =	vld [tilespmem:$0x140];
	[tilespmem:$0x410] =	vst v3  }
0x6e: {  	v2 =	vld [tilespmem:$0xB0];
	[tilespmem:$0x490] =	vst v4  }
0x6f: {  	v3 =	vld [tilespmem:$0x130];
	[tilespmem:$0x420] =	vst v5  }
0x70: {  	[tilespmem:$0x4A0] =	vst v1;
	v1 =	vld [tilespmem:$0xD0]  }
0x71: {  	v62 =	vld [tilespmem:$0x160];
	[tilespmem:$0x440] =	vst v60  }
0x72: {  	v63 =	vld [tilespmem:$0xF0];
	[tilespmem:$0x4C0] =	vst v61  }
0x73: {  	[tilespmem:$0x430] =	vst v2;
	v2 =	vld [tilespmem:$0x150]  }
0x74: {  	[tilespmem:$0x4B0] =	vst v3;
	v3 =	vld [tilespmem:$0xE0]  }
0x75: {  	[tilespmem:$0x450] =	vst v1;
	v1 =	vld [tilespmem:$0x170]  }
0x76: {  	[tilespmem:$0x4E0] =	vst v62  }
0x77: {  	s12 =	sshll.u32 s11, $0xA;
	p0 =	seq.s32 s11, $0x27;
	[tilespmem:$0x470] =	vst v63  }
0x78: {  	s13 =	sadd.s32 @!p0 s12, s18;
	[tilespmem:$0x4D0] =	vst v2  }
0x79: {  	s13 =	sshrl.u32 @!p0 s13, $0x3;
	[tilespmem:$0x460] =	vst v3  }
0x7a: {  	s14 =	simm.s32 @!p0 $0x0;
	s13 =	sadd.s32 @!p0 s5, s13;
	[tilespmem:$0x4F0] =	vst v1  }
0x7b: {  	[tilespmem:s14], [sflag:$0x1] =	stream.linear.gather @!p0 [hbm4b:s13+s14], $0x180, $0x38;
	[tilespmem:$0x1E600] =	vst v63  }
0x7c: {  	s13 =	simm.s32 $0x0  }
.LBB2_5:
0x7d: {  	s14 =	sshll.u32 s13, $0x7  }
0x7e: {  	s16 =	sand.u32 $0x3FFFFF80, s14  }
0x7f: {  	v3 =	vld [tilespmem:s16+$0x600]  }
0x80: {  	v4 =	vld [tilespmem:s16+$0x610]  }
0x81: {  	v5 =	vld [tilespmem:s16+$0x620]  }
0x82: {  	v6 =	vld [tilespmem:s16+$0x630]  }
0x83: {  	v7 =	vld [tilespmem:s16+$0x640]  }
0x84: {  	s15 =	sor.u32 $0x1, s13;
	v8 =	vld [tilespmem:s16+$0x650]  }
0x85: {  	s17 =	sshll.u32 s15, $0x7;
	v9 =	vld [tilespmem:s16+$0x660]  }
0x86: {  	v1 =	vmov s13;
	v10 =	vld [tilespmem:s16+$0x670];
	s17 =	sand.u32 $0x3FFFFF80, s17  }
0x87: {  	v1 =	vand.u32 $0x70, v1;
	v12 =	vld [tilespmem:s17+$0x600]  }
0x88: {  	v1 =	vor.u32 $0x80, v1;
	v13 =	vld [tilespmem:s17+$0x610]  }
0x89: {  	v1 =	vbroadcast v1, $0x0;
	v14 =	vld [tilespmem:s17+$0x620]  }
0x8a: {  	v15 =	vld [tilespmem:s17+$0x630]  }
0x8b: {  	v16 =	vld [tilespmem:s17+$0x640]  }
0x8c: {  	v17 =	vld [tilespmem:s17+$0x650]  }
0x8d: {  	s20 =	sor.u32 $0x2, s13;
	v18 =	vld [tilespmem:s17+$0x660]  }
0x8e: {  	v2 =	vmov s15;
	s15 =	sshll.u32 s20, $0x7;
	v19 =	vld [tilespmem:s17+$0x670]  }
0x8f: {  	v2 =	vand.u32 $0x71, v2;
	s15 =	sand.u32 $0x3FFFFF80, s15;
	v1 =	vld.idx.msk [tilespmem:v1+s1+$0x0], $0xffff  }
0x90: {  	v2 =	vor.u32 $0x80, v2;
	v21 =	vld [tilespmem:s15+$0x600]  }
0x91: {  	v22 =	vld [tilespmem:s15+$0x610];
	v2 =	vbroadcast v2, $0x0  }
0x92: {  	v23 =	vld [tilespmem:s15+$0x620]  }
0x93: {  	v24 =	vld [tilespmem:s15+$0x630]  }
0x94: {  	v26 =	vld [tilespmem:s15+$0x640];
	v3 =	vmul.f32 v1, v3  }
0x95: {  	v28 =	vld [tilespmem:s15+$0x650];
	v4 =	vmul.f32 v1, v4  }
0x96: {  	v11 =	vmov s20;
	s20 =	sor.u32 $0x3, s13;
	v29 =	vld [tilespmem:s15+$0x660];
	[tilespmem:s16+$0x600] =	vst v3;
	v3 =	vmul.f32 v1, v5  }
0x97: {  	v11 =	vand.u32 $0x72, v11;
	s14 =	sshll.u32 s20, $0x7;
	v2 =	vld.idx.msk [tilespmem:v2+s1+$0x0], $0xffff;
	v27 =	vmul.f32 v1, v6;
	[tilespmem:s16+$0x610] =	vst v4  }
0x98: {  	v11 =	vor.u32 $0x80, v11;
	v31 =	vld [tilespmem:s15+$0x670];
	s14 =	sand.u32 $0x3FFFFF80, s14;
	[tilespmem:s16+$0x620] =	vst v3;
	v3 =	vmul.f32 v1, v7  }
0x99: {  	v20 =	vmov s20;
	v11 =	vbroadcast v11, $0x0;
	v34 =	vld [tilespmem:s14+$0x600];
	v30 =	vmul.f32 v1, v8;
	[tilespmem:s16+$0x630] =	vst v27  }
0x9a: {  	v20 =	vand.u32 $0x73, v20;
	v36 =	vld [tilespmem:s14+$0x610];
	[tilespmem:s16+$0x640] =	vst v3;
	v3 =	vmul.f32 v1, v9  }
0x9b: {  	s20 =	sor.u32 $0x4, s13;
	v20 =	vor.u32 $0x80, v20;
	v37 =	vld [tilespmem:s14+$0x620];
	[tilespmem:s16+$0x650] =	vst v30;
	v1 =	vmul.f32 v1, v10  }
0x9c: {  	v33 =	vmov s20;
	v38 =	vld [tilespmem:s14+$0x630];
	v20 =	vbroadcast v20, $0x0;
	[tilespmem:s16+$0x660] =	vst v3;
	v3 =	vmul.f32 v2, v12  }
0x9d: {  	v35 =	vand.u32 $0x74, v33;
	v39 =	vld [tilespmem:s14+$0x640];
	[tilespmem:s16+$0x670] =	vst v1;
	v1 =	vmul.f32 v2, v13  }
0x9e: {  	v40 =	vld [tilespmem:s14+$0x650];
	v10 =	vor.u32 $0x80, v35;
	[tilespmem:s17+$0x600] =	vst v3;
	v3 =	vmul.f32 v2, v14  }
0x9f: {  	v11 =	vld.idx.msk [tilespmem:v11+s1+$0x0], $0xffff;
	v10 =	vbroadcast v10, $0x0;
	[tilespmem:s17+$0x610] =	vst v1;
	v1 =	vmul.f32 v2, v15  }
0xa0: {  	v41 =	vld [tilespmem:s14+$0x660];
	[tilespmem:s17+$0x620] =	vst v3;
	v3 =	vmul.f32 v2, v16  }
0xa1: {  	v42 =	vld [tilespmem:s14+$0x670];
	s16 =	sshll.u32 s20, $0x7;
	[tilespmem:s17+$0x630] =	vst v1;
	v1 =	vmul.f32 v2, v17  }
0xa2: {  	v32 =	vld.idx.msk [tilespmem:v20+s1+$0x0], $0xffff;
	s16 =	sand.u32 $0x3FFFFF80, s16;
	[tilespmem:s17+$0x640] =	vst v3;
	v3 =	vmul.f32 v2, v18  }
0xa3: {  	s20 =	sor.u32 $0x5, s13;
	v44 =	vld [tilespmem:s16+$0x600];
	[tilespmem:s17+$0x650] =	vst v1;
	v1 =	vmul.f32 v2, v19  }
0xa4: {  	v43 =	vmov s20;
	v45 =	vld [tilespmem:s16+$0x610];
	[tilespmem:s17+$0x660] =	vst v3;
	v3 =	vmul.f32 v11, v21  }
0xa5: {  	v2 =	vld.idx.msk [tilespmem:v10+s1+$0x0], $0xffff;
	v10 =	vand.u32 $0x75, v43;
	[tilespmem:s17+$0x670] =	vst v1;
	v1 =	vmul.f32 v11, v22  }
0xa6: {  	v46 =	vld [tilespmem:s16+$0x620];
	v10 =	vor.u32 $0x80, v10;
	[tilespmem:s15+$0x600] =	vst v3;
	v3 =	vmul.f32 v11, v23  }
0xa7: {  	v47 =	vld [tilespmem:s16+$0x630];
	v10 =	vbroadcast v10, $0x0;
	[tilespmem:s15+$0x610] =	vst v1;
	v1 =	vmul.f32 v11, v24  }
0xa8: {  	v48 =	vld [tilespmem:s16+$0x640];
	[tilespmem:s15+$0x620] =	vst v3;
	v3 =	vmul.f32 v11, v26  }
0xa9: {  	v49 =	vld [tilespmem:s16+$0x650];
	[tilespmem:s15+$0x630] =	vst v1;
	v1 =	vmul.f32 v11, v28  }
0xaa: {  	v50 =	vld [tilespmem:s16+$0x660];
	s17 =	sshll.u32 s20, $0x7;
	[tilespmem:s15+$0x640] =	vst v3;
	v3 =	vmul.f32 v11, v29  }
0xab: {  	v51 =	vld [tilespmem:s16+$0x670];
	s20 =	sor.u32 $0x6, s13;
	s17 =	sand.u32 $0x3FFFFF80, s17;
	[tilespmem:s15+$0x650] =	vst v1;
	v1 =	vmul.f32 v11, v31  }
0xac: {  	v53 =	vmov s20;
	v54 =	vld [tilespmem:s17+$0x600];
	[tilespmem:s15+$0x660] =	vst v3;
	v3 =	vmul.f32 v32, v34  }
0xad: {  	v52 =	vld.idx.msk [tilespmem:v10+s1+$0x0], $0xffff;
	v10 =	vand.u32 $0x76, v53;
	[tilespmem:s15+$0x670] =	vst v1;
	v1 =	vmul.f32 v32, v36  }
0xae: {  	v55 =	vld [tilespmem:s17+$0x610];
	v10 =	vor.u32 $0x80, v10;
	[tilespmem:s14+$0x600] =	vst v3;
	v3 =	vmul.f32 v32, v37  }
0xaf: {  	v56 =	vld [tilespmem:s17+$0x620];
	v10 =	vbroadcast v10, $0x0;
	[tilespmem:s14+$0x610] =	vst v1;
	v1 =	vmul.f32 v32, v38  }
0xb0: {  	v57 =	vld [tilespmem:s17+$0x630];
	[tilespmem:s14+$0x620] =	vst v3;
	v3 =	vmul.f32 v32, v39  }
0xb1: {  	v58 =	vld [tilespmem:s17+$0x640];
	[tilespmem:s14+$0x630] =	vst v1;
	v1 =	vmul.f32 v32, v40  }
0xb2: {  	v59 =	vld [tilespmem:s17+$0x650];
	[tilespmem:s14+$0x640] =	vst v3;
	v3 =	vmul.f32 v32, v41  }
0xb3: {  	v60 =	vld [tilespmem:s17+$0x660];
	s15 =	sshll.u32 s20, $0x7;
	s20 =	sor.u32 $0x7, s13;
	[tilespmem:s14+$0x650] =	vst v1;
	v1 =	vmul.f32 v32, v42  }
0xb4: {  	v61 =	vld [tilespmem:s17+$0x670];
	v62 =	vmov s20;
	[tilespmem:s14+$0x660] =	vst v3;
	v3 =	vmul.f32 v2, v44  }
0xb5: {  	v18 =	vand.u32 $0x77, v62;
	v10 =	vld.idx.msk [tilespmem:v10+s1+$0x0], $0xffff;
	[tilespmem:s14+$0x670] =	vst v1;
	v1 =	vmul.f32 v2, v45;
	s14 =	sand.u32 $0x3FFFFF80, s15  }
0xb6: {  	v18 =	vor.u32 $0x80, v18;
	v63 =	vld [tilespmem:s14+$0x600];
	[tilespmem:s16+$0x600] =	vst v3;
	v3 =	vmul.f32 v2, v46  }
0xb7: {  	v18 =	vbroadcast v18, $0x0;
	v24 =	vld [tilespmem:s14+$0x610];
	[tilespmem:s16+$0x610] =	vst v1;
	v1 =	vmul.f32 v2, v47  }
0xb8: {  	v25 =	vld [tilespmem:s14+$0x620];
	[tilespmem:s16+$0x620] =	vst v3;
	v3 =	vmul.f32 v2, v48  }
0xb9: {  	v26 =	vld [tilespmem:s14+$0x630];
	[tilespmem:s16+$0x630] =	vst v1;
	v1 =	vmul.f32 v2, v49  }
0xba: {  	v27 =	vld [tilespmem:s14+$0x640];
	[tilespmem:s16+$0x640] =	vst v3;
	v3 =	vmul.f32 v2, v50  }
0xbb: {  	v28 =	vld [tilespmem:s14+$0x660];
	[tilespmem:s16+$0x650] =	vst v1;
	v1 =	vmul.f32 v2, v51  }
0xbc: {  	v29 =	vld [tilespmem:s14+$0x670];
	[tilespmem:s16+$0x660] =	vst v3;
	v3 =	vmul.f32 v52, v54  }
0xbd: {  	v30 =	vld.idx.msk [tilespmem:v18+s1+$0x0], $0xffff;
	[tilespmem:s16+$0x670] =	vst v1;
	v1 =	vmul.f32 v52, v55;
	s16 =	sshll.u32 s20, $0x7  }
0xbe: {  	v2 =	vld [tilespmem:s14+$0x650];
	s15 =	sand.u32 $0x3FFFFF80, s16;
	[tilespmem:s17+$0x600] =	vst v3;
	v3 =	vmul.f32 v52, v56  }
0xbf: {  	[tilespmem:s17+$0x610] =	vst v1;
	v1 =	vmul.f32 v52, v57;
	v32 =	vld [tilespmem:s15+$0x600]  }
0xc0: {  	v33 =	vld [tilespmem:s15+$0x610];
	[tilespmem:s17+$0x620] =	vst v3;
	v3 =	vmul.f32 v52, v58  }
0xc1: {  	v34 =	vld [tilespmem:s15+$0x620];
	[tilespmem:s17+$0x630] =	vst v1;
	v1 =	vmul.f32 v52, v59  }
0xc2: {  	s20 =	sor.u32 $0x8, s13;
	v35 =	vld [tilespmem:s15+$0x630];
	[tilespmem:s17+$0x640] =	vst v3;
	v3 =	vmul.f32 v52, v60  }
0xc3: {  	v31 =	vmov s20;
	v36 =	vld [tilespmem:s15+$0x640];
	[tilespmem:s17+$0x650] =	vst v1;
	v1 =	vmul.f32 v52, v61  }
0xc4: {  	v13 =	vand.u32 $0x78, v31;
	v37 =	vld [tilespmem:s15+$0x650];
	[tilespmem:s17+$0x660] =	vst v3;
	v3 =	vmul.f32 v10, v63  }
0xc5: {  	s16 =	sshll.u32 s20, $0x7;
	v38 =	vld [tilespmem:s15+$0x660];
	v13 =	vor.u32 $0x80, v13;
	[tilespmem:s17+$0x670] =	vst v1;
	v1 =	vmul.f32 v10, v24  }
0xc6: {  	v39 =	vld [tilespmem:s15+$0x670];
	s16 =	sand.u32 $0x3FFFFF80, s16;
	v13 =	vbroadcast v13, $0x0;
	[tilespmem:s14+$0x600] =	vst v3;
	v3 =	vmul.f32 v10, v25  }
0xc7: {  	v42 =	vld [tilespmem:s16+$0x600];
	[tilespmem:s14+$0x610] =	vst v1;
	v1 =	vmul.f32 v10, v26  }
0xc8: {  	v43 =	vld [tilespmem:s16+$0x620];
	[tilespmem:s14+$0x620] =	vst v3;
	v3 =	vmul.f32 v10, v27  }
0xc9: {  	v44 =	vld [tilespmem:s16+$0x630];
	[tilespmem:s14+$0x630] =	vst v1;
	v1 =	vmul.f32 v10, v2  }
0xca: {  	s20 =	sor.u32 $0x9, s13;
	v45 =	vld [tilespmem:s16+$0x640];
	[tilespmem:s14+$0x640] =	vst v3;
	v3 =	vmul.f32 v10, v28  }
0xcb: {  	v41 =	vmov s20;
	v46 =	vld [tilespmem:s16+$0x650];
	[tilespmem:s14+$0x650] =	vst v1;
	v1 =	vmul.f32 v10, v29  }
0xcc: {  	v40 =	vld.idx.msk [tilespmem:v13+s1+$0x0], $0xffff;
	v13 =	vand.u32 $0x79, v41;
	[tilespmem:s14+$0x660] =	vst v3;
	v3 =	vmul.f32 v30, v32  }
0xcd: {  	v47 =	vld [tilespmem:s16+$0x660];
	v13 =	vor.u32 $0x80, v13;
	[tilespmem:s14+$0x670] =	vst v1;
	v1 =	vmul.f32 v30, v33  }
0xce: {  	v48 =	vld [tilespmem:s16+$0x670];
	s17 =	sshll.u32 s20, $0x7;
	v13 =	vbroadcast v13, $0x0;
	[tilespmem:s15+$0x600] =	vst v3;
	v3 =	vmul.f32 v30, v34  }
0xcf: {  	v2 =	vld [tilespmem:s16+$0x610];
	s14 =	sand.u32 $0x3FFFFF80, s17;
	[tilespmem:s15+$0x610] =	vst v1;
	v1 =	vmul.f32 v30, v35  }
0xd0: {  	v51 =	vld [tilespmem:s14+$0x600];
	[tilespmem:s15+$0x620] =	vst v3;
	v3 =	vmul.f32 v30, v36  }
0xd1: {  	v52 =	vld [tilespmem:s14+$0x610];
	[tilespmem:s15+$0x630] =	vst v1;
	v1 =	vmul.f32 v30, v37  }
0xd2: {  	v53 =	vld [tilespmem:s14+$0x620];
	[tilespmem:s15+$0x640] =	vst v3;
	v3 =	vmul.f32 v30, v38  }
0xd3: {  	v55 =	vld [tilespmem:s14+$0x630];
	[tilespmem:s15+$0x650] =	vst v1;
	v1 =	vmul.f32 v30, v39  }
0xd4: {  	v49 =	vld.idx.msk [tilespmem:v13+s1+$0x0], $0xffff;
	[tilespmem:s15+$0x660] =	vst v3;
	v3 =	vmul.f32 v40, v42  }
0xd5: {  	s20 =	sor.u32 $0xA, s13;
	[tilespmem:s15+$0x670] =	vst v1;
	v1 =	vmul.f32 v40, v2;
	v2 =	vld [tilespmem:s14+$0x640]  }
0xd6: {  	v50 =	vmov s20;
	v56 =	vld [tilespmem:s14+$0x650];
	[tilespmem:s16+$0x600] =	vst v3;
	v3 =	vmul.f32 v40, v43  }
0xd7: {  	s17 =	sshll.u32 s20, $0x7;
	s20 =	sor.u32 $0xB, s13;
	v57 =	vld [tilespmem:s14+$0x660];
	v13 =	vand.u32 $0x7A, v50;
	[tilespmem:s16+$0x610] =	vst v1;
	v1 =	vmul.f32 v40, v44  }
0xd8: {  	v58 =	vld [tilespmem:s14+$0x670];
	v59 =	vmov s20;
	v13 =	vor.u32 $0x80, v13;
	s15 =	sand.u32 $0x3FFFFF80, s17;
	[tilespmem:s16+$0x620] =	vst v3;
	v3 =	vmul.f32 v40, v45  }
0xd9: {  	v54 =	vbroadcast v13, $0x0;
	v13 =	vand.u32 $0x7B, v59;
	v60 =	vld [tilespmem:s15+$0x600];
	[tilespmem:s16+$0x630] =	vst v1;
	v1 =	vmul.f32 v40, v46  }
0xda: {  	v62 =	vor.u32 $0x80, v13;
	v61 =	vld [tilespmem:s15+$0x610];
	v2 =	vmul.f32 v49, v2;
	[tilespmem:s16+$0x640] =	vst v3  }
0xdb: {  	v9 =	vbroadcast v62, $0x0;
	v63 =	vld [tilespmem:s15+$0x620];
	[tilespmem:s16+$0x650] =	vst v1;
	v1 =	vmul.f32 v40, v48  }
0xdc: {  	v18 =	vld [tilespmem:s15+$0x630];
	v3 =	vmul.f32 v40, v47;
	[tilespmem:s14+$0x640] =	vst v2  }
0xdd: {  	v19 =	vld [tilespmem:s15+$0x640];
	[tilespmem:s16+$0x670] =	vst v1;
	v1 =	vmul.f32 v49, v52  }
0xde: {  	v20 =	vld [tilespmem:s15+$0x650];
	v2 =	vmul.f32 v49, v57;
	[tilespmem:s16+$0x660] =	vst v3  }
0xdf: {  	v12 =	vld.idx.msk [tilespmem:v54+s1+$0x0], $0xffff;
	[tilespmem:s14+$0x610] =	vst v1;
	v1 =	vmul.f32 v49, v55  }
0xe0: {  	s17 =	sshll.u32 s20, $0x7;
	s20 =	sor.u32 $0xC, s13;
	v21 =	vld [tilespmem:s15+$0x670];
	v3 =	vmul.f32 v49, v51;
	[tilespmem:s14+$0x660] =	vst v2  }
0xe1: {  	v22 =	vmov s20;
	v9 =	vld.idx.msk [tilespmem:v9+s1+$0x0], $0xffff;
	s16 =	sand.u32 $0x3FFFFF80, s17;
	[tilespmem:s14+$0x630] =	vst v1;
	v1 =	vmul.f32 v49, v56  }
0xe2: {  	v10 =	vand.u32 $0x7C, v22;
	v23 =	vld [tilespmem:s16+$0x600];
	[tilespmem:s14+$0x600] =	vst v3;
	v3 =	vmul.f32 v49, v53  }
0xe3: {  	v10 =	vor.u32 $0x80, v10;
	v24 =	vld [tilespmem:s16+$0x610];
	[tilespmem:s14+$0x650] =	vst v1;
	v1 =	vmul.f32 v49, v58  }
0xe4: {  	v10 =	vbroadcast v10, $0x0;
	v2 =	vmul.f32 v12, v60;
	v25 =	vld [tilespmem:s16+$0x620];
	[tilespmem:s14+$0x620] =	vst v3  }
0xe5: {  	v3 =	vld [tilespmem:s15+$0x660];
	[tilespmem:s14+$0x670] =	vst v1;
	v1 =	vmul.f32 v12, v61  }
0xe6: {  	v26 =	vld [tilespmem:s16+$0x630];
	[tilespmem:s15+$0x600] =	vst v2;
	v2 =	vmul.f32 v12, v63  }
0xe7: {  	v27 =	vld [tilespmem:s16+$0x640];
	[tilespmem:s15+$0x610] =	vst v1;
	v1 =	vmul.f32 v12, v18  }
0xe8: {  	v28 =	vld [tilespmem:s16+$0x650];
	[tilespmem:s15+$0x620] =	vst v2;
	v2 =	vmul.f32 v12, v19  }
0xe9: {  	s17 =	sshll.u32 s20, $0x7;
	s20 =	sor.u32 $0xD, s13;
	v29 =	vld [tilespmem:s16+$0x660];
	[tilespmem:s15+$0x630] =	vst v1;
	v1 =	vmul.f32 v12, v20  }
0xea: {  	v31 =	vmov s20;
	v30 =	vld.idx.msk [tilespmem:v10+s1+$0x0], $0xffff;
	[tilespmem:s15+$0x640] =	vst v2;
	v2 =	vmul.f32 v12, v3  }
0xeb: {  	v10 =	vand.u32 $0x7D, v31;
	s14 =	sand.u32 $0x3FFFFF80, s17;
	v3 =	vld [tilespmem:s16+$0x670];
	[tilespmem:s15+$0x650] =	vst v1;
	v1 =	vmul.f32 v12, v21  }
0xec: {  	v10 =	vor.u32 $0x80, v10;
	v32 =	vld [tilespmem:s14+$0x600];
	[tilespmem:s15+$0x660] =	vst v2;
	v2 =	vmul.f32 v9, v23  }
0xed: {  	v10 =	vbroadcast v10, $0x0;
	v33 =	vld [tilespmem:s14+$0x610];
	[tilespmem:s15+$0x670] =	vst v1;
	v1 =	vmul.f32 v9, v24  }
0xee: {  	v34 =	vld [tilespmem:s14+$0x620];
	[tilespmem:s16+$0x600] =	vst v2;
	v2 =	vmul.f32 v9, v25  }
0xef: {  	v35 =	vld [tilespmem:s14+$0x630];
	[tilespmem:s16+$0x610] =	vst v1;
	v1 =	vmul.f32 v9, v26  }
0xf0: {  	v36 =	vld [tilespmem:s14+$0x640];
	[tilespmem:s16+$0x620] =	vst v2;
	v2 =	vmul.f32 v9, v27  }
0xf1: {  	v37 =	vld [tilespmem:s14+$0x650];
	[tilespmem:s16+$0x630] =	vst v1;
	v1 =	vmul.f32 v9, v28  }
0xf2: {  	s17 =	sshll.u32 s20, $0x7;
	v38 =	vld [tilespmem:s14+$0x660];
	[tilespmem:s16+$0x640] =	vst v2;
	v2 =	vmul.f32 v9, v29  }
0xf3: {  	v39 =	vld.idx.msk [tilespmem:v10+s1+$0x0], $0xffff;
	s15 =	sand.u32 $0x3FFFFF80, s17;
	[tilespmem:s16+$0x650] =	vst v1;
	v1 =	vmul.f32 v9, v3  }
0xf4: {  	s20 =	sor.u32 $0xE, s13;
	v41 =	vld [tilespmem:s15+$0x600];
	[tilespmem:s16+$0x660] =	vst v2;
	v2 =	vmul.f32 v30, v32  }
0xf5: {  	v40 =	vmov s20;
	v42 =	vld [tilespmem:s15+$0x610];
	[tilespmem:s16+$0x670] =	vst v1;
	v1 =	vmul.f32 v30, v33  }
0xf6: {  	[tilespmem:s14+$0x600] =	vst v2;
	v2 =	vmul.f32 v30, v34;
	v3 =	vld [tilespmem:s14+$0x670];
	v9 =	vand.u32 $0x7E, v40  }
0xf7: {  	v43 =	vld [tilespmem:s15+$0x620];
	v9 =	vor.u32 $0x80, v9;
	[tilespmem:s14+$0x610] =	vst v1;
	v1 =	vmul.f32 v30, v35  }
0xf8: {  	v44 =	vld [tilespmem:s15+$0x630];
	[tilespmem:s14+$0x620] =	vst v2;
	v2 =	vmul.f32 v30, v36;
	v9 =	vbroadcast v9, $0x0  }
0xf9: {  	v45 =	vld [tilespmem:s15+$0x640];
	[tilespmem:s14+$0x630] =	vst v1;
	v1 =	vmul.f32 v30, v37  }
0xfa: {  	s17 =	sshll.u32 s20, $0x7;
	v46 =	vld [tilespmem:s15+$0x650];
	[tilespmem:s14+$0x640] =	vst v2;
	v2 =	vmul.f32 v30, v38  }
0xfb: {  	v47 =	vld [tilespmem:s15+$0x670];
	s16 =	sand.u32 $0x3FFFFF80, s17;
	[tilespmem:s14+$0x650] =	vst v1;
	v1 =	vmul.f32 v30, v3  }
0xfc: {  	s20 =	sor.u32 $0xF, s13;
	v50 =	vld [tilespmem:s16+$0x600];
	[tilespmem:s14+$0x660] =	vst v2;
	v2 =	vmul.f32 v39, v41  }
0xfd: {  	v49 =	vmov s20;
	v3 =	vld [tilespmem:s15+$0x660];
	[tilespmem:s14+$0x670] =	vst v1;
	v1 =	vmul.f32 v39, v42  }
0xfe: {  	[tilespmem:s15+$0x600] =	vst v2;
	v2 =	vmul.f32 v39, v43;
	v48 =	vld.idx.msk [tilespmem:v9+s1+$0x0], $0xffff;
	v9 =	vand.u32 $0x7F, v49  }
0xff: {  	v51 =	vld [tilespmem:s16+$0x610];
	v9 =	vor.u32 $0x80, v9;
	[tilespmem:s15+$0x610] =	vst v1;
	v1 =	vmul.f32 v39, v44  }
0x100: {  	v52 =	vld [tilespmem:s16+$0x620];
	[tilespmem:s15+$0x620] =	vst v2;
	v2 =	vmul.f32 v39, v45;
	v9 =	vbroadcast v9, $0x0  }
0x101: {  	v53 =	vld [tilespmem:s16+$0x630];
	[tilespmem:s15+$0x630] =	vst v1;
	v1 =	vmul.f32 v39, v46  }
0x102: {  	v54 =	vld [tilespmem:s16+$0x650];
	[tilespmem:s15+$0x640] =	vst v2;
	v2 =	vmul.f32 v39, v3  }
0x103: {  	v3 =	vld [tilespmem:s16+$0x640];
	[tilespmem:s15+$0x650] =	vst v1;
	v1 =	vmul.f32 v39, v47  }
0x104: {  	v55 =	vld [tilespmem:s16+$0x660];
	[tilespmem:s15+$0x660] =	vst v2;
	v2 =	vmul.f32 v48, v50  }
0x105: {  	s20 =	sshll.u32 s20, $0x7;
	v56 =	vld [tilespmem:s16+$0x670];
	[tilespmem:s15+$0x670] =	vst v1;
	v1 =	vmul.f32 v48, v51  }
0x106: {  	v57 =	vld.idx.msk [tilespmem:v9+s1+$0x0], $0xffff;
	[tilespmem:s16+$0x600] =	vst v2;
	v2 =	vmul.f32 v48, v52;
	s15 =	sand.u32 $0x3FFFFF80, s20  }
0x107: {  	v58 =	vld [tilespmem:s15+$0x600];
	[tilespmem:s16+$0x610] =	vst v1;
	v1 =	vmul.f32 v48, v53  }
0x108: {  	[tilespmem:s16+$0x620] =	vst v2;
	v2 =	vmul.f32 v48, v3;
	v3 =	vld [tilespmem:s15+$0x610]  }
0x109: {  	v59 =	vld [tilespmem:s15+$0x620];
	[tilespmem:s16+$0x630] =	vst v1;
	v1 =	vmul.f32 v48, v54  }
0x10a: {  	v60 =	vld [tilespmem:s15+$0x630];
	[tilespmem:s16+$0x640] =	vst v2;
	v2 =	vmul.f32 v48, v55  }
0x10b: {  	v61 =	vld [tilespmem:s15+$0x640];
	[tilespmem:s16+$0x650] =	vst v1;
	v1 =	vmul.f32 v48, v56  }
0x10c: {  	v62 =	vld [tilespmem:s15+$0x650];
	[tilespmem:s16+$0x660] =	vst v2;
	v2 =	vmul.f32 v57, v58  }
0x10d: {  	[tilespmem:s16+$0x670] =	vst v1;
	v1 =	vmul.f32 v57, v3;
	v3 =	vld [tilespmem:s15+$0x660]  }
0x10e: {  	v63 =	vld [tilespmem:s15+$0x670];
	[tilespmem:s15+$0x600] =	vst v2;
	v2 =	vmul.f32 v57, v59  }
0x10f: {  	[tilespmem:s15+$0x610] =	vst v1;
	v1 =	vmul.f32 v57, v60  }
0x110: {  	p1 =	slt.u32 s13, $0x70;
	[tilespmem:s15+$0x620] =	vst v2;
	v2 =	vmul.f32 v57, v61  }
.Ltmp1:
0x111: {  	[tilespmem:s15+$0x630] =	vst v1;
	v1 =	vmul.f32 v57, v62;
	(pc) =	sbr.rel @p1 .LBB2_5-.Ltmp1, $4  }
0x112: {  	[tilespmem:s15+$0x640] =	vst v2;
	v2 =	vmul.f32 v57, v3  }
0x113: {  	[tilespmem:s15+$0x650] =	vst v1;
	v1 =	vmul.f32 v57, v63  }
0x114: {  	[tilespmem:s15+$0x660] =	vst v2  }
0x115: {  	s13 =	sadd.s32 $0x10, s13;
	[tilespmem:s15+$0x670] =	vst v1  }
0x116: {  	[spmem:s2] =	stream.indirect.scatter.add.f32 [tilespmem:s28], [sflag:$0x5], $0x80, s1, s26, $0xb8;
	[tilespmem:$0x1E600] =	vst v63  }
0x117: {  	_ =	swait.ge [sflag:s0], $0x4000  }
0x118: {  	[sflag:s0] =	ssyncset.done $0x0  }
0x119: {  	s13 =	simm.s32 @!p0 $0x1;
	[sflag:s0] =	ssyncadd.s32 $0xFFFFC000  }
0x11a: {  	_ =	swait.ge @!p0 [sflag:s13], $0x180  }
0x11b: {  	s14 =	simm.s32 @!p0 $0x0;
	[sflag:s13] =	ssyncset.done @!p0 $0x0  }
0x11c: {  	s15 =	simm.s32 @!p0 $0x600;
	[sflag:s13] =	ssyncadd.s32 @!p0 $0xFFFFFE80;
	s13 =	simm.s32 @!p0 $0x80  }
0x11d: {  	[tilespmem:s15], [sflag:$0x3] =	stream.indirect.gather @!p0 [hbm4b:s4+s13], $0x80, s14, s13, $0xb8;
	[tilespmem:$0x1E600] =	vst v63  }
0x11e: {  	_ =	swait.ge [sflag:s3], $0x4000  }
0x11f: {  	[sflag:s3] =	ssyncset.done $0x0  }
0x120: {  	[sflag:s3] =	ssyncadd.s32 $0xFFFFC000  }
0x121: {  	v1 =	vld [tilespmem:$0x280]  }
0x122: {  	v2 =	vld [tilespmem:$0x300]  }
0x123: {  	v3 =	vld [tilespmem:$0x290]  }
0x124: {  	v4 =	vld [tilespmem:$0x310]  }
0x125: {  	v5 =	vld [tilespmem:$0x2A0]  }
0x126: {  	[tilespmem:$0x500] =	vst v1;
	v1 =	vld [tilespmem:$0x320]  }
0x127: {  	v60 =	vld [tilespmem:$0x2C0];
	[tilespmem:$0x580] =	vst v2  }
0x128: {  	v61 =	vld [tilespmem:$0x340];
	[tilespmem:$0x510] =	vst v3  }
0x129: {  	v2 =	vld [tilespmem:$0x2B0];
	[tilespmem:$0x590] =	vst v4  }
0x12a: {  	v3 =	vld [tilespmem:$0x330];
	[tilespmem:$0x520] =	vst v5  }
0x12b: {  	[tilespmem:$0x5A0] =	vst v1;
	v1 =	vld [tilespmem:$0x2D0]  }
0x12c: {  	v62 =	vld [tilespmem:$0x360];
	[tilespmem:$0x540] =	vst v60  }
0x12d: {  	v63 =	vld [tilespmem:$0x2F0];
	[tilespmem:$0x5C0] =	vst v61  }
0x12e: {  	[tilespmem:$0x530] =	vst v2;
	v2 =	vld [tilespmem:$0x350]  }
0x12f: {  	[tilespmem:$0x5B0] =	vst v3;
	v3 =	vld [tilespmem:$0x2E0]  }
0x130: {  	[tilespmem:$0x550] =	vst v1;
	v1 =	vld [tilespmem:$0x370]  }
0x131: {  	[tilespmem:$0x5E0] =	vst v62  }
0x132: {  	[tilespmem:$0x570] =	vst v63  }
0x133: {  	s12 =	sadd.s32 @!p0 s12, s19;
	[tilespmem:$0x5D0] =	vst v2  }
0x134: {  	s12 =	sshrl.u32 @!p0 s12, $0x3;
	[tilespmem:$0x560] =	vst v3  }
0x135: {  	s12 =	sadd.s32 @!p0 s5, s12;
	s13 =	simm.s32 @!p0 $0x200;
	[tilespmem:$0x5F0] =	vst v1  }
0x136: {  	[tilespmem:s13], [sflag:$0x2] =	stream.linear.gather @!p0 [hbm4b:s12+s14], $0x180, $0x38;
	[tilespmem:$0x1E600] =	vst v63  }
0x137: {  	s12 =	simm.s32 $0x0  }
.LBB2_7:
0x138: {  	s13 =	sshll.u32 s12, $0x7  }
0x139: {  	s15 =	sand.u32 $0x3FFFFF80, s13  }
0x13a: {  	v3 =	vld [tilespmem:s15+$0x4600]  }
0x13b: {  	v4 =	vld [tilespmem:s15+$0x4610]  }
0x13c: {  	v5 =	vld [tilespmem:s15+$0x4620]  }
0x13d: {  	v6 =	vld [tilespmem:s15+$0x4630]  }
0x13e: {  	v7 =	vld [tilespmem:s15+$0x4640]  }
0x13f: {  	s14 =	sor.u32 $0x1, s12;
	v8 =	vld [tilespmem:s15+$0x4650]  }
0x140: {  	s17 =	sshll.u32 s14, $0x7;
	v9 =	vld [tilespmem:s15+$0x4660]  }
0x141: {  	v1 =	vmov s12;
	v10 =	vld [tilespmem:s15+$0x4670];
	s16 =	sand.u32 $0x3FFFFF80, s17  }
0x142: {  	v1 =	vand.u32 $0x70, v1;
	v12 =	vld [tilespmem:s16+$0x4600]  }
0x143: {  	v1 =	vor.u32 $0x80, v1;
	v13 =	vld [tilespmem:s16+$0x4610]  }
0x144: {  	v1 =	vbroadcast v1, $0x0;
	v14 =	vld [tilespmem:s16+$0x4620]  }
0x145: {  	v15 =	vld [tilespmem:s16+$0x4630]  }
0x146: {  	v16 =	vld [tilespmem:s16+$0x4640]  }
0x147: {  	v17 =	vld [tilespmem:s16+$0x4650]  }
0x148: {  	s20 =	sor.u32 $0x2, s12;
	v18 =	vld [tilespmem:s16+$0x4660]  }
0x149: {  	v2 =	vmov s14;
	s14 =	sshll.u32 s20, $0x7;
	v19 =	vld [tilespmem:s16+$0x4670]  }
0x14a: {  	v2 =	vand.u32 $0x71, v2;
	s14 =	sand.u32 $0x3FFFFF80, s14;
	v1 =	vld.idx.msk [tilespmem:v1+s8+$0x0], $0xffff  }
0x14b: {  	v2 =	vor.u32 $0x80, v2;
	v21 =	vld [tilespmem:s14+$0x4600]  }
0x14c: {  	v22 =	vld [tilespmem:s14+$0x4610];
	v2 =	vbroadcast v2, $0x0  }
0x14d: {  	v23 =	vld [tilespmem:s14+$0x4620]  }
0x14e: {  	v24 =	vld [tilespmem:s14+$0x4630]  }
0x14f: {  	v26 =	vld [tilespmem:s14+$0x4640];
	v3 =	vmul.f32 v1, v3  }
0x150: {  	v28 =	vld [tilespmem:s14+$0x4650];
	v4 =	vmul.f32 v1, v4  }
0x151: {  	v11 =	vmov s20;
	s17 =	sor.u32 $0x3, s12;
	v29 =	vld [tilespmem:s14+$0x4660];
	[tilespmem:s15+$0x4600] =	vst v3;
	v3 =	vmul.f32 v1, v5  }
0x152: {  	v11 =	vand.u32 $0x72, v11;
	v20 =	vmov s17;
	s17 =	sshll.u32 s17, $0x7;
	v2 =	vld.idx.msk [tilespmem:v2+s8+$0x0], $0xffff;
	v27 =	vmul.f32 v1, v6;
	[tilespmem:s15+$0x4610] =	vst v4  }
0x153: {  	v11 =	vor.u32 $0x80, v11;
	v31 =	vld [tilespmem:s14+$0x4670];
	s13 =	sand.u32 $0x3FFFFF80, s17;
	[tilespmem:s15+$0x4620] =	vst v3;
	v3 =	vmul.f32 v1, v7  }
0x154: {  	v11 =	vbroadcast v11, $0x0;
	v34 =	vld [tilespmem:s13+$0x4600];
	v30 =	vmul.f32 v1, v8;
	[tilespmem:s15+$0x4630] =	vst v27  }
0x155: {  	v20 =	vand.u32 $0x73, v20;
	v36 =	vld [tilespmem:s13+$0x4610];
	[tilespmem:s15+$0x4640] =	vst v3;
	v3 =	vmul.f32 v1, v9  }
0x156: {  	v20 =	vor.u32 $0x80, v20;
	v37 =	vld [tilespmem:s13+$0x4620];
	[tilespmem:s15+$0x4650] =	vst v30;
	v1 =	vmul.f32 v1, v10  }
0x157: {  	s20 =	sor.u32 $0x4, s12;
	v38 =	vld [tilespmem:s13+$0x4630];
	v20 =	vbroadcast v20, $0x0;
	[tilespmem:s15+$0x4660] =	vst v3;
	v3 =	vmul.f32 v2, v12  }
0x158: {  	v33 =	vmov s20;
	v39 =	vld [tilespmem:s13+$0x4640];
	[tilespmem:s15+$0x4670] =	vst v1;
	v1 =	vmul.f32 v2, v13  }
0x159: {  	v35 =	vand.u32 $0x74, v33;
	v40 =	vld [tilespmem:s13+$0x4650];
	[tilespmem:s16+$0x4600] =	vst v3;
	v3 =	vmul.f32 v2, v14  }
0x15a: {  	v11 =	vld.idx.msk [tilespmem:v11+s8+$0x0], $0xffff;
	v10 =	vor.u32 $0x80, v35;
	[tilespmem:s16+$0x4610] =	vst v1;
	v1 =	vmul.f32 v2, v15  }
0x15b: {  	v41 =	vld [tilespmem:s13+$0x4660];
	v10 =	vbroadcast v10, $0x0;
	[tilespmem:s16+$0x4620] =	vst v3;
	v3 =	vmul.f32 v2, v16  }
0x15c: {  	s17 =	sshll.u32 s20, $0x7;
	v42 =	vld [tilespmem:s13+$0x4670];
	[tilespmem:s16+$0x4630] =	vst v1;
	v1 =	vmul.f32 v2, v17  }
0x15d: {  	v32 =	vld.idx.msk [tilespmem:v20+s8+$0x0], $0xffff;
	s15 =	sand.u32 $0x3FFFFF80, s17;
	[tilespmem:s16+$0x4640] =	vst v3;
	v3 =	vmul.f32 v2, v18  }
0x15e: {  	v44 =	vld [tilespmem:s15+$0x4600];
	[tilespmem:s16+$0x4650] =	vst v1;
	v1 =	vmul.f32 v2, v19  }
0x15f: {  	s20 =	sor.u32 $0x5, s12;
	v45 =	vld [tilespmem:s15+$0x4610];
	[tilespmem:s16+$0x4660] =	vst v3;
	v3 =	vmul.f32 v11, v21  }
0x160: {  	v43 =	vmov s20;
	v46 =	vld [tilespmem:s15+$0x4620];
	[tilespmem:s16+$0x4670] =	vst v1;
	v1 =	vmul.f32 v11, v22  }
0x161: {  	v2 =	vld.idx.msk [tilespmem:v10+s8+$0x0], $0xffff;
	v10 =	vand.u32 $0x75, v43;
	[tilespmem:s14+$0x4600] =	vst v3;
	v3 =	vmul.f32 v11, v23  }
0x162: {  	v47 =	vld [tilespmem:s15+$0x4630];
	v10 =	vor.u32 $0x80, v10;
	[tilespmem:s14+$0x4610] =	vst v1;
	v1 =	vmul.f32 v11, v24  }
0x163: {  	v48 =	vld [tilespmem:s15+$0x4640];
	v10 =	vbroadcast v10, $0x0;
	[tilespmem:s14+$0x4620] =	vst v3;
	v3 =	vmul.f32 v11, v26  }
0x164: {  	v49 =	vld [tilespmem:s15+$0x4650];
	[tilespmem:s14+$0x4630] =	vst v1;
	v1 =	vmul.f32 v11, v28  }
0x165: {  	s17 =	sshll.u32 s20, $0x7;
	s20 =	sor.u32 $0x6, s12;
	v50 =	vld [tilespmem:s15+$0x4660];
	[tilespmem:s14+$0x4640] =	vst v3;
	v3 =	vmul.f32 v11, v29  }
0x166: {  	v51 =	vld [tilespmem:s15+$0x4670];
	v53 =	vmov s20;
	s16 =	sand.u32 $0x3FFFFF80, s17;
	s17 =	sshll.u32 s20, $0x7;
	s20 =	sor.u32 $0x7, s12;
	[tilespmem:s14+$0x4650] =	vst v1;
	v1 =	vmul.f32 v11, v31  }
0x167: {  	v54 =	vld [tilespmem:s16+$0x4600];
	v62 =	vmov s20;
	[tilespmem:s14+$0x4660] =	vst v3;
	v3 =	vmul.f32 v32, v34  }
0x168: {  	v55 =	vld [tilespmem:s16+$0x4610];
	v18 =	vand.u32 $0x77, v62;
	[tilespmem:s14+$0x4670] =	vst v1;
	v1 =	vmul.f32 v32, v36  }
0x169: {  	v18 =	vor.u32 $0x80, v18;
	v52 =	vld.idx.msk [tilespmem:v10+s8+$0x0], $0xffff;
	v10 =	vand.u32 $0x76, v53;
	[tilespmem:s13+$0x4600] =	vst v3;
	v3 =	vmul.f32 v32, v37  }
0x16a: {  	v56 =	vld [tilespmem:s16+$0x4620];
	v18 =	vbroadcast v18, $0x0;
	v10 =	vor.u32 $0x80, v10;
	[tilespmem:s13+$0x4610] =	vst v1;
	v1 =	vmul.f32 v32, v38  }
0x16b: {  	v57 =	vld [tilespmem:s16+$0x4630];
	v10 =	vbroadcast v10, $0x0;
	[tilespmem:s13+$0x4620] =	vst v3;
	v3 =	vmul.f32 v32, v39  }
0x16c: {  	v58 =	vld [tilespmem:s16+$0x4640];
	[tilespmem:s13+$0x4630] =	vst v1;
	v1 =	vmul.f32 v32, v40  }
0x16d: {  	v59 =	vld [tilespmem:s16+$0x4650];
	[tilespmem:s13+$0x4640] =	vst v3;
	v3 =	vmul.f32 v32, v41  }
0x16e: {  	v60 =	vld [tilespmem:s16+$0x4660];
	[tilespmem:s13+$0x4650] =	vst v1;
	v1 =	vmul.f32 v32, v42  }
0x16f: {  	v61 =	vld [tilespmem:s16+$0x4670];
	[tilespmem:s13+$0x4660] =	vst v3;
	v3 =	vmul.f32 v2, v44  }
0x170: {  	v30 =	vld.idx.msk [tilespmem:v18+s8+$0x0], $0xffff;
	[tilespmem:s13+$0x4670] =	vst v1;
	v1 =	vmul.f32 v2, v45  }
0x171: {  	v10 =	vld.idx.msk [tilespmem:v10+s8+$0x0], $0xffff;
	s13 =	sand.u32 $0x3FFFFF80, s17;
	[tilespmem:s15+$0x4600] =	vst v3;
	v3 =	vmul.f32 v2, v46  }
0x172: {  	v63 =	vld [tilespmem:s13+$0x4600];
	[tilespmem:s15+$0x4610] =	vst v1;
	v1 =	vmul.f32 v2, v47  }
0x173: {  	v24 =	vld [tilespmem:s13+$0x4610];
	[tilespmem:s15+$0x4620] =	vst v3;
	v3 =	vmul.f32 v2, v48  }
0x174: {  	v25 =	vld [tilespmem:s13+$0x4620];
	[tilespmem:s15+$0x4630] =	vst v1;
	v1 =	vmul.f32 v2, v49  }
0x175: {  	v26 =	vld [tilespmem:s13+$0x4630];
	[tilespmem:s15+$0x4640] =	vst v3;
	v3 =	vmul.f32 v2, v50  }
0x176: {  	v27 =	vld [tilespmem:s13+$0x4640];
	[tilespmem:s15+$0x4650] =	vst v1;
	v1 =	vmul.f32 v2, v51  }
0x177: {  	v28 =	vld [tilespmem:s13+$0x4660];
	[tilespmem:s15+$0x4660] =	vst v3;
	v3 =	vmul.f32 v52, v54  }
0x178: {  	s17 =	sor.u32 $0x8, s12;
	v29 =	vld [tilespmem:s13+$0x4670];
	[tilespmem:s15+$0x4670] =	vst v1;
	v1 =	vmul.f32 v52, v55;
	s15 =	sshll.u32 s20, $0x7  }
0x179: {  	v31 =	vmov s17;
	v2 =	vld [tilespmem:s13+$0x4650];
	s14 =	sand.u32 $0x3FFFFF80, s15;
	[tilespmem:s16+$0x4600] =	vst v3;
	v3 =	vmul.f32 v52, v56  }
0x17a: {  	v13 =	vand.u32 $0x78, v31;
	[tilespmem:s16+$0x4610] =	vst v1;
	v1 =	vmul.f32 v52, v57;
	v32 =	vld [tilespmem:s14+$0x4600]  }
0x17b: {  	v13 =	vor.u32 $0x80, v13;
	v33 =	vld [tilespmem:s14+$0x4610];
	[tilespmem:s16+$0x4620] =	vst v3;
	v3 =	vmul.f32 v52, v58  }
0x17c: {  	v13 =	vbroadcast v13, $0x0;
	v34 =	vld [tilespmem:s14+$0x4620];
	[tilespmem:s16+$0x4630] =	vst v1;
	v1 =	vmul.f32 v52, v59  }
0x17d: {  	v35 =	vld [tilespmem:s14+$0x4630];
	[tilespmem:s16+$0x4640] =	vst v3;
	v3 =	vmul.f32 v52, v60  }
0x17e: {  	v36 =	vld [tilespmem:s14+$0x4640];
	[tilespmem:s16+$0x4650] =	vst v1;
	v1 =	vmul.f32 v52, v61  }
0x17f: {  	v37 =	vld [tilespmem:s14+$0x4650];
	[tilespmem:s16+$0x4660] =	vst v3;
	v3 =	vmul.f32 v10, v63  }
0x180: {  	s20 =	sor.u32 $0x9, s12;
	v38 =	vld [tilespmem:s14+$0x4660];
	[tilespmem:s16+$0x4670] =	vst v1;
	v1 =	vmul.f32 v10, v24  }
0x181: {  	s15 =	sshll.u32 s17, $0x7;
	v41 =	vmov s20;
	v39 =	vld [tilespmem:s14+$0x4670];
	[tilespmem:s13+$0x4600] =	vst v3;
	v3 =	vmul.f32 v10, v25  }
0x182: {  	v40 =	vld.idx.msk [tilespmem:v13+s8+$0x0], $0xffff;
	s15 =	sand.u32 $0x3FFFFF80, s15;
	v13 =	vand.u32 $0x79, v41;
	[tilespmem:s13+$0x4610] =	vst v1;
	v1 =	vmul.f32 v10, v26  }
0x183: {  	v42 =	vld [tilespmem:s15+$0x4600];
	v13 =	vor.u32 $0x80, v13;
	[tilespmem:s13+$0x4620] =	vst v3;
	v3 =	vmul.f32 v10, v27  }
0x184: {  	v43 =	vld [tilespmem:s15+$0x4620];
	v13 =	vbroadcast v13, $0x0;
	[tilespmem:s13+$0x4630] =	vst v1;
	v1 =	vmul.f32 v10, v2  }
0x185: {  	v44 =	vld [tilespmem:s15+$0x4630];
	[tilespmem:s13+$0x4640] =	vst v3;
	v3 =	vmul.f32 v10, v28  }
0x186: {  	v45 =	vld [tilespmem:s15+$0x4640];
	[tilespmem:s13+$0x4650] =	vst v1;
	v1 =	vmul.f32 v10, v29  }
0x187: {  	v46 =	vld [tilespmem:s15+$0x4650];
	[tilespmem:s13+$0x4660] =	vst v3;
	v3 =	vmul.f32 v30, v32  }
0x188: {  	v47 =	vld [tilespmem:s15+$0x4660];
	[tilespmem:s13+$0x4670] =	vst v1;
	v1 =	vmul.f32 v30, v33  }
0x189: {  	v48 =	vld [tilespmem:s15+$0x4670];
	[tilespmem:s14+$0x4600] =	vst v3;
	v3 =	vmul.f32 v30, v34  }
0x18a: {  	s17 =	sshll.u32 s20, $0x7;
	s20 =	sor.u32 $0xA, s12;
	v49 =	vld.idx.msk [tilespmem:v13+s8+$0x0], $0xffff;
	[tilespmem:s14+$0x4610] =	vst v1;
	v1 =	vmul.f32 v30, v35  }
0x18b: {  	v50 =	vmov s20;
	v2 =	vld [tilespmem:s15+$0x4610];
	s13 =	sand.u32 $0x3FFFFF80, s17;
	[tilespmem:s14+$0x4620] =	vst v3;
	v3 =	vmul.f32 v30, v36  }
0x18c: {  	v13 =	vand.u32 $0x7A, v50;
	v51 =	vld [tilespmem:s13+$0x4600];
	[tilespmem:s14+$0x4630] =	vst v1;
	v1 =	vmul.f32 v30, v37  }
0x18d: {  	v13 =	vor.u32 $0x80, v13;
	v52 =	vld [tilespmem:s13+$0x4610];
	[tilespmem:s14+$0x4640] =	vst v3;
	v3 =	vmul.f32 v30, v38  }
0x18e: {  	v54 =	vbroadcast v13, $0x0;
	v53 =	vld [tilespmem:s13+$0x4620];
	[tilespmem:s14+$0x4650] =	vst v1;
	v1 =	vmul.f32 v30, v39  }
0x18f: {  	v55 =	vld [tilespmem:s13+$0x4630];
	[tilespmem:s14+$0x4660] =	vst v3;
	v3 =	vmul.f32 v40, v42  }
0x190: {  	[tilespmem:s14+$0x4670] =	vst v1;
	v1 =	vmul.f32 v40, v2;
	v2 =	vld [tilespmem:s13+$0x4640]  }
0x191: {  	v56 =	vld [tilespmem:s13+$0x4650];
	[tilespmem:s15+$0x4600] =	vst v3;
	v3 =	vmul.f32 v40, v43  }
0x192: {  	s17 =	sshll.u32 s20, $0x7;
	s20 =	sor.u32 $0xB, s12;
	v57 =	vld [tilespmem:s13+$0x4660];
	[tilespmem:s15+$0x4610] =	vst v1;
	v1 =	vmul.f32 v40, v44  }
0x193: {  	v58 =	vld [tilespmem:s13+$0x4670];
	v59 =	vmov s20;
	[tilespmem:s15+$0x4620] =	vst v3;
	v3 =	vmul.f32 v40, v45  }
0x194: {  	v12 =	vld.idx.msk [tilespmem:v54+s8+$0x0], $0xffff;
	v13 =	vand.u32 $0x7B, v59;
	s14 =	sand.u32 $0x3FFFFF80, s17;
	[tilespmem:s15+$0x4630] =	vst v1;
	v1 =	vmul.f32 v40, v46  }
0x195: {  	v62 =	vor.u32 $0x80, v13;
	v60 =	vld [tilespmem:s14+$0x4600];
	v2 =	vmul.f32 v49, v2;
	[tilespmem:s15+$0x4640] =	vst v3  }
0x196: {  	v9 =	vbroadcast v62, $0x0;
	v61 =	vld [tilespmem:s14+$0x4610];
	[tilespmem:s15+$0x4650] =	vst v1;
	v1 =	vmul.f32 v40, v48  }
0x197: {  	v63 =	vld [tilespmem:s14+$0x4620];
	v3 =	vmul.f32 v40, v47;
	[tilespmem:s13+$0x4640] =	vst v2  }
0x198: {  	v18 =	vld [tilespmem:s14+$0x4630];
	[tilespmem:s15+$0x4670] =	vst v1;
	v1 =	vmul.f32 v49, v52  }
0x199: {  	v19 =	vld [tilespmem:s14+$0x4640];
	v2 =	vmul.f32 v49, v57;
	[tilespmem:s15+$0x4660] =	vst v3  }
0x19a: {  	v20 =	vld [tilespmem:s14+$0x4650];
	[tilespmem:s13+$0x4610] =	vst v1;
	v1 =	vmul.f32 v49, v55  }
0x19b: {  	s17 =	sshll.u32 s20, $0x7;
	s20 =	sor.u32 $0xC, s12;
	v21 =	vld [tilespmem:s14+$0x4670];
	v3 =	vmul.f32 v49, v51;
	[tilespmem:s13+$0x4660] =	vst v2  }
0x19c: {  	v22 =	vmov s20;
	v9 =	vld.idx.msk [tilespmem:v9+s8+$0x0], $0xffff;
	s15 =	sand.u32 $0x3FFFFF80, s17;
	[tilespmem:s13+$0x4630] =	vst v1;
	v1 =	vmul.f32 v49, v56  }
0x19d: {  	v10 =	vand.u32 $0x7C, v22;
	v23 =	vld [tilespmem:s15+$0x4600];
	[tilespmem:s13+$0x4600] =	vst v3;
	v3 =	vmul.f32 v49, v53  }
0x19e: {  	v10 =	vor.u32 $0x80, v10;
	v24 =	vld [tilespmem:s15+$0x4610];
	[tilespmem:s13+$0x4650] =	vst v1;
	v1 =	vmul.f32 v49, v58  }
0x19f: {  	v10 =	vbroadcast v10, $0x0;
	v2 =	vmul.f32 v12, v60;
	v25 =	vld [tilespmem:s15+$0x4620];
	[tilespmem:s13+$0x4620] =	vst v3  }
0x1a0: {  	v3 =	vld [tilespmem:s14+$0x4660];
	[tilespmem:s13+$0x4670] =	vst v1;
	v1 =	vmul.f32 v12, v61  }
0x1a1: {  	v26 =	vld [tilespmem:s15+$0x4630];
	[tilespmem:s14+$0x4600] =	vst v2;
	v2 =	vmul.f32 v12, v63  }
0x1a2: {  	v27 =	vld [tilespmem:s15+$0x4640];
	[tilespmem:s14+$0x4610] =	vst v1;
	v1 =	vmul.f32 v12, v18  }
0x1a3: {  	v28 =	vld [tilespmem:s15+$0x4650];
	[tilespmem:s14+$0x4620] =	vst v2;
	v2 =	vmul.f32 v12, v19  }
0x1a4: {  	s17 =	sshll.u32 s20, $0x7;
	s20 =	sor.u32 $0xD, s12;
	v29 =	vld [tilespmem:s15+$0x4660];
	[tilespmem:s14+$0x4630] =	vst v1;
	v1 =	vmul.f32 v12, v20  }
0x1a5: {  	v31 =	vmov s20;
	v30 =	vld.idx.msk [tilespmem:v10+s8+$0x0], $0xffff;
	[tilespmem:s14+$0x4640] =	vst v2;
	v2 =	vmul.f32 v12, v3  }
0x1a6: {  	v10 =	vand.u32 $0x7D, v31;
	s13 =	sand.u32 $0x3FFFFF80, s17;
	v3 =	vld [tilespmem:s15+$0x4670];
	[tilespmem:s14+$0x4650] =	vst v1;
	v1 =	vmul.f32 v12, v21  }
0x1a7: {  	v10 =	vor.u32 $0x80, v10;
	v32 =	vld [tilespmem:s13+$0x4600];
	[tilespmem:s14+$0x4660] =	vst v2;
	v2 =	vmul.f32 v9, v23  }
0x1a8: {  	v10 =	vbroadcast v10, $0x0;
	v33 =	vld [tilespmem:s13+$0x4610];
	[tilespmem:s14+$0x4670] =	vst v1;
	v1 =	vmul.f32 v9, v24  }
0x1a9: {  	v34 =	vld [tilespmem:s13+$0x4620];
	[tilespmem:s15+$0x4600] =	vst v2;
	v2 =	vmul.f32 v9, v25  }
0x1aa: {  	v35 =	vld [tilespmem:s13+$0x4630];
	[tilespmem:s15+$0x4610] =	vst v1;
	v1 =	vmul.f32 v9, v26  }
0x1ab: {  	v36 =	vld [tilespmem:s13+$0x4640];
	[tilespmem:s15+$0x4620] =	vst v2;
	v2 =	vmul.f32 v9, v27  }
0x1ac: {  	v37 =	vld [tilespmem:s13+$0x4650];
	[tilespmem:s15+$0x4630] =	vst v1;
	v1 =	vmul.f32 v9, v28  }
0x1ad: {  	s17 =	sshll.u32 s20, $0x7;
	v38 =	vld [tilespmem:s13+$0x4660];
	[tilespmem:s15+$0x4640] =	vst v2;
	v2 =	vmul.f32 v9, v29  }
0x1ae: {  	v39 =	vld.idx.msk [tilespmem:v10+s8+$0x0], $0xffff;
	s14 =	sand.u32 $0x3FFFFF80, s17;
	[tilespmem:s15+$0x4650] =	vst v1;
	v1 =	vmul.f32 v9, v3  }
0x1af: {  	s20 =	sor.u32 $0xE, s12;
	v41 =	vld [tilespmem:s14+$0x4600];
	[tilespmem:s15+$0x4660] =	vst v2;
	v2 =	vmul.f32 v30, v32  }
0x1b0: {  	v40 =	vmov s20;
	v42 =	vld [tilespmem:s14+$0x4610];
	[tilespmem:s15+$0x4670] =	vst v1;
	v1 =	vmul.f32 v30, v33  }
0x1b1: {  	[tilespmem:s13+$0x4600] =	vst v2;
	v2 =	vmul.f32 v30, v34;
	v3 =	vld [tilespmem:s13+$0x4670];
	v9 =	vand.u32 $0x7E, v40  }
0x1b2: {  	v43 =	vld [tilespmem:s14+$0x4620];
	v9 =	vor.u32 $0x80, v9;
	[tilespmem:s13+$0x4610] =	vst v1;
	v1 =	vmul.f32 v30, v35  }
0x1b3: {  	v44 =	vld [tilespmem:s14+$0x4630];
	[tilespmem:s13+$0x4620] =	vst v2;
	v2 =	vmul.f32 v30, v36;
	v9 =	vbroadcast v9, $0x0  }
0x1b4: {  	v45 =	vld [tilespmem:s14+$0x4640];
	[tilespmem:s13+$0x4630] =	vst v1;
	v1 =	vmul.f32 v30, v37  }
0x1b5: {  	s17 =	sshll.u32 s20, $0x7;
	v46 =	vld [tilespmem:s14+$0x4650];
	[tilespmem:s13+$0x4640] =	vst v2;
	v2 =	vmul.f32 v30, v38  }
0x1b6: {  	v47 =	vld [tilespmem:s14+$0x4670];
	s17 =	sand.u32 $0x3FFFFF80, s17;
	[tilespmem:s13+$0x4650] =	vst v1;
	v1 =	vmul.f32 v30, v3  }
0x1b7: {  	s20 =	sor.u32 $0xF, s12;
	v50 =	vld [tilespmem:s17+$0x4600];
	[tilespmem:s13+$0x4660] =	vst v2;
	v2 =	vmul.f32 v39, v41  }
0x1b8: {  	v49 =	vmov s20;
	v3 =	vld [tilespmem:s14+$0x4660];
	[tilespmem:s13+$0x4670] =	vst v1;
	v1 =	vmul.f32 v39, v42  }
0x1b9: {  	[tilespmem:s14+$0x4600] =	vst v2;
	v2 =	vmul.f32 v39, v43;
	v48 =	vld.idx.msk [tilespmem:v9+s8+$0x0], $0xffff;
	v9 =	vand.u32 $0x7F, v49  }
0x1ba: {  	v51 =	vld [tilespmem:s17+$0x4610];
	v9 =	vor.u32 $0x80, v9;
	[tilespmem:s14+$0x4610] =	vst v1;
	v1 =	vmul.f32 v39, v44  }
0x1bb: {  	v52 =	vld [tilespmem:s17+$0x4620];
	[tilespmem:s14+$0x4620] =	vst v2;
	v2 =	vmul.f32 v39, v45;
	v9 =	vbroadcast v9, $0x0  }
0x1bc: {  	v53 =	vld [tilespmem:s17+$0x4630];
	[tilespmem:s14+$0x4630] =	vst v1;
	v1 =	vmul.f32 v39, v46  }
0x1bd: {  	v54 =	vld [tilespmem:s17+$0x4650];
	[tilespmem:s14+$0x4640] =	vst v2;
	v2 =	vmul.f32 v39, v3  }
0x1be: {  	v3 =	vld [tilespmem:s17+$0x4640];
	[tilespmem:s14+$0x4650] =	vst v1;
	v1 =	vmul.f32 v39, v47  }
0x1bf: {  	v55 =	vld [tilespmem:s17+$0x4660];
	[tilespmem:s14+$0x4660] =	vst v2;
	v2 =	vmul.f32 v48, v50  }
0x1c0: {  	s20 =	sshll.u32 s20, $0x7;
	v56 =	vld [tilespmem:s17+$0x4670];
	[tilespmem:s14+$0x4670] =	vst v1;
	v1 =	vmul.f32 v48, v51  }
0x1c1: {  	v57 =	vld.idx.msk [tilespmem:v9+s8+$0x0], $0xffff;
	[tilespmem:s17+$0x4600] =	vst v2;
	v2 =	vmul.f32 v48, v52;
	s14 =	sand.u32 $0x3FFFFF80, s20  }
0x1c2: {  	v58 =	vld [tilespmem:s14+$0x4600];
	[tilespmem:s17+$0x4610] =	vst v1;
	v1 =	vmul.f32 v48, v53  }
0x1c3: {  	[tilespmem:s17+$0x4620] =	vst v2;
	v2 =	vmul.f32 v48, v3;
	v3 =	vld [tilespmem:s14+$0x4610]  }
0x1c4: {  	v59 =	vld [tilespmem:s14+$0x4620];
	[tilespmem:s17+$0x4630] =	vst v1;
	v1 =	vmul.f32 v48, v54  }
0x1c5: {  	v60 =	vld [tilespmem:s14+$0x4630];
	[tilespmem:s17+$0x4640] =	vst v2;
	v2 =	vmul.f32 v48, v55  }
0x1c6: {  	v61 =	vld [tilespmem:s14+$0x4640];
	[tilespmem:s17+$0x4650] =	vst v1;
	v1 =	vmul.f32 v48, v56  }
0x1c7: {  	v62 =	vld [tilespmem:s14+$0x4650];
	[tilespmem:s17+$0x4660] =	vst v2;
	v2 =	vmul.f32 v57, v58  }
0x1c8: {  	[tilespmem:s17+$0x4670] =	vst v1;
	v1 =	vmul.f32 v57, v3;
	v3 =	vld [tilespmem:s14+$0x4660]  }
0x1c9: {  	v63 =	vld [tilespmem:s14+$0x4670];
	[tilespmem:s14+$0x4600] =	vst v2;
	v2 =	vmul.f32 v57, v59  }
0x1ca: {  	[tilespmem:s14+$0x4610] =	vst v1;
	v1 =	vmul.f32 v57, v60  }
0x1cb: {  	p0 =	slt.u32 s12, $0x70;
	[tilespmem:s14+$0x4620] =	vst v2;
	v2 =	vmul.f32 v57, v61  }
.Ltmp2:
0x1cc: {  	[tilespmem:s14+$0x4630] =	vst v1;
	v1 =	vmul.f32 v57, v62;
	(pc) =	sbr.rel @p0 .LBB2_7-.Ltmp2, $4  }
0x1cd: {  	[tilespmem:s14+$0x4640] =	vst v2;
	v2 =	vmul.f32 v57, v3  }
0x1ce: {  	[tilespmem:s14+$0x4650] =	vst v1;
	v1 =	vmul.f32 v57, v63  }
0x1cf: {  	[tilespmem:s14+$0x4660] =	vst v2  }
0x1d0: {  	s12 =	sadd.s32 $0x10, s12;
	[tilespmem:s14+$0x4670] =	vst v1  }
0x1d1: {  	s11 =	sadd.s32 $0x1, s11  }
0x1d2: {  	p0 =	sne.s32 s11, $0x28  }
.Ltmp3:
0x1d3: {  	_ = 	snop;
	(pc) =	sbr.rel @p0 .LBB2_4-.Ltmp3, $2  }
0x1d4: {  	_ =	sdelay $0x2  }
0x1d5: {  	[spmem:s2] =	stream.indirect.scatter.add.f32 [tilespmem:s30], [sflag:$0x6], $0x80, s8, s26, $0xb8;
	[tilespmem:$0x1E600] =	vst v63  }
0x1d6: {  	_ =	swait.ge [sflag:s9], $0x4000  }
0x1d7: {  	s11 =	stileid.u32;
	[sflag:s9] =	ssyncset.done $0x0  }
0x1d8: {  	s12 =	sshrl.u32 s7, $0x3;
	s10 =	sadd.s32 $0x1, s10;
	[sflag:s9] =	ssyncadd.s32 $0xFFFFC000  }
0x1d9: {  	s11 =	sshll.u32 s11, $0x6;
	p0 =	sne.s32 s10, s21;
	[bflag:$0x0] =	sbarrier.arrive $0xFFFF  }
.Ltmp4:
0x1da: {  	s11 =	sor.u32 $0x1C07, s11;
	s13 =	rddreg [dreg:$0xd];
	(pc) =	sbr.rel @p0 .LBB2_1-.Ltmp4, $4  }
0x1db: {  	[hbm:s13], [sflag:s11] =	dma.local [spmem:s12], $0x2800  }
0x1dc: {  	_ =	swait.ge [sflag:s24], $0x2800  }
0x1dd: {  	[sflag:s24] =	ssyncset.done $0x0  }
0x1de: {  	[sflag:s24] =	ssyncadd.s32 $0xFFFFD800  }
0x1df: {  	_ =	sfence.sel $0x180000  }
0x1e0: {  	[bflag:$0x0] =	sbarrier.arrive $0xFFFF  }
0x1e1: {  	_ =	strace $0x9000004D  }
0x1e2: {  	s0 =	stileid.u32;
	[bflag:$0x2] =	sbarrier.arrive $0xFFFF  }
0x1e3: {  	p0 =	sne.s32 s0, $0x0;
	s0 =	rddreg [dreg:$0x2]  }
0x1e4: {  	s0 =	sadd.s32 @!p0 $0x100000, s0  }
0x1e5: {  	[sflag:s0] =	ssyncadd.tile.s32 @!p0 $0x1;
	_ =	shalt  }
.Lfunc_end2:
_tile_overlayer_lowered:
.L_overlay_start_2:
0x1e6: {  	(tag) =	ssettag $0x2  }
0x1e7: {  	s0 =	rddreg [dreg:$0x0];
	s2 =	stileid.u32  }
0x1e8: {  	s1 =	rddreg [dreg:$0x1];
	p0 =	sne.s32 s2, $0x0  }
0x1e9: {  	s3 =	rddreg [dreg:$0x2];
	[bflag:$0x3] =	sbarrier.arrive $0xFFFF;
	s2 =	simm.s32 @!p0 $0x1C07  }
0x1ea: {  	[timem:s3], [sflag:s2] =	dma.local @!p0 [hbm:s0], s1  }
0x1eb: {  	s0 =	simm.s32 @!p0 $0x7  }
0x1ec: {  	_ =	swait.ge @!p0 [sflag:s0], s1  }
0x1ed: {  	s1 =	ssub.s32 @!p0 $0x0, s1;
	[sflag:s0] =	ssyncset.done @!p0 $0x0  }
0x1ee: {  	[sflag:s0] =	ssyncadd.s32 @!p0 s1  }
0x1ef: {  	[bflag:$0x3] =	sbarrier.arrive $0xFFFF  }
0x1f0: {  	_ =	shalt  }

// kernel: kernel.8.cloned.1.call-start
scs
__scs_entry_jumppad:
0x0: {  	(pc) =	sbr.rel $0x88, $3  }
0x1: {  	(tag) =	ssettag $0x0;
	lr =	simm.s32 $0x1  }
0x2: {  	[smem:$0x3F97] =	sst lr;
	_ =	strace $0xD0000000  }
0x3: {  	_ = 	snop  }
0x4: {  	_ = 	snop  }
0x5: {  	_ = 	snop  }
0x6: {  	_ = 	snop  }
0x7: {  	_ = 	snop  }
__scs_overlays_trampoline_lowered:
0x8: {  	[smem:$0x3FA6] =	sst s0  }
0x9: {  	[smem:$0x3FA7] =	sst s1  }
0xa: {  	[smem:$0x3FA8] =	sst s2  }
0xb: {  	[smem:$0x3FA9] =	sst s3  }
0xc: {  	[smem:$0x3FAA] =	sst s4  }
0xd: {  	[smem:$0x3FAB] =	sst s5  }
0xe: {  	[smem:$0x3FAC] =	sst s6  }
0xf: {  	[smem:$0x3FAD] =	sst s7  }
0x10: {  	[smem:$0x3FAE] =	sst s8  }
0x11: {  	[smem:$0x3FAF] =	sst s9;
	s0 =	simm.s32 @!p0 $0x0  }
0x12: {  	s1 =	sld [smem:$0x3F95];
	s0 =	simm.s32 @p0 $0x1  }
0x13: {  	[smem:$0x3FB0] =	sst s0;
	s0 =	simm.s32 @!p1 $0x0  }
0x14: {  	s2 =	sld [smem:$0x3F94];
	s0 =	simm.s32 @p1 $0x1  }
0x15: {  	[smem:$0x3FB1] =	sst s0;
	s0 =	simm.s32 @!p2 $0x0  }
0x16: {  	s3 =	sld [smem:$0x3FDB];
	s0 =	simm.s32 @p2 $0x1  }
0x17: {  	s4 =	simm.s32 $0x1BF5;
	[smem:$0x3FB3] =	sst s0  }
0x18: {  	s0 =	sld [smem:$0x3F96];
	_ =	swait.ge [sflag:s4], $0x0  }
0x19: {  	s7 =	sld [smem:$0x3F97]  }
0x1a: {  	s8 =	sadd.s32 $0xFFFFE003, lr  }
0x1b: {  	s9 =	sadd.s32 $0xFFFFFEF7, lr;
	s5 =	simm.s32 $0xFFFFFFFF;
	p2 =	slt.u32 s8, $0xFFFFF086  }
0x1c: {  	p1 =	slt.u32 s9, $0xF7A;
	s5 =	simm.s32 @!p2 $0x0  }
0x1d: {  	s5 =	simm.s32 @p1 $0x1;
	p0 =	seq.s32 s7, s2  }
0x1e: {  	s7 =	smul.u32 @!p0 $0xF7A, s2;
	p2 =	seq.s32 @!p0 s5, $0x0  }
0x1f: {  	s9 =	smul.u32 $0xF7A, s1;
	s8 =	simm.s32 @!p0 $0x1BF5;
	p2 =	por !p2, p0  }
0x20: {  	[sflag:s8] =	ssyncset.s32 @!p0 $0xFFFFF086;
	s6 =	sadd.s32 @!p0 s3, s7;
	s7 =	simm.s32 @!p0 $0x108  }
0x21: {  	s3 =	sadd.s32 s3, s9;
	s6 =	sadd.s32 @!p0 $0x88, s6;
	s7 =	simm.s32 @p2 $0x1082  }
0x22: {  	[simem:s7], [sflag:s8] =	dma.local @!p0 [hbm:s6], $0xF7A  }
0x23: {  	s9 =	sor.u32 $0xD0000000, s2;
	s6 =	simm.s32 $0x108;
	_ =	swait.ge @!p0 [sflag:s8], $0x0  }
0x24: {  	s3 =	sadd.s32 $0x88, s3;
	s6 =	simm.s32 @!p1 $0x1082;
	[sflag:s4] =	ssyncset.s32 $0xFFFFF086  }
0x25: {  	[simem:s6], [sflag:s4] =	dma.local [hbm:s3], $0xF7A  }
0x26: {  	[smem:$0x3F97] =	sst s1;
	(tag) =	ssettag s2;
	_ =	strace s9  }
0x27: {  	s1 =	sld [smem:$0x3FA7]  }
0x28: {  	s2 =	sld [smem:$0x3FA8]  }
0x29: {  	s4 =	sld [smem:$0x3FAA]  }
0x2a: {  	p0 =	seq.s32 s5, $0x0;
	s5 =	sld [smem:$0x3FAB]  }
0x2b: {  	s6 =	sld [smem:$0x3FAC]  }
0x2c: {  	s7 =	sld [smem:$0x3FAD]  }
0x2d: {  	s3 =	simm.s32 $0x108;
	s8 =	sld [smem:$0x3FAE]  }
0x2e: {  	s3 =	simm.s32 @!p0 $0x1082;
	s9 =	sld [smem:$0x3FAF]  }
0x2f: {  	lr =	sadd.s32 s0, s3;
	s0 =	sld [smem:$0x3FA6]  }
0x30: {  	s3 =	sld [smem:$0x3FA9]  }
0x31: {  	[smem:$0x3FB2] =	sst s10  }
0x32: {  	s10 =	sld [smem:$0x3FB0];
	_ =	sdelay $0x3  }
0x33: {  	p0 =	seq.s32 s10, $0x1;
	s10 =	sld [smem:$0x3FB2];
	_ =	sdelay $0x3  }
0x34: {  	[smem:$0x3FB2] =	sst s10  }
0x35: {  	s10 =	sld [smem:$0x3FB1];
	_ =	sdelay $0x3  }
0x36: {  	p1 =	seq.s32 s10, $0x1;
	s10 =	sld [smem:$0x3FB2];
	_ =	sdelay $0x3  }
0x37: {  	[smem:$0x3FB2] =	sst s10  }
0x38: {  	s10 =	sld [smem:$0x3FB3]  }
0x39: {  	_ = 	snop;
	(pc) =	sbr.ind lr, $3  }
0x3a: {  	_ = 	snop  }
0x3b: {  	_ = 	snop  }
0x3c: {  	p2 =	seq.s32 s10, $0x1;
	s10 =	sld [smem:$0x3FB2]  }
0x3d: {  	_ =	shalt  }
0x3e: {  	_ =	shalt  }
0x3f: {  	_ =	shalt  }
0x40: {  	_ =	shalt  }
0x41: {  	_ =	shalt  }
0x42: {  	_ =	shalt  }
0x43: {  	_ =	shalt  }
0x44: {  	_ =	shalt  }
0x45: {  	_ =	shalt  }
0x46: {  	_ =	shalt  }
0x47: {  	_ =	shalt  }
0x48: {  	_ =	shalt  }
0x49: {  	_ =	shalt  }
0x4a: {  	_ =	shalt  }
0x4b: {  	_ =	shalt  }
0x4c: {  	_ =	shalt  }
0x4d: {  	_ =	shalt  }
0x4e: {  	_ =	shalt  }
0x4f: {  	_ =	shalt  }
0x50: {  	_ =	shalt  }
0x51: {  	_ =	shalt  }
0x52: {  	_ =	shalt  }
0x53: {  	_ =	shalt  }
0x54: {  	_ =	shalt  }
0x55: {  	_ =	shalt  }
0x56: {  	_ =	shalt  }
0x57: {  	_ =	shalt  }
0x58: {  	_ =	shalt  }
0x59: {  	_ =	shalt  }
0x5a: {  	_ =	shalt  }
0x5b: {  	_ =	shalt  }
0x5c: {  	_ =	shalt  }
0x5d: {  	_ =	shalt  }
0x5e: {  	_ =	shalt  }
0x5f: {  	_ =	shalt  }
0x60: {  	_ =	shalt  }
0x61: {  	_ =	shalt  }
0x62: {  	_ =	shalt  }
0x63: {  	_ =	shalt  }
0x64: {  	_ =	shalt  }
0x65: {  	_ =	shalt  }
0x66: {  	_ =	shalt  }
0x67: {  	_ =	shalt  }
0x68: {  	_ =	shalt  }
0x69: {  	_ =	shalt  }
0x6a: {  	_ =	shalt  }
0x6b: {  	_ =	shalt  }
0x6c: {  	_ =	shalt  }
0x6d: {  	_ =	shalt  }
0x6e: {  	_ =	shalt  }
0x6f: {  	_ =	shalt  }
0x70: {  	_ =	shalt  }
0x71: {  	_ =	shalt  }
0x72: {  	_ =	shalt  }
0x73: {  	_ =	shalt  }
0x74: {  	_ =	shalt  }
0x75: {  	_ =	shalt  }
0x76: {  	_ =	shalt  }
0x77: {  	_ =	shalt  }
0x78: {  	_ =	shalt  }
0x79: {  	_ =	shalt  }
0x7a: {  	_ =	shalt  }
0x7b: {  	_ =	shalt  }
0x7c: {  	_ =	shalt  }
0x7d: {  	_ =	shalt  }
0x7e: {  	_ =	shalt  }
0x7f: {  	_ =	shalt  }
0x80: {  	_ =	shalt  }
0x81: {  	_ =	shalt  }
0x82: {  	_ =	shalt  }
0x83: {  	_ =	shalt  }
0x84: {  	_ =	shalt  }
0x85: {  	_ =	shalt  }
0x86: {  	_ =	shalt  }
0x87: {  	_ =	shalt  }
.Lfunc_end0:
.L_simem_size_0:
called_computation_lowered:
.L_overlay_start_0:
0x88: {  	s2 =	sld [smem:$0x3FD9]  }
0x89: {  	s3 =	sld [smem:$0x3FFE];
	_ =	sdelay $0x1  }
0x8a: {  	s1 =	srdreg.scid  }
0x8b: {  	s0 =	sand.u32 $0x1, s1  }
0x8c: {  	s16 =	sshll.u32 s0, $0xA;
	s2 =	sadd.s32 s3, s2  }
0x8d: {  	s2 =	sadd.s32 s2, s16  }
0x8e: {  	[smem:$0x3FBE] =	sst s2  }
0x8f: {  	_ = 	snop  }
0x90: {  	(tm) =	ssettm $0x1  }
0x91: {  	s17 =	sld [smem:$0x3FFB];
	_ =	sdelay $0x3  }
0x92: {  	_ =	strace s17  }
0x93: {  	s2 =	sld [smem:$0x3FFC];
	_ =	sdelay $0x3  }
0x94: {  	_ =	strace s2  }
0x95: {  	s2 =	sld [smem:$0x3FFD];
	_ =	sdelay $0x3  }
0x96: {  	_ =	strace s2  }
0x97: {  	_ =	strace $0x8FFFFFFF  }
0x98: {  	s18 =	sld [smem:$0x3FDB];
	_ =	sdelay $0x1  }
0x99: {  	s19 =	simm.s32 $_scs_section_size  }
0x9a: {  	s4 =	simm.s32 $_size__tile_overlayer_lowered;
	s5 =	simm.s32 $_tile_overlayer_lowered  }
0x9b: {  	s22 =	simm.s32 $0x1BFF;
	s21 =	sshll.u32 s5, $0x1;
	s2 =	sadd.s32 s19, s18  }
0x9c: {  	s6 =	simm.s32 $0x0;
	s20 =	sshll.u32 s4, $0x1;
	s4 =	sadd.s32 s21, s2  }
0x9d: {  	[timem:s6], [sflag:s22] =	dma.local [hbm:s4], s20  }
0x9e: {  	_ =	swait.ge [sflag:s22], s20  }
0x9f: {  	s3 =	ssub.s32 $0x0, s20;
	[sflag:s22] =	ssyncset.done $0x0  }
0xa0: {  	[sflag:s22] =	ssyncadd.s32 s3;
	_ =	sdelay $0x1  }
0xa1: {  	s23 =	simm.s32 $0x1B8B  }
0xa2: {  	_ =	swait.ge [sflag:s23], $0x1  }
0xa3: {  	[sflag:s23] =	ssyncset.done $0x0  }
0xa4: {  	s25 =	simm.s32 $0x1B8E;
	s24 =	sld [smem:$0x3FFE];
	[sflag:s23] =	ssyncadd.s32 $0xFFFFFFFF  }
0xa5: {  	s26 =	simm.s32 $execute0_lowered;
	[smem:$0x3FD2] =	sst s25  }
0xa6: {  	s4 =	sshll.u32 s26, $0x1;
	_ =	strace $0x80000046;
	[dreg:$0x1] =	wrdreg $0xFFFFFFFF  }
0xa7: {  	s28 =	simm.s32 $_size_execute0_lowered;
	s2 =	sadd.s32 s2, s4;
	[dreg:$0x0] =	wrdreg $0x0  }
0xa8: {  	s4 =	sshll.u32 s28, $0x1;
	[dreg:$0x2] =	wrdreg s2  }
0xa9: {  	[dreg:$0x3] =	wrdreg s4  }
0xaa: {  	[dreg:$0x4] =	wrdreg $0xC0  }
0xab: {  	_ =	task [dreg:s6], $0x5FFFF  }
0xac: {  	[dreg:$0x1] =	wrdreg $0xFFFFFFFF  }
0xad: {  	[dreg:$0x0] =	wrdreg $0x60  }
0xae: {  	[dreg:$0x2] =	wrdreg s24  }
0xaf: {  	[dreg:$0x3] =	wrdreg $0x50000  }
0xb0: {  	[dreg:$0x4] =	wrdreg $0x9  }
0xb1: {  	_ =	task.clear_ibuf [dreg:s6], $0x5FFFF;
	_ =	strace $0x90000046  }
0xb2: {  	s29 =	simm.s32 $0x9;
	_ =	strace $0x80000048  }
0xb3: {  	_ =	swait.ge [sflag:s29], $0x1  }
0xb4: {  	[sflag:s29] =	ssyncadd.s32 $0xFFFFFFFF  }
0xb5: {  	_ =	strace $0x90000048  }
0xb6: {  	_ =	sfence  }
0xb7: {  	s30 =	sld [smem:$0x0];
	_ =	sdelay $0x2  }
0xb8: {  	s31 =	sshll.u32 s1, $0xD;
	s1 =	sshrl.u32 s1, $0x2  }
0xb9: {  	s3 =	sand.u32 $0x4000, s31;
	s1 =	sadd.s32 s1, s30  }
0xba: {  	s0 =	sor.u32 s3, s0;
	s1 =	sshll.u32 s1, $0x11  }
0xbb: {  	s0 =	sor.u32 s1, s0  }
0xbc: {  	s0 =	sadd.s32 $0x8F2B, s0  }
0xbd: {  	[sflag:s0] =	ssyncadd.remote.s32 $0x1  }
0xbe: {  	_ =	sfence.sel $0xFFFF  }
0xbf: {  	[dreg:$0x0] =	wrdreg $0xFFFFFFFF;
	(pc) =	sbr.abs _section_cstart, $3  }
0xc0: {  	[dreg:$0x1] =	wrdreg $0xFFFFFFFF  }
0xc1: {  	_ =	task.clear_ibuf [dreg:s6], $0x2FFFF;
	_ =	strace $0x9FFFFFFF  }
0xc2: {  	(tm) =	ssettm $0x7FFFFFFF  }
0xc3: {  	_ =	shalt  }
tec
execute0_lowered:
.L_overlay_start_1:
0x0: {  	(tag) =	ssettag $0x1  }
0x1: {  	s0 =	srdreg.scid;
	s5 =	rddreg [dreg:$0x0]  }
0x2: {  	s2 =	rddreg [dreg:$0x1];
	s3 =	simm.s32 $0x0;
	s12 =	simm.s32 $0x1  }
0x3: {  	s13 =	simm.s32 $0x20;
	s4 =	sand.u32 $0x1, s0;
	s0 =	stileid.u32  }
0x4: {  	s14 =	simm.s32 $0x10;
	s15 =	simm.s32 $0x0;
	s7 =	smul.u32 $0x500, s0  }
0x5: {  	[smem:$0x7FF] =	sst s3;
	s1 =	sshll.u32 s4, $0x4;
	s8 =	smul.u32 $0x280, s0  }
0x6: {  	s9 =	sshll.u32 s4, $0x7;
	s4 =	ssub.s32 $0x2, s4;
	s1 =	sor.u32 s0, s1  }
0x7: {  	s31 =	sshll.u32 s0, $0x6;
	s30 =	sshrl.u32 s4, $0x1;
	s6 =	smul.u32 $0xA00, s1  }
0x8: {  	s1 =	rddreg [dreg:$0x2];
	_ =	strace $0x80000047;
	s7 =	sor.u32 s9, s7  }
0x9: {  	s29 =	sshrl.u32 s8, $0x3;
	s10 =	ssub.s32 s4, s30;
	s11 =	sadd.s32 s8, s2  }
0xa: {  	s7 =	sshrl.u32 s7, $0x3;
	s9 =	sadd.s32 s29, s5;
	s8 =	smax.u32 s10, $0x1  }
0xb: {  	s10 =	simm.s32 $0x2;
	s6 =	sadd.s32 s6, s5;
	s7 =	sadd.s32 s7, s5  }
0xc: {  	s4 =	sadd.s32 $0x16C00, s9;
	s5 =	sor.u32 $0x1C02, s31;
	s9 =	sshrl.u32 s11, $0x3  }
0xd: {  	s11 =	simm.s32 $0x80;
	s6 =	sadd.s32 $0x2C00, s6;
	s7 =	sadd.s32 $0x17200, s7  }
.LBB2_1:
0xe: {  	[spmem:s9], [sflag:s5] =	dma.local [hbm:s4], $0x50  }
0xf: {  	_ =	swait.ge [sflag:s10], $0x50  }
0x10: {  	[sflag:s10] =	ssyncset.done $0x0  }
0x11: {  	[sflag:s10] =	ssyncadd.s32 $0xFFFFFFB0  }
0x12: {  	[tilespmem:s3], [sflag:$0x2] =	stream.linear.gather [hbm4b:s6+s3], $0x5000, $0x38;
	[tilespmem:$0x5280] =	vst v63  }
0x13: {  	_ =	swait.ge [sflag:s10], $0x5000  }
0x14: {  	[sflag:s10] =	ssyncset.done $0x0  }
0x15: {  	[sflag:s10] =	ssyncadd.s32 $0xFFFFB000  }
0x16: {  	[bflag:$0x0] =	sbarrier.arrive $0xFFFF  }
0x17: {  	[spmem:s2] =	stream.indirect.scatter.add.f32 [tilespmem:s11], [sflag:$0x1], $0x1, s3, s11, $0xb8;
	[tilespmem:$0x5280] =	vst v63  }
0x18: {  	s16 =	simm.s32 $0x100;
	s17 =	simm.s32 $0x180  }
0x19: {  	[spmem:s2] =	stream.indirect.scatter.add.f32 [tilespmem:s17], [sflag:$0x1], $0x1, s16, s11, $0xb8;
	[tilespmem:$0x5280] =	vst v63  }
0x1a: {  	s16 =	simm.s32 $0xFFFEC800;
	_ =	swait.ge [sflag:s12], $0x80  }
.LBB2_2:
0x1b: {  	s17 =	sshra.s32 s16, $0x2  }
0x1c: {  	[sflag:s12] =	ssyncset.done $0x0;
	p0 =	sne.s32 s16, $0xFFFFFC00;
	s18 =	sadd.s32 $0x5000, s17  }
.Ltmp0:
0x1d: {  	s17 =	sadd.s32 $0x5080, s17;
	[sflag:s12] =	ssyncadd.s32 $0xFFFFFF80;
	(pc) =	sbr.rel @p0 .LBB2_2-.Ltmp0, $3  }
0x1e: {  	[spmem:s2] =	stream.indirect.scatter.add.f32 [tilespmem:s17], [sflag:$0x1], $0x1, s18, s11, $0xb8;
	[tilespmem:$0x5280] =	vst v63  }
0x1f: {  	s16 =	sadd.s32 $0x400, s16;
	_ =	sdelay $0x1  }
0x20: {  	_ =	swait.ge [sflag:s12], $0x80  }
0x21: {  	[sflag:s12] =	ssyncset.done $0x0  }
0x22: {  	[sflag:s12] =	ssyncadd.s32 $0xFFFFFF80  }
0x23: {  	_ =	swait.ge [sflag:s12], $0x80  }
0x24: {  	s15 =	sadd.s32 $0x1, s15;
	[sflag:s12] =	ssyncset.done $0x0  }
0x25: {  	p0 =	sne.s32 s15, s8;
	[sflag:s12] =	ssyncadd.s32 $0xFFFFFF80  }
.Ltmp1:
0x26: {  	[bflag:$0x0] =	sbarrier.arrive $0xFFFF;
	(pc) =	sbr.rel @p0 .LBB2_1-.Ltmp1, $4  }
0x27: {  	[hbm:s7@s13], [sflag:s5] =	dma.strided [spmem:s9@s14], $0x50, s12, $0x10   }
0x28: {  	_ =	swait.ge [sflag:s10], $0x50  }
0x29: {  	[sflag:s10] =	ssyncset.done $0x0  }
0x2a: {  	[sflag:s10] =	ssyncadd.s32 $0xFFFFFFB0  }
0x2b: {  	_ =	sfence.sel $0x180000  }
0x2c: {  	[bflag:$0x0] =	sbarrier.arrive $0xFFFF  }
0x2d: {  	p0 =	sne.s32 s0, $0x0;
	_ =	strace $0x90000047  }
0x2e: {  	s0 =	sadd.s32 @!p0 $0x100000, s1;
	[bflag:$0x2] =	sbarrier.arrive $0xFFFF  }
0x2f: {  	[sflag:s0] =	ssyncadd.tile.s32 @!p0 $0x1;
	_ =	shalt  }
.Lfunc_end2:
_tile_overlayer_lowered:
.L_overlay_start_2:
0x30: {  	(tag) =	ssettag $0x2  }
0x31: {  	s0 =	rddreg [dreg:$0x0];
	s2 =	stileid.u32  }
0x32: {  	s1 =	rddreg [dreg:$0x1];
	p0 =	sne.s32 s2, $0x0  }
0x33: {  	s3 =	rddreg [dreg:$0x2];
	[bflag:$0x3] =	sbarrier.arrive $0xFFFF;
	s2 =	simm.s32 @!p0 $0x1C02  }
0x34: {  	[timem:s3], [sflag:s2] =	dma.local @!p0 [hbm:s0], s1  }
0x35: {  	s0 =	simm.s32 @!p0 $0x2  }
0x36: {  	_ =	swait.ge @!p0 [sflag:s0], s1  }
0x37: {  	s1 =	ssub.s32 @!p0 $0x0, s1;
	[sflag:s0] =	ssyncset.done @!p0 $0x0  }
0x38: {  	[sflag:s0] =	ssyncadd.s32 @!p0 s1  }
0x39: {  	[bflag:$0x3] =	sbarrier.arrive $0xFFFF  }
0x3a: {  	_ =	shalt  }

</sc_bundles>
